<compile_context>
chip_gen: v7x
topology: tpu7x:2x2x1
jax: 0.10.2.dev20260603
libtpu: 0.0.44.dev20260713+nightly
codegen_flags: <defaults>
</compile_context>

<pallas_src>
import functools

import jax
import jax.numpy as jnp
import numpy as np
from jax import lax
from jax.experimental import pallas as pl
from jax.experimental.pallas import tpu as pltpu
from jax.experimental.pallas import tpu_sc as plsc

B, T, D = 16, 2048, 1024
L = 16
CHUNK = 32
NBUF = 3


@functools.cache
def _perm_const():
    with jax.ensure_compile_time_eval(), \
            jax.default_device(jax.local_devices(backend="cpu")[0]):
        rkeys = jax.random.split(jax.random.key(42), B)
        r = jax.vmap(lambda k: jax.random.uniform(k, (T,)))(rkeys)
        perm = jnp.argsort(r[:, 1:], axis=1, stable=True).astype(jnp.int32) + 1
        pad = jnp.full((B, 1), jnp.int32(1 << 30), jnp.int32)
        return np.asarray(jnp.concatenate([perm, pad], axis=1))


_mesh = plsc.VectorSubcoreMesh(core_axis_name="c", subcore_axis_name="s")


@functools.partial(
    pl.kernel,
    out_type=jax.ShapeDtypeStruct((B * T, D), jnp.float32),
    mesh=_mesh,
    compiler_params=pltpu.CompilerParams(needs_layout_passes=False),
    scratch_types=[
        pltpu.VMEM((T + L,), jnp.int32),
        pltpu.VMEM((T,), jnp.int32),
        pltpu.VMEM((L,), jnp.int32),
    ]
    + [pltpu.VMEM((CHUNK, D), jnp.float32) for _ in range(NBUF)]
    + [pltpu.SemaphoreType.DMA for _ in range(2 * NBUF)],
)
def _sc_shuffle(payload_hbm, slen_hbm, perm_hbm, out_hbm,
                idx_v, perm_v, slen_v, *bufs_sems):
    bufs = bufs_sems[:NBUF]
    gsems = bufs_sems[NBUF:2 * NBUF]
    osems = bufs_sems[2 * NBUF:]
    b = lax.axis_index("s")
    h = lax.axis_index("c")
    iota = lax.iota(jnp.int32, L)
    base = b * T

    pltpu.sync_copy(slen_hbm.at[b], slen_v)
    pltpu.sync_copy(perm_hbm.at[b], perm_v)
    slen = slen_v[...]

    idx_v[pl.ds(0, L)] = base + iota
    UNROLL = 4

    def comp_body(u, off):
        for v in range(UNROLL):
            j = u * UNROLL + v
            nxt = j * L + L
            idx_v[pl.ds(nxt, L)] = base + nxt + iota
            pv = perm_v[pl.ds(j * L, L)]
            mask = pv <= slen
            mi = mask.astype(jnp.int32)
            dest = off + plsc.cumsum(mi) - 1
            plsc.store_scatter(idx_v, [dest], base + pv, mask=mask)
            off = off + jnp.sum(mi)
        return off

    lax.fori_loop(0, 0, comp_body,
                  jnp.full((L,), 1, jnp.int32))
    for _j in range(1, T // L + 1):
        idx_v[pl.ds(_j * L, L)] = base + _j * L + iota

    half = h * (T // 2)
    nchunks = (T // 2) // CHUNK
    g_handles = [None] * NBUF
    o_handles = [None] * NBUF

    def start_gather(k):
        i = k % NBUF
        g_handles[i] = pltpu.async_copy(
            payload_hbm.at[idx_v.at[pl.ds(half + k * CHUNK, CHUNK)]],
            bufs[i], gsems[i])

    def drain_and_write(k):
        i = k % NBUF
        g_handles[i].wait()
        o_handles[i] = pltpu.async_copy(
            bufs[i], out_hbm.at[pl.ds(base + half + k * CHUNK, CHUNK)],
            osems[i])

    for k in range(nchunks):
        i = k % NBUF
        if k >= NBUF:
            o_handles[i].wait()
        start_gather(k)
        if k >= NBUF - 1:
            drain_and_write(k - (NBUF - 1))
    for k in range(max(nchunks - (NBUF - 1), 0), nchunks):
        drain_and_write(k)
    for k in range(max(nchunks - NBUF, 0), nchunks):
        o_handles[k % NBUF].wait()


def kernel(payload, seq_lens):
    slen_splat = jnp.broadcast_to(
        seq_lens.astype(jnp.int32)[:, None], (B, L))
    out = _sc_shuffle(payload.reshape(B * T, D), slen_splat, _perm_const())
    return out.reshape(B, T, D)

# --- scband reference (transcript-rebuilt; emitter-appended) ---
"""Pipeline reference for scband-time-step-shuffle-8693013807537 (READ-ONLY COPY).

The authoritative reference and input builder live on the scoring server;
editing this copy changes nothing except your own understanding.
"""

import jax, jax.numpy as jnp
import numpy as np


def setup_inputs(seed: int = 0) -> dict:
    key = jax.random.key(seed)
    k1, k2 = jax.random.split(key)
    payload = jax.random.normal(k1, (16, 2048, 1024), dtype=jnp.float32)
    seq_lens = jax.random.randint(k2, (16,), 0, 2048, dtype=jnp.int32)
    return {"payload": payload, "seq_lens": seq_lens}


def reference(payload, seq_lens):
    # TimeStepShuffle: for each sequence of valid length L (within padded length T),
    # keep position 0 fixed, randomly permute positions 1..L, and keep padding
    # positions L+1..T-1 in their original order. Equivalent to building
    # idx = [0, randperm(L)+1, arange(L+1, T)] and gathering seq[idx].
    B, T, d = payload.shape
    rkeys = jax.random.split(jax.random.key(42), B)

    def per_row(seq, slen, rk):
        r = jax.random.uniform(rk, (T,))  # r in [0, 1)
        pos = jnp.arange(T)
        # sort key: -1 for pos 0 (stays first); random in [0,1) for 1..slen
        # (random relative order); 2 + pos for pos > slen (identity order after).
        sort_keys = jnp.where(
            pos == 0,
            -1.0,
            jnp.where(pos <= slen, r, 2.0 + pos.astype(jnp.float32)),
        )
        idx = jnp.argsort(sort_keys)
        return jnp.take(seq, idx, axis=0)

    shuffled = jax.vmap(per_row)(payload, seq_lens, rkeys)
    return shuffled

if __name__ == "__main__":
    import jax
    _d = setup_inputs()
    print(jax.jit(kernel)(*tuple(_d.values())))

</pallas_src>

<mosaic_0001>
#map = affine_map<(d0, d1) -> (0, 0)>
module attributes {stable_mosaic.version = 14 : i64} {
  func.func @_sc_shuffle(%arg0: i32, %arg1: i32, %arg2: memref<32768x1024xf32, #tpu.memory_space<hbm>>, %arg3: memref<16x16xi32, #tpu.memory_space<hbm>>, %arg4: memref<16x2048xi32, #tpu.memory_space<hbm>>, %arg5: memref<32768x1024xf32, #tpu.memory_space<hbm>>, %arg6: memref<2064xi32, #tpu.memory_space<vmem>>, %arg7: memref<2048xi32, #tpu.memory_space<vmem>>, %arg8: memref<16xi32, #tpu.memory_space<vmem>>, %arg9: memref<32x1024xf32, #tpu.memory_space<vmem>>, %arg10: memref<32x1024xf32, #tpu.memory_space<vmem>>, %arg11: memref<32x1024xf32, #tpu.memory_space<vmem>>, %arg12: memref<!tpu.dma_semaphore, #tpu.memory_space<semaphore_mem>>, %arg13: memref<!tpu.dma_semaphore, #tpu.memory_space<semaphore_mem>>, %arg14: memref<!tpu.dma_semaphore, #tpu.memory_space<semaphore_mem>>, %arg15: memref<!tpu.dma_semaphore, #tpu.memory_space<semaphore_mem>>, %arg16: memref<!tpu.dma_semaphore, #tpu.memory_space<semaphore_mem>>, %arg17: memref<!tpu.dma_semaphore, #tpu.memory_space<semaphore_mem>>) attributes {dimension_semantics = [#tpu.dimension_semantics<core_parallel>, #tpu.dimension_semantics<subcore_parallel>], iteration_bounds = array<i64: 2, 16>, scalar_prefetch = 0 : i64, scratch_operands = 12 : i64, tpu.core_type = #tpu.core_type<sc_vector_subcore>, window_params = [{transform_indices = #map}, {transform_indices = #map}, {transform_indices = #map}, {transform_indices = #map}]} {
    %iota3A = tpu.iota {dimensions = array<i32: 0>} : vector<16xi32>
    %mul3A = arith.constant 2048 : i32
    %mul3A_0 = arith.muli %arg1, %mul3A : i32
    "tpu.region"() ({
      %run_scoped3A = tpu.sem_alloc : memref<!tpu.dma_semaphore, #tpu.memory_space<semaphore_mem>>
      %dma_start3A_1448 = arith.constant 0 : i32
      %dma_start3A_1449 = tpu.memref_slice %arg3[%arg1, %dma_start3A_1448] : memref<16x16xi32, #tpu.memory_space<hbm>> -> memref<1x16xi32, #tpu.memory_space<hbm>>
      %dma_start3A_1450 = tpu.memref_squeeze %dma_start3A_1449 : memref<1x16xi32, #tpu.memory_space<hbm>> -> memref<16xi32, #tpu.memory_space<hbm>>
      %dma_start3A_1451 = arith.constant 0 : i32
      %dma_start3A_1452 = tpu.memref_slice %arg3[%arg1, %dma_start3A_1451] : memref<16x16xi32, #tpu.memory_space<hbm>> -> memref<1x16xi32, #tpu.memory_space<hbm>>
      %dma_start3A_1453 = tpu.memref_squeeze %dma_start3A_1452 : memref<1x16xi32, #tpu.memory_space<hbm>> -> memref<16xi32, #tpu.memory_space<hbm>>
      tpu.enqueue_dma source(%dma_start3A_1453 : memref<16xi32, #tpu.memory_space<hbm>>) target(%arg8 : memref<16xi32, #tpu.memory_space<vmem>>) target_semaphore(%run_scoped3A : memref<!tpu.dma_semaphore, #tpu.memory_space<semaphore_mem>>)
      %dma_wait3A_1454 = arith.constant 0 : i32
      %dma_wait3A_1455 = tpu.memref_slice %arg3[%arg1, %dma_wait3A_1454] : memref<16x16xi32, #tpu.memory_space<hbm>> -> memref<1x16xi32, #tpu.memory_space<hbm>>
      %dma_wait3A_1456 = tpu.memref_squeeze %dma_wait3A_1455 : memref<1x16xi32, #tpu.memory_space<hbm>> -> memref<16xi32, #tpu.memory_space<hbm>>
      %dma_wait3A_1457 = arith.constant 0 : i32
      %dma_wait3A_1458 = tpu.memref_slice %arg3[%arg1, %dma_wait3A_1457] : memref<16x16xi32, #tpu.memory_space<hbm>> -> memref<1x16xi32, #tpu.memory_space<hbm>>
      %dma_wait3A_1459 = tpu.memref_squeeze %dma_wait3A_1458 : memref<1x16xi32, #tpu.memory_space<hbm>> -> memref<16xi32, #tpu.memory_space<hbm>>
      tpu.wait_dma2 semaphore(%run_scoped3A : memref<!tpu.dma_semaphore, #tpu.memory_space<semaphore_mem>>) src(%dma_wait3A_1459 : memref<16xi32, #tpu.memory_space<hbm>>) dst(%arg8 : memref<16xi32, #tpu.memory_space<vmem>>)
      tpu.yield
    }) : () -> ()
    "tpu.region"() ({
      %run_scoped3A = tpu.sem_alloc : memref<!tpu.dma_semaphore, #tpu.memory_space<semaphore_mem>>
      %dma_start3A_1448 = arith.constant 0 : i32
      %dma_start3A_1449 = tpu.memref_slice %arg4[%arg1, %dma_start3A_1448] : memref<16x2048xi32, #tpu.memory_space<hbm>> -> memref<1x2048xi32, #tpu.memory_space<hbm>>
      %dma_start3A_1450 = tpu.memref_squeeze %dma_start3A_1449 : memref<1x2048xi32, #tpu.memory_space<hbm>> -> memref<2048xi32, #tpu.memory_space<hbm>>
      %dma_start3A_1451 = arith.constant 0 : i32
      %dma_start3A_1452 = tpu.memref_slice %arg4[%arg1, %dma_start3A_1451] : memref<16x2048xi32, #tpu.memory_space<hbm>> -> memref<1x2048xi32, #tpu.memory_space<hbm>>
      %dma_start3A_1453 = tpu.memref_squeeze %dma_start3A_1452 : memref<1x2048xi32, #tpu.memory_space<hbm>> -> memref<2048xi32, #tpu.memory_space<hbm>>
      tpu.enqueue_dma source(%dma_start3A_1453 : memref<2048xi32, #tpu.memory_space<hbm>>) target(%arg7 : memref<2048xi32, #tpu.memory_space<vmem>>) target_semaphore(%run_scoped3A : memref<!tpu.dma_semaphore, #tpu.memory_space<semaphore_mem>>)
      %dma_wait3A_1454 = arith.constant 0 : i32
      %dma_wait3A_1455 = tpu.memref_slice %arg4[%arg1, %dma_wait3A_1454] : memref<16x2048xi32, #tpu.memory_space<hbm>> -> memref<1x2048xi32, #tpu.memory_space<hbm>>
      %dma_wait3A_1456 = tpu.memref_squeeze %dma_wait3A_1455 : memref<1x2048xi32, #tpu.memory_space<hbm>> -> memref<2048xi32, #tpu.memory_space<hbm>>
      %dma_wait3A_1457 = arith.constant 0 : i32
      %dma_wait3A_1458 = tpu.memref_slice %arg4[%arg1, %dma_wait3A_1457] : memref<16x2048xi32, #tpu.memory_space<hbm>> -> memref<1x2048xi32, #tpu.memory_space<hbm>>
      %dma_wait3A_1459 = tpu.memref_squeeze %dma_wait3A_1458 : memref<1x2048xi32, #tpu.memory_space<hbm>> -> memref<2048xi32, #tpu.memory_space<hbm>>
      tpu.wait_dma2 semaphore(%run_scoped3A : memref<!tpu.dma_semaphore, #tpu.memory_space<semaphore_mem>>) src(%dma_wait3A_1459 : memref<2048xi32, #tpu.memory_space<hbm>>) dst(%arg7 : memref<2048xi32, #tpu.memory_space<vmem>>)
      tpu.yield
    }) : () -> ()
    %get3A = arith.constant 0 : index
    %get3A_1 = tpu.vector_load %arg8[%get3A] {strides = array<i32>} : memref<16xi32, #tpu.memory_space<vmem>>, vector<16xi32>,
    %add3A = vector.broadcast %mul3A_0 : i32 to vector<16xi32>
    %add3A_2 = arith.addi %add3A, %iota3A : vector<16xi32>
    %swap3A = arith.constant 0 : index
    %swap3A_3 = tpu.vector_load %arg6[%swap3A] {strides = array<i32>} : memref<2064xi32, #tpu.memory_space<vmem>>, vector<16xi32>,
    tpu.vector_store %arg6[%swap3A], %add3A_2 {strides = array<i32>} : memref<2064xi32, #tpu.memory_space<vmem>>, vector<16xi32>,
    %broadcast_in_dim3A = arith.constant 1 : i32
    %broadcast_in_dim3A_4 = vector.broadcast %broadcast_in_dim3A : i32 to vector<16xi32>
    %scan3A = arith.constant 0 : i32
    %scan3A_5 = arith.constant 0 : i32
    %scan3A_6 = arith.addi %scan3A, %scan3A_5 : i32
    %scan3A_7 = arith.constant 0 : i32
    %add3A_8 = arith.constant 16 : i32
    %add3A_9 = arith.addi %mul3A_0, %add3A_8 : i32
    %add3A_10 = vector.broadcast %add3A_9 : i32 to vector<16xi32>
    %add3A_11 = arith.addi %add3A_10, %iota3A : vector<16xi32>
    %swap3A_12 = arith.constant 16 : index
    %swap3A_13 = tpu.vector_load %arg6[%swap3A_12] {strides = array<i32>} : memref<2064xi32, #tpu.memory_space<vmem>>, vector<16xi32>,
    tpu.vector_store %arg6[%swap3A_12], %add3A_11 {strides = array<i32>} : memref<2064xi32, #tpu.memory_space<vmem>>, vector<16xi32>,
    %add3A_14 = arith.constant 32 : i32
    %add3A_15 = arith.addi %mul3A_0, %add3A_14 : i32
    %add3A_16 = vector.broadcast %add3A_15 : i32 to vector<16xi32>
    %add3A_17 = arith.addi %add3A_16, %iota3A : vector<16xi32>
    %swap3A_18 = arith.constant 32 : index
    %swap3A_19 = tpu.vector_load %arg6[%swap3A_18] {strides = array<i32>} : memref<2064xi32, #tpu.memory_space<vmem>>, vector<16xi32>,
    tpu.vector_store %arg6[%swap3A_18], %add3A_17 {strides = array<i32>} : memref<2064xi32, #tpu.memory_space<vmem>>, vector<16xi32>,
    %add3A_20 = arith.constant 48 : i32
    %add3A_21 = arith.addi %mul3A_0, %add3A_20 : i32
    %add3A_22 = vector.broadcast %add3A_21 : i32 to vector<16xi32>
    %add3A_23 = arith.addi %add3A_22, %iota3A : vector<16xi32>
    %swap3A_24 = arith.constant 48 : index
    %swap3A_25 = tpu.vector_load %arg6[%swap3A_24] {strides = array<i32>} : memref<2064xi32, #tpu.memory_space<vmem>>, vector<16xi32>,
    tpu.vector_store %arg6[%swap3A_24], %add3A_23 {strides = array<i32>} : memref<2064xi32, #tpu.memory_space<vmem>>, vector<16xi32>,
    %add3A_26 = arith.constant 64 : i32
    %add3A_27 = arith.addi %mul3A_0, %add3A_26 : i32
    %add3A_28 = vector.broadcast %add3A_27 : i32 to vector<16xi32>
    %add3A_29 = arith.addi %add3A_28, %iota3A : vector<16xi32>
    %swap3A_30 = arith.constant 64 : index
    %swap3A_31 = tpu.vector_load %arg6[%swap3A_30] {strides = array<i32>} : memref<2064xi32, #tpu.memory_space<vmem>>, vector<16xi32>,
    tpu.vector_store %arg6[%swap3A_30], %add3A_29 {strides = array<i32>} : memref<2064xi32, #tpu.memory_space<vmem>>, vector<16xi32>,
    %add3A_32 = arith.constant 80 : i32
    %add3A_33 = arith.addi %mul3A_0, %add3A_32 : i32
    %add3A_34 = vector.broadcast %add3A_33 : i32 to vector<16xi32>
    %add3A_35 = arith.addi %add3A_34, %iota3A : vector<16xi32>
    %swap3A_36 = arith.constant 80 : index
    %swap3A_37 = tpu.vector_load %arg6[%swap3A_36] {strides = array<i32>} : memref<2064xi32, #tpu.memory_space<vmem>>, vector<16xi32>,
    tpu.vector_store %arg6[%swap3A_36], %add3A_35 {strides = array<i32>} : memref<2064xi32, #tpu.memory_space<vmem>>, vector<16xi32>,
    %add3A_38 = arith.constant 96 : i32
    %add3A_39 = arith.addi %mul3A_0, %add3A_38 : i32
    %add3A_40 = vector.broadcast %add3A_39 : i32 to vector<16xi32>
    %add3A_41 = arith.addi %add3A_40, %iota3A : vector<16xi32>
    %swap3A_42 = arith.constant 96 : index
    %swap3A_43 = tpu.vector_load %arg6[%swap3A_42] {strides = array<i32>} : memref<2064xi32, #tpu.memory_space<vmem>>, vector<16xi32>,
    tpu.vector_store %arg6[%swap3A_42], %add3A_41 {strides = array<i32>} : memref<2064xi32, #tpu.memory_space<vmem>>, vector<16xi32>,
    %add3A_44 = arith.constant 112 : i32
    %add3A_45 = arith.addi %mul3A_0, %add3A_44 : i32
    %add3A_46 = vector.broadcast %add3A_45 : i32 to vector<16xi32>
    %add3A_47 = arith.addi %add3A_46, %iota3A : vector<16xi32>
    %swap3A_48 = arith.constant 112 : index
    %swap3A_49 = tpu.vector_load %arg6[%swap3A_48] {strides = array<i32>} : memref<2064xi32, #tpu.memory_space<vmem>>, vector<16xi32>,
    tpu.vector_store %arg6[%swap3A_48], %add3A_47 {strides = array<i32>} : memref<2064xi32, #tpu.memory_space<vmem>>, vector<16xi32>,
    %add3A_50 = arith.constant 128 : i32
    %add3A_51 = arith.addi %mul3A_0, %add3A_50 : i32
    %add3A_52 = vector.broadcast %add3A_51 : i32 to vector<16xi32>
    %add3A_53 = arith.addi %add3A_52, %iota3A : vector<16xi32>
    %swap3A_54 = arith.constant 128 : index
    %swap3A_55 = tpu.vector_load %arg6[%swap3A_54] {strides = array<i32>} : memref<2064xi32, #tpu.memory_space<vmem>>, vector<16xi32>,
    tpu.vector_store %arg6[%swap3A_54], %add3A_53 {strides = array<i32>} : memref<2064xi32, #tpu.memory_space<vmem>>, vector<16xi32>,
    %add3A_56 = arith.constant 144 : i32
    %add3A_57 = arith.addi %mul3A_0, %add3A_56 : i32
    %add3A_58 = vector.broadcast %add3A_57 : i32 to vector<16xi32>
    %add3A_59 = arith.addi %add3A_58, %iota3A : vector<16xi32>
    %swap3A_60 = arith.constant 144 : index
    %swap3A_61 = tpu.vector_load %arg6[%swap3A_60] {strides = array<i32>} : memref<2064xi32, #tpu.memory_space<vmem>>, vector<16xi32>,
    tpu.vector_store %arg6[%swap3A_60], %add3A_59 {strides = array<i32>} : memref<2064xi32, #tpu.memory_space<vmem>>, vector<16xi32>,
    %add3A_62 = arith.constant 160 : i32
    %add3A_63 = arith.addi %mul3A_0, %add3A_62 : i32
    %add3A_64 = vector.broadcast %add3A_63 : i32 to vector<16xi32>
    %add3A_65 = arith.addi %add3A_64, %iota3A : vector<16xi32>
    %swap3A_66 = arith.constant 160 : index
    %swap3A_67 = tpu.vector_load %arg6[%swap3A_66] {strides = array<i32>} : memref<2064xi32, #tpu.memory_space<vmem>>, vector<16xi32>,
    tpu.vector_store %arg6[%swap3A_66], %add3A_65 {strides = array<i32>} : memref<2064xi32, #tpu.memory_space<vmem>>, vector<16xi32>,
    %add3A_68 = arith.constant 176 : i32
    %add3A_69 = arith.addi %mul3A_0, %add3A_68 : i32
    %add3A_70 = vector.broadcast %add3A_69 : i32 to vector<16xi32>
    %add3A_71 = arith.addi %add3A_70, %iota3A : vector<16xi32>
    %swap3A_72 = arith.constant 176 : index
    %swap3A_73 = tpu.vector_load %arg6[%swap3A_72] {strides = array<i32>} : memref<2064xi32, #tpu.memory_space<vmem>>, vector<16xi32>,
    tpu.vector_store %arg6[%swap3A_72], %add3A_71 {strides = array<i32>} : memref<2064xi32, #tpu.memory_space<vmem>>, vector<16xi32>,
    %add3A_74 = arith.constant 192 : i32
    %add3A_75 = arith.addi %mul3A_0, %add3A_74 : i32
    %add3A_76 = vector.broadcast %add3A_75 : i32 to vector<16xi32>
    %add3A_77 = arith.addi %add3A_76, %iota3A : vector<16xi32>
    %swap3A_78 = arith.constant 192 : index
    %swap3A_79 = tpu.vector_load %arg6[%swap3A_78] {strides = array<i32>} : memref<2064xi32, #tpu.memory_space<vmem>>, vector<16xi32>,
    tpu.vector_store %arg6[%swap3A_78], %add3A_77 {strides = array<i32>} : memref<2064xi32, #tpu.memory_space<vmem>>, vector<16xi32>,
    %add3A_80 = arith.constant 208 : i32
    %add3A_81 = arith.addi %mul3A_0, %add3A_80 : i32
    %add3A_82 = vector.broadcast %add3A_81 : i32 to vector<16xi32>
    %add3A_83 = arith.addi %add3A_82, %iota3A : vector<16xi32>
    %swap3A_84 = arith.constant 208 : index
    %swap3A_85 = tpu.vector_load %arg6[%swap3A_84] {strides = array<i32>} : memref<2064xi32, #tpu.memory_space<vmem>>, vector<16xi32>,
    tpu.vector_store %arg6[%swap3A_84], %add3A_83 {strides = array<i32>} : memref<2064xi32, #tpu.memory_space<vmem>>, vector<16xi32>,
    %add3A_86 = arith.constant 224 : i32
    %add3A_87 = arith.addi %mul3A_0, %add3A_86 : i32
    %add3A_88 = vector.broadcast %add3A_87 : i32 to vector<16xi32>
    %add3A_89 = arith.addi %add3A_88, %iota3A : vector<16xi32>
    %swap3A_90 = arith.constant 224 : index
    %swap3A_91 = tpu.vector_load %arg6[%swap3A_90] {strides = array<i32>} : memref<2064xi32, #tpu.memory_space<vmem>>, vector<16xi32>,
    tpu.vector_store %arg6[%swap3A_90], %add3A_89 {strides = array<i32>} : memref<2064xi32, #tpu.memory_space<vmem>>, vector<16xi32>,
    %add3A_92 = arith.constant 240 : i32
    %add3A_93 = arith.addi %mul3A_0, %add3A_92 : i32
    %add3A_94 = vector.broadcast %add3A_93 : i32 to vector<16xi32>
    %add3A_95 = arith.addi %add3A_94, %iota3A : vector<16xi32>
    %swap3A_96 = arith.constant 240 : index
    %swap3A_97 = tpu.vector_load %arg6[%swap3A_96] {strides = array<i32>} : memref<2064xi32, #tpu.memory_space<vmem>>, vector<16xi32>,
    tpu.vector_store %arg6[%swap3A_96], %add3A_95 {strides = array<i32>} : memref<2064xi32, #tpu.memory_space<vmem>>, vector<16xi32>,
    %add3A_98 = arith.constant 256 : i32
    %add3A_99 = arith.addi %mul3A_0, %add3A_98 : i32
    %add3A_100 = vector.broadcast %add3A_99 : i32 to vector<16xi32>
    %add3A_101 = arith.addi %add3A_100, %iota3A : vector<16xi32>
    %swap3A_102 = arith.constant 256 : index
    %swap3A_103 = tpu.vector_load %arg6[%swap3A_102] {strides = array<i32>} : memref<2064xi32, #tpu.memory_space<vmem>>, vector<16xi32>,
    tpu.vector_store %arg6[%swap3A_102], %add3A_101 {strides = array<i32>} : memref<2064xi32, #tpu.memory_space<vmem>>, vector<16xi32>,
    %add3A_104 = arith.constant 272 : i32
    %add3A_105 = arith.addi %mul3A_0, %add3A_104 : i32
    %add3A_106 = vector.broadcast %add3A_105 : i32 to vector<16xi32>
    %add3A_107 = arith.addi %add3A_106, %iota3A : vector<16xi32>
    %swap3A_108 = arith.constant 272 : index
    %swap3A_109 = tpu.vector_load %arg6[%swap3A_108] {strides = array<i32>} : memref<2064xi32, #tpu.memory_space<vmem>>, vector<16xi32>,
    tpu.vector_store %arg6[%swap3A_108], %add3A_107 {strides = array<i32>} : memref<2064xi32, #tpu.memory_space<vmem>>, vector<16xi32>,
    %add3A_110 = arith.constant 288 : i32
    %add3A_111 = arith.addi %mul3A_0, %add3A_110 : i32
    %add3A_112 = vector.broadcast %add3A_111 : i32 to vector<16xi32>
    %add3A_113 = arith.addi %add3A_112, %iota3A : vector<16xi32>
    %swap3A_114 = arith.constant 288 : index
    %swap3A_115 = tpu.vector_load %arg6[%swap3A_114] {strides = array<i32>} : memref<2064xi32, #tpu.memory_space<vmem>>, vector<16xi32>,
    tpu.vector_store %arg6[%swap3A_114], %add3A_113 {strides = array<i32>} : memref<2064xi32, #tpu.memory_space<vmem>>, vector<16xi32>,
    %add3A_116 = arith.constant 304 : i32
    %add3A_117 = arith.addi %mul3A_0, %add3A_116 : i32
    %add3A_118 = vector.broadcast %add3A_117 : i32 to vector<16xi32>
    %add3A_119 = arith.addi %add3A_118, %iota3A : vector<16xi32>
    %swap3A_120 = arith.constant 304 : index
    %swap3A_121 = tpu.vector_load %arg6[%swap3A_120] {strides = array<i32>} : memref<2064xi32, #tpu.memory_space<vmem>>, vector<16xi32>,
    tpu.vector_store %arg6[%swap3A_120], %add3A_119 {strides = array<i32>} : memref<2064xi32, #tpu.memory_space<vmem>>, vector<16xi32>,
    %add3A_122 = arith.constant 320 : i32
    %add3A_123 = arith.addi %mul3A_0, %add3A_122 : i32
    %add3A_124 = vector.broadcast %add3A_123 : i32 to vector<16xi32>
    %add3A_125 = arith.addi %add3A_124, %iota3A : vector<16xi32>
    %swap3A_126 = arith.constant 320 : index
    %swap3A_127 = tpu.vector_load %arg6[%swap3A_126] {strides = array<i32>} : memref<2064xi32, #tpu.memory_space<vmem>>, vector<16xi32>,
    tpu.vector_store %arg6[%swap3A_126], %add3A_125 {strides = array<i32>} : memref<2064xi32, #tpu.memory_space<vmem>>, vector<16xi32>,
    %add3A_128 = arith.constant 336 : i32
    %add3A_129 = arith.addi %mul3A_0, %add3A_128 : i32
    %add3A_130 = vector.broadcast %add3A_129 : i32 to vector<16xi32>
    %add3A_131 = arith.addi %add3A_130, %iota3A : vector<16xi32>
    %swap3A_132 = arith.constant 336 : index
    %swap3A_133 = tpu.vector_load %arg6[%swap3A_132] {strides = array<i32>} : memref<2064xi32, #tpu.memory_space<vmem>>, vector<16xi32>,
    tpu.vector_store %arg6[%swap3A_132], %add3A_131 {strides = array<i32>} : memref<2064xi32, #tpu.memory_space<vmem>>, vector<16xi32>,
    %add3A_134 = arith.constant 352 : i32
    %add3A_135 = arith.addi %mul3A_0, %add3A_134 : i32
    %add3A_136 = vector.broadcast %add3A_135 : i32 to vector<16xi32>
    %add3A_137 = arith.addi %add3A_136, %iota3A : vector<16xi32>
    %swap3A_138 = arith.constant 352 : index
    %swap3A_139 = tpu.vector_load %arg6[%swap3A_138] {strides = array<i32>} : memref<2064xi32, #tpu.memory_space<vmem>>, vector<16xi32>,
    tpu.vector_store %arg6[%swap3A_138], %add3A_137 {strides = array<i32>} : memref<2064xi32, #tpu.memory_space<vmem>>, vector<16xi32>,
    %add3A_140 = arith.constant 368 : i32
    %add3A_141 = arith.addi %mul3A_0, %add3A_140 : i32
    %add3A_142 = vector.broadcast %add3A_141 : i32 to vector<16xi32>
    %add3A_143 = arith.addi %add3A_142, %iota3A : vector<16xi32>
    %swap3A_144 = arith.constant 368 : index
    %swap3A_145 = tpu.vector_load %arg6[%swap3A_144] {strides = array<i32>} : memref<2064xi32, #tpu.memory_space<vmem>>, vector<16xi32>,
    tpu.vector_store %arg6[%swap3A_144], %add3A_143 {strides = array<i32>} : memref<2064xi32, #tpu.memory_space<vmem>>, vector<16xi32>,
    %add3A_146 = arith.constant 384 : i32
    %add3A_147 = arith.addi %mul3A_0, %add3A_146 : i32
    %add3A_148 = vector.broadcast %add3A_147 : i32 to vector<16xi32>
    %add3A_149 = arith.addi %add3A_148, %iota3A : vector<16xi32>
    %swap3A_150 = arith.constant 384 : index
    %swap3A_151 = tpu.vector_load %arg6[%swap3A_150] {strides = array<i32>} : memref<2064xi32, #tpu.memory_space<vmem>>, vector<16xi32>,
    tpu.vector_store %arg6[%swap3A_150], %add3A_149 {strides = array<i32>} : memref<2064xi32, #tpu.memory_space<vmem>>, vector<16xi32>,
    %add3A_152 = arith.constant 400 : i32
    %add3A_153 = arith.addi %mul3A_0, %add3A_152 : i32
    %add3A_154 = vector.broadcast %add3A_153 : i32 to vector<16xi32>
    %add3A_155 = arith.addi %add3A_154, %iota3A : vector<16xi32>
    %swap3A_156 = arith.constant 400 : index
    %swap3A_157 = tpu.vector_load %arg6[%swap3A_156] {strides = array<i32>} : memref<2064xi32, #tpu.memory_space<vmem>>, vector<16xi32>,
    tpu.vector_store %arg6[%swap3A_156], %add3A_155 {strides = array<i32>} : memref<2064xi32, #tpu.memory_space<vmem>>, vector<16xi32>,
    %add3A_158 = arith.constant 416 : i32
    %add3A_159 = arith.addi %mul3A_0, %add3A_158 : i32
    %add3A_160 = vector.broadcast %add3A_159 : i32 to vector<16xi32>
    %add3A_161 = arith.addi %add3A_160, %iota3A : vector<16xi32>
    %swap3A_162 = arith.constant 416 : index
    %swap3A_163 = tpu.vector_load %arg6[%swap3A_162] {strides = array<i32>} : memref<2064xi32, #tpu.memory_space<vmem>>, vector<16xi32>,
    tpu.vector_store %arg6[%swap3A_162], %add3A_161 {strides = array<i32>} : memref<2064xi32, #tpu.memory_space<vmem>>, vector<16xi32>,
    %add3A_164 = arith.constant 432 : i32
    %add3A_165 = arith.addi %mul3A_0, %add3A_164 : i32
    %add3A_166 = vector.broadcast %add3A_165 : i32 to vector<16xi32>
    %add3A_167 = arith.addi %add3A_166, %iota3A : vector<16xi32>
    %swap3A_168 = arith.constant 432 : index
    %swap3A_169 = tpu.vector_load %arg6[%swap3A_168] {strides = array<i32>} : memref<2064xi32, #tpu.memory_space<vmem>>, vector<16xi32>,
    tpu.vector_store %arg6[%swap3A_168], %add3A_167 {strides = array<i32>} : memref<2064xi32, #tpu.memory_space<vmem>>, vector<16xi32>,
    %add3A_170 = arith.constant 448 : i32
    %add3A_171 = arith.addi %mul3A_0, %add3A_170 : i32
    %add3A_172 = vector.broadcast %add3A_171 : i32 to vector<16xi32>
    %add3A_173 = arith.addi %add3A_172, %iota3A : vector<16xi32>
    %swap3A_174 = arith.constant 448 : index
    %swap3A_175 = tpu.vector_load %arg6[%swap3A_174] {strides = array<i32>} : memref<2064xi32, #tpu.memory_space<vmem>>, vector<16xi32>,
    tpu.vector_store %arg6[%swap3A_174], %add3A_173 {strides = array<i32>} : memref<2064xi32, #tpu.memory_space<vmem>>, vector<16xi32>,
    %add3A_176 = arith.constant 464 : i32
    %add3A_177 = arith.addi %mul3A_0, %add3A_176 : i32
    %add3A_178 = vector.broadcast %add3A_177 : i32 to vector<16xi32>
    %add3A_179 = arith.addi %add3A_178, %iota3A : vector<16xi32>
    %swap3A_180 = arith.constant 464 : index
    %swap3A_181 = tpu.vector_load %arg6[%swap3A_180] {strides = array<i32>} : memref<2064xi32, #tpu.memory_space<vmem>>, vector<16xi32>,
    tpu.vector_store %arg6[%swap3A_180], %add3A_179 {strides = array<i32>} : memref<2064xi32, #tpu.memory_space<vmem>>, vector<16xi32>,
    %add3A_182 = arith.constant 480 : i32
    %add3A_183 = arith.addi %mul3A_0, %add3A_182 : i32
    %add3A_184 = vector.broadcast %add3A_183 : i32 to vector<16xi32>
    %add3A_185 = arith.addi %add3A_184, %iota3A : vector<16xi32>
    %swap3A_186 = arith.constant 480 : index
    %swap3A_187 = tpu.vector_load %arg6[%swap3A_186] {strides = array<i32>} : memref<2064xi32, #tpu.memory_space<vmem>>, vector<16xi32>,
    tpu.vector_store %arg6[%swap3A_186], %add3A_185 {strides = array<i32>} : memref<2064xi32, #tpu.memory_space<vmem>>, vector<16xi32>,
    %add3A_188 = arith.constant 496 : i32
    %add3A_189 = arith.addi %mul3A_0, %add3A_188 : i32
    %add3A_190 = vector.broadcast %add3A_189 : i32 to vector<16xi32>
    %add3A_191 = arith.addi %add3A_190, %iota3A : vector<16xi32>
    %swap3A_192 = arith.constant 496 : index
    %swap3A_193 = tpu.vector_load %arg6[%swap3A_192] {strides = array<i32>} : memref<2064xi32, #tpu.memory_space<vmem>>, vector<16xi32>,
    tpu.vector_store %arg6[%swap3A_192], %add3A_191 {strides = array<i32>} : memref<2064xi32, #tpu.memory_space<vmem>>, vector<16xi32>,
    %add3A_194 = arith.constant 512 : i32
    %add3A_195 = arith.addi %mul3A_0, %add3A_194 : i32
    %add3A_196 = vector.broadcast %add3A_195 : i32 to vector<16xi32>
    %add3A_197 = arith.addi %add3A_196, %iota3A : vector<16xi32>
    %swap3A_198 = arith.constant 512 : index
    %swap3A_199 = tpu.vector_load %arg6[%swap3A_198] {strides = array<i32>} : memref<2064xi32, #tpu.memory_space<vmem>>, vector<16xi32>,
    tpu.vector_store %arg6[%swap3A_198], %add3A_197 {strides = array<i32>} : memref<2064xi32, #tpu.memory_space<vmem>>, vector<16xi32>,
    %add3A_200 = arith.constant 528 : i32
    %add3A_201 = arith.addi %mul3A_0, %add3A_200 : i32
    %add3A_202 = vector.broadcast %add3A_201 : i32 to vector<16xi32>
    %add3A_203 = arith.addi %add3A_202, %iota3A : vector<16xi32>
    %swap3A_204 = arith.constant 528 : index
    %swap3A_205 = tpu.vector_load %arg6[%swap3A_204] {strides = array<i32>} : memref<2064xi32, #tpu.memory_space<vmem>>, vector<16xi32>,
    tpu.vector_store %arg6[%swap3A_204], %add3A_203 {strides = array<i32>} : memref<2064xi32, #tpu.memory_space<vmem>>, vector<16xi32>,
    %add3A_206 = arith.constant 544 : i32
    %add3A_207 = arith.addi %mul3A_0, %add3A_206 : i32
    %add3A_208 = vector.broadcast %add3A_207 : i32 to vector<16xi32>
    %add3A_209 = arith.addi %add3A_208, %iota3A : vector<16xi32>
    %swap3A_210 = arith.constant 544 : index
    %swap3A_211 = tpu.vector_load %arg6[%swap3A_210] {strides = array<i32>} : memref<2064xi32, #tpu.memory_space<vmem>>, vector<16xi32>,
    tpu.vector_store %arg6[%swap3A_210], %add3A_209 {strides = array<i32>} : memref<2064xi32, #tpu.memory_space<vmem>>, vector<16xi32>,
    %add3A_212 = arith.constant 560 : i32
    %add3A_213 = arith.addi %mul3A_0, %add3A_212 : i32
    %add3A_214 = vector.broadcast %add3A_213 : i32 to vector<16xi32>
    %add3A_215 = arith.addi %add3A_214, %iota3A : vector<16xi32>
    %swap3A_216 = arith.constant 560 : index
    %swap3A_217 = tpu.vector_load %arg6[%swap3A_216] {strides = array<i32>} : memref<2064xi32, #tpu.memory_space<vmem>>, vector<16xi32>,
    tpu.vector_store %arg6[%swap3A_216], %add3A_215 {strides = array<i32>} : memref<2064xi32, #tpu.memory_space<vmem>>, vector<16xi32>,
    %add3A_218 = arith.constant 576 : i32
    %add3A_219 = arith.addi %mul3A_0, %add3A_218 : i32
    %add3A_220 = vector.broadcast %add3A_219 : i32 to vector<16xi32>
    %add3A_221 = arith.addi %add3A_220, %iota3A : vector<16xi32>
    %swap3A_222 = arith.constant 576 : index
    %swap3A_223 = tpu.vector_load %arg6[%swap3A_222] {strides = array<i32>} : memref<2064xi32, #tpu.memory_space<vmem>>, vector<16xi32>,
    tpu.vector_store %arg6[%swap3A_222], %add3A_221 {strides = array<i32>} : memref<2064xi32, #tpu.memory_space<vmem>>, vector<16xi32>,
    %add3A_224 = arith.constant 592 : i32
    %add3A_225 = arith.addi %mul3A_0, %add3A_224 : i32
    %add3A_226 = vector.broadcast %add3A_225 : i32 to vector<16xi32>
    %add3A_227 = arith.addi %add3A_226, %iota3A : vector<16xi32>
    %swap3A_228 = arith.constant 592 : index
    %swap3A_229 = tpu.vector_load %arg6[%swap3A_228] {strides = array<i32>} : memref<2064xi32, #tpu.memory_space<vmem>>, vector<16xi32>,
    tpu.vector_store %arg6[%swap3A_228], %add3A_227 {strides = array<i32>} : memref<2064xi32, #tpu.memory_space<vmem>>, vector<16xi32>,
    %add3A_230 = arith.constant 608 : i32
    %add3A_231 = arith.addi %mul3A_0, %add3A_230 : i32
    %add3A_232 = vector.broadcast %add3A_231 : i32 to vector<16xi32>
    %add3A_233 = arith.addi %add3A_232, %iota3A : vector<16xi32>
    %swap3A_234 = arith.constant 608 : index
    %swap3A_235 = tpu.vector_load %arg6[%swap3A_234] {strides = array<i32>} : memref<2064xi32, #tpu.memory_space<vmem>>, vector<16xi32>,
    tpu.vector_store %arg6[%swap3A_234], %add3A_233 {strides = array<i32>} : memref<2064xi32, #tpu.memory_space<vmem>>, vector<16xi32>,
    %add3A_236 = arith.constant 624 : i32
    %add3A_237 = arith.addi %mul3A_0, %add3A_236 : i32
    %add3A_238 = vector.broadcast %add3A_237 : i32 to vector<16xi32>
    %add3A_239 = arith.addi %add3A_238, %iota3A : vector<16xi32>
    %swap3A_240 = arith.constant 624 : index
    %swap3A_241 = tpu.vector_load %arg6[%swap3A_240] {strides = array<i32>} : memref<2064xi32, #tpu.memory_space<vmem>>, vector<16xi32>,
    tpu.vector_store %arg6[%swap3A_240], %add3A_239 {strides = array<i32>} : memref<2064xi32, #tpu.memory_space<vmem>>, vector<16xi32>,
    %add3A_242 = arith.constant 640 : i32
    %add3A_243 = arith.addi %mul3A_0, %add3A_242 : i32
    %add3A_244 = vector.broadcast %add3A_243 : i32 to vector<16xi32>
    %add3A_245 = arith.addi %add3A_244, %iota3A : vector<16xi32>
    %swap3A_246 = arith.constant 640 : index
    %swap3A_247 = tpu.vector_load %arg6[%swap3A_246] {strides = array<i32>} : memref<2064xi32, #tpu.memory_space<vmem>>, vector<16xi32>,
    tpu.vector_store %arg6[%swap3A_246], %add3A_245 {strides = array<i32>} : memref<2064xi32, #tpu.memory_space<vmem>>, vector<16xi32>,
    %add3A_248 = arith.constant 656 : i32
    %add3A_249 = arith.addi %mul3A_0, %add3A_248 : i32
    %add3A_250 = vector.broadcast %add3A_249 : i32 to vector<16xi32>
    %add3A_251 = arith.addi %add3A_250, %iota3A : vector<16xi32>
    %swap3A_252 = arith.constant 656 : index
    %swap3A_253 = tpu.vector_load %arg6[%swap3A_252] {strides = array<i32>} : memref<2064xi32, #tpu.memory_space<vmem>>, vector<16xi32>,
    tpu.vector_store %arg6[%swap3A_252], %add3A_251 {strides = array<i32>} : memref<2064xi32, #tpu.memory_space<vmem>>, vector<16xi32>,
    %add3A_254 = arith.constant 672 : i32
    %add3A_255 = arith.addi %mul3A_0, %add3A_254 : i32
    %add3A_256 = vector.broadcast %add3A_255 : i32 to vector<16xi32>
    %add3A_257 = arith.addi %add3A_256, %iota3A : vector<16xi32>
    %swap3A_258 = arith.constant 672 : index
    %swap3A_259 = tpu.vector_load %arg6[%swap3A_258] {strides = array<i32>} : memref<2064xi32, #tpu.memory_space<vmem>>, vector<16xi32>,
    tpu.vector_store %arg6[%swap3A_258], %add3A_257 {strides = array<i32>} : memref<2064xi32, #tpu.memory_space<vmem>>, vector<16xi32>,
    %add3A_260 = arith.constant 688 : i32
    %add3A_261 = arith.addi %mul3A_0, %add3A_260 : i32
    %add3A_262 = vector.broadcast %add3A_261 : i32 to vector<16xi32>
    %add3A_263 = arith.addi %add3A_262, %iota3A : vector<16xi32>
    %swap3A_264 = arith.constant 688 : index
    %swap3A_265 = tpu.vector_load %arg6[%swap3A_264] {strides = array<i32>} : memref<2064xi32, #tpu.memory_space<vmem>>, vector<16xi32>,
    tpu.vector_store %arg6[%swap3A_264], %add3A_263 {strides = array<i32>} : memref<2064xi32, #tpu.memory_space<vmem>>, vector<16xi32>,
    %add3A_266 = arith.constant 704 : i32
    %add3A_267 = arith.addi %mul3A_0, %add3A_266 : i32
    %add3A_268 = vector.broadcast %add3A_267 : i32 to vector<16xi32>
    %add3A_269 = arith.addi %add3A_268, %iota3A : vector<16xi32>
    %swap3A_270 = arith.constant 704 : index
    %swap3A_271 = tpu.vector_load %arg6[%swap3A_270] {strides = array<i32>} : memref<2064xi32, #tpu.memory_space<vmem>>, vector<16xi32>,
    tpu.vector_store %arg6[%swap3A_270], %add3A_269 {strides = array<i32>} : memref<2064xi32, #tpu.memory_space<vmem>>, vector<16xi32>,
    %add3A_272 = arith.constant 720 : i32
    %add3A_273 = arith.addi %mul3A_0, %add3A_272 : i32
    %add3A_274 = vector.broadcast %add3A_273 : i32 to vector<16xi32>
    %add3A_275 = arith.addi %add3A_274, %iota3A : vector<16xi32>
    %swap3A_276 = arith.constant 720 : index
    %swap3A_277 = tpu.vector_load %arg6[%swap3A_276] {strides = array<i32>} : memref<2064xi32, #tpu.memory_space<vmem>>, vector<16xi32>,
    tpu.vector_store %arg6[%swap3A_276], %add3A_275 {strides = array<i32>} : memref<2064xi32, #tpu.memory_space<vmem>>, vector<16xi32>,
    %add3A_278 = arith.constant 736 : i32
    %add3A_279 = arith.addi %mul3A_0, %add3A_278 : i32
    %add3A_280 = vector.broadcast %add3A_279 : i32 to vector<16xi32>
    %add3A_281 = arith.addi %add3A_280, %iota3A : vector<16xi32>
    %swap3A_282 = arith.constant 736 : index
    %swap3A_283 = tpu.vector_load %arg6[%swap3A_282] {strides = array<i32>} : memref<2064xi32, #tpu.memory_space<vmem>>, vector<16xi32>,
    tpu.vector_store %arg6[%swap3A_282], %add3A_281 {strides = array<i32>} : memref<2064xi32, #tpu.memory_space<vmem>>, vector<16xi32>,
    %add3A_284 = arith.constant 752 : i32
    %add3A_285 = arith.addi %mul3A_0, %add3A_284 : i32
    %add3A_286 = vector.broadcast %add3A_285 : i32 to vector<16xi32>
    %add3A_287 = arith.addi %add3A_286, %iota3A : vector<16xi32>
    %swap3A_288 = arith.constant 752 : index
    %swap3A_289 = tpu.vector_load %arg6[%swap3A_288] {strides = array<i32>} : memref<2064xi32, #tpu.memory_space<vmem>>, vector<16xi32>,
    tpu.vector_store %arg6[%swap3A_288], %add3A_287 {strides = array<i32>} : memref<2064xi32, #tpu.memory_space<vmem>>, vector<16xi32>,
    %add3A_290 = arith.constant 768 : i32
    %add3A_291 = arith.addi %mul3A_0, %add3A_290 : i32
    %add3A_292 = vector.broadcast %add3A_291 : i32 to vector<16xi32>
    %add3A_293 = arith.addi %add3A_292, %iota3A : vector<16xi32>
    %swap3A_294 = arith.constant 768 : index
    %swap3A_295 = tpu.vector_load %arg6[%swap3A_294] {strides = array<i32>} : memref<2064xi32, #tpu.memory_space<vmem>>, vector<16xi32>,
    tpu.vector_store %arg6[%swap3A_294], %add3A_293 {strides = array<i32>} : memref<2064xi32, #tpu.memory_space<vmem>>, vector<16xi32>,
    %add3A_296 = arith.constant 784 : i32
    %add3A_297 = arith.addi %mul3A_0, %add3A_296 : i32
    %add3A_298 = vector.broadcast %add3A_297 : i32 to vector<16xi32>
    %add3A_299 = arith.addi %add3A_298, %iota3A : vector<16xi32>
    %swap3A_300 = arith.constant 784 : index
    %swap3A_301 = tpu.vector_load %arg6[%swap3A_300] {strides = array<i32>} : memref<2064xi32, #tpu.memory_space<vmem>>, vector<16xi32>,
    tpu.vector_store %arg6[%swap3A_300], %add3A_299 {strides = array<i32>} : memref<2064xi32, #tpu.memory_space<vmem>>, vector<16xi32>,
    %add3A_302 = arith.constant 800 : i32
    %add3A_303 = arith.addi %mul3A_0, %add3A_302 : i32
    %add3A_304 = vector.broadcast %add3A_303 : i32 to vector<16xi32>
    %add3A_305 = arith.addi %add3A_304, %iota3A : vector<16xi32>
    %swap3A_306 = arith.constant 800 : index
    %swap3A_307 = tpu.vector_load %arg6[%swap3A_306] {strides = array<i32>} : memref<2064xi32, #tpu.memory_space<vmem>>, vector<16xi32>,
    tpu.vector_store %arg6[%swap3A_306], %add3A_305 {strides = array<i32>} : memref<2064xi32, #tpu.memory_space<vmem>>, vector<16xi32>,
    %add3A_308 = arith.constant 816 : i32
    %add3A_309 = arith.addi %mul3A_0, %add3A_308 : i32
    %add3A_310 = vector.broadcast %add3A_309 : i32 to vector<16xi32>
    %add3A_311 = arith.addi %add3A_310, %iota3A : vector<16xi32>
    %swap3A_312 = arith.constant 816 : index
    %swap3A_313 = tpu.vector_load %arg6[%swap3A_312] {strides = array<i32>} : memref<2064xi32, #tpu.memory_space<vmem>>, vector<16xi32>,
    tpu.vector_store %arg6[%swap3A_312], %add3A_311 {strides = array<i32>} : memref<2064xi32, #tpu.memory_space<vmem>>, vector<16xi32>,
    %add3A_314 = arith.constant 832 : i32
    %add3A_315 = arith.addi %mul3A_0, %add3A_314 : i32
    %add3A_316 = vector.broadcast %add3A_315 : i32 to vector<16xi32>
    %add3A_317 = arith.addi %add3A_316, %iota3A : vector<16xi32>
    %swap3A_318 = arith.constant 832 : index
    %swap3A_319 = tpu.vector_load %arg6[%swap3A_318] {strides = array<i32>} : memref<2064xi32, #tpu.memory_space<vmem>>, vector<16xi32>,
    tpu.vector_store %arg6[%swap3A_318], %add3A_317 {strides = array<i32>} : memref<2064xi32, #tpu.memory_space<vmem>>, vector<16xi32>,
    %add3A_320 = arith.constant 848 : i32
    %add3A_321 = arith.addi %mul3A_0, %add3A_320 : i32
    %add3A_322 = vector.broadcast %add3A_321 : i32 to vector<16xi32>
    %add3A_323 = arith.addi %add3A_322, %iota3A : vector<16xi32>
    %swap3A_324 = arith.constant 848 : index
    %swap3A_325 = tpu.vector_load %arg6[%swap3A_324] {strides = array<i32>} : memref<2064xi32, #tpu.memory_space<vmem>>, vector<16xi32>,
    tpu.vector_store %arg6[%swap3A_324], %add3A_323 {strides = array<i32>} : memref<2064xi32, #tpu.memory_space<vmem>>, vector<16xi32>,
    %add3A_326 = arith.constant 864 : i32
    %add3A_327 = arith.addi %mul3A_0, %add3A_326 : i32
    %add3A_328 = vector.broadcast %add3A_327 : i32 to vector<16xi32>
    %add3A_329 = arith.addi %add3A_328, %iota3A : vector<16xi32>
    %swap3A_330 = arith.constant 864 : index
    %swap3A_331 = tpu.vector_load %arg6[%swap3A_330] {strides = array<i32>} : memref<2064xi32, #tpu.memory_space<vmem>>, vector<16xi32>,
    tpu.vector_store %arg6[%swap3A_330], %add3A_329 {strides = array<i32>} : memref<2064xi32, #tpu.memory_space<vmem>>, vector<16xi32>,
    %add3A_332 = arith.constant 880 : i32
    %add3A_333 = arith.addi %mul3A_0, %add3A_332 : i32
    %add3A_334 = vector.broadcast %add3A_333 : i32 to vector<16xi32>
    %add3A_335 = arith.addi %add3A_334, %iota3A : vector<16xi32>
    %swap3A_336 = arith.constant 880 : index
    %swap3A_337 = tpu.vector_load %arg6[%swap3A_336] {strides = array<i32>} : memref<2064xi32, #tpu.memory_space<vmem>>, vector<16xi32>,
    tpu.vector_store %arg6[%swap3A_336], %add3A_335 {strides = array<i32>} : memref<2064xi32, #tpu.memory_space<vmem>>, vector<16xi32>,
    %add3A_338 = arith.constant 896 : i32
    %add3A_339 = arith.addi %mul3A_0, %add3A_338 : i32
    %add3A_340 = vector.broadcast %add3A_339 : i32 to vector<16xi32>
    %add3A_341 = arith.addi %add3A_340, %iota3A : vector<16xi32>
    %swap3A_342 = arith.constant 896 : index
    %swap3A_343 = tpu.vector_load %arg6[%swap3A_342] {strides = array<i32>} : memref<2064xi32, #tpu.memory_space<vmem>>, vector<16xi32>,
    tpu.vector_store %arg6[%swap3A_342], %add3A_341 {strides = array<i32>} : memref<2064xi32, #tpu.memory_space<vmem>>, vector<16xi32>,
    %add3A_344 = arith.constant 912 : i32
    %add3A_345 = arith.addi %mul3A_0, %add3A_344 : i32
    %add3A_346 = vector.broadcast %add3A_345 : i32 to vector<16xi32>
    %add3A_347 = arith.addi %add3A_346, %iota3A : vector<16xi32>
    %swap3A_348 = arith.constant 912 : index
    %swap3A_349 = tpu.vector_load %arg6[%swap3A_348] {strides = array<i32>} : memref<2064xi32, #tpu.memory_space<vmem>>, vector<16xi32>,
    tpu.vector_store %arg6[%swap3A_348], %add3A_347 {strides = array<i32>} : memref<2064xi32, #tpu.memory_space<vmem>>, vector<16xi32>,
    %add3A_350 = arith.constant 928 : i32
    %add3A_351 = arith.addi %mul3A_0, %add3A_350 : i32
    %add3A_352 = vector.broadcast %add3A_351 : i32 to vector<16xi32>
    %add3A_353 = arith.addi %add3A_352, %iota3A : vector<16xi32>
    %swap3A_354 = arith.constant 928 : index
    %swap3A_355 = tpu.vector_load %arg6[%swap3A_354] {strides = array<i32>} : memref<2064xi32, #tpu.memory_space<vmem>>, vector<16xi32>,
    tpu.vector_store %arg6[%swap3A_354], %add3A_353 {strides = array<i32>} : memref<2064xi32, #tpu.memory_space<vmem>>, vector<16xi32>,
    %add3A_356 = arith.constant 944 : i32
    %add3A_357 = arith.addi %mul3A_0, %add3A_356 : i32
    %add3A_358 = vector.broadcast %add3A_357 : i32 to vector<16xi32>
    %add3A_359 = arith.addi %add3A_358, %iota3A : vector<16xi32>
    %swap3A_360 = arith.constant 944 : index
    %swap3A_361 = tpu.vector_load %arg6[%swap3A_360] {strides = array<i32>} : memref<2064xi32, #tpu.memory_space<vmem>>, vector<16xi32>,
    tpu.vector_store %arg6[%swap3A_360], %add3A_359 {strides = array<i32>} : memref<2064xi32, #tpu.memory_space<vmem>>, vector<16xi32>,
    %add3A_362 = arith.constant 960 : i32
    %add3A_363 = arith.addi %mul3A_0, %add3A_362 : i32
    %add3A_364 = vector.broadcast %add3A_363 : i32 to vector<16xi32>
    %add3A_365 = arith.addi %add3A_364, %iota3A : vector<16xi32>
    %swap3A_366 = arith.constant 960 : index
    %swap3A_367 = tpu.vector_load %arg6[%swap3A_366] {strides = array<i32>} : memref<2064xi32, #tpu.memory_space<vmem>>, vector<16xi32>,
    tpu.vector_store %arg6[%swap3A_366], %add3A_365 {strides = array<i32>} : memref<2064xi32, #tpu.memory_space<vmem>>, vector<16xi32>,
    %add3A_368 = arith.constant 976 : i32
    %add3A_369 = arith.addi %mul3A_0, %add3A_368 : i32
    %add3A_370 = vector.broadcast %add3A_369 : i32 to vector<16xi32>
    %add3A_371 = arith.addi %add3A_370, %iota3A : vector<16xi32>
    %swap3A_372 = arith.constant 976 : index
    %swap3A_373 = tpu.vector_load %arg6[%swap3A_372] {strides = array<i32>} : memref<2064xi32, #tpu.memory_space<vmem>>, vector<16xi32>,
    tpu.vector_store %arg6[%swap3A_372], %add3A_371 {strides = array<i32>} : memref<2064xi32, #tpu.memory_space<vmem>>, vector<16xi32>,
    %add3A_374 = arith.constant 992 : i32
    %add3A_375 = arith.addi %mul3A_0, %add3A_374 : i32
    %add3A_376 = vector.broadcast %add3A_375 : i32 to vector<16xi32>
    %add3A_377 = arith.addi %add3A_376, %iota3A : vector<16xi32>
    %swap3A_378 = arith.constant 992 : index
    %swap3A_379 = tpu.vector_load %arg6[%swap3A_378] {strides = array<i32>} : memref<2064xi32, #tpu.memory_space<vmem>>, vector<16xi32>,
    tpu.vector_store %arg6[%swap3A_378], %add3A_377 {strides = array<i32>} : memref<2064xi32, #tpu.memory_space<vmem>>, vector<16xi32>,
    %add3A_380 = arith.constant 1008 : i32
    %add3A_381 = arith.addi %mul3A_0, %add3A_380 : i32
    %add3A_382 = vector.broadcast %add3A_381 : i32 to vector<16xi32>
    %add3A_383 = arith.addi %add3A_382, %iota3A : vector<16xi32>
    %swap3A_384 = arith.constant 1008 : index
    %swap3A_385 = tpu.vector_load %arg6[%swap3A_384] {strides = array<i32>} : memref<2064xi32, #tpu.memory_space<vmem>>, vector<16xi32>,
    tpu.vector_store %arg6[%swap3A_384], %add3A_383 {strides = array<i32>} : memref<2064xi32, #tpu.memory_space<vmem>>, vector<16xi32>,
    %add3A_386 = arith.constant 1024 : i32
    %add3A_387 = arith.addi %mul3A_0, %add3A_386 : i32
    %add3A_388 = vector.broadcast %add3A_387 : i32 to vector<16xi32>
    %add3A_389 = arith.addi %add3A_388, %iota3A : vector<16xi32>
    %swap3A_390 = arith.constant 1024 : index
    %swap3A_391 = tpu.vector_load %arg6[%swap3A_390] {strides = array<i32>} : memref<2064xi32, #tpu.memory_space<vmem>>, vector<16xi32>,
    tpu.vector_store %arg6[%swap3A_390], %add3A_389 {strides = array<i32>} : memref<2064xi32, #tpu.memory_space<vmem>>, vector<16xi32>,
    %add3A_392 = arith.constant 1040 : i32
    %add3A_393 = arith.addi %mul3A_0, %add3A_392 : i32
    %add3A_394 = vector.broadcast %add3A_393 : i32 to vector<16xi32>
    %add3A_395 = arith.addi %add3A_394, %iota3A : vector<16xi32>
    %swap3A_396 = arith.constant 1040 : index
    %swap3A_397 = tpu.vector_load %arg6[%swap3A_396] {strides = array<i32>} : memref<2064xi32, #tpu.memory_space<vmem>>, vector<16xi32>,
    tpu.vector_store %arg6[%swap3A_396], %add3A_395 {strides = array<i32>} : memref<2064xi32, #tpu.memory_space<vmem>>, vector<16xi32>,
    %add3A_398 = arith.constant 1056 : i32
    %add3A_399 = arith.addi %mul3A_0, %add3A_398 : i32
    %add3A_400 = vector.broadcast %add3A_399 : i32 to vector<16xi32>
    %add3A_401 = arith.addi %add3A_400, %iota3A : vector<16xi32>
    %swap3A_402 = arith.constant 1056 : index
    %swap3A_403 = tpu.vector_load %arg6[%swap3A_402] {strides = array<i32>} : memref<2064xi32, #tpu.memory_space<vmem>>, vector<16xi32>,
    tpu.vector_store %arg6[%swap3A_402], %add3A_401 {strides = array<i32>} : memref<2064xi32, #tpu.memory_space<vmem>>, vector<16xi32>,
    %add3A_404 = arith.constant 1072 : i32
    %add3A_405 = arith.addi %mul3A_0, %add3A_404 : i32
    %add3A_406 = vector.broadcast %add3A_405 : i32 to vector<16xi32>
    %add3A_407 = arith.addi %add3A_406, %iota3A : vector<16xi32>
    %swap3A_408 = arith.constant 1072 : index
    %swap3A_409 = tpu.vector_load %arg6[%swap3A_408] {strides = array<i32>} : memref<2064xi32, #tpu.memory_space<vmem>>, vector<16xi32>,
    tpu.vector_store %arg6[%swap3A_408], %add3A_407 {strides = array<i32>} : memref<2064xi32, #tpu.memory_space<vmem>>, vector<16xi32>,
    %add3A_410 = arith.constant 1088 : i32
    %add3A_411 = arith.addi %mul3A_0, %add3A_410 : i32
    %add3A_412 = vector.broadcast %add3A_411 : i32 to vector<16xi32>
    %add3A_413 = arith.addi %add3A_412, %iota3A : vector<16xi32>
    %swap3A_414 = arith.constant 1088 : index
    %swap3A_415 = tpu.vector_load %arg6[%swap3A_414] {strides = array<i32>} : memref<2064xi32, #tpu.memory_space<vmem>>, vector<16xi32>,
    tpu.vector_store %arg6[%swap3A_414], %add3A_413 {strides = array<i32>} : memref<2064xi32, #tpu.memory_space<vmem>>, vector<16xi32>,
    %add3A_416 = arith.constant 1104 : i32
    %add3A_417 = arith.addi %mul3A_0, %add3A_416 : i32
    %add3A_418 = vector.broadcast %add3A_417 : i32 to vector<16xi32>
    %add3A_419 = arith.addi %add3A_418, %iota3A : vector<16xi32>
    %swap3A_420 = arith.constant 1104 : index
    %swap3A_421 = tpu.vector_load %arg6[%swap3A_420] {strides = array<i32>} : memref<2064xi32, #tpu.memory_space<vmem>>, vector<16xi32>,
    tpu.vector_store %arg6[%swap3A_420], %add3A_419 {strides = array<i32>} : memref<2064xi32, #tpu.memory_space<vmem>>, vector<16xi32>,
    %add3A_422 = arith.constant 1120 : i32
    %add3A_423 = arith.addi %mul3A_0, %add3A_422 : i32
    %add3A_424 = vector.broadcast %add3A_423 : i32 to vector<16xi32>
    %add3A_425 = arith.addi %add3A_424, %iota3A : vector<16xi32>
    %swap3A_426 = arith.constant 1120 : index
    %swap3A_427 = tpu.vector_load %arg6[%swap3A_426] {strides = array<i32>} : memref<2064xi32, #tpu.memory_space<vmem>>, vector<16xi32>,
    tpu.vector_store %arg6[%swap3A_426], %add3A_425 {strides = array<i32>} : memref<2064xi32, #tpu.memory_space<vmem>>, vector<16xi32>,
    %add3A_428 = arith.constant 1136 : i32
    %add3A_429 = arith.addi %mul3A_0, %add3A_428 : i32
    %add3A_430 = vector.broadcast %add3A_429 : i32 to vector<16xi32>
    %add3A_431 = arith.addi %add3A_430, %iota3A : vector<16xi32>
    %swap3A_432 = arith.constant 1136 : index
    %swap3A_433 = tpu.vector_load %arg6[%swap3A_432] {strides = array<i32>} : memref<2064xi32, #tpu.memory_space<vmem>>, vector<16xi32>,
    tpu.vector_store %arg6[%swap3A_432], %add3A_431 {strides = array<i32>} : memref<2064xi32, #tpu.memory_space<vmem>>, vector<16xi32>,
    %add3A_434 = arith.constant 1152 : i32
    %add3A_435 = arith.addi %mul3A_0, %add3A_434 : i32
    %add3A_436 = vector.broadcast %add3A_435 : i32 to vector<16xi32>
    %add3A_437 = arith.addi %add3A_436, %iota3A : vector<16xi32>
    %swap3A_438 = arith.constant 1152 : index
    %swap3A_439 = tpu.vector_load %arg6[%swap3A_438] {strides = array<i32>} : memref<2064xi32, #tpu.memory_space<vmem>>, vector<16xi32>,
    tpu.vector_store %arg6[%swap3A_438], %add3A_437 {strides = array<i32>} : memref<2064xi32, #tpu.memory_space<vmem>>, vector<16xi32>,
    %add3A_440 = arith.constant 1168 : i32
    %add3A_441 = arith.addi %mul3A_0, %add3A_440 : i32
    %add3A_442 = vector.broadcast %add3A_441 : i32 to vector<16xi32>
    %add3A_443 = arith.addi %add3A_442, %iota3A : vector<16xi32>
    %swap3A_444 = arith.constant 1168 : index
    %swap3A_445 = tpu.vector_load %arg6[%swap3A_444] {strides = array<i32>} : memref<2064xi32, #tpu.memory_space<vmem>>, vector<16xi32>,
    tpu.vector_store %arg6[%swap3A_444], %add3A_443 {strides = array<i32>} : memref<2064xi32, #tpu.memory_space<vmem>>, vector<16xi32>,
    %add3A_446 = arith.constant 1184 : i32
    %add3A_447 = arith.addi %mul3A_0, %add3A_446 : i32
    %add3A_448 = vector.broadcast %add3A_447 : i32 to vector<16xi32>
    %add3A_449 = arith.addi %add3A_448, %iota3A : vector<16xi32>
    %swap3A_450 = arith.constant 1184 : index
    %swap3A_451 = tpu.vector_load %arg6[%swap3A_450] {strides = array<i32>} : memref<2064xi32, #tpu.memory_space<vmem>>, vector<16xi32>,
    tpu.vector_store %arg6[%swap3A_450], %add3A_449 {strides = array<i32>} : memref<2064xi32, #tpu.memory_space<vmem>>, vector<16xi32>,
    %add3A_452 = arith.constant 1200 : i32
    %add3A_453 = arith.addi %mul3A_0, %add3A_452 : i32
    %add3A_454 = vector.broadcast %add3A_453 : i32 to vector<16xi32>
    %add3A_455 = arith.addi %add3A_454, %iota3A : vector<16xi32>
    %swap3A_456 = arith.constant 1200 : index
    %swap3A_457 = tpu.vector_load %arg6[%swap3A_456] {strides = array<i32>} : memref<2064xi32, #tpu.memory_space<vmem>>, vector<16xi32>,
    tpu.vector_store %arg6[%swap3A_456], %add3A_455 {strides = array<i32>} : memref<2064xi32, #tpu.memory_space<vmem>>, vector<16xi32>,
    %add3A_458 = arith.constant 1216 : i32
    %add3A_459 = arith.addi %mul3A_0, %add3A_458 : i32
    %add3A_460 = vector.broadcast %add3A_459 : i32 to vector<16xi32>
    %add3A_461 = arith.addi %add3A_460, %iota3A : vector<16xi32>
    %swap3A_462 = arith.constant 1216 : index
    %swap3A_463 = tpu.vector_load %arg6[%swap3A_462] {strides = array<i32>} : memref<2064xi32, #tpu.memory_space<vmem>>, vector<16xi32>,
    tpu.vector_store %arg6[%swap3A_462], %add3A_461 {strides = array<i32>} : memref<2064xi32, #tpu.memory_space<vmem>>, vector<16xi32>,
    %add3A_464 = arith.constant 1232 : i32
    %add3A_465 = arith.addi %mul3A_0, %add3A_464 : i32
    %add3A_466 = vector.broadcast %add3A_465 : i32 to vector<16xi32>
    %add3A_467 = arith.addi %add3A_466, %iota3A : vector<16xi32>
    %swap3A_468 = arith.constant 1232 : index
    %swap3A_469 = tpu.vector_load %arg6[%swap3A_468] {strides = array<i32>} : memref<2064xi32, #tpu.memory_space<vmem>>, vector<16xi32>,
    tpu.vector_store %arg6[%swap3A_468], %add3A_467 {strides = array<i32>} : memref<2064xi32, #tpu.memory_space<vmem>>, vector<16xi32>,
    %add3A_470 = arith.constant 1248 : i32
    %add3A_471 = arith.addi %mul3A_0, %add3A_470 : i32
    %add3A_472 = vector.broadcast %add3A_471 : i32 to vector<16xi32>
    %add3A_473 = arith.addi %add3A_472, %iota3A : vector<16xi32>
    %swap3A_474 = arith.constant 1248 : index
    %swap3A_475 = tpu.vector_load %arg6[%swap3A_474] {strides = array<i32>} : memref<2064xi32, #tpu.memory_space<vmem>>, vector<16xi32>,
    tpu.vector_store %arg6[%swap3A_474], %add3A_473 {strides = array<i32>} : memref<2064xi32, #tpu.memory_space<vmem>>, vector<16xi32>,
    %add3A_476 = arith.constant 1264 : i32
    %add3A_477 = arith.addi %mul3A_0, %add3A_476 : i32
    %add3A_478 = vector.broadcast %add3A_477 : i32 to vector<16xi32>
    %add3A_479 = arith.addi %add3A_478, %iota3A : vector<16xi32>
    %swap3A_480 = arith.constant 1264 : index
    %swap3A_481 = tpu.vector_load %arg6[%swap3A_480] {strides = array<i32>} : memref<2064xi32, #tpu.memory_space<vmem>>, vector<16xi32>,
    tpu.vector_store %arg6[%swap3A_480], %add3A_479 {strides = array<i32>} : memref<2064xi32, #tpu.memory_space<vmem>>, vector<16xi32>,
    %add3A_482 = arith.constant 1280 : i32
    %add3A_483 = arith.addi %mul3A_0, %add3A_482 : i32
    %add3A_484 = vector.broadcast %add3A_483 : i32 to vector<16xi32>
    %add3A_485 = arith.addi %add3A_484, %iota3A : vector<16xi32>
    %swap3A_486 = arith.constant 1280 : index
    %swap3A_487 = tpu.vector_load %arg6[%swap3A_486] {strides = array<i32>} : memref<2064xi32, #tpu.memory_space<vmem>>, vector<16xi32>,
    tpu.vector_store %arg6[%swap3A_486], %add3A_485 {strides = array<i32>} : memref<2064xi32, #tpu.memory_space<vmem>>, vector<16xi32>,
    %add3A_488 = arith.constant 1296 : i32
    %add3A_489 = arith.addi %mul3A_0, %add3A_488 : i32
    %add3A_490 = vector.broadcast %add3A_489 : i32 to vector<16xi32>
    %add3A_491 = arith.addi %add3A_490, %iota3A : vector<16xi32>
    %swap3A_492 = arith.constant 1296 : index
    %swap3A_493 = tpu.vector_load %arg6[%swap3A_492] {strides = array<i32>} : memref<2064xi32, #tpu.memory_space<vmem>>, vector<16xi32>,
    tpu.vector_store %arg6[%swap3A_492], %add3A_491 {strides = array<i32>} : memref<2064xi32, #tpu.memory_space<vmem>>, vector<16xi32>,
    %add3A_494 = arith.constant 1312 : i32
    %add3A_495 = arith.addi %mul3A_0, %add3A_494 : i32
    %add3A_496 = vector.broadcast %add3A_495 : i32 to vector<16xi32>
    %add3A_497 = arith.addi %add3A_496, %iota3A : vector<16xi32>
    %swap3A_498 = arith.constant 1312 : index
    %swap3A_499 = tpu.vector_load %arg6[%swap3A_498] {strides = array<i32>} : memref<2064xi32, #tpu.memory_space<vmem>>, vector<16xi32>,
    tpu.vector_store %arg6[%swap3A_498], %add3A_497 {strides = array<i32>} : memref<2064xi32, #tpu.memory_space<vmem>>, vector<16xi32>,
    %add3A_500 = arith.constant 1328 : i32
    %add3A_501 = arith.addi %mul3A_0, %add3A_500 : i32
    %add3A_502 = vector.broadcast %add3A_501 : i32 to vector<16xi32>
    %add3A_503 = arith.addi %add3A_502, %iota3A : vector<16xi32>
    %swap3A_504 = arith.constant 1328 : index
    %swap3A_505 = tpu.vector_load %arg6[%swap3A_504] {strides = array<i32>} : memref<2064xi32, #tpu.memory_space<vmem>>, vector<16xi32>,
    tpu.vector_store %arg6[%swap3A_504], %add3A_503 {strides = array<i32>} : memref<2064xi32, #tpu.memory_space<vmem>>, vector<16xi32>,
    %add3A_506 = arith.constant 1344 : i32
    %add3A_507 = arith.addi %mul3A_0, %add3A_506 : i32
    %add3A_508 = vector.broadcast %add3A_507 : i32 to vector<16xi32>
    %add3A_509 = arith.addi %add3A_508, %iota3A : vector<16xi32>
    %swap3A_510 = arith.constant 1344 : index
    %swap3A_511 = tpu.vector_load %arg6[%swap3A_510] {strides = array<i32>} : memref<2064xi32, #tpu.memory_space<vmem>>, vector<16xi32>,
    tpu.vector_store %arg6[%swap3A_510], %add3A_509 {strides = array<i32>} : memref<2064xi32, #tpu.memory_space<vmem>>, vector<16xi32>,
    %add3A_512 = arith.constant 1360 : i32
    %add3A_513 = arith.addi %mul3A_0, %add3A_512 : i32
    %add3A_514 = vector.broadcast %add3A_513 : i32 to vector<16xi32>
    %add3A_515 = arith.addi %add3A_514, %iota3A : vector<16xi32>
    %swap3A_516 = arith.constant 1360 : index
    %swap3A_517 = tpu.vector_load %arg6[%swap3A_516] {strides = array<i32>} : memref<2064xi32, #tpu.memory_space<vmem>>, vector<16xi32>,
    tpu.vector_store %arg6[%swap3A_516], %add3A_515 {strides = array<i32>} : memref<2064xi32, #tpu.memory_space<vmem>>, vector<16xi32>,
    %add3A_518 = arith.constant 1376 : i32
    %add3A_519 = arith.addi %mul3A_0, %add3A_518 : i32
    %add3A_520 = vector.broadcast %add3A_519 : i32 to vector<16xi32>
    %add3A_521 = arith.addi %add3A_520, %iota3A : vector<16xi32>
    %swap3A_522 = arith.constant 1376 : index
    %swap3A_523 = tpu.vector_load %arg6[%swap3A_522] {strides = array<i32>} : memref<2064xi32, #tpu.memory_space<vmem>>, vector<16xi32>,
    tpu.vector_store %arg6[%swap3A_522], %add3A_521 {strides = array<i32>} : memref<2064xi32, #tpu.memory_space<vmem>>, vector<16xi32>,
    %add3A_524 = arith.constant 1392 : i32
    %add3A_525 = arith.addi %mul3A_0, %add3A_524 : i32
    %add3A_526 = vector.broadcast %add3A_525 : i32 to vector<16xi32>
    %add3A_527 = arith.addi %add3A_526, %iota3A : vector<16xi32>
    %swap3A_528 = arith.constant 1392 : index
    %swap3A_529 = tpu.vector_load %arg6[%swap3A_528] {strides = array<i32>} : memref<2064xi32, #tpu.memory_space<vmem>>, vector<16xi32>,
    tpu.vector_store %arg6[%swap3A_528], %add3A_527 {strides = array<i32>} : memref<2064xi32, #tpu.memory_space<vmem>>, vector<16xi32>,
    %add3A_530 = arith.constant 1408 : i32
    %add3A_531 = arith.addi %mul3A_0, %add3A_530 : i32
    %add3A_532 = vector.broadcast %add3A_531 : i32 to vector<16xi32>
    %add3A_533 = arith.addi %add3A_532, %iota3A : vector<16xi32>
    %swap3A_534 = arith.constant 1408 : index
    %swap3A_535 = tpu.vector_load %arg6[%swap3A_534] {strides = array<i32>} : memref<2064xi32, #tpu.memory_space<vmem>>, vector<16xi32>,
    tpu.vector_store %arg6[%swap3A_534], %add3A_533 {strides = array<i32>} : memref<2064xi32, #tpu.memory_space<vmem>>, vector<16xi32>,
    %add3A_536 = arith.constant 1424 : i32
    %add3A_537 = arith.addi %mul3A_0, %add3A_536 : i32
    %add3A_538 = vector.broadcast %add3A_537 : i32 to vector<16xi32>
    %add3A_539 = arith.addi %add3A_538, %iota3A : vector<16xi32>
    %swap3A_540 = arith.constant 1424 : index
    %swap3A_541 = tpu.vector_load %arg6[%swap3A_540] {strides = array<i32>} : memref<2064xi32, #tpu.memory_space<vmem>>, vector<16xi32>,
    tpu.vector_store %arg6[%swap3A_540], %add3A_539 {strides = array<i32>} : memref<2064xi32, #tpu.memory_space<vmem>>, vector<16xi32>,
    %add3A_542 = arith.constant 1440 : i32
    %add3A_543 = arith.addi %mul3A_0, %add3A_542 : i32
    %add3A_544 = vector.broadcast %add3A_543 : i32 to vector<16xi32>
    %add3A_545 = arith.addi %add3A_544, %iota3A : vector<16xi32>
    %swap3A_546 = arith.constant 1440 : index
    %swap3A_547 = tpu.vector_load %arg6[%swap3A_546] {strides = array<i32>} : memref<2064xi32, #tpu.memory_space<vmem>>, vector<16xi32>,
    tpu.vector_store %arg6[%swap3A_546], %add3A_545 {strides = array<i32>} : memref<2064xi32, #tpu.memory_space<vmem>>, vector<16xi32>,
    %add3A_548 = arith.constant 1456 : i32
    %add3A_549 = arith.addi %mul3A_0, %add3A_548 : i32
    %add3A_550 = vector.broadcast %add3A_549 : i32 to vector<16xi32>
    %add3A_551 = arith.addi %add3A_550, %iota3A : vector<16xi32>
    %swap3A_552 = arith.constant 1456 : index
    %swap3A_553 = tpu.vector_load %arg6[%swap3A_552] {strides = array<i32>} : memref<2064xi32, #tpu.memory_space<vmem>>, vector<16xi32>,
    tpu.vector_store %arg6[%swap3A_552], %add3A_551 {strides = array<i32>} : memref<2064xi32, #tpu.memory_space<vmem>>, vector<16xi32>,
    %add3A_554 = arith.constant 1472 : i32
    %add3A_555 = arith.addi %mul3A_0, %add3A_554 : i32
    %add3A_556 = vector.broadcast %add3A_555 : i32 to vector<16xi32>
    %add3A_557 = arith.addi %add3A_556, %iota3A : vector<16xi32>
    %swap3A_558 = arith.constant 1472 : index
    %swap3A_559 = tpu.vector_load %arg6[%swap3A_558] {strides = array<i32>} : memref<2064xi32, #tpu.memory_space<vmem>>, vector<16xi32>,
    tpu.vector_store %arg6[%swap3A_558], %add3A_557 {strides = array<i32>} : memref<2064xi32, #tpu.memory_space<vmem>>, vector<16xi32>,
    %add3A_560 = arith.constant 1488 : i32
    %add3A_561 = arith.addi %mul3A_0, %add3A_560 : i32
    %add3A_562 = vector.broadcast %add3A_561 : i32 to vector<16xi32>
    %add3A_563 = arith.addi %add3A_562, %iota3A : vector<16xi32>
    %swap3A_564 = arith.constant 1488 : index
    %swap3A_565 = tpu.vector_load %arg6[%swap3A_564] {strides = array<i32>} : memref<2064xi32, #tpu.memory_space<vmem>>, vector<16xi32>,
    tpu.vector_store %arg6[%swap3A_564], %add3A_563 {strides = array<i32>} : memref<2064xi32, #tpu.memory_space<vmem>>, vector<16xi32>,
    %add3A_566 = arith.constant 1504 : i32
    %add3A_567 = arith.addi %mul3A_0, %add3A_566 : i32
    %add3A_568 = vector.broadcast %add3A_567 : i32 to vector<16xi32>
    %add3A_569 = arith.addi %add3A_568, %iota3A : vector<16xi32>
    %swap3A_570 = arith.constant 1504 : index
    %swap3A_571 = tpu.vector_load %arg6[%swap3A_570] {strides = array<i32>} : memref<2064xi32, #tpu.memory_space<vmem>>, vector<16xi32>,
    tpu.vector_store %arg6[%swap3A_570], %add3A_569 {strides = array<i32>} : memref<2064xi32, #tpu.memory_space<vmem>>, vector<16xi32>,
    %add3A_572 = arith.constant 1520 : i32
    %add3A_573 = arith.addi %mul3A_0, %add3A_572 : i32
    %add3A_574 = vector.broadcast %add3A_573 : i32 to vector<16xi32>
    %add3A_575 = arith.addi %add3A_574, %iota3A : vector<16xi32>
    %swap3A_576 = arith.constant 1520 : index
    %swap3A_577 = tpu.vector_load %arg6[%swap3A_576] {strides = array<i32>} : memref<2064xi32, #tpu.memory_space<vmem>>, vector<16xi32>,
    tpu.vector_store %arg6[%swap3A_576], %add3A_575 {strides = array<i32>} : memref<2064xi32, #tpu.memory_space<vmem>>, vector<16xi32>,
    %add3A_578 = arith.constant 1536 : i32
    %add3A_579 = arith.addi %mul3A_0, %add3A_578 : i32
    %add3A_580 = vector.broadcast %add3A_579 : i32 to vector<16xi32>
    %add3A_581 = arith.addi %add3A_580, %iota3A : vector<16xi32>
    %swap3A_582 = arith.constant 1536 : index
    %swap3A_583 = tpu.vector_load %arg6[%swap3A_582] {strides = array<i32>} : memref<2064xi32, #tpu.memory_space<vmem>>, vector<16xi32>,
    tpu.vector_store %arg6[%swap3A_582], %add3A_581 {strides = array<i32>} : memref<2064xi32, #tpu.memory_space<vmem>>, vector<16xi32>,
    %add3A_584 = arith.constant 1552 : i32
    %add3A_585 = arith.addi %mul3A_0, %add3A_584 : i32
    %add3A_586 = vector.broadcast %add3A_585 : i32 to vector<16xi32>
    %add3A_587 = arith.addi %add3A_586, %iota3A : vector<16xi32>
    %swap3A_588 = arith.constant 1552 : index
    %swap3A_589 = tpu.vector_load %arg6[%swap3A_588] {strides = array<i32>} : memref<2064xi32, #tpu.memory_space<vmem>>, vector<16xi32>,
    tpu.vector_store %arg6[%swap3A_588], %add3A_587 {strides = array<i32>} : memref<2064xi32, #tpu.memory_space<vmem>>, vector<16xi32>,
    %add3A_590 = arith.constant 1568 : i32
    %add3A_591 = arith.addi %mul3A_0, %add3A_590 : i32
    %add3A_592 = vector.broadcast %add3A_591 : i32 to vector<16xi32>
    %add3A_593 = arith.addi %add3A_592, %iota3A : vector<16xi32>
    %swap3A_594 = arith.constant 1568 : index
    %swap3A_595 = tpu.vector_load %arg6[%swap3A_594] {strides = array<i32>} : memref<2064xi32, #tpu.memory_space<vmem>>, vector<16xi32>,
    tpu.vector_store %arg6[%swap3A_594], %add3A_593 {strides = array<i32>} : memref<2064xi32, #tpu.memory_space<vmem>>, vector<16xi32>,
    %add3A_596 = arith.constant 1584 : i32
    %add3A_597 = arith.addi %mul3A_0, %add3A_596 : i32
    %add3A_598 = vector.broadcast %add3A_597 : i32 to vector<16xi32>
    %add3A_599 = arith.addi %add3A_598, %iota3A : vector<16xi32>
    %swap3A_600 = arith.constant 1584 : index
    %swap3A_601 = tpu.vector_load %arg6[%swap3A_600] {strides = array<i32>} : memref<2064xi32, #tpu.memory_space<vmem>>, vector<16xi32>,
    tpu.vector_store %arg6[%swap3A_600], %add3A_599 {strides = array<i32>} : memref<2064xi32, #tpu.memory_space<vmem>>, vector<16xi32>,
    %add3A_602 = arith.constant 1600 : i32
    %add3A_603 = arith.addi %mul3A_0, %add3A_602 : i32
    %add3A_604 = vector.broadcast %add3A_603 : i32 to vector<16xi32>
    %add3A_605 = arith.addi %add3A_604, %iota3A : vector<16xi32>
    %swap3A_606 = arith.constant 1600 : index
    %swap3A_607 = tpu.vector_load %arg6[%swap3A_606] {strides = array<i32>} : memref<2064xi32, #tpu.memory_space<vmem>>, vector<16xi32>,
    tpu.vector_store %arg6[%swap3A_606], %add3A_605 {strides = array<i32>} : memref<2064xi32, #tpu.memory_space<vmem>>, vector<16xi32>,
    %add3A_608 = arith.constant 1616 : i32
    %add3A_609 = arith.addi %mul3A_0, %add3A_608 : i32
    %add3A_610 = vector.broadcast %add3A_609 : i32 to vector<16xi32>
    %add3A_611 = arith.addi %add3A_610, %iota3A : vector<16xi32>
    %swap3A_612 = arith.constant 1616 : index
    %swap3A_613 = tpu.vector_load %arg6[%swap3A_612] {strides = array<i32>} : memref<2064xi32, #tpu.memory_space<vmem>>, vector<16xi32>,
    tpu.vector_store %arg6[%swap3A_612], %add3A_611 {strides = array<i32>} : memref<2064xi32, #tpu.memory_space<vmem>>, vector<16xi32>,
    %add3A_614 = arith.constant 1632 : i32
    %add3A_615 = arith.addi %mul3A_0, %add3A_614 : i32
    %add3A_616 = vector.broadcast %add3A_615 : i32 to vector<16xi32>
    %add3A_617 = arith.addi %add3A_616, %iota3A : vector<16xi32>
    %swap3A_618 = arith.constant 1632 : index
    %swap3A_619 = tpu.vector_load %arg6[%swap3A_618] {strides = array<i32>} : memref<2064xi32, #tpu.memory_space<vmem>>, vector<16xi32>,
    tpu.vector_store %arg6[%swap3A_618], %add3A_617 {strides = array<i32>} : memref<2064xi32, #tpu.memory_space<vmem>>, vector<16xi32>,
    %add3A_620 = arith.constant 1648 : i32
    %add3A_621 = arith.addi %mul3A_0, %add3A_620 : i32
    %add3A_622 = vector.broadcast %add3A_621 : i32 to vector<16xi32>
    %add3A_623 = arith.addi %add3A_622, %iota3A : vector<16xi32>
    %swap3A_624 = arith.constant 1648 : index
    %swap3A_625 = tpu.vector_load %arg6[%swap3A_624] {strides = array<i32>} : memref<2064xi32, #tpu.memory_space<vmem>>, vector<16xi32>,
    tpu.vector_store %arg6[%swap3A_624], %add3A_623 {strides = array<i32>} : memref<2064xi32, #tpu.memory_space<vmem>>, vector<16xi32>,
    %add3A_626 = arith.constant 1664 : i32
    %add3A_627 = arith.addi %mul3A_0, %add3A_626 : i32
    %add3A_628 = vector.broadcast %add3A_627 : i32 to vector<16xi32>
    %add3A_629 = arith.addi %add3A_628, %iota3A : vector<16xi32>
    %swap3A_630 = arith.constant 1664 : index
    %swap3A_631 = tpu.vector_load %arg6[%swap3A_630] {strides = array<i32>} : memref<2064xi32, #tpu.memory_space<vmem>>, vector<16xi32>,
    tpu.vector_store %arg6[%swap3A_630], %add3A_629 {strides = array<i32>} : memref<2064xi32, #tpu.memory_space<vmem>>, vector<16xi32>,
    %add3A_632 = arith.constant 1680 : i32
    %add3A_633 = arith.addi %mul3A_0, %add3A_632 : i32
    %add3A_634 = vector.broadcast %add3A_633 : i32 to vector<16xi32>
    %add3A_635 = arith.addi %add3A_634, %iota3A : vector<16xi32>
    %swap3A_636 = arith.constant 1680 : index
    %swap3A_637 = tpu.vector_load %arg6[%swap3A_636] {strides = array<i32>} : memref<2064xi32, #tpu.memory_space<vmem>>, vector<16xi32>,
    tpu.vector_store %arg6[%swap3A_636], %add3A_635 {strides = array<i32>} : memref<2064xi32, #tpu.memory_space<vmem>>, vector<16xi32>,
    %add3A_638 = arith.constant 1696 : i32
    %add3A_639 = arith.addi %mul3A_0, %add3A_638 : i32
    %add3A_640 = vector.broadcast %add3A_639 : i32 to vector<16xi32>
    %add3A_641 = arith.addi %add3A_640, %iota3A : vector<16xi32>
    %swap3A_642 = arith.constant 1696 : index
    %swap3A_643 = tpu.vector_load %arg6[%swap3A_642] {strides = array<i32>} : memref<2064xi32, #tpu.memory_space<vmem>>, vector<16xi32>,
    tpu.vector_store %arg6[%swap3A_642], %add3A_641 {strides = array<i32>} : memref<2064xi32, #tpu.memory_space<vmem>>, vector<16xi32>,
    %add3A_644 = arith.constant 1712 : i32
    %add3A_645 = arith.addi %mul3A_0, %add3A_644 : i32
    %add3A_646 = vector.broadcast %add3A_645 : i32 to vector<16xi32>
    %add3A_647 = arith.addi %add3A_646, %iota3A : vector<16xi32>
    %swap3A_648 = arith.constant 1712 : index
    %swap3A_649 = tpu.vector_load %arg6[%swap3A_648] {strides = array<i32>} : memref<2064xi32, #tpu.memory_space<vmem>>, vector<16xi32>,
    tpu.vector_store %arg6[%swap3A_648], %add3A_647 {strides = array<i32>} : memref<2064xi32, #tpu.memory_space<vmem>>, vector<16xi32>,
    %add3A_650 = arith.constant 1728 : i32
    %add3A_651 = arith.addi %mul3A_0, %add3A_650 : i32
    %add3A_652 = vector.broadcast %add3A_651 : i32 to vector<16xi32>
    %add3A_653 = arith.addi %add3A_652, %iota3A : vector<16xi32>
    %swap3A_654 = arith.constant 1728 : index
    %swap3A_655 = tpu.vector_load %arg6[%swap3A_654] {strides = array<i32>} : memref<2064xi32, #tpu.memory_space<vmem>>, vector<16xi32>,
    tpu.vector_store %arg6[%swap3A_654], %add3A_653 {strides = array<i32>} : memref<2064xi32, #tpu.memory_space<vmem>>, vector<16xi32>,
    %add3A_656 = arith.constant 1744 : i32
    %add3A_657 = arith.addi %mul3A_0, %add3A_656 : i32
    %add3A_658 = vector.broadcast %add3A_657 : i32 to vector<16xi32>
    %add3A_659 = arith.addi %add3A_658, %iota3A : vector<16xi32>
    %swap3A_660 = arith.constant 1744 : index
    %swap3A_661 = tpu.vector_load %arg6[%swap3A_660] {strides = array<i32>} : memref<2064xi32, #tpu.memory_space<vmem>>, vector<16xi32>,
    tpu.vector_store %arg6[%swap3A_660], %add3A_659 {strides = array<i32>} : memref<2064xi32, #tpu.memory_space<vmem>>, vector<16xi32>,
    %add3A_662 = arith.constant 1760 : i32
    %add3A_663 = arith.addi %mul3A_0, %add3A_662 : i32
    %add3A_664 = vector.broadcast %add3A_663 : i32 to vector<16xi32>
    %add3A_665 = arith.addi %add3A_664, %iota3A : vector<16xi32>
    %swap3A_666 = arith.constant 1760 : index
    %swap3A_667 = tpu.vector_load %arg6[%swap3A_666] {strides = array<i32>} : memref<2064xi32, #tpu.memory_space<vmem>>, vector<16xi32>,
    tpu.vector_store %arg6[%swap3A_666], %add3A_665 {strides = array<i32>} : memref<2064xi32, #tpu.memory_space<vmem>>, vector<16xi32>,
    %add3A_668 = arith.constant 1776 : i32
    %add3A_669 = arith.addi %mul3A_0, %add3A_668 : i32
    %add3A_670 = vector.broadcast %add3A_669 : i32 to vector<16xi32>
    %add3A_671 = arith.addi %add3A_670, %iota3A : vector<16xi32>
    %swap3A_672 = arith.constant 1776 : index
    %swap3A_673 = tpu.vector_load %arg6[%swap3A_672] {strides = array<i32>} : memref<2064xi32, #tpu.memory_space<vmem>>, vector<16xi32>,
    tpu.vector_store %arg6[%swap3A_672], %add3A_671 {strides = array<i32>} : memref<2064xi32, #tpu.memory_space<vmem>>, vector<16xi32>,
    %add3A_674 = arith.constant 1792 : i32
    %add3A_675 = arith.addi %mul3A_0, %add3A_674 : i32
    %add3A_676 = vector.broadcast %add3A_675 : i32 to vector<16xi32>
    %add3A_677 = arith.addi %add3A_676, %iota3A : vector<16xi32>
    %swap3A_678 = arith.constant 1792 : index
    %swap3A_679 = tpu.vector_load %arg6[%swap3A_678] {strides = array<i32>} : memref<2064xi32, #tpu.memory_space<vmem>>, vector<16xi32>,
    tpu.vector_store %arg6[%swap3A_678], %add3A_677 {strides = array<i32>} : memref<2064xi32, #tpu.memory_space<vmem>>, vector<16xi32>,
    %add3A_680 = arith.constant 1808 : i32
    %add3A_681 = arith.addi %mul3A_0, %add3A_680 : i32
    %add3A_682 = vector.broadcast %add3A_681 : i32 to vector<16xi32>
    %add3A_683 = arith.addi %add3A_682, %iota3A : vector<16xi32>
    %swap3A_684 = arith.constant 1808 : index
    %swap3A_685 = tpu.vector_load %arg6[%swap3A_684] {strides = array<i32>} : memref<2064xi32, #tpu.memory_space<vmem>>, vector<16xi32>,
    tpu.vector_store %arg6[%swap3A_684], %add3A_683 {strides = array<i32>} : memref<2064xi32, #tpu.memory_space<vmem>>, vector<16xi32>,
    %add3A_686 = arith.constant 1824 : i32
    %add3A_687 = arith.addi %mul3A_0, %add3A_686 : i32
    %add3A_688 = vector.broadcast %add3A_687 : i32 to vector<16xi32>
    %add3A_689 = arith.addi %add3A_688, %iota3A : vector<16xi32>
    %swap3A_690 = arith.constant 1824 : index
    %swap3A_691 = tpu.vector_load %arg6[%swap3A_690] {strides = array<i32>} : memref<2064xi32, #tpu.memory_space<vmem>>, vector<16xi32>,
    tpu.vector_store %arg6[%swap3A_690], %add3A_689 {strides = array<i32>} : memref<2064xi32, #tpu.memory_space<vmem>>, vector<16xi32>,
    %add3A_692 = arith.constant 1840 : i32
    %add3A_693 = arith.addi %mul3A_0, %add3A_692 : i32
    %add3A_694 = vector.broadcast %add3A_693 : i32 to vector<16xi32>
    %add3A_695 = arith.addi %add3A_694, %iota3A : vector<16xi32>
    %swap3A_696 = arith.constant 1840 : index
    %swap3A_697 = tpu.vector_load %arg6[%swap3A_696] {strides = array<i32>} : memref<2064xi32, #tpu.memory_space<vmem>>, vector<16xi32>,
    tpu.vector_store %arg6[%swap3A_696], %add3A_695 {strides = array<i32>} : memref<2064xi32, #tpu.memory_space<vmem>>, vector<16xi32>,
    %add3A_698 = arith.constant 1856 : i32
    %add3A_699 = arith.addi %mul3A_0, %add3A_698 : i32
    %add3A_700 = vector.broadcast %add3A_699 : i32 to vector<16xi32>
    %add3A_701 = arith.addi %add3A_700, %iota3A : vector<16xi32>
    %swap3A_702 = arith.constant 1856 : index
    %swap3A_703 = tpu.vector_load %arg6[%swap3A_702] {strides = array<i32>} : memref<2064xi32, #tpu.memory_space<vmem>>, vector<16xi32>,
    tpu.vector_store %arg6[%swap3A_702], %add3A_701 {strides = array<i32>} : memref<2064xi32, #tpu.memory_space<vmem>>, vector<16xi32>,
    %add3A_704 = arith.constant 1872 : i32
    %add3A_705 = arith.addi %mul3A_0, %add3A_704 : i32
    %add3A_706 = vector.broadcast %add3A_705 : i32 to vector<16xi32>
    %add3A_707 = arith.addi %add3A_706, %iota3A : vector<16xi32>
    %swap3A_708 = arith.constant 1872 : index
    %swap3A_709 = tpu.vector_load %arg6[%swap3A_708] {strides = array<i32>} : memref<2064xi32, #tpu.memory_space<vmem>>, vector<16xi32>,
    tpu.vector_store %arg6[%swap3A_708], %add3A_707 {strides = array<i32>} : memref<2064xi32, #tpu.memory_space<vmem>>, vector<16xi32>,
    %add3A_710 = arith.constant 1888 : i32
    %add3A_711 = arith.addi %mul3A_0, %add3A_710 : i32
    %add3A_712 = vector.broadcast %add3A_711 : i32 to vector<16xi32>
    %add3A_713 = arith.addi %add3A_712, %iota3A : vector<16xi32>
    %swap3A_714 = arith.constant 1888 : index
    %swap3A_715 = tpu.vector_load %arg6[%swap3A_714] {strides = array<i32>} : memref<2064xi32, #tpu.memory_space<vmem>>, vector<16xi32>,
    tpu.vector_store %arg6[%swap3A_714], %add3A_713 {strides = array<i32>} : memref<2064xi32, #tpu.memory_space<vmem>>, vector<16xi32>,
    %add3A_716 = arith.constant 1904 : i32
    %add3A_717 = arith.addi %mul3A_0, %add3A_716 : i32
    %add3A_718 = vector.broadcast %add3A_717 : i32 to vector<16xi32>
    %add3A_719 = arith.addi %add3A_718, %iota3A : vector<16xi32>
    %swap3A_720 = arith.constant 1904 : index
    %swap3A_721 = tpu.vector_load %arg6[%swap3A_720] {strides = array<i32>} : memref<2064xi32, #tpu.memory_space<vmem>>, vector<16xi32>,
    tpu.vector_store %arg6[%swap3A_720], %add3A_719 {strides = array<i32>} : memref<2064xi32, #tpu.memory_space<vmem>>, vector<16xi32>,
    %add3A_722 = arith.constant 1920 : i32
    %add3A_723 = arith.addi %mul3A_0, %add3A_722 : i32
    %add3A_724 = vector.broadcast %add3A_723 : i32 to vector<16xi32>
    %add3A_725 = arith.addi %add3A_724, %iota3A : vector<16xi32>
    %swap3A_726 = arith.constant 1920 : index
    %swap3A_727 = tpu.vector_load %arg6[%swap3A_726] {strides = array<i32>} : memref<2064xi32, #tpu.memory_space<vmem>>, vector<16xi32>,
    tpu.vector_store %arg6[%swap3A_726], %add3A_725 {strides = array<i32>} : memref<2064xi32, #tpu.memory_space<vmem>>, vector<16xi32>,
    %add3A_728 = arith.constant 1936 : i32
    %add3A_729 = arith.addi %mul3A_0, %add3A_728 : i32
    %add3A_730 = vector.broadcast %add3A_729 : i32 to vector<16xi32>
    %add3A_731 = arith.addi %add3A_730, %iota3A : vector<16xi32>
    %swap3A_732 = arith.constant 1936 : index
    %swap3A_733 = tpu.vector_load %arg6[%swap3A_732] {strides = array<i32>} : memref<2064xi32, #tpu.memory_space<vmem>>, vector<16xi32>,
    tpu.vector_store %arg6[%swap3A_732], %add3A_731 {strides = array<i32>} : memref<2064xi32, #tpu.memory_space<vmem>>, vector<16xi32>,
    %add3A_734 = arith.constant 1952 : i32
    %add3A_735 = arith.addi %mul3A_0, %add3A_734 : i32
    %add3A_736 = vector.broadcast %add3A_735 : i32 to vector<16xi32>
    %add3A_737 = arith.addi %add3A_736, %iota3A : vector<16xi32>
    %swap3A_738 = arith.constant 1952 : index
    %swap3A_739 = tpu.vector_load %arg6[%swap3A_738] {strides = array<i32>} : memref<2064xi32, #tpu.memory_space<vmem>>, vector<16xi32>,
    tpu.vector_store %arg6[%swap3A_738], %add3A_737 {strides = array<i32>} : memref<2064xi32, #tpu.memory_space<vmem>>, vector<16xi32>,
    %add3A_740 = arith.constant 1968 : i32
    %add3A_741 = arith.addi %mul3A_0, %add3A_740 : i32
    %add3A_742 = vector.broadcast %add3A_741 : i32 to vector<16xi32>
    %add3A_743 = arith.addi %add3A_742, %iota3A : vector<16xi32>
    %swap3A_744 = arith.constant 1968 : index
    %swap3A_745 = tpu.vector_load %arg6[%swap3A_744] {strides = array<i32>} : memref<2064xi32, #tpu.memory_space<vmem>>, vector<16xi32>,
    tpu.vector_store %arg6[%swap3A_744], %add3A_743 {strides = array<i32>} : memref<2064xi32, #tpu.memory_space<vmem>>, vector<16xi32>,
    %add3A_746 = arith.constant 1984 : i32
    %add3A_747 = arith.addi %mul3A_0, %add3A_746 : i32
    %add3A_748 = vector.broadcast %add3A_747 : i32 to vector<16xi32>
    %add3A_749 = arith.addi %add3A_748, %iota3A : vector<16xi32>
    %swap3A_750 = arith.constant 1984 : index
    %swap3A_751 = tpu.vector_load %arg6[%swap3A_750] {strides = array<i32>} : memref<2064xi32, #tpu.memory_space<vmem>>, vector<16xi32>,
    tpu.vector_store %arg6[%swap3A_750], %add3A_749 {strides = array<i32>} : memref<2064xi32, #tpu.memory_space<vmem>>, vector<16xi32>,
    %add3A_752 = arith.constant 2000 : i32
    %add3A_753 = arith.addi %mul3A_0, %add3A_752 : i32
    %add3A_754 = vector.broadcast %add3A_753 : i32 to vector<16xi32>
    %add3A_755 = arith.addi %add3A_754, %iota3A : vector<16xi32>
    %swap3A_756 = arith.constant 2000 : index
    %swap3A_757 = tpu.vector_load %arg6[%swap3A_756] {strides = array<i32>} : memref<2064xi32, #tpu.memory_space<vmem>>, vector<16xi32>,
    tpu.vector_store %arg6[%swap3A_756], %add3A_755 {strides = array<i32>} : memref<2064xi32, #tpu.memory_space<vmem>>, vector<16xi32>,
    %add3A_758 = arith.constant 2016 : i32
    %add3A_759 = arith.addi %mul3A_0, %add3A_758 : i32
    %add3A_760 = vector.broadcast %add3A_759 : i32 to vector<16xi32>
    %add3A_761 = arith.addi %add3A_760, %iota3A : vector<16xi32>
    %swap3A_762 = arith.constant 2016 : index
    %swap3A_763 = tpu.vector_load %arg6[%swap3A_762] {strides = array<i32>} : memref<2064xi32, #tpu.memory_space<vmem>>, vector<16xi32>,
    tpu.vector_store %arg6[%swap3A_762], %add3A_761 {strides = array<i32>} : memref<2064xi32, #tpu.memory_space<vmem>>, vector<16xi32>,
    %add3A_764 = arith.constant 2032 : i32
    %add3A_765 = arith.addi %mul3A_0, %add3A_764 : i32
    %add3A_766 = vector.broadcast %add3A_765 : i32 to vector<16xi32>
    %add3A_767 = arith.addi %add3A_766, %iota3A : vector<16xi32>
    %swap3A_768 = arith.constant 2032 : index
    %swap3A_769 = tpu.vector_load %arg6[%swap3A_768] {strides = array<i32>} : memref<2064xi32, #tpu.memory_space<vmem>>, vector<16xi32>,
    tpu.vector_store %arg6[%swap3A_768], %add3A_767 {strides = array<i32>} : memref<2064xi32, #tpu.memory_space<vmem>>, vector<16xi32>,
    %add3A_770 = arith.constant 2048 : i32
    %add3A_771 = arith.addi %mul3A_0, %add3A_770 : i32
    %add3A_772 = vector.broadcast %add3A_771 : i32 to vector<16xi32>
    %add3A_773 = arith.addi %add3A_772, %iota3A : vector<16xi32>
    %swap3A_774 = arith.constant 2048 : index
    %swap3A_775 = tpu.vector_load %arg6[%swap3A_774] {strides = array<i32>} : memref<2064xi32, #tpu.memory_space<vmem>>, vector<16xi32>,
    tpu.vector_store %arg6[%swap3A_774], %add3A_773 {strides = array<i32>} : memref<2064xi32, #tpu.memory_space<vmem>>, vector<16xi32>,
    %mul3A_776 = arith.constant 1024 : i32
    %mul3A_777 = arith.muli %arg0, %mul3A_776 : i32
    %add3A_778 = arith.constant 0 : i32
    %add3A_779 = arith.addi %mul3A_777, %add3A_778 : i32
    %dma_start3A = tpu.memref_slice %arg6[%add3A_779] : memref<2064xi32, #tpu.memory_space<vmem>> -> memref<32xi32, #tpu.memory_space<vmem>>
    %dma_start3A_780 = arith.constant 0 : i32
    %dma_start3A_781 = arith.constant 0 : i32
    %dma_start3A_782 = tpu.memref_slice %arg2[%dma_start3A_780, %dma_start3A_781] : memref<32768x1024xf32, #tpu.memory_space<hbm>> -> memref<32768x1024xf32, #tpu.memory_space<hbm>>
    tpu.enqueue_indirect_dma source(%dma_start3A_782 : memref<32768x1024xf32, #tpu.memory_space<hbm>>) target(%arg9 : memref<32x1024xf32, #tpu.memory_space<vmem>>) offsets(%dma_start3A : memref<32xi32, #tpu.memory_space<vmem>>) semaphore(%arg12 : memref<!tpu.dma_semaphore, #tpu.memory_space<semaphore_mem>>)
    %add3A_783 = arith.constant 32 : i32
    %add3A_784 = arith.addi %mul3A_777, %add3A_783 : i32
    %dma_start3A_785 = tpu.memref_slice %arg6[%add3A_784] : memref<2064xi32, #tpu.memory_space<vmem>> -> memref<32xi32, #tpu.memory_space<vmem>>
    %dma_start3A_786 = arith.constant 0 : i32
    %dma_start3A_787 = arith.constant 0 : i32
    %dma_start3A_788 = tpu.memref_slice %arg2[%dma_start3A_786, %dma_start3A_787] : memref<32768x1024xf32, #tpu.memory_space<hbm>> -> memref<32768x1024xf32, #tpu.memory_space<hbm>>
    tpu.enqueue_indirect_dma source(%dma_start3A_788 : memref<32768x1024xf32, #tpu.memory_space<hbm>>) target(%arg10 : memref<32x1024xf32, #tpu.memory_space<vmem>>) offsets(%dma_start3A_785 : memref<32xi32, #tpu.memory_space<vmem>>) semaphore(%arg13 : memref<!tpu.dma_semaphore, #tpu.memory_space<semaphore_mem>>)
    %add3A_789 = arith.constant 64 : i32
    %add3A_790 = arith.addi %mul3A_777, %add3A_789 : i32
    %dma_start3A_791 = tpu.memref_slice %arg6[%add3A_790] : memref<2064xi32, #tpu.memory_space<vmem>> -> memref<32xi32, #tpu.memory_space<vmem>>
    %dma_start3A_792 = arith.constant 0 : i32
    %dma_start3A_793 = arith.constant 0 : i32
    %dma_start3A_794 = tpu.memref_slice %arg2[%dma_start3A_792, %dma_start3A_793] : memref<32768x1024xf32, #tpu.memory_space<hbm>> -> memref<32768x1024xf32, #tpu.memory_space<hbm>>
    tpu.enqueue_indirect_dma source(%dma_start3A_794 : memref<32768x1024xf32, #tpu.memory_space<hbm>>) target(%arg11 : memref<32x1024xf32, #tpu.memory_space<vmem>>) offsets(%dma_start3A_791 : memref<32xi32, #tpu.memory_space<vmem>>) semaphore(%arg14 : memref<!tpu.dma_semaphore, #tpu.memory_space<semaphore_mem>>)
    %dma_wait3A = tpu.memref_slice %arg6[%add3A_779] : memref<2064xi32, #tpu.memory_space<vmem>> -> memref<32xi32, #tpu.memory_space<vmem>>
    %dma_wait3A_795 = arith.constant 0 : i32
    %dma_wait3A_796 = arith.constant 0 : i32
    %dma_wait3A_797 = tpu.memref_slice %arg2[%dma_wait3A_795, %dma_wait3A_796] : memref<32768x1024xf32, #tpu.memory_space<hbm>> -> memref<32768x1024xf32, #tpu.memory_space<hbm>>
    tpu.wait_indirect_dma semaphore(%arg12 : memref<!tpu.dma_semaphore, #tpu.memory_space<semaphore_mem>>) src(%dma_wait3A_797 : memref<32768x1024xf32, #tpu.memory_space<hbm>>) dst(%arg9 : memref<32x1024xf32, #tpu.memory_space<vmem>>)
    %add3A_798 = arith.addi %mul3A_0, %mul3A_777 : i32
    %add3A_799 = arith.constant 0 : i32
    %add3A_800 = arith.addi %add3A_798, %add3A_799 : i32
    %dma_start3A_801 = arith.constant 0 : i32
    %dma_start3A_802 = tpu.memref_slice %arg5[%add3A_800, %dma_start3A_801] : memref<32768x1024xf32, #tpu.memory_space<hbm>> -> memref<32x1024xf32, #tpu.memory_space<hbm>>
    %dma_start3A_803 = arith.constant 0 : i32
    %dma_start3A_804 = tpu.memref_slice %arg5[%add3A_800, %dma_start3A_803] : memref<32768x1024xf32, #tpu.memory_space<hbm>> -> memref<32x1024xf32, #tpu.memory_space<hbm>>
    tpu.enqueue_dma source(%arg9 : memref<32x1024xf32, #tpu.memory_space<vmem>>) target(%dma_start3A_804 : memref<32x1024xf32, #tpu.memory_space<hbm>>) target_semaphore(%arg15 : memref<!tpu.dma_semaphore, #tpu.memory_space<semaphore_mem>>)
    %dma_wait3A_805 = arith.constant 0 : i32
    %dma_wait3A_806 = tpu.memref_slice %arg5[%add3A_800, %dma_wait3A_805] : memref<32768x1024xf32, #tpu.memory_space<hbm>> -> memref<32x1024xf32, #tpu.memory_space<hbm>>
    %dma_wait3A_807 = arith.constant 0 : i32
    %dma_wait3A_808 = tpu.memref_slice %arg5[%add3A_800, %dma_wait3A_807] : memref<32768x1024xf32, #tpu.memory_space<hbm>> -> memref<32x1024xf32, #tpu.memory_space<hbm>>
    tpu.wait_dma2 semaphore(%arg15 : memref<!tpu.dma_semaphore, #tpu.memory_space<semaphore_mem>>) src(%arg9 : memref<32x1024xf32, #tpu.memory_space<vmem>>) dst(%dma_wait3A_808 : memref<32x1024xf32, #tpu.memory_space<hbm>>)
    %add3A_809 = arith.constant 96 : i32
    %add3A_810 = arith.addi %mul3A_777, %add3A_809 : i32
    %dma_start3A_811 = tpu.memref_slice %arg6[%add3A_810] : memref<2064xi32, #tpu.memory_space<vmem>> -> memref<32xi32, #tpu.memory_space<vmem>>
    %dma_start3A_812 = arith.constant 0 : i32
    %dma_start3A_813 = arith.constant 0 : i32
    %dma_start3A_814 = tpu.memref_slice %arg2[%dma_start3A_812, %dma_start3A_813] : memref<32768x1024xf32, #tpu.memory_space<hbm>> -> memref<32768x1024xf32, #tpu.memory_space<hbm>>
    tpu.enqueue_indirect_dma source(%dma_start3A_814 : memref<32768x1024xf32, #tpu.memory_space<hbm>>) target(%arg9 : memref<32x1024xf32, #tpu.memory_space<vmem>>) offsets(%dma_start3A_811 : memref<32xi32, #tpu.memory_space<vmem>>) semaphore(%arg12 : memref<!tpu.dma_semaphore, #tpu.memory_space<semaphore_mem>>)
    %dma_wait3A_815 = tpu.memref_slice %arg6[%add3A_784] : memref<2064xi32, #tpu.memory_space<vmem>> -> memref<32xi32, #tpu.memory_space<vmem>>
    %dma_wait3A_816 = arith.constant 0 : i32
    %dma_wait3A_817 = arith.constant 0 : i32
    %dma_wait3A_818 = tpu.memref_slice %arg2[%dma_wait3A_816, %dma_wait3A_817] : memref<32768x1024xf32, #tpu.memory_space<hbm>> -> memref<32768x1024xf32, #tpu.memory_space<hbm>>
    tpu.wait_indirect_dma semaphore(%arg13 : memref<!tpu.dma_semaphore, #tpu.memory_space<semaphore_mem>>) src(%dma_wait3A_818 : memref<32768x1024xf32, #tpu.memory_space<hbm>>) dst(%arg10 : memref<32x1024xf32, #tpu.memory_space<vmem>>)
    %add3A_819 = arith.addi %mul3A_0, %mul3A_777 : i32
    %add3A_820 = arith.constant 32 : i32
    %add3A_821 = arith.addi %add3A_819, %add3A_820 : i32
    %dma_start3A_822 = arith.constant 0 : i32
    %dma_start3A_823 = tpu.memref_slice %arg5[%add3A_821, %dma_start3A_822] : memref<32768x1024xf32, #tpu.memory_space<hbm>> -> memref<32x1024xf32, #tpu.memory_space<hbm>>
    %dma_start3A_824 = arith.constant 0 : i32
    %dma_start3A_825 = tpu.memref_slice %arg5[%add3A_821, %dma_start3A_824] : memref<32768x1024xf32, #tpu.memory_space<hbm>> -> memref<32x1024xf32, #tpu.memory_space<hbm>>
    tpu.enqueue_dma source(%arg10 : memref<32x1024xf32, #tpu.memory_space<vmem>>) target(%dma_start3A_825 : memref<32x1024xf32, #tpu.memory_space<hbm>>) target_semaphore(%arg16 : memref<!tpu.dma_semaphore, #tpu.memory_space<semaphore_mem>>)
    %dma_wait3A_826 = arith.constant 0 : i32
    %dma_wait3A_827 = tpu.memref_slice %arg5[%add3A_821, %dma_wait3A_826] : memref<32768x1024xf32, #tpu.memory_space<hbm>> -> memref<32x1024xf32, #tpu.memory_space<hbm>>
    %dma_wait3A_828 = arith.constant 0 : i32
    %dma_wait3A_829 = tpu.memref_slice %arg5[%add3A_821, %dma_wait3A_828] : memref<32768x1024xf32, #tpu.memory_space<hbm>> -> memref<32x1024xf32, #tpu.memory_space<hbm>>
    tpu.wait_dma2 semaphore(%arg16 : memref<!tpu.dma_semaphore, #tpu.memory_space<semaphore_mem>>) src(%arg10 : memref<32x1024xf32, #tpu.memory_space<vmem>>) dst(%dma_wait3A_829 : memref<32x1024xf32, #tpu.memory_space<hbm>>)
    %add3A_830 = arith.constant 128 : i32
    %add3A_831 = arith.addi %mul3A_777, %add3A_830 : i32
    %dma_start3A_832 = tpu.memref_slice %arg6[%add3A_831] : memref<2064xi32, #tpu.memory_space<vmem>> -> memref<32xi32, #tpu.memory_space<vmem>>
    %dma_start3A_833 = arith.constant 0 : i32
    %dma_start3A_834 = arith.constant 0 : i32
    %dma_start3A_835 = tpu.memref_slice %arg2[%dma_start3A_833, %dma_start3A_834] : memref<32768x1024xf32, #tpu.memory_space<hbm>> -> memref<32768x1024xf32, #tpu.memory_space<hbm>>
    tpu.enqueue_indirect_dma source(%dma_start3A_835 : memref<32768x1024xf32, #tpu.memory_space<hbm>>) target(%arg10 : memref<32x1024xf32, #tpu.memory_space<vmem>>) offsets(%dma_start3A_832 : memref<32xi32, #tpu.memory_space<vmem>>) semaphore(%arg13 : memref<!tpu.dma_semaphore, #tpu.memory_space<semaphore_mem>>)
    %dma_wait3A_836 = tpu.memref_slice %arg6[%add3A_790] : memref<2064xi32, #tpu.memory_space<vmem>> -> memref<32xi32, #tpu.memory_space<vmem>>
    %dma_wait3A_837 = arith.constant 0 : i32
    %dma_wait3A_838 = arith.constant 0 : i32
    %dma_wait3A_839 = tpu.memref_slice %arg2[%dma_wait3A_837, %dma_wait3A_838] : memref<32768x1024xf32, #tpu.memory_space<hbm>> -> memref<32768x1024xf32, #tpu.memory_space<hbm>>
    tpu.wait_indirect_dma semaphore(%arg14 : memref<!tpu.dma_semaphore, #tpu.memory_space<semaphore_mem>>) src(%dma_wait3A_839 : memref<32768x1024xf32, #tpu.memory_space<hbm>>) dst(%arg11 : memref<32x1024xf32, #tpu.memory_space<vmem>>)
    %add3A_840 = arith.addi %mul3A_0, %mul3A_777 : i32
    %add3A_841 = arith.constant 64 : i32
    %add3A_842 = arith.addi %add3A_840, %add3A_841 : i32
    %dma_start3A_843 = arith.constant 0 : i32
    %dma_start3A_844 = tpu.memref_slice %arg5[%add3A_842, %dma_start3A_843] : memref<32768x1024xf32, #tpu.memory_space<hbm>> -> memref<32x1024xf32, #tpu.memory_space<hbm>>
    %dma_start3A_845 = arith.constant 0 : i32
    %dma_start3A_846 = tpu.memref_slice %arg5[%add3A_842, %dma_start3A_845] : memref<32768x1024xf32, #tpu.memory_space<hbm>> -> memref<32x1024xf32, #tpu.memory_space<hbm>>
    tpu.enqueue_dma source(%arg11 : memref<32x1024xf32, #tpu.memory_space<vmem>>) target(%dma_start3A_846 : memref<32x1024xf32, #tpu.memory_space<hbm>>) target_semaphore(%arg17 : memref<!tpu.dma_semaphore, #tpu.memory_space<semaphore_mem>>)
    %dma_wait3A_847 = arith.constant 0 : i32
    %dma_wait3A_848 = tpu.memref_slice %arg5[%add3A_842, %dma_wait3A_847] : memref<32768x1024xf32, #tpu.memory_space<hbm>> -> memref<32x1024xf32, #tpu.memory_space<hbm>>
    %dma_wait3A_849 = arith.constant 0 : i32
    %dma_wait3A_850 = tpu.memref_slice %arg5[%add3A_842, %dma_wait3A_849] : memref<32768x1024xf32, #tpu.memory_space<hbm>> -> memref<32x1024xf32, #tpu.memory_space<hbm>>
    tpu.wait_dma2 semaphore(%arg17 : memref<!tpu.dma_semaphore, #tpu.memory_space<semaphore_mem>>) src(%arg11 : memref<32x1024xf32, #tpu.memory_space<vmem>>) dst(%dma_wait3A_850 : memref<32x1024xf32, #tpu.memory_space<hbm>>)
    %add3A_851 = arith.constant 160 : i32
    %add3A_852 = arith.addi %mul3A_777, %add3A_851 : i32
    %dma_start3A_853 = tpu.memref_slice %arg6[%add3A_852] : memref<2064xi32, #tpu.memory_space<vmem>> -> memref<32xi32, #tpu.memory_space<vmem>>
    %dma_start3A_854 = arith.constant 0 : i32
    %dma_start3A_855 = arith.constant 0 : i32
    %dma_start3A_856 = tpu.memref_slice %arg2[%dma_start3A_854, %dma_start3A_855] : memref<32768x1024xf32, #tpu.memory_space<hbm>> -> memref<32768x1024xf32, #tpu.memory_space<hbm>>
    tpu.enqueue_indirect_dma source(%dma_start3A_856 : memref<32768x1024xf32, #tpu.memory_space<hbm>>) target(%arg11 : memref<32x1024xf32, #tpu.memory_space<vmem>>) offsets(%dma_start3A_853 : memref<32xi32, #tpu.memory_space<vmem>>) semaphore(%arg14 : memref<!tpu.dma_semaphore, #tpu.memory_space<semaphore_mem>>)
    %dma_wait3A_857 = tpu.memref_slice %arg6[%add3A_810] : memref<2064xi32, #tpu.memory_space<vmem>> -> memref<32xi32, #tpu.memory_space<vmem>>
    %dma_wait3A_858 = arith.constant 0 : i32
    %dma_wait3A_859 = arith.constant 0 : i32
    %dma_wait3A_860 = tpu.memref_slice %arg2[%dma_wait3A_858, %dma_wait3A_859] : memref<32768x1024xf32, #tpu.memory_space<hbm>> -> memref<32768x1024xf32, #tpu.memory_space<hbm>>
    tpu.wait_indirect_dma semaphore(%arg12 : memref<!tpu.dma_semaphore, #tpu.memory_space<semaphore_mem>>) src(%dma_wait3A_860 : memref<32768x1024xf32, #tpu.memory_space<hbm>>) dst(%arg9 : memref<32x1024xf32, #tpu.memory_space<vmem>>)
    %add3A_861 = arith.addi %mul3A_0, %mul3A_777 : i32
    %add3A_862 = arith.constant 96 : i32
    %add3A_863 = arith.addi %add3A_861, %add3A_862 : i32
    %dma_start3A_864 = arith.constant 0 : i32
    %dma_start3A_865 = tpu.memref_slice %arg5[%add3A_863, %dma_start3A_864] : memref<32768x1024xf32, #tpu.memory_space<hbm>> -> memref<32x1024xf32, #tpu.memory_space<hbm>>
    %dma_start3A_866 = arith.constant 0 : i32
    %dma_start3A_867 = tpu.memref_slice %arg5[%add3A_863, %dma_start3A_866] : memref<32768x1024xf32, #tpu.memory_space<hbm>> -> memref<32x1024xf32, #tpu.memory_space<hbm>>
    tpu.enqueue_dma source(%arg9 : memref<32x1024xf32, #tpu.memory_space<vmem>>) target(%dma_start3A_867 : memref<32x1024xf32, #tpu.memory_space<hbm>>) target_semaphore(%arg15 : memref<!tpu.dma_semaphore, #tpu.memory_space<semaphore_mem>>)
    %dma_wait3A_868 = arith.constant 0 : i32
    %dma_wait3A_869 = tpu.memref_slice %arg5[%add3A_863, %dma_wait3A_868] : memref<32768x1024xf32, #tpu.memory_space<hbm>> -> memref<32x1024xf32, #tpu.memory_space<hbm>>
    %dma_wait3A_870 = arith.constant 0 : i32
    %dma_wait3A_871 = tpu.memref_slice %arg5[%add3A_863, %dma_wait3A_870] : memref<32768x1024xf32, #tpu.memory_space<hbm>> -> memref<32x1024xf32, #tpu.memory_space<hbm>>
    tpu.wait_dma2 semaphore(%arg15 : memref<!tpu.dma_semaphore, #tpu.memory_space<semaphore_mem>>) src(%arg9 : memref<32x1024xf32, #tpu.memory_space<vmem>>) dst(%dma_wait3A_871 : memref<32x1024xf32, #tpu.memory_space<hbm>>)
    %add3A_872 = arith.constant 192 : i32
    %add3A_873 = arith.addi %mul3A_777, %add3A_872 : i32
    %dma_start3A_874 = tpu.memref_slice %arg6[%add3A_873] : memref<2064xi32, #tpu.memory_space<vmem>> -> memref<32xi32, #tpu.memory_space<vmem>>
    %dma_start3A_875 = arith.constant 0 : i32
    %dma_start3A_876 = arith.constant 0 : i32
    %dma_start3A_877 = tpu.memref_slice %arg2[%dma_start3A_875, %dma_start3A_876] : memref<32768x1024xf32, #tpu.memory_space<hbm>> -> memref<32768x1024xf32, #tpu.memory_space<hbm>>
    tpu.enqueue_indirect_dma source(%dma_start3A_877 : memref<32768x1024xf32, #tpu.memory_space<hbm>>) target(%arg9 : memref<32x1024xf32, #tpu.memory_space<vmem>>) offsets(%dma_start3A_874 : memref<32xi32, #tpu.memory_space<vmem>>) semaphore(%arg12 : memref<!tpu.dma_semaphore, #tpu.memory_space<semaphore_mem>>)
    %dma_wait3A_878 = tpu.memref_slice %arg6[%add3A_831] : memref<2064xi32, #tpu.memory_space<vmem>> -> memref<32xi32, #tpu.memory_space<vmem>>
    %dma_wait3A_879 = arith.constant 0 : i32
    %dma_wait3A_880 = arith.constant 0 : i32
    %dma_wait3A_881 = tpu.memref_slice %arg2[%dma_wait3A_879, %dma_wait3A_880] : memref<32768x1024xf32, #tpu.memory_space<hbm>> -> memref<32768x1024xf32, #tpu.memory_space<hbm>>
    tpu.wait_indirect_dma semaphore(%arg13 : memref<!tpu.dma_semaphore, #tpu.memory_space<semaphore_mem>>) src(%dma_wait3A_881 : memref<32768x1024xf32, #tpu.memory_space<hbm>>) dst(%arg10 : memref<32x1024xf32, #tpu.memory_space<vmem>>)
    %add3A_882 = arith.addi %mul3A_0, %mul3A_777 : i32
    %add3A_883 = arith.constant 128 : i32
    %add3A_884 = arith.addi %add3A_882, %add3A_883 : i32
    %dma_start3A_885 = arith.constant 0 : i32
    %dma_start3A_886 = tpu.memref_slice %arg5[%add3A_884, %dma_start3A_885] : memref<32768x1024xf32, #tpu.memory_space<hbm>> -> memref<32x1024xf32, #tpu.memory_space<hbm>>
    %dma_start3A_887 = arith.constant 0 : i32
    %dma_start3A_888 = tpu.memref_slice %arg5[%add3A_884, %dma_start3A_887] : memref<32768x1024xf32, #tpu.memory_space<hbm>> -> memref<32x1024xf32, #tpu.memory_space<hbm>>
    tpu.enqueue_dma source(%arg10 : memref<32x1024xf32, #tpu.memory_space<vmem>>) target(%dma_start3A_888 : memref<32x1024xf32, #tpu.memory_space<hbm>>) target_semaphore(%arg16 : memref<!tpu.dma_semaphore, #tpu.memory_space<semaphore_mem>>)
    %dma_wait3A_889 = arith.constant 0 : i32
    %dma_wait3A_890 = tpu.memref_slice %arg5[%add3A_884, %dma_wait3A_889] : memref<32768x1024xf32, #tpu.memory_space<hbm>> -> memref<32x1024xf32, #tpu.memory_space<hbm>>
    %dma_wait3A_891 = arith.constant 0 : i32
    %dma_wait3A_892 = tpu.memref_slice %arg5[%add3A_884, %dma_wait3A_891] : memref<32768x1024xf32, #tpu.memory_space<hbm>> -> memref<32x1024xf32, #tpu.memory_space<hbm>>
    tpu.wait_dma2 semaphore(%arg16 : memref<!tpu.dma_semaphore, #tpu.memory_space<semaphore_mem>>) src(%arg10 : memref<32x1024xf32, #tpu.memory_space<vmem>>) dst(%dma_wait3A_892 : memref<32x1024xf32, #tpu.memory_space<hbm>>)
    %add3A_893 = arith.constant 224 : i32
    %add3A_894 = arith.addi %mul3A_777, %add3A_893 : i32
    %dma_start3A_895 = tpu.memref_slice %arg6[%add3A_894] : memref<2064xi32, #tpu.memory_space<vmem>> -> memref<32xi32, #tpu.memory_space<vmem>>
    %dma_start3A_896 = arith.constant 0 : i32
    %dma_start3A_897 = arith.constant 0 : i32
    %dma_start3A_898 = tpu.memref_slice %arg2[%dma_start3A_896, %dma_start3A_897] : memref<32768x1024xf32, #tpu.memory_space<hbm>> -> memref<32768x1024xf32, #tpu.memory_space<hbm>>
    tpu.enqueue_indirect_dma source(%dma_start3A_898 : memref<32768x1024xf32, #tpu.memory_space<hbm>>) target(%arg10 : memref<32x1024xf32, #tpu.memory_space<vmem>>) offsets(%dma_start3A_895 : memref<32xi32, #tpu.memory_space<vmem>>) semaphore(%arg13 : memref<!tpu.dma_semaphore, #tpu.memory_space<semaphore_mem>>)
    %dma_wait3A_899 = tpu.memref_slice %arg6[%add3A_852] : memref<2064xi32, #tpu.memory_space<vmem>> -> memref<32xi32, #tpu.memory_space<vmem>>
    %dma_wait3A_900 = arith.constant 0 : i32
    %dma_wait3A_901 = arith.constant 0 : i32
    %dma_wait3A_902 = tpu.memref_slice %arg2[%dma_wait3A_900, %dma_wait3A_901] : memref<32768x1024xf32, #tpu.memory_space<hbm>> -> memref<32768x1024xf32, #tpu.memory_space<hbm>>
    tpu.wait_indirect_dma semaphore(%arg14 : memref<!tpu.dma_semaphore, #tpu.memory_space<semaphore_mem>>) src(%dma_wait3A_902 : memref<32768x1024xf32, #tpu.memory_space<hbm>>) dst(%arg11 : memref<32x1024xf32, #tpu.memory_space<vmem>>)
    %add3A_903 = arith.addi %mul3A_0, %mul3A_777 : i32
    %add3A_904 = arith.constant 160 : i32
    %add3A_905 = arith.addi %add3A_903, %add3A_904 : i32
    %dma_start3A_906 = arith.constant 0 : i32
    %dma_start3A_907 = tpu.memref_slice %arg5[%add3A_905, %dma_start3A_906] : memref<32768x1024xf32, #tpu.memory_space<hbm>> -> memref<32x1024xf32, #tpu.memory_space<hbm>>
    %dma_start3A_908 = arith.constant 0 : i32
    %dma_start3A_909 = tpu.memref_slice %arg5[%add3A_905, %dma_start3A_908] : memref<32768x1024xf32, #tpu.memory_space<hbm>> -> memref<32x1024xf32, #tpu.memory_space<hbm>>
    tpu.enqueue_dma source(%arg11 : memref<32x1024xf32, #tpu.memory_space<vmem>>) target(%dma_start3A_909 : memref<32x1024xf32, #tpu.memory_space<hbm>>) target_semaphore(%arg17 : memref<!tpu.dma_semaphore, #tpu.memory_space<semaphore_mem>>)
    %dma_wait3A_910 = arith.constant 0 : i32
    %dma_wait3A_911 = tpu.memref_slice %arg5[%add3A_905, %dma_wait3A_910] : memref<32768x1024xf32, #tpu.memory_space<hbm>> -> memref<32x1024xf32, #tpu.memory_space<hbm>>
    %dma_wait3A_912 = arith.constant 0 : i32
    %dma_wait3A_913 = tpu.memref_slice %arg5[%add3A_905, %dma_wait3A_912] : memref<32768x1024xf32, #tpu.memory_space<hbm>> -> memref<32x1024xf32, #tpu.memory_space<hbm>>
    tpu.wait_dma2 semaphore(%arg17 : memref<!tpu.dma_semaphore, #tpu.memory_space<semaphore_mem>>) src(%arg11 : memref<32x1024xf32, #tpu.memory_space<vmem>>) dst(%dma_wait3A_913 : memref<32x1024xf32, #tpu.memory_space<hbm>>)
    %add3A_914 = arith.constant 256 : i32
    %add3A_915 = arith.addi %mul3A_777, %add3A_914 : i32
    %dma_start3A_916 = tpu.memref_slice %arg6[%add3A_915] : memref<2064xi32, #tpu.memory_space<vmem>> -> memref<32xi32, #tpu.memory_space<vmem>>
    %dma_start3A_917 = arith.constant 0 : i32
    %dma_start3A_918 = arith.constant 0 : i32
    %dma_start3A_919 = tpu.memref_slice %arg2[%dma_start3A_917, %dma_start3A_918] : memref<32768x1024xf32, #tpu.memory_space<hbm>> -> memref<32768x1024xf32, #tpu.memory_space<hbm>>
    tpu.enqueue_indirect_dma source(%dma_start3A_919 : memref<32768x1024xf32, #tpu.memory_space<hbm>>) target(%arg11 : memref<32x1024xf32, #tpu.memory_space<vmem>>) offsets(%dma_start3A_916 : memref<32xi32, #tpu.memory_space<vmem>>) semaphore(%arg14 : memref<!tpu.dma_semaphore, #tpu.memory_space<semaphore_mem>>)
    %dma_wait3A_920 = tpu.memref_slice %arg6[%add3A_873] : memref<2064xi32, #tpu.memory_space<vmem>> -> memref<32xi32, #tpu.memory_space<vmem>>
    %dma_wait3A_921 = arith.constant 0 : i32
    %dma_wait3A_922 = arith.constant 0 : i32
    %dma_wait3A_923 = tpu.memref_slice %arg2[%dma_wait3A_921, %dma_wait3A_922] : memref<32768x1024xf32, #tpu.memory_space<hbm>> -> memref<32768x1024xf32, #tpu.memory_space<hbm>>
    tpu.wait_indirect_dma semaphore(%arg12 : memref<!tpu.dma_semaphore, #tpu.memory_space<semaphore_mem>>) src(%dma_wait3A_923 : memref<32768x1024xf32, #tpu.memory_space<hbm>>) dst(%arg9 : memref<32x1024xf32, #tpu.memory_space<vmem>>)
    %add3A_924 = arith.addi %mul3A_0, %mul3A_777 : i32
    %add3A_925 = arith.constant 192 : i32
    %add3A_926 = arith.addi %add3A_924, %add3A_925 : i32
    %dma_start3A_927 = arith.constant 0 : i32
    %dma_start3A_928 = tpu.memref_slice %arg5[%add3A_926, %dma_start3A_927] : memref<32768x1024xf32, #tpu.memory_space<hbm>> -> memref<32x1024xf32, #tpu.memory_space<hbm>>
    %dma_start3A_929 = arith.constant 0 : i32
    %dma_start3A_930 = tpu.memref_slice %arg5[%add3A_926, %dma_start3A_929] : memref<32768x1024xf32, #tpu.memory_space<hbm>> -> memref<32x1024xf32, #tpu.memory_space<hbm>>
    tpu.enqueue_dma source(%arg9 : memref<32x1024xf32, #tpu.memory_space<vmem>>) target(%dma_start3A_930 : memref<32x1024xf32, #tpu.memory_space<hbm>>) target_semaphore(%arg15 : memref<!tpu.dma_semaphore, #tpu.memory_space<semaphore_mem>>)
    %dma_wait3A_931 = arith.constant 0 : i32
    %dma_wait3A_932 = tpu.memref_slice %arg5[%add3A_926, %dma_wait3A_931] : memref<32768x1024xf32, #tpu.memory_space<hbm>> -> memref<32x1024xf32, #tpu.memory_space<hbm>>
    %dma_wait3A_933 = arith.constant 0 : i32
    %dma_wait3A_934 = tpu.memref_slice %arg5[%add3A_926, %dma_wait3A_933] : memref<32768x1024xf32, #tpu.memory_space<hbm>> -> memref<32x1024xf32, #tpu.memory_space<hbm>>
    tpu.wait_dma2 semaphore(%arg15 : memref<!tpu.dma_semaphore, #tpu.memory_space<semaphore_mem>>) src(%arg9 : memref<32x1024xf32, #tpu.memory_space<vmem>>) dst(%dma_wait3A_934 : memref<32x1024xf32, #tpu.memory_space<hbm>>)
    %add3A_935 = arith.constant 288 : i32
    %add3A_936 = arith.addi %mul3A_777, %add3A_935 : i32
    %dma_start3A_937 = tpu.memref_slice %arg6[%add3A_936] : memref<2064xi32, #tpu.memory_space<vmem>> -> memref<32xi32, #tpu.memory_space<vmem>>
    %dma_start3A_938 = arith.constant 0 : i32
    %dma_start3A_939 = arith.constant 0 : i32
    %dma_start3A_940 = tpu.memref_slice %arg2[%dma_start3A_938, %dma_start3A_939] : memref<32768x1024xf32, #tpu.memory_space<hbm>> -> memref<32768x1024xf32, #tpu.memory_space<hbm>>
    tpu.enqueue_indirect_dma source(%dma_start3A_940 : memref<32768x1024xf32, #tpu.memory_space<hbm>>) target(%arg9 : memref<32x1024xf32, #tpu.memory_space<vmem>>) offsets(%dma_start3A_937 : memref<32xi32, #tpu.memory_space<vmem>>) semaphore(%arg12 : memref<!tpu.dma_semaphore, #tpu.memory_space<semaphore_mem>>)
    %dma_wait3A_941 = tpu.memref_slice %arg6[%add3A_894] : memref<2064xi32, #tpu.memory_space<vmem>> -> memref<32xi32, #tpu.memory_space<vmem>>
    %dma_wait3A_942 = arith.constant 0 : i32
    %dma_wait3A_943 = arith.constant 0 : i32
    %dma_wait3A_944 = tpu.memref_slice %arg2[%dma_wait3A_942, %dma_wait3A_943] : memref<32768x1024xf32, #tpu.memory_space<hbm>> -> memref<32768x1024xf32, #tpu.memory_space<hbm>>
    tpu.wait_indirect_dma semaphore(%arg13 : memref<!tpu.dma_semaphore, #tpu.memory_space<semaphore_mem>>) src(%dma_wait3A_944 : memref<32768x1024xf32, #tpu.memory_space<hbm>>) dst(%arg10 : memref<32x1024xf32, #tpu.memory_space<vmem>>)
    %add3A_945 = arith.addi %mul3A_0, %mul3A_777 : i32
    %add3A_946 = arith.constant 224 : i32
    %add3A_947 = arith.addi %add3A_945, %add3A_946 : i32
    %dma_start3A_948 = arith.constant 0 : i32
    %dma_start3A_949 = tpu.memref_slice %arg5[%add3A_947, %dma_start3A_948] : memref<32768x1024xf32, #tpu.memory_space<hbm>> -> memref<32x1024xf32, #tpu.memory_space<hbm>>
    %dma_start3A_950 = arith.constant 0 : i32
    %dma_start3A_951 = tpu.memref_slice %arg5[%add3A_947, %dma_start3A_950] : memref<32768x1024xf32, #tpu.memory_space<hbm>> -> memref<32x1024xf32, #tpu.memory_space<hbm>>
    tpu.enqueue_dma source(%arg10 : memref<32x1024xf32, #tpu.memory_space<vmem>>) target(%dma_start3A_951 : memref<32x1024xf32, #tpu.memory_space<hbm>>) target_semaphore(%arg16 : memref<!tpu.dma_semaphore, #tpu.memory_space<semaphore_mem>>)
    %dma_wait3A_952 = arith.constant 0 : i32
    %dma_wait3A_953 = tpu.memref_slice %arg5[%add3A_947, %dma_wait3A_952] : memref<32768x1024xf32, #tpu.memory_space<hbm>> -> memref<32x1024xf32, #tpu.memory_space<hbm>>
    %dma_wait3A_954 = arith.constant 0 : i32
    %dma_wait3A_955 = tpu.memref_slice %arg5[%add3A_947, %dma_wait3A_954] : memref<32768x1024xf32, #tpu.memory_space<hbm>> -> memref<32x1024xf32, #tpu.memory_space<hbm>>
    tpu.wait_dma2 semaphore(%arg16 : memref<!tpu.dma_semaphore, #tpu.memory_space<semaphore_mem>>) src(%arg10 : memref<32x1024xf32, #tpu.memory_space<vmem>>) dst(%dma_wait3A_955 : memref<32x1024xf32, #tpu.memory_space<hbm>>)
    %add3A_956 = arith.constant 320 : i32
    %add3A_957 = arith.addi %mul3A_777, %add3A_956 : i32
    %dma_start3A_958 = tpu.memref_slice %arg6[%add3A_957] : memref<2064xi32, #tpu.memory_space<vmem>> -> memref<32xi32, #tpu.memory_space<vmem>>
    %dma_start3A_959 = arith.constant 0 : i32
    %dma_start3A_960 = arith.constant 0 : i32
    %dma_start3A_961 = tpu.memref_slice %arg2[%dma_start3A_959, %dma_start3A_960] : memref<32768x1024xf32, #tpu.memory_space<hbm>> -> memref<32768x1024xf32, #tpu.memory_space<hbm>>
    tpu.enqueue_indirect_dma source(%dma_start3A_961 : memref<32768x1024xf32, #tpu.memory_space<hbm>>) target(%arg10 : memref<32x1024xf32, #tpu.memory_space<vmem>>) offsets(%dma_start3A_958 : memref<32xi32, #tpu.memory_space<vmem>>) semaphore(%arg13 : memref<!tpu.dma_semaphore, #tpu.memory_space<semaphore_mem>>)
    %dma_wait3A_962 = tpu.memref_slice %arg6[%add3A_915] : memref<2064xi32, #tpu.memory_space<vmem>> -> memref<32xi32, #tpu.memory_space<vmem>>
    %dma_wait3A_963 = arith.constant 0 : i32
    %dma_wait3A_964 = arith.constant 0 : i32
    %dma_wait3A_965 = tpu.memref_slice %arg2[%dma_wait3A_963, %dma_wait3A_964] : memref<32768x1024xf32, #tpu.memory_space<hbm>> -> memref<32768x1024xf32, #tpu.memory_space<hbm>>
    tpu.wait_indirect_dma semaphore(%arg14 : memref<!tpu.dma_semaphore, #tpu.memory_space<semaphore_mem>>) src(%dma_wait3A_965 : memref<32768x1024xf32, #tpu.memory_space<hbm>>) dst(%arg11 : memref<32x1024xf32, #tpu.memory_space<vmem>>)
    %add3A_966 = arith.addi %mul3A_0, %mul3A_777 : i32
    %add3A_967 = arith.constant 256 : i32
    %add3A_968 = arith.addi %add3A_966, %add3A_967 : i32
    %dma_start3A_969 = arith.constant 0 : i32
    %dma_start3A_970 = tpu.memref_slice %arg5[%add3A_968, %dma_start3A_969] : memref<32768x1024xf32, #tpu.memory_space<hbm>> -> memref<32x1024xf32, #tpu.memory_space<hbm>>
    %dma_start3A_971 = arith.constant 0 : i32
    %dma_start3A_972 = tpu.memref_slice %arg5[%add3A_968, %dma_start3A_971] : memref<32768x1024xf32, #tpu.memory_space<hbm>> -> memref<32x1024xf32, #tpu.memory_space<hbm>>
    tpu.enqueue_dma source(%arg11 : memref<32x1024xf32, #tpu.memory_space<vmem>>) target(%dma_start3A_972 : memref<32x1024xf32, #tpu.memory_space<hbm>>) target_semaphore(%arg17 : memref<!tpu.dma_semaphore, #tpu.memory_space<semaphore_mem>>)
    %dma_wait3A_973 = arith.constant 0 : i32
    %dma_wait3A_974 = tpu.memref_slice %arg5[%add3A_968, %dma_wait3A_973] : memref<32768x1024xf32, #tpu.memory_space<hbm>> -> memref<32x1024xf32, #tpu.memory_space<hbm>>
    %dma_wait3A_975 = arith.constant 0 : i32
    %dma_wait3A_976 = tpu.memref_slice %arg5[%add3A_968, %dma_wait3A_975] : memref<32768x1024xf32, #tpu.memory_space<hbm>> -> memref<32x1024xf32, #tpu.memory_space<hbm>>
    tpu.wait_dma2 semaphore(%arg17 : memref<!tpu.dma_semaphore, #tpu.memory_space<semaphore_mem>>) src(%arg11 : memref<32x1024xf32, #tpu.memory_space<vmem>>) dst(%dma_wait3A_976 : memref<32x1024xf32, #tpu.memory_space<hbm>>)
    %add3A_977 = arith.constant 352 : i32
    %add3A_978 = arith.addi %mul3A_777, %add3A_977 : i32
    %dma_start3A_979 = tpu.memref_slice %arg6[%add3A_978] : memref<2064xi32, #tpu.memory_space<vmem>> -> memref<32xi32, #tpu.memory_space<vmem>>
    %dma_start3A_980 = arith.constant 0 : i32
    %dma_start3A_981 = arith.constant 0 : i32
    %dma_start3A_982 = tpu.memref_slice %arg2[%dma_start3A_980, %dma_start3A_981] : memref<32768x1024xf32, #tpu.memory_space<hbm>> -> memref<32768x1024xf32, #tpu.memory_space<hbm>>
    tpu.enqueue_indirect_dma source(%dma_start3A_982 : memref<32768x1024xf32, #tpu.memory_space<hbm>>) target(%arg11 : memref<32x1024xf32, #tpu.memory_space<vmem>>) offsets(%dma_start3A_979 : memref<32xi32, #tpu.memory_space<vmem>>) semaphore(%arg14 : memref<!tpu.dma_semaphore, #tpu.memory_space<semaphore_mem>>)
    %dma_wait3A_983 = tpu.memref_slice %arg6[%add3A_936] : memref<2064xi32, #tpu.memory_space<vmem>> -> memref<32xi32, #tpu.memory_space<vmem>>
    %dma_wait3A_984 = arith.constant 0 : i32
    %dma_wait3A_985 = arith.constant 0 : i32
    %dma_wait3A_986 = tpu.memref_slice %arg2[%dma_wait3A_984, %dma_wait3A_985] : memref<32768x1024xf32, #tpu.memory_space<hbm>> -> memref<32768x1024xf32, #tpu.memory_space<hbm>>
    tpu.wait_indirect_dma semaphore(%arg12 : memref<!tpu.dma_semaphore, #tpu.memory_space<semaphore_mem>>) src(%dma_wait3A_986 : memref<32768x1024xf32, #tpu.memory_space<hbm>>) dst(%arg9 : memref<32x1024xf32, #tpu.memory_space<vmem>>)
    %add3A_987 = arith.addi %mul3A_0, %mul3A_777 : i32
    %add3A_988 = arith.constant 288 : i32
    %add3A_989 = arith.addi %add3A_987, %add3A_988 : i32
    %dma_start3A_990 = arith.constant 0 : i32
    %dma_start3A_991 = tpu.memref_slice %arg5[%add3A_989, %dma_start3A_990] : memref<32768x1024xf32, #tpu.memory_space<hbm>> -> memref<32x1024xf32, #tpu.memory_space<hbm>>
    %dma_start3A_992 = arith.constant 0 : i32
    %dma_start3A_993 = tpu.memref_slice %arg5[%add3A_989, %dma_start3A_992] : memref<32768x1024xf32, #tpu.memory_space<hbm>> -> memref<32x1024xf32, #tpu.memory_space<hbm>>
    tpu.enqueue_dma source(%arg9 : memref<32x1024xf32, #tpu.memory_space<vmem>>) target(%dma_start3A_993 : memref<32x1024xf32, #tpu.memory_space<hbm>>) target_semaphore(%arg15 : memref<!tpu.dma_semaphore, #tpu.memory_space<semaphore_mem>>)
    %dma_wait3A_994 = arith.constant 0 : i32
    %dma_wait3A_995 = tpu.memref_slice %arg5[%add3A_989, %dma_wait3A_994] : memref<32768x1024xf32, #tpu.memory_space<hbm>> -> memref<32x1024xf32, #tpu.memory_space<hbm>>
    %dma_wait3A_996 = arith.constant 0 : i32
    %dma_wait3A_997 = tpu.memref_slice %arg5[%add3A_989, %dma_wait3A_996] : memref<32768x1024xf32, #tpu.memory_space<hbm>> -> memref<32x1024xf32, #tpu.memory_space<hbm>>
    tpu.wait_dma2 semaphore(%arg15 : memref<!tpu.dma_semaphore, #tpu.memory_space<semaphore_mem>>) src(%arg9 : memref<32x1024xf32, #tpu.memory_space<vmem>>) dst(%dma_wait3A_997 : memref<32x1024xf32, #tpu.memory_space<hbm>>)
    %add3A_998 = arith.constant 384 : i32
    %add3A_999 = arith.addi %mul3A_777, %add3A_998 : i32
    %dma_start3A_1000 = tpu.memref_slice %arg6[%add3A_999] : memref<2064xi32, #tpu.memory_space<vmem>> -> memref<32xi32, #tpu.memory_space<vmem>>
    %dma_start3A_1001 = arith.constant 0 : i32
    %dma_start3A_1002 = arith.constant 0 : i32
    %dma_start3A_1003 = tpu.memref_slice %arg2[%dma_start3A_1001, %dma_start3A_1002] : memref<32768x1024xf32, #tpu.memory_space<hbm>> -> memref<32768x1024xf32, #tpu.memory_space<hbm>>
    tpu.enqueue_indirect_dma source(%dma_start3A_1003 : memref<32768x1024xf32, #tpu.memory_space<hbm>>) target(%arg9 : memref<32x1024xf32, #tpu.memory_space<vmem>>) offsets(%dma_start3A_1000 : memref<32xi32, #tpu.memory_space<vmem>>) semaphore(%arg12 : memref<!tpu.dma_semaphore, #tpu.memory_space<semaphore_mem>>)
    %dma_wait3A_1004 = tpu.memref_slice %arg6[%add3A_957] : memref<2064xi32, #tpu.memory_space<vmem>> -> memref<32xi32, #tpu.memory_space<vmem>>
    %dma_wait3A_1005 = arith.constant 0 : i32
    %dma_wait3A_1006 = arith.constant 0 : i32
    %dma_wait3A_1007 = tpu.memref_slice %arg2[%dma_wait3A_1005, %dma_wait3A_1006] : memref<32768x1024xf32, #tpu.memory_space<hbm>> -> memref<32768x1024xf32, #tpu.memory_space<hbm>>
    tpu.wait_indirect_dma semaphore(%arg13 : memref<!tpu.dma_semaphore, #tpu.memory_space<semaphore_mem>>) src(%dma_wait3A_1007 : memref<32768x1024xf32, #tpu.memory_space<hbm>>) dst(%arg10 : memref<32x1024xf32, #tpu.memory_space<vmem>>)
    %add3A_1008 = arith.addi %mul3A_0, %mul3A_777 : i32
    %add3A_1009 = arith.constant 320 : i32
    %add3A_1010 = arith.addi %add3A_1008, %add3A_1009 : i32
    %dma_start3A_1011 = arith.constant 0 : i32
    %dma_start3A_1012 = tpu.memref_slice %arg5[%add3A_1010, %dma_start3A_1011] : memref<32768x1024xf32, #tpu.memory_space<hbm>> -> memref<32x1024xf32, #tpu.memory_space<hbm>>
    %dma_start3A_1013 = arith.constant 0 : i32
    %dma_start3A_1014 = tpu.memref_slice %arg5[%add3A_1010, %dma_start3A_1013] : memref<32768x1024xf32, #tpu.memory_space<hbm>> -> memref<32x1024xf32, #tpu.memory_space<hbm>>
    tpu.enqueue_dma source(%arg10 : memref<32x1024xf32, #tpu.memory_space<vmem>>) target(%dma_start3A_1014 : memref<32x1024xf32, #tpu.memory_space<hbm>>) target_semaphore(%arg16 : memref<!tpu.dma_semaphore, #tpu.memory_space<semaphore_mem>>)
    %dma_wait3A_1015 = arith.constant 0 : i32
    %dma_wait3A_1016 = tpu.memref_slice %arg5[%add3A_1010, %dma_wait3A_1015] : memref<32768x1024xf32, #tpu.memory_space<hbm>> -> memref<32x1024xf32, #tpu.memory_space<hbm>>
    %dma_wait3A_1017 = arith.constant 0 : i32
    %dma_wait3A_1018 = tpu.memref_slice %arg5[%add3A_1010, %dma_wait3A_1017] : memref<32768x1024xf32, #tpu.memory_space<hbm>> -> memref<32x1024xf32, #tpu.memory_space<hbm>>
    tpu.wait_dma2 semaphore(%arg16 : memref<!tpu.dma_semaphore, #tpu.memory_space<semaphore_mem>>) src(%arg10 : memref<32x1024xf32, #tpu.memory_space<vmem>>) dst(%dma_wait3A_1018 : memref<32x1024xf32, #tpu.memory_space<hbm>>)
    %add3A_1019 = arith.constant 416 : i32
    %add3A_1020 = arith.addi %mul3A_777, %add3A_1019 : i32
    %dma_start3A_1021 = tpu.memref_slice %arg6[%add3A_1020] : memref<2064xi32, #tpu.memory_space<vmem>> -> memref<32xi32, #tpu.memory_space<vmem>>
    %dma_start3A_1022 = arith.constant 0 : i32
    %dma_start3A_1023 = arith.constant 0 : i32
    %dma_start3A_1024 = tpu.memref_slice %arg2[%dma_start3A_1022, %dma_start3A_1023] : memref<32768x1024xf32, #tpu.memory_space<hbm>> -> memref<32768x1024xf32, #tpu.memory_space<hbm>>
    tpu.enqueue_indirect_dma source(%dma_start3A_1024 : memref<32768x1024xf32, #tpu.memory_space<hbm>>) target(%arg10 : memref<32x1024xf32, #tpu.memory_space<vmem>>) offsets(%dma_start3A_1021 : memref<32xi32, #tpu.memory_space<vmem>>) semaphore(%arg13 : memref<!tpu.dma_semaphore, #tpu.memory_space<semaphore_mem>>)
    %dma_wait3A_1025 = tpu.memref_slice %arg6[%add3A_978] : memref<2064xi32, #tpu.memory_space<vmem>> -> memref<32xi32, #tpu.memory_space<vmem>>
    %dma_wait3A_1026 = arith.constant 0 : i32
    %dma_wait3A_1027 = arith.constant 0 : i32
    %dma_wait3A_1028 = tpu.memref_slice %arg2[%dma_wait3A_1026, %dma_wait3A_1027] : memref<32768x1024xf32, #tpu.memory_space<hbm>> -> memref<32768x1024xf32, #tpu.memory_space<hbm>>
    tpu.wait_indirect_dma semaphore(%arg14 : memref<!tpu.dma_semaphore, #tpu.memory_space<semaphore_mem>>) src(%dma_wait3A_1028 : memref<32768x1024xf32, #tpu.memory_space<hbm>>) dst(%arg11 : memref<32x1024xf32, #tpu.memory_space<vmem>>)
    %add3A_1029 = arith.addi %mul3A_0, %mul3A_777 : i32
    %add3A_1030 = arith.constant 352 : i32
    %add3A_1031 = arith.addi %add3A_1029, %add3A_1030 : i32
    %dma_start3A_1032 = arith.constant 0 : i32
    %dma_start3A_1033 = tpu.memref_slice %arg5[%add3A_1031, %dma_start3A_1032] : memref<32768x1024xf32, #tpu.memory_space<hbm>> -> memref<32x1024xf32, #tpu.memory_space<hbm>>
    %dma_start3A_1034 = arith.constant 0 : i32
    %dma_start3A_1035 = tpu.memref_slice %arg5[%add3A_1031, %dma_start3A_1034] : memref<32768x1024xf32, #tpu.memory_space<hbm>> -> memref<32x1024xf32, #tpu.memory_space<hbm>>
    tpu.enqueue_dma source(%arg11 : memref<32x1024xf32, #tpu.memory_space<vmem>>) target(%dma_start3A_1035 : memref<32x1024xf32, #tpu.memory_space<hbm>>) target_semaphore(%arg17 : memref<!tpu.dma_semaphore, #tpu.memory_space<semaphore_mem>>)
    %dma_wait3A_1036 = arith.constant 0 : i32
    %dma_wait3A_1037 = tpu.memref_slice %arg5[%add3A_1031, %dma_wait3A_1036] : memref<32768x1024xf32, #tpu.memory_space<hbm>> -> memref<32x1024xf32, #tpu.memory_space<hbm>>
    %dma_wait3A_1038 = arith.constant 0 : i32
    %dma_wait3A_1039 = tpu.memref_slice %arg5[%add3A_1031, %dma_wait3A_1038] : memref<32768x1024xf32, #tpu.memory_space<hbm>> -> memref<32x1024xf32, #tpu.memory_space<hbm>>
    tpu.wait_dma2 semaphore(%arg17 : memref<!tpu.dma_semaphore, #tpu.memory_space<semaphore_mem>>) src(%arg11 : memref<32x1024xf32, #tpu.memory_space<vmem>>) dst(%dma_wait3A_1039 : memref<32x1024xf32, #tpu.memory_space<hbm>>)
    %add3A_1040 = arith.constant 448 : i32
    %add3A_1041 = arith.addi %mul3A_777, %add3A_1040 : i32
    %dma_start3A_1042 = tpu.memref_slice %arg6[%add3A_1041] : memref<2064xi32, #tpu.memory_space<vmem>> -> memref<32xi32, #tpu.memory_space<vmem>>
    %dma_start3A_1043 = arith.constant 0 : i32
    %dma_start3A_1044 = arith.constant 0 : i32
    %dma_start3A_1045 = tpu.memref_slice %arg2[%dma_start3A_1043, %dma_start3A_1044] : memref<32768x1024xf32, #tpu.memory_space<hbm>> -> memref<32768x1024xf32, #tpu.memory_space<hbm>>
    tpu.enqueue_indirect_dma source(%dma_start3A_1045 : memref<32768x1024xf32, #tpu.memory_space<hbm>>) target(%arg11 : memref<32x1024xf32, #tpu.memory_space<vmem>>) offsets(%dma_start3A_1042 : memref<32xi32, #tpu.memory_space<vmem>>) semaphore(%arg14 : memref<!tpu.dma_semaphore, #tpu.memory_space<semaphore_mem>>)
    %dma_wait3A_1046 = tpu.memref_slice %arg6[%add3A_999] : memref<2064xi32, #tpu.memory_space<vmem>> -> memref<32xi32, #tpu.memory_space<vmem>>
    %dma_wait3A_1047 = arith.constant 0 : i32
    %dma_wait3A_1048 = arith.constant 0 : i32
    %dma_wait3A_1049 = tpu.memref_slice %arg2[%dma_wait3A_1047, %dma_wait3A_1048] : memref<32768x1024xf32, #tpu.memory_space<hbm>> -> memref<32768x1024xf32, #tpu.memory_space<hbm>>
    tpu.wait_indirect_dma semaphore(%arg12 : memref<!tpu.dma_semaphore, #tpu.memory_space<semaphore_mem>>) src(%dma_wait3A_1049 : memref<32768x1024xf32, #tpu.memory_space<hbm>>) dst(%arg9 : memref<32x1024xf32, #tpu.memory_space<vmem>>)
    %add3A_1050 = arith.addi %mul3A_0, %mul3A_777 : i32
    %add3A_1051 = arith.constant 384 : i32
    %add3A_1052 = arith.addi %add3A_1050, %add3A_1051 : i32
    %dma_start3A_1053 = arith.constant 0 : i32
    %dma_start3A_1054 = tpu.memref_slice %arg5[%add3A_1052, %dma_start3A_1053] : memref<32768x1024xf32, #tpu.memory_space<hbm>> -> memref<32x1024xf32, #tpu.memory_space<hbm>>
    %dma_start3A_1055 = arith.constant 0 : i32
    %dma_start3A_1056 = tpu.memref_slice %arg5[%add3A_1052, %dma_start3A_1055] : memref<32768x1024xf32, #tpu.memory_space<hbm>> -> memref<32x1024xf32, #tpu.memory_space<hbm>>
    tpu.enqueue_dma source(%arg9 : memref<32x1024xf32, #tpu.memory_space<vmem>>) target(%dma_start3A_1056 : memref<32x1024xf32, #tpu.memory_space<hbm>>) target_semaphore(%arg15 : memref<!tpu.dma_semaphore, #tpu.memory_space<semaphore_mem>>)
    %dma_wait3A_1057 = arith.constant 0 : i32
    %dma_wait3A_1058 = tpu.memref_slice %arg5[%add3A_1052, %dma_wait3A_1057] : memref<32768x1024xf32, #tpu.memory_space<hbm>> -> memref<32x1024xf32, #tpu.memory_space<hbm>>
    %dma_wait3A_1059 = arith.constant 0 : i32
    %dma_wait3A_1060 = tpu.memref_slice %arg5[%add3A_1052, %dma_wait3A_1059] : memref<32768x1024xf32, #tpu.memory_space<hbm>> -> memref<32x1024xf32, #tpu.memory_space<hbm>>
    tpu.wait_dma2 semaphore(%arg15 : memref<!tpu.dma_semaphore, #tpu.memory_space<semaphore_mem>>) src(%arg9 : memref<32x1024xf32, #tpu.memory_space<vmem>>) dst(%dma_wait3A_1060 : memref<32x1024xf32, #tpu.memory_space<hbm>>)
    %add3A_1061 = arith.constant 480 : i32
    %add3A_1062 = arith.addi %mul3A_777, %add3A_1061 : i32
    %dma_start3A_1063 = tpu.memref_slice %arg6[%add3A_1062] : memref<2064xi32, #tpu.memory_space<vmem>> -> memref<32xi32, #tpu.memory_space<vmem>>
    %dma_start3A_1064 = arith.constant 0 : i32
    %dma_start3A_1065 = arith.constant 0 : i32
    %dma_start3A_1066 = tpu.memref_slice %arg2[%dma_start3A_1064, %dma_start3A_1065] : memref<32768x1024xf32, #tpu.memory_space<hbm>> -> memref<32768x1024xf32, #tpu.memory_space<hbm>>
    tpu.enqueue_indirect_dma source(%dma_start3A_1066 : memref<32768x1024xf32, #tpu.memory_space<hbm>>) target(%arg9 : memref<32x1024xf32, #tpu.memory_space<vmem>>) offsets(%dma_start3A_1063 : memref<32xi32, #tpu.memory_space<vmem>>) semaphore(%arg12 : memref<!tpu.dma_semaphore, #tpu.memory_space<semaphore_mem>>)
    %dma_wait3A_1067 = tpu.memref_slice %arg6[%add3A_1020] : memref<2064xi32, #tpu.memory_space<vmem>> -> memref<32xi32, #tpu.memory_space<vmem>>
    %dma_wait3A_1068 = arith.constant 0 : i32
    %dma_wait3A_1069 = arith.constant 0 : i32
    %dma_wait3A_1070 = tpu.memref_slice %arg2[%dma_wait3A_1068, %dma_wait3A_1069] : memref<32768x1024xf32, #tpu.memory_space<hbm>> -> memref<32768x1024xf32, #tpu.memory_space<hbm>>
    tpu.wait_indirect_dma semaphore(%arg13 : memref<!tpu.dma_semaphore, #tpu.memory_space<semaphore_mem>>) src(%dma_wait3A_1070 : memref<32768x1024xf32, #tpu.memory_space<hbm>>) dst(%arg10 : memref<32x1024xf32, #tpu.memory_space<vmem>>)
    %add3A_1071 = arith.addi %mul3A_0, %mul3A_777 : i32
    %add3A_1072 = arith.constant 416 : i32
    %add3A_1073 = arith.addi %add3A_1071, %add3A_1072 : i32
    %dma_start3A_1074 = arith.constant 0 : i32
    %dma_start3A_1075 = tpu.memref_slice %arg5[%add3A_1073, %dma_start3A_1074] : memref<32768x1024xf32, #tpu.memory_space<hbm>> -> memref<32x1024xf32, #tpu.memory_space<hbm>>
    %dma_start3A_1076 = arith.constant 0 : i32
    %dma_start3A_1077 = tpu.memref_slice %arg5[%add3A_1073, %dma_start3A_1076] : memref<32768x1024xf32, #tpu.memory_space<hbm>> -> memref<32x1024xf32, #tpu.memory_space<hbm>>
    tpu.enqueue_dma source(%arg10 : memref<32x1024xf32, #tpu.memory_space<vmem>>) target(%dma_start3A_1077 : memref<32x1024xf32, #tpu.memory_space<hbm>>) target_semaphore(%arg16 : memref<!tpu.dma_semaphore, #tpu.memory_space<semaphore_mem>>)
    %dma_wait3A_1078 = arith.constant 0 : i32
    %dma_wait3A_1079 = tpu.memref_slice %arg5[%add3A_1073, %dma_wait3A_1078] : memref<32768x1024xf32, #tpu.memory_space<hbm>> -> memref<32x1024xf32, #tpu.memory_space<hbm>>
    %dma_wait3A_1080 = arith.constant 0 : i32
    %dma_wait3A_1081 = tpu.memref_slice %arg5[%add3A_1073, %dma_wait3A_1080] : memref<32768x1024xf32, #tpu.memory_space<hbm>> -> memref<32x1024xf32, #tpu.memory_space<hbm>>
    tpu.wait_dma2 semaphore(%arg16 : memref<!tpu.dma_semaphore, #tpu.memory_space<semaphore_mem>>) src(%arg10 : memref<32x1024xf32, #tpu.memory_space<vmem>>) dst(%dma_wait3A_1081 : memref<32x1024xf32, #tpu.memory_space<hbm>>)
    %add3A_1082 = arith.constant 512 : i32
    %add3A_1083 = arith.addi %mul3A_777, %add3A_1082 : i32
    %dma_start3A_1084 = tpu.memref_slice %arg6[%add3A_1083] : memref<2064xi32, #tpu.memory_space<vmem>> -> memref<32xi32, #tpu.memory_space<vmem>>
    %dma_start3A_1085 = arith.constant 0 : i32
    %dma_start3A_1086 = arith.constant 0 : i32
    %dma_start3A_1087 = tpu.memref_slice %arg2[%dma_start3A_1085, %dma_start3A_1086] : memref<32768x1024xf32, #tpu.memory_space<hbm>> -> memref<32768x1024xf32, #tpu.memory_space<hbm>>
    tpu.enqueue_indirect_dma source(%dma_start3A_1087 : memref<32768x1024xf32, #tpu.memory_space<hbm>>) target(%arg10 : memref<32x1024xf32, #tpu.memory_space<vmem>>) offsets(%dma_start3A_1084 : memref<32xi32, #tpu.memory_space<vmem>>) semaphore(%arg13 : memref<!tpu.dma_semaphore, #tpu.memory_space<semaphore_mem>>)
    %dma_wait3A_1088 = tpu.memref_slice %arg6[%add3A_1041] : memref<2064xi32, #tpu.memory_space<vmem>> -> memref<32xi32, #tpu.memory_space<vmem>>
    %dma_wait3A_1089 = arith.constant 0 : i32
    %dma_wait3A_1090 = arith.constant 0 : i32
    %dma_wait3A_1091 = tpu.memref_slice %arg2[%dma_wait3A_1089, %dma_wait3A_1090] : memref<32768x1024xf32, #tpu.memory_space<hbm>> -> memref<32768x1024xf32, #tpu.memory_space<hbm>>
    tpu.wait_indirect_dma semaphore(%arg14 : memref<!tpu.dma_semaphore, #tpu.memory_space<semaphore_mem>>) src(%dma_wait3A_1091 : memref<32768x1024xf32, #tpu.memory_space<hbm>>) dst(%arg11 : memref<32x1024xf32, #tpu.memory_space<vmem>>)
    %add3A_1092 = arith.addi %mul3A_0, %mul3A_777 : i32
    %add3A_1093 = arith.constant 448 : i32
    %add3A_1094 = arith.addi %add3A_1092, %add3A_1093 : i32
    %dma_start3A_1095 = arith.constant 0 : i32
    %dma_start3A_1096 = tpu.memref_slice %arg5[%add3A_1094, %dma_start3A_1095] : memref<32768x1024xf32, #tpu.memory_space<hbm>> -> memref<32x1024xf32, #tpu.memory_space<hbm>>
    %dma_start3A_1097 = arith.constant 0 : i32
    %dma_start3A_1098 = tpu.memref_slice %arg5[%add3A_1094, %dma_start3A_1097] : memref<32768x1024xf32, #tpu.memory_space<hbm>> -> memref<32x1024xf32, #tpu.memory_space<hbm>>
    tpu.enqueue_dma source(%arg11 : memref<32x1024xf32, #tpu.memory_space<vmem>>) target(%dma_start3A_1098 : memref<32x1024xf32, #tpu.memory_space<hbm>>) target_semaphore(%arg17 : memref<!tpu.dma_semaphore, #tpu.memory_space<semaphore_mem>>)
    %dma_wait3A_1099 = arith.constant 0 : i32
    %dma_wait3A_1100 = tpu.memref_slice %arg5[%add3A_1094, %dma_wait3A_1099] : memref<32768x1024xf32, #tpu.memory_space<hbm>> -> memref<32x1024xf32, #tpu.memory_space<hbm>>
    %dma_wait3A_1101 = arith.constant 0 : i32
    %dma_wait3A_1102 = tpu.memref_slice %arg5[%add3A_1094, %dma_wait3A_1101] : memref<32768x1024xf32, #tpu.memory_space<hbm>> -> memref<32x1024xf32, #tpu.memory_space<hbm>>
    tpu.wait_dma2 semaphore(%arg17 : memref<!tpu.dma_semaphore, #tpu.memory_space<semaphore_mem>>) src(%arg11 : memref<32x1024xf32, #tpu.memory_space<vmem>>) dst(%dma_wait3A_1102 : memref<32x1024xf32, #tpu.memory_space<hbm>>)
    %add3A_1103 = arith.constant 544 : i32
    %add3A_1104 = arith.addi %mul3A_777, %add3A_1103 : i32
    %dma_start3A_1105 = tpu.memref_slice %arg6[%add3A_1104] : memref<2064xi32, #tpu.memory_space<vmem>> -> memref<32xi32, #tpu.memory_space<vmem>>
    %dma_start3A_1106 = arith.constant 0 : i32
    %dma_start3A_1107 = arith.constant 0 : i32
    %dma_start3A_1108 = tpu.memref_slice %arg2[%dma_start3A_1106, %dma_start3A_1107] : memref<32768x1024xf32, #tpu.memory_space<hbm>> -> memref<32768x1024xf32, #tpu.memory_space<hbm>>
    tpu.enqueue_indirect_dma source(%dma_start3A_1108 : memref<32768x1024xf32, #tpu.memory_space<hbm>>) target(%arg11 : memref<32x1024xf32, #tpu.memory_space<vmem>>) offsets(%dma_start3A_1105 : memref<32xi32, #tpu.memory_space<vmem>>) semaphore(%arg14 : memref<!tpu.dma_semaphore, #tpu.memory_space<semaphore_mem>>)
    %dma_wait3A_1109 = tpu.memref_slice %arg6[%add3A_1062] : memref<2064xi32, #tpu.memory_space<vmem>> -> memref<32xi32, #tpu.memory_space<vmem>>
    %dma_wait3A_1110 = arith.constant 0 : i32
    %dma_wait3A_1111 = arith.constant 0 : i32
    %dma_wait3A_1112 = tpu.memref_slice %arg2[%dma_wait3A_1110, %dma_wait3A_1111] : memref<32768x1024xf32, #tpu.memory_space<hbm>> -> memref<32768x1024xf32, #tpu.memory_space<hbm>>
    tpu.wait_indirect_dma semaphore(%arg12 : memref<!tpu.dma_semaphore, #tpu.memory_space<semaphore_mem>>) src(%dma_wait3A_1112 : memref<32768x1024xf32, #tpu.memory_space<hbm>>) dst(%arg9 : memref<32x1024xf32, #tpu.memory_space<vmem>>)
    %add3A_1113 = arith.addi %mul3A_0, %mul3A_777 : i32
    %add3A_1114 = arith.constant 480 : i32
    %add3A_1115 = arith.addi %add3A_1113, %add3A_1114 : i32
    %dma_start3A_1116 = arith.constant 0 : i32
    %dma_start3A_1117 = tpu.memref_slice %arg5[%add3A_1115, %dma_start3A_1116] : memref<32768x1024xf32, #tpu.memory_space<hbm>> -> memref<32x1024xf32, #tpu.memory_space<hbm>>
    %dma_start3A_1118 = arith.constant 0 : i32
    %dma_start3A_1119 = tpu.memref_slice %arg5[%add3A_1115, %dma_start3A_1118] : memref<32768x1024xf32, #tpu.memory_space<hbm>> -> memref<32x1024xf32, #tpu.memory_space<hbm>>
    tpu.enqueue_dma source(%arg9 : memref<32x1024xf32, #tpu.memory_space<vmem>>) target(%dma_start3A_1119 : memref<32x1024xf32, #tpu.memory_space<hbm>>) target_semaphore(%arg15 : memref<!tpu.dma_semaphore, #tpu.memory_space<semaphore_mem>>)
    %dma_wait3A_1120 = arith.constant 0 : i32
    %dma_wait3A_1121 = tpu.memref_slice %arg5[%add3A_1115, %dma_wait3A_1120] : memref<32768x1024xf32, #tpu.memory_space<hbm>> -> memref<32x1024xf32, #tpu.memory_space<hbm>>
    %dma_wait3A_1122 = arith.constant 0 : i32
    %dma_wait3A_1123 = tpu.memref_slice %arg5[%add3A_1115, %dma_wait3A_1122] : memref<32768x1024xf32, #tpu.memory_space<hbm>> -> memref<32x1024xf32, #tpu.memory_space<hbm>>
    tpu.wait_dma2 semaphore(%arg15 : memref<!tpu.dma_semaphore, #tpu.memory_space<semaphore_mem>>) src(%arg9 : memref<32x1024xf32, #tpu.memory_space<vmem>>) dst(%dma_wait3A_1123 : memref<32x1024xf32, #tpu.memory_space<hbm>>)
    %add3A_1124 = arith.constant 576 : i32
    %add3A_1125 = arith.addi %mul3A_777, %add3A_1124 : i32
    %dma_start3A_1126 = tpu.memref_slice %arg6[%add3A_1125] : memref<2064xi32, #tpu.memory_space<vmem>> -> memref<32xi32, #tpu.memory_space<vmem>>
    %dma_start3A_1127 = arith.constant 0 : i32
    %dma_start3A_1128 = arith.constant 0 : i32
    %dma_start3A_1129 = tpu.memref_slice %arg2[%dma_start3A_1127, %dma_start3A_1128] : memref<32768x1024xf32, #tpu.memory_space<hbm>> -> memref<32768x1024xf32, #tpu.memory_space<hbm>>
    tpu.enqueue_indirect_dma source(%dma_start3A_1129 : memref<32768x1024xf32, #tpu.memory_space<hbm>>) target(%arg9 : memref<32x1024xf32, #tpu.memory_space<vmem>>) offsets(%dma_start3A_1126 : memref<32xi32, #tpu.memory_space<vmem>>) semaphore(%arg12 : memref<!tpu.dma_semaphore, #tpu.memory_space<semaphore_mem>>)
    %dma_wait3A_1130 = tpu.memref_slice %arg6[%add3A_1083] : memref<2064xi32, #tpu.memory_space<vmem>> -> memref<32xi32, #tpu.memory_space<vmem>>
    %dma_wait3A_1131 = arith.constant 0 : i32
    %dma_wait3A_1132 = arith.constant 0 : i32
    %dma_wait3A_1133 = tpu.memref_slice %arg2[%dma_wait3A_1131, %dma_wait3A_1132] : memref<32768x1024xf32, #tpu.memory_space<hbm>> -> memref<32768x1024xf32, #tpu.memory_space<hbm>>
    tpu.wait_indirect_dma semaphore(%arg13 : memref<!tpu.dma_semaphore, #tpu.memory_space<semaphore_mem>>) src(%dma_wait3A_1133 : memref<32768x1024xf32, #tpu.memory_space<hbm>>) dst(%arg10 : memref<32x1024xf32, #tpu.memory_space<vmem>>)
    %add3A_1134 = arith.addi %mul3A_0, %mul3A_777 : i32
    %add3A_1135 = arith.constant 512 : i32
    %add3A_1136 = arith.addi %add3A_1134, %add3A_1135 : i32
    %dma_start3A_1137 = arith.constant 0 : i32
    %dma_start3A_1138 = tpu.memref_slice %arg5[%add3A_1136, %dma_start3A_1137] : memref<32768x1024xf32, #tpu.memory_space<hbm>> -> memref<32x1024xf32, #tpu.memory_space<hbm>>
    %dma_start3A_1139 = arith.constant 0 : i32
    %dma_start3A_1140 = tpu.memref_slice %arg5[%add3A_1136, %dma_start3A_1139] : memref<32768x1024xf32, #tpu.memory_space<hbm>> -> memref<32x1024xf32, #tpu.memory_space<hbm>>
    tpu.enqueue_dma source(%arg10 : memref<32x1024xf32, #tpu.memory_space<vmem>>) target(%dma_start3A_1140 : memref<32x1024xf32, #tpu.memory_space<hbm>>) target_semaphore(%arg16 : memref<!tpu.dma_semaphore, #tpu.memory_space<semaphore_mem>>)
    %dma_wait3A_1141 = arith.constant 0 : i32
    %dma_wait3A_1142 = tpu.memref_slice %arg5[%add3A_1136, %dma_wait3A_1141] : memref<32768x1024xf32, #tpu.memory_space<hbm>> -> memref<32x1024xf32, #tpu.memory_space<hbm>>
    %dma_wait3A_1143 = arith.constant 0 : i32
    %dma_wait3A_1144 = tpu.memref_slice %arg5[%add3A_1136, %dma_wait3A_1143] : memref<32768x1024xf32, #tpu.memory_space<hbm>> -> memref<32x1024xf32, #tpu.memory_space<hbm>>
    tpu.wait_dma2 semaphore(%arg16 : memref<!tpu.dma_semaphore, #tpu.memory_space<semaphore_mem>>) src(%arg10 : memref<32x1024xf32, #tpu.memory_space<vmem>>) dst(%dma_wait3A_1144 : memref<32x1024xf32, #tpu.memory_space<hbm>>)
    %add3A_1145 = arith.constant 608 : i32
    %add3A_1146 = arith.addi %mul3A_777, %add3A_1145 : i32
    %dma_start3A_1147 = tpu.memref_slice %arg6[%add3A_1146] : memref<2064xi32, #tpu.memory_space<vmem>> -> memref<32xi32, #tpu.memory_space<vmem>>
    %dma_start3A_1148 = arith.constant 0 : i32
    %dma_start3A_1149 = arith.constant 0 : i32
    %dma_start3A_1150 = tpu.memref_slice %arg2[%dma_start3A_1148, %dma_start3A_1149] : memref<32768x1024xf32, #tpu.memory_space<hbm>> -> memref<32768x1024xf32, #tpu.memory_space<hbm>>
    tpu.enqueue_indirect_dma source(%dma_start3A_1150 : memref<32768x1024xf32, #tpu.memory_space<hbm>>) target(%arg10 : memref<32x1024xf32, #tpu.memory_space<vmem>>) offsets(%dma_start3A_1147 : memref<32xi32, #tpu.memory_space<vmem>>) semaphore(%arg13 : memref<!tpu.dma_semaphore, #tpu.memory_space<semaphore_mem>>)
    %dma_wait3A_1151 = tpu.memref_slice %arg6[%add3A_1104] : memref<2064xi32, #tpu.memory_space<vmem>> -> memref<32xi32, #tpu.memory_space<vmem>>
    %dma_wait3A_1152 = arith.constant 0 : i32
    %dma_wait3A_1153 = arith.constant 0 : i32
    %dma_wait3A_1154 = tpu.memref_slice %arg2[%dma_wait3A_1152, %dma_wait3A_1153] : memref<32768x1024xf32, #tpu.memory_space<hbm>> -> memref<32768x1024xf32, #tpu.memory_space<hbm>>
    tpu.wait_indirect_dma semaphore(%arg14 : memref<!tpu.dma_semaphore, #tpu.memory_space<semaphore_mem>>) src(%dma_wait3A_1154 : memref<32768x1024xf32, #tpu.memory_space<hbm>>) dst(%arg11 : memref<32x1024xf32, #tpu.memory_space<vmem>>)
    %add3A_1155 = arith.addi %mul3A_0, %mul3A_777 : i32
    %add3A_1156 = arith.constant 544 : i32
    %add3A_1157 = arith.addi %add3A_1155, %add3A_1156 : i32
    %dma_start3A_1158 = arith.constant 0 : i32
    %dma_start3A_1159 = tpu.memref_slice %arg5[%add3A_1157, %dma_start3A_1158] : memref<32768x1024xf32, #tpu.memory_space<hbm>> -> memref<32x1024xf32, #tpu.memory_space<hbm>>
    %dma_start3A_1160 = arith.constant 0 : i32
    %dma_start3A_1161 = tpu.memref_slice %arg5[%add3A_1157, %dma_start3A_1160] : memref<32768x1024xf32, #tpu.memory_space<hbm>> -> memref<32x1024xf32, #tpu.memory_space<hbm>>
    tpu.enqueue_dma source(%arg11 : memref<32x1024xf32, #tpu.memory_space<vmem>>) target(%dma_start3A_1161 : memref<32x1024xf32, #tpu.memory_space<hbm>>) target_semaphore(%arg17 : memref<!tpu.dma_semaphore, #tpu.memory_space<semaphore_mem>>)
    %dma_wait3A_1162 = arith.constant 0 : i32
    %dma_wait3A_1163 = tpu.memref_slice %arg5[%add3A_1157, %dma_wait3A_1162] : memref<32768x1024xf32, #tpu.memory_space<hbm>> -> memref<32x1024xf32, #tpu.memory_space<hbm>>
    %dma_wait3A_1164 = arith.constant 0 : i32
    %dma_wait3A_1165 = tpu.memref_slice %arg5[%add3A_1157, %dma_wait3A_1164] : memref<32768x1024xf32, #tpu.memory_space<hbm>> -> memref<32x1024xf32, #tpu.memory_space<hbm>>
    tpu.wait_dma2 semaphore(%arg17 : memref<!tpu.dma_semaphore, #tpu.memory_space<semaphore_mem>>) src(%arg11 : memref<32x1024xf32, #tpu.memory_space<vmem>>) dst(%dma_wait3A_1165 : memref<32x1024xf32, #tpu.memory_space<hbm>>)
    %add3A_1166 = arith.constant 640 : i32
    %add3A_1167 = arith.addi %mul3A_777, %add3A_1166 : i32
    %dma_start3A_1168 = tpu.memref_slice %arg6[%add3A_1167] : memref<2064xi32, #tpu.memory_space<vmem>> -> memref<32xi32, #tpu.memory_space<vmem>>
    %dma_start3A_1169 = arith.constant 0 : i32
    %dma_start3A_1170 = arith.constant 0 : i32
    %dma_start3A_1171 = tpu.memref_slice %arg2[%dma_start3A_1169, %dma_start3A_1170] : memref<32768x1024xf32, #tpu.memory_space<hbm>> -> memref<32768x1024xf32, #tpu.memory_space<hbm>>
    tpu.enqueue_indirect_dma source(%dma_start3A_1171 : memref<32768x1024xf32, #tpu.memory_space<hbm>>) target(%arg11 : memref<32x1024xf32, #tpu.memory_space<vmem>>) offsets(%dma_start3A_1168 : memref<32xi32, #tpu.memory_space<vmem>>) semaphore(%arg14 : memref<!tpu.dma_semaphore, #tpu.memory_space<semaphore_mem>>)
    %dma_wait3A_1172 = tpu.memref_slice %arg6[%add3A_1125] : memref<2064xi32, #tpu.memory_space<vmem>> -> memref<32xi32, #tpu.memory_space<vmem>>
    %dma_wait3A_1173 = arith.constant 0 : i32
    %dma_wait3A_1174 = arith.constant 0 : i32
    %dma_wait3A_1175 = tpu.memref_slice %arg2[%dma_wait3A_1173, %dma_wait3A_1174] : memref<32768x1024xf32, #tpu.memory_space<hbm>> -> memref<32768x1024xf32, #tpu.memory_space<hbm>>
    tpu.wait_indirect_dma semaphore(%arg12 : memref<!tpu.dma_semaphore, #tpu.memory_space<semaphore_mem>>) src(%dma_wait3A_1175 : memref<32768x1024xf32, #tpu.memory_space<hbm>>) dst(%arg9 : memref<32x1024xf32, #tpu.memory_space<vmem>>)
    %add3A_1176 = arith.addi %mul3A_0, %mul3A_777 : i32
    %add3A_1177 = arith.constant 576 : i32
    %add3A_1178 = arith.addi %add3A_1176, %add3A_1177 : i32
    %dma_start3A_1179 = arith.constant 0 : i32
    %dma_start3A_1180 = tpu.memref_slice %arg5[%add3A_1178, %dma_start3A_1179] : memref<32768x1024xf32, #tpu.memory_space<hbm>> -> memref<32x1024xf32, #tpu.memory_space<hbm>>
    %dma_start3A_1181 = arith.constant 0 : i32
    %dma_start3A_1182 = tpu.memref_slice %arg5[%add3A_1178, %dma_start3A_1181] : memref<32768x1024xf32, #tpu.memory_space<hbm>> -> memref<32x1024xf32, #tpu.memory_space<hbm>>
    tpu.enqueue_dma source(%arg9 : memref<32x1024xf32, #tpu.memory_space<vmem>>) target(%dma_start3A_1182 : memref<32x1024xf32, #tpu.memory_space<hbm>>) target_semaphore(%arg15 : memref<!tpu.dma_semaphore, #tpu.memory_space<semaphore_mem>>)
    %dma_wait3A_1183 = arith.constant 0 : i32
    %dma_wait3A_1184 = tpu.memref_slice %arg5[%add3A_1178, %dma_wait3A_1183] : memref<32768x1024xf32, #tpu.memory_space<hbm>> -> memref<32x1024xf32, #tpu.memory_space<hbm>>
    %dma_wait3A_1185 = arith.constant 0 : i32
    %dma_wait3A_1186 = tpu.memref_slice %arg5[%add3A_1178, %dma_wait3A_1185] : memref<32768x1024xf32, #tpu.memory_space<hbm>> -> memref<32x1024xf32, #tpu.memory_space<hbm>>
    tpu.wait_dma2 semaphore(%arg15 : memref<!tpu.dma_semaphore, #tpu.memory_space<semaphore_mem>>) src(%arg9 : memref<32x1024xf32, #tpu.memory_space<vmem>>) dst(%dma_wait3A_1186 : memref<32x1024xf32, #tpu.memory_space<hbm>>)
    %add3A_1187 = arith.constant 672 : i32
    %add3A_1188 = arith.addi %mul3A_777, %add3A_1187 : i32
    %dma_start3A_1189 = tpu.memref_slice %arg6[%add3A_1188] : memref<2064xi32, #tpu.memory_space<vmem>> -> memref<32xi32, #tpu.memory_space<vmem>>
    %dma_start3A_1190 = arith.constant 0 : i32
    %dma_start3A_1191 = arith.constant 0 : i32
    %dma_start3A_1192 = tpu.memref_slice %arg2[%dma_start3A_1190, %dma_start3A_1191] : memref<32768x1024xf32, #tpu.memory_space<hbm>> -> memref<32768x1024xf32, #tpu.memory_space<hbm>>
    tpu.enqueue_indirect_dma source(%dma_start3A_1192 : memref<32768x1024xf32, #tpu.memory_space<hbm>>) target(%arg9 : memref<32x1024xf32, #tpu.memory_space<vmem>>) offsets(%dma_start3A_1189 : memref<32xi32, #tpu.memory_space<vmem>>) semaphore(%arg12 : memref<!tpu.dma_semaphore, #tpu.memory_space<semaphore_mem>>)
    %dma_wait3A_1193 = tpu.memref_slice %arg6[%add3A_1146] : memref<2064xi32, #tpu.memory_space<vmem>> -> memref<32xi32, #tpu.memory_space<vmem>>
    %dma_wait3A_1194 = arith.constant 0 : i32
    %dma_wait3A_1195 = arith.constant 0 : i32
    %dma_wait3A_1196 = tpu.memref_slice %arg2[%dma_wait3A_1194, %dma_wait3A_1195] : memref<32768x1024xf32, #tpu.memory_space<hbm>> -> memref<32768x1024xf32, #tpu.memory_space<hbm>>
    tpu.wait_indirect_dma semaphore(%arg13 : memref<!tpu.dma_semaphore, #tpu.memory_space<semaphore_mem>>) src(%dma_wait3A_1196 : memref<32768x1024xf32, #tpu.memory_space<hbm>>) dst(%arg10 : memref<32x1024xf32, #tpu.memory_space<vmem>>)
    %add3A_1197 = arith.addi %mul3A_0, %mul3A_777 : i32
    %add3A_1198 = arith.constant 608 : i32
    %add3A_1199 = arith.addi %add3A_1197, %add3A_1198 : i32
    %dma_start3A_1200 = arith.constant 0 : i32
    %dma_start3A_1201 = tpu.memref_slice %arg5[%add3A_1199, %dma_start3A_1200] : memref<32768x1024xf32, #tpu.memory_space<hbm>> -> memref<32x1024xf32, #tpu.memory_space<hbm>>
    %dma_start3A_1202 = arith.constant 0 : i32
    %dma_start3A_1203 = tpu.memref_slice %arg5[%add3A_1199, %dma_start3A_1202] : memref<32768x1024xf32, #tpu.memory_space<hbm>> -> memref<32x1024xf32, #tpu.memory_space<hbm>>
    tpu.enqueue_dma source(%arg10 : memref<32x1024xf32, #tpu.memory_space<vmem>>) target(%dma_start3A_1203 : memref<32x1024xf32, #tpu.memory_space<hbm>>) target_semaphore(%arg16 : memref<!tpu.dma_semaphore, #tpu.memory_space<semaphore_mem>>)
    %dma_wait3A_1204 = arith.constant 0 : i32
    %dma_wait3A_1205 = tpu.memref_slice %arg5[%add3A_1199, %dma_wait3A_1204] : memref<32768x1024xf32, #tpu.memory_space<hbm>> -> memref<32x1024xf32, #tpu.memory_space<hbm>>
    %dma_wait3A_1206 = arith.constant 0 : i32
    %dma_wait3A_1207 = tpu.memref_slice %arg5[%add3A_1199, %dma_wait3A_1206] : memref<32768x1024xf32, #tpu.memory_space<hbm>> -> memref<32x1024xf32, #tpu.memory_space<hbm>>
    tpu.wait_dma2 semaphore(%arg16 : memref<!tpu.dma_semaphore, #tpu.memory_space<semaphore_mem>>) src(%arg10 : memref<32x1024xf32, #tpu.memory_space<vmem>>) dst(%dma_wait3A_1207 : memref<32x1024xf32, #tpu.memory_space<hbm>>)
    %add3A_1208 = arith.constant 704 : i32
    %add3A_1209 = arith.addi %mul3A_777, %add3A_1208 : i32
    %dma_start3A_1210 = tpu.memref_slice %arg6[%add3A_1209] : memref<2064xi32, #tpu.memory_space<vmem>> -> memref<32xi32, #tpu.memory_space<vmem>>
    %dma_start3A_1211 = arith.constant 0 : i32
    %dma_start3A_1212 = arith.constant 0 : i32
    %dma_start3A_1213 = tpu.memref_slice %arg2[%dma_start3A_1211, %dma_start3A_1212] : memref<32768x1024xf32, #tpu.memory_space<hbm>> -> memref<32768x1024xf32, #tpu.memory_space<hbm>>
    tpu.enqueue_indirect_dma source(%dma_start3A_1213 : memref<32768x1024xf32, #tpu.memory_space<hbm>>) target(%arg10 : memref<32x1024xf32, #tpu.memory_space<vmem>>) offsets(%dma_start3A_1210 : memref<32xi32, #tpu.memory_space<vmem>>) semaphore(%arg13 : memref<!tpu.dma_semaphore, #tpu.memory_space<semaphore_mem>>)
    %dma_wait3A_1214 = tpu.memref_slice %arg6[%add3A_1167] : memref<2064xi32, #tpu.memory_space<vmem>> -> memref<32xi32, #tpu.memory_space<vmem>>
    %dma_wait3A_1215 = arith.constant 0 : i32
    %dma_wait3A_1216 = arith.constant 0 : i32
    %dma_wait3A_1217 = tpu.memref_slice %arg2[%dma_wait3A_1215, %dma_wait3A_1216] : memref<32768x1024xf32, #tpu.memory_space<hbm>> -> memref<32768x1024xf32, #tpu.memory_space<hbm>>
    tpu.wait_indirect_dma semaphore(%arg14 : memref<!tpu.dma_semaphore, #tpu.memory_space<semaphore_mem>>) src(%dma_wait3A_1217 : memref<32768x1024xf32, #tpu.memory_space<hbm>>) dst(%arg11 : memref<32x1024xf32, #tpu.memory_space<vmem>>)
    %add3A_1218 = arith.addi %mul3A_0, %mul3A_777 : i32
    %add3A_1219 = arith.constant 640 : i32
    %add3A_1220 = arith.addi %add3A_1218, %add3A_1219 : i32
    %dma_start3A_1221 = arith.constant 0 : i32
    %dma_start3A_1222 = tpu.memref_slice %arg5[%add3A_1220, %dma_start3A_1221] : memref<32768x1024xf32, #tpu.memory_space<hbm>> -> memref<32x1024xf32, #tpu.memory_space<hbm>>
    %dma_start3A_1223 = arith.constant 0 : i32
    %dma_start3A_1224 = tpu.memref_slice %arg5[%add3A_1220, %dma_start3A_1223] : memref<32768x1024xf32, #tpu.memory_space<hbm>> -> memref<32x1024xf32, #tpu.memory_space<hbm>>
    tpu.enqueue_dma source(%arg11 : memref<32x1024xf32, #tpu.memory_space<vmem>>) target(%dma_start3A_1224 : memref<32x1024xf32, #tpu.memory_space<hbm>>) target_semaphore(%arg17 : memref<!tpu.dma_semaphore, #tpu.memory_space<semaphore_mem>>)
    %dma_wait3A_1225 = arith.constant 0 : i32
    %dma_wait3A_1226 = tpu.memref_slice %arg5[%add3A_1220, %dma_wait3A_1225] : memref<32768x1024xf32, #tpu.memory_space<hbm>> -> memref<32x1024xf32, #tpu.memory_space<hbm>>
    %dma_wait3A_1227 = arith.constant 0 : i32
    %dma_wait3A_1228 = tpu.memref_slice %arg5[%add3A_1220, %dma_wait3A_1227] : memref<32768x1024xf32, #tpu.memory_space<hbm>> -> memref<32x1024xf32, #tpu.memory_space<hbm>>
    tpu.wait_dma2 semaphore(%arg17 : memref<!tpu.dma_semaphore, #tpu.memory_space<semaphore_mem>>) src(%arg11 : memref<32x1024xf32, #tpu.memory_space<vmem>>) dst(%dma_wait3A_1228 : memref<32x1024xf32, #tpu.memory_space<hbm>>)
    %add3A_1229 = arith.constant 736 : i32
    %add3A_1230 = arith.addi %mul3A_777, %add3A_1229 : i32
    %dma_start3A_1231 = tpu.memref_slice %arg6[%add3A_1230] : memref<2064xi32, #tpu.memory_space<vmem>> -> memref<32xi32, #tpu.memory_space<vmem>>
    %dma_start3A_1232 = arith.constant 0 : i32
    %dma_start3A_1233 = arith.constant 0 : i32
    %dma_start3A_1234 = tpu.memref_slice %arg2[%dma_start3A_1232, %dma_start3A_1233] : memref<32768x1024xf32, #tpu.memory_space<hbm>> -> memref<32768x1024xf32, #tpu.memory_space<hbm>>
    tpu.enqueue_indirect_dma source(%dma_start3A_1234 : memref<32768x1024xf32, #tpu.memory_space<hbm>>) target(%arg11 : memref<32x1024xf32, #tpu.memory_space<vmem>>) offsets(%dma_start3A_1231 : memref<32xi32, #tpu.memory_space<vmem>>) semaphore(%arg14 : memref<!tpu.dma_semaphore, #tpu.memory_space<semaphore_mem>>)
    %dma_wait3A_1235 = tpu.memref_slice %arg6[%add3A_1188] : memref<2064xi32, #tpu.memory_space<vmem>> -> memref<32xi32, #tpu.memory_space<vmem>>
    %dma_wait3A_1236 = arith.constant 0 : i32
    %dma_wait3A_1237 = arith.constant 0 : i32
    %dma_wait3A_1238 = tpu.memref_slice %arg2[%dma_wait3A_1236, %dma_wait3A_1237] : memref<32768x1024xf32, #tpu.memory_space<hbm>> -> memref<32768x1024xf32, #tpu.memory_space<hbm>>
    tpu.wait_indirect_dma semaphore(%arg12 : memref<!tpu.dma_semaphore, #tpu.memory_space<semaphore_mem>>) src(%dma_wait3A_1238 : memref<32768x1024xf32, #tpu.memory_space<hbm>>) dst(%arg9 : memref<32x1024xf32, #tpu.memory_space<vmem>>)
    %add3A_1239 = arith.addi %mul3A_0, %mul3A_777 : i32
    %add3A_1240 = arith.constant 672 : i32
    %add3A_1241 = arith.addi %add3A_1239, %add3A_1240 : i32
    %dma_start3A_1242 = arith.constant 0 : i32
    %dma_start3A_1243 = tpu.memref_slice %arg5[%add3A_1241, %dma_start3A_1242] : memref<32768x1024xf32, #tpu.memory_space<hbm>> -> memref<32x1024xf32, #tpu.memory_space<hbm>>
    %dma_start3A_1244 = arith.constant 0 : i32
    %dma_start3A_1245 = tpu.memref_slice %arg5[%add3A_1241, %dma_start3A_1244] : memref<32768x1024xf32, #tpu.memory_space<hbm>> -> memref<32x1024xf32, #tpu.memory_space<hbm>>
    tpu.enqueue_dma source(%arg9 : memref<32x1024xf32, #tpu.memory_space<vmem>>) target(%dma_start3A_1245 : memref<32x1024xf32, #tpu.memory_space<hbm>>) target_semaphore(%arg15 : memref<!tpu.dma_semaphore, #tpu.memory_space<semaphore_mem>>)
    %dma_wait3A_1246 = arith.constant 0 : i32
    %dma_wait3A_1247 = tpu.memref_slice %arg5[%add3A_1241, %dma_wait3A_1246] : memref<32768x1024xf32, #tpu.memory_space<hbm>> -> memref<32x1024xf32, #tpu.memory_space<hbm>>
    %dma_wait3A_1248 = arith.constant 0 : i32
    %dma_wait3A_1249 = tpu.memref_slice %arg5[%add3A_1241, %dma_wait3A_1248] : memref<32768x1024xf32, #tpu.memory_space<hbm>> -> memref<32x1024xf32, #tpu.memory_space<hbm>>
    tpu.wait_dma2 semaphore(%arg15 : memref<!tpu.dma_semaphore, #tpu.memory_space<semaphore_mem>>) src(%arg9 : memref<32x1024xf32, #tpu.memory_space<vmem>>) dst(%dma_wait3A_1249 : memref<32x1024xf32, #tpu.memory_space<hbm>>)
    %add3A_1250 = arith.constant 768 : i32
    %add3A_1251 = arith.addi %mul3A_777, %add3A_1250 : i32
    %dma_start3A_1252 = tpu.memref_slice %arg6[%add3A_1251] : memref<2064xi32, #tpu.memory_space<vmem>> -> memref<32xi32, #tpu.memory_space<vmem>>
    %dma_start3A_1253 = arith.constant 0 : i32
    %dma_start3A_1254 = arith.constant 0 : i32
    %dma_start3A_1255 = tpu.memref_slice %arg2[%dma_start3A_1253, %dma_start3A_1254] : memref<32768x1024xf32, #tpu.memory_space<hbm>> -> memref<32768x1024xf32, #tpu.memory_space<hbm>>
    tpu.enqueue_indirect_dma source(%dma_start3A_1255 : memref<32768x1024xf32, #tpu.memory_space<hbm>>) target(%arg9 : memref<32x1024xf32, #tpu.memory_space<vmem>>) offsets(%dma_start3A_1252 : memref<32xi32, #tpu.memory_space<vmem>>) semaphore(%arg12 : memref<!tpu.dma_semaphore, #tpu.memory_space<semaphore_mem>>)
    %dma_wait3A_1256 = tpu.memref_slice %arg6[%add3A_1209] : memref<2064xi32, #tpu.memory_space<vmem>> -> memref<32xi32, #tpu.memory_space<vmem>>
    %dma_wait3A_1257 = arith.constant 0 : i32
    %dma_wait3A_1258 = arith.constant 0 : i32
    %dma_wait3A_1259 = tpu.memref_slice %arg2[%dma_wait3A_1257, %dma_wait3A_1258] : memref<32768x1024xf32, #tpu.memory_space<hbm>> -> memref<32768x1024xf32, #tpu.memory_space<hbm>>
    tpu.wait_indirect_dma semaphore(%arg13 : memref<!tpu.dma_semaphore, #tpu.memory_space<semaphore_mem>>) src(%dma_wait3A_1259 : memref<32768x1024xf32, #tpu.memory_space<hbm>>) dst(%arg10 : memref<32x1024xf32, #tpu.memory_space<vmem>>)
    %add3A_1260 = arith.addi %mul3A_0, %mul3A_777 : i32
    %add3A_1261 = arith.constant 704 : i32
    %add3A_1262 = arith.addi %add3A_1260, %add3A_1261 : i32
    %dma_start3A_1263 = arith.constant 0 : i32
    %dma_start3A_1264 = tpu.memref_slice %arg5[%add3A_1262, %dma_start3A_1263] : memref<32768x1024xf32, #tpu.memory_space<hbm>> -> memref<32x1024xf32, #tpu.memory_space<hbm>>
    %dma_start3A_1265 = arith.constant 0 : i32
    %dma_start3A_1266 = tpu.memref_slice %arg5[%add3A_1262, %dma_start3A_1265] : memref<32768x1024xf32, #tpu.memory_space<hbm>> -> memref<32x1024xf32, #tpu.memory_space<hbm>>
    tpu.enqueue_dma source(%arg10 : memref<32x1024xf32, #tpu.memory_space<vmem>>) target(%dma_start3A_1266 : memref<32x1024xf32, #tpu.memory_space<hbm>>) target_semaphore(%arg16 : memref<!tpu.dma_semaphore, #tpu.memory_space<semaphore_mem>>)
    %dma_wait3A_1267 = arith.constant 0 : i32
    %dma_wait3A_1268 = tpu.memref_slice %arg5[%add3A_1262, %dma_wait3A_1267] : memref<32768x1024xf32, #tpu.memory_space<hbm>> -> memref<32x1024xf32, #tpu.memory_space<hbm>>
    %dma_wait3A_1269 = arith.constant 0 : i32
    %dma_wait3A_1270 = tpu.memref_slice %arg5[%add3A_1262, %dma_wait3A_1269] : memref<32768x1024xf32, #tpu.memory_space<hbm>> -> memref<32x1024xf32, #tpu.memory_space<hbm>>
    tpu.wait_dma2 semaphore(%arg16 : memref<!tpu.dma_semaphore, #tpu.memory_space<semaphore_mem>>) src(%arg10 : memref<32x1024xf32, #tpu.memory_space<vmem>>) dst(%dma_wait3A_1270 : memref<32x1024xf32, #tpu.memory_space<hbm>>)
    %add3A_1271 = arith.constant 800 : i32
    %add3A_1272 = arith.addi %mul3A_777, %add3A_1271 : i32
    %dma_start3A_1273 = tpu.memref_slice %arg6[%add3A_1272] : memref<2064xi32, #tpu.memory_space<vmem>> -> memref<32xi32, #tpu.memory_space<vmem>>
    %dma_start3A_1274 = arith.constant 0 : i32
    %dma_start3A_1275 = arith.constant 0 : i32
    %dma_start3A_1276 = tpu.memref_slice %arg2[%dma_start3A_1274, %dma_start3A_1275] : memref<32768x1024xf32, #tpu.memory_space<hbm>> -> memref<32768x1024xf32, #tpu.memory_space<hbm>>
    tpu.enqueue_indirect_dma source(%dma_start3A_1276 : memref<32768x1024xf32, #tpu.memory_space<hbm>>) target(%arg10 : memref<32x1024xf32, #tpu.memory_space<vmem>>) offsets(%dma_start3A_1273 : memref<32xi32, #tpu.memory_space<vmem>>) semaphore(%arg13 : memref<!tpu.dma_semaphore, #tpu.memory_space<semaphore_mem>>)
    %dma_wait3A_1277 = tpu.memref_slice %arg6[%add3A_1230] : memref<2064xi32, #tpu.memory_space<vmem>> -> memref<32xi32, #tpu.memory_space<vmem>>
    %dma_wait3A_1278 = arith.constant 0 : i32
    %dma_wait3A_1279 = arith.constant 0 : i32
    %dma_wait3A_1280 = tpu.memref_slice %arg2[%dma_wait3A_1278, %dma_wait3A_1279] : memref<32768x1024xf32, #tpu.memory_space<hbm>> -> memref<32768x1024xf32, #tpu.memory_space<hbm>>
    tpu.wait_indirect_dma semaphore(%arg14 : memref<!tpu.dma_semaphore, #tpu.memory_space<semaphore_mem>>) src(%dma_wait3A_1280 : memref<32768x1024xf32, #tpu.memory_space<hbm>>) dst(%arg11 : memref<32x1024xf32, #tpu.memory_space<vmem>>)
    %add3A_1281 = arith.addi %mul3A_0, %mul3A_777 : i32
    %add3A_1282 = arith.constant 736 : i32
    %add3A_1283 = arith.addi %add3A_1281, %add3A_1282 : i32
    %dma_start3A_1284 = arith.constant 0 : i32
    %dma_start3A_1285 = tpu.memref_slice %arg5[%add3A_1283, %dma_start3A_1284] : memref<32768x1024xf32, #tpu.memory_space<hbm>> -> memref<32x1024xf32, #tpu.memory_space<hbm>>
    %dma_start3A_1286 = arith.constant 0 : i32
    %dma_start3A_1287 = tpu.memref_slice %arg5[%add3A_1283, %dma_start3A_1286] : memref<32768x1024xf32, #tpu.memory_space<hbm>> -> memref<32x1024xf32, #tpu.memory_space<hbm>>
    tpu.enqueue_dma source(%arg11 : memref<32x1024xf32, #tpu.memory_space<vmem>>) target(%dma_start3A_1287 : memref<32x1024xf32, #tpu.memory_space<hbm>>) target_semaphore(%arg17 : memref<!tpu.dma_semaphore, #tpu.memory_space<semaphore_mem>>)
    %dma_wait3A_1288 = arith.constant 0 : i32
    %dma_wait3A_1289 = tpu.memref_slice %arg5[%add3A_1283, %dma_wait3A_1288] : memref<32768x1024xf32, #tpu.memory_space<hbm>> -> memref<32x1024xf32, #tpu.memory_space<hbm>>
    %dma_wait3A_1290 = arith.constant 0 : i32
    %dma_wait3A_1291 = tpu.memref_slice %arg5[%add3A_1283, %dma_wait3A_1290] : memref<32768x1024xf32, #tpu.memory_space<hbm>> -> memref<32x1024xf32, #tpu.memory_space<hbm>>
    tpu.wait_dma2 semaphore(%arg17 : memref<!tpu.dma_semaphore, #tpu.memory_space<semaphore_mem>>) src(%arg11 : memref<32x1024xf32, #tpu.memory_space<vmem>>) dst(%dma_wait3A_1291 : memref<32x1024xf32, #tpu.memory_space<hbm>>)
    %add3A_1292 = arith.constant 832 : i32
    %add3A_1293 = arith.addi %mul3A_777, %add3A_1292 : i32
    %dma_start3A_1294 = tpu.memref_slice %arg6[%add3A_1293] : memref<2064xi32, #tpu.memory_space<vmem>> -> memref<32xi32, #tpu.memory_space<vmem>>
    %dma_start3A_1295 = arith.constant 0 : i32
    %dma_start3A_1296 = arith.constant 0 : i32
    %dma_start3A_1297 = tpu.memref_slice %arg2[%dma_start3A_1295, %dma_start3A_1296] : memref<32768x1024xf32, #tpu.memory_space<hbm>> -> memref<32768x1024xf32, #tpu.memory_space<hbm>>
    tpu.enqueue_indirect_dma source(%dma_start3A_1297 : memref<32768x1024xf32, #tpu.memory_space<hbm>>) target(%arg11 : memref<32x1024xf32, #tpu.memory_space<vmem>>) offsets(%dma_start3A_1294 : memref<32xi32, #tpu.memory_space<vmem>>) semaphore(%arg14 : memref<!tpu.dma_semaphore, #tpu.memory_space<semaphore_mem>>)
    %dma_wait3A_1298 = tpu.memref_slice %arg6[%add3A_1251] : memref<2064xi32, #tpu.memory_space<vmem>> -> memref<32xi32, #tpu.memory_space<vmem>>
    %dma_wait3A_1299 = arith.constant 0 : i32
    %dma_wait3A_1300 = arith.constant 0 : i32
    %dma_wait3A_1301 = tpu.memref_slice %arg2[%dma_wait3A_1299, %dma_wait3A_1300] : memref<32768x1024xf32, #tpu.memory_space<hbm>> -> memref<32768x1024xf32, #tpu.memory_space<hbm>>
    tpu.wait_indirect_dma semaphore(%arg12 : memref<!tpu.dma_semaphore, #tpu.memory_space<semaphore_mem>>) src(%dma_wait3A_1301 : memref<32768x1024xf32, #tpu.memory_space<hbm>>) dst(%arg9 : memref<32x1024xf32, #tpu.memory_space<vmem>>)
    %add3A_1302 = arith.addi %mul3A_0, %mul3A_777 : i32
    %add3A_1303 = arith.constant 768 : i32
    %add3A_1304 = arith.addi %add3A_1302, %add3A_1303 : i32
    %dma_start3A_1305 = arith.constant 0 : i32
    %dma_start3A_1306 = tpu.memref_slice %arg5[%add3A_1304, %dma_start3A_1305] : memref<32768x1024xf32, #tpu.memory_space<hbm>> -> memref<32x1024xf32, #tpu.memory_space<hbm>>
    %dma_start3A_1307 = arith.constant 0 : i32
    %dma_start3A_1308 = tpu.memref_slice %arg5[%add3A_1304, %dma_start3A_1307] : memref<32768x1024xf32, #tpu.memory_space<hbm>> -> memref<32x1024xf32, #tpu.memory_space<hbm>>
    tpu.enqueue_dma source(%arg9 : memref<32x1024xf32, #tpu.memory_space<vmem>>) target(%dma_start3A_1308 : memref<32x1024xf32, #tpu.memory_space<hbm>>) target_semaphore(%arg15 : memref<!tpu.dma_semaphore, #tpu.memory_space<semaphore_mem>>)
    %dma_wait3A_1309 = arith.constant 0 : i32
    %dma_wait3A_1310 = tpu.memref_slice %arg5[%add3A_1304, %dma_wait3A_1309] : memref<32768x1024xf32, #tpu.memory_space<hbm>> -> memref<32x1024xf32, #tpu.memory_space<hbm>>
    %dma_wait3A_1311 = arith.constant 0 : i32
    %dma_wait3A_1312 = tpu.memref_slice %arg5[%add3A_1304, %dma_wait3A_1311] : memref<32768x1024xf32, #tpu.memory_space<hbm>> -> memref<32x1024xf32, #tpu.memory_space<hbm>>
    tpu.wait_dma2 semaphore(%arg15 : memref<!tpu.dma_semaphore, #tpu.memory_space<semaphore_mem>>) src(%arg9 : memref<32x1024xf32, #tpu.memory_space<vmem>>) dst(%dma_wait3A_1312 : memref<32x1024xf32, #tpu.memory_space<hbm>>)
    %add3A_1313 = arith.constant 864 : i32
    %add3A_1314 = arith.addi %mul3A_777, %add3A_1313 : i32
    %dma_start3A_1315 = tpu.memref_slice %arg6[%add3A_1314] : memref<2064xi32, #tpu.memory_space<vmem>> -> memref<32xi32, #tpu.memory_space<vmem>>
    %dma_start3A_1316 = arith.constant 0 : i32
    %dma_start3A_1317 = arith.constant 0 : i32
    %dma_start3A_1318 = tpu.memref_slice %arg2[%dma_start3A_1316, %dma_start3A_1317] : memref<32768x1024xf32, #tpu.memory_space<hbm>> -> memref<32768x1024xf32, #tpu.memory_space<hbm>>
    tpu.enqueue_indirect_dma source(%dma_start3A_1318 : memref<32768x1024xf32, #tpu.memory_space<hbm>>) target(%arg9 : memref<32x1024xf32, #tpu.memory_space<vmem>>) offsets(%dma_start3A_1315 : memref<32xi32, #tpu.memory_space<vmem>>) semaphore(%arg12 : memref<!tpu.dma_semaphore, #tpu.memory_space<semaphore_mem>>)
    %dma_wait3A_1319 = tpu.memref_slice %arg6[%add3A_1272] : memref<2064xi32, #tpu.memory_space<vmem>> -> memref<32xi32, #tpu.memory_space<vmem>>
    %dma_wait3A_1320 = arith.constant 0 : i32
    %dma_wait3A_1321 = arith.constant 0 : i32
    %dma_wait3A_1322 = tpu.memref_slice %arg2[%dma_wait3A_1320, %dma_wait3A_1321] : memref<32768x1024xf32, #tpu.memory_space<hbm>> -> memref<32768x1024xf32, #tpu.memory_space<hbm>>
    tpu.wait_indirect_dma semaphore(%arg13 : memref<!tpu.dma_semaphore, #tpu.memory_space<semaphore_mem>>) src(%dma_wait3A_1322 : memref<32768x1024xf32, #tpu.memory_space<hbm>>) dst(%arg10 : memref<32x1024xf32, #tpu.memory_space<vmem>>)
    %add3A_1323 = arith.addi %mul3A_0, %mul3A_777 : i32
    %add3A_1324 = arith.constant 800 : i32
    %add3A_1325 = arith.addi %add3A_1323, %add3A_1324 : i32
    %dma_start3A_1326 = arith.constant 0 : i32
    %dma_start3A_1327 = tpu.memref_slice %arg5[%add3A_1325, %dma_start3A_1326] : memref<32768x1024xf32, #tpu.memory_space<hbm>> -> memref<32x1024xf32, #tpu.memory_space<hbm>>
    %dma_start3A_1328 = arith.constant 0 : i32
    %dma_start3A_1329 = tpu.memref_slice %arg5[%add3A_1325, %dma_start3A_1328] : memref<32768x1024xf32, #tpu.memory_space<hbm>> -> memref<32x1024xf32, #tpu.memory_space<hbm>>
    tpu.enqueue_dma source(%arg10 : memref<32x1024xf32, #tpu.memory_space<vmem>>) target(%dma_start3A_1329 : memref<32x1024xf32, #tpu.memory_space<hbm>>) target_semaphore(%arg16 : memref<!tpu.dma_semaphore, #tpu.memory_space<semaphore_mem>>)
    %dma_wait3A_1330 = arith.constant 0 : i32
    %dma_wait3A_1331 = tpu.memref_slice %arg5[%add3A_1325, %dma_wait3A_1330] : memref<32768x1024xf32, #tpu.memory_space<hbm>> -> memref<32x1024xf32, #tpu.memory_space<hbm>>
    %dma_wait3A_1332 = arith.constant 0 : i32
    %dma_wait3A_1333 = tpu.memref_slice %arg5[%add3A_1325, %dma_wait3A_1332] : memref<32768x1024xf32, #tpu.memory_space<hbm>> -> memref<32x1024xf32, #tpu.memory_space<hbm>>
    tpu.wait_dma2 semaphore(%arg16 : memref<!tpu.dma_semaphore, #tpu.memory_space<semaphore_mem>>) src(%arg10 : memref<32x1024xf32, #tpu.memory_space<vmem>>) dst(%dma_wait3A_1333 : memref<32x1024xf32, #tpu.memory_space<hbm>>)
    %add3A_1334 = arith.constant 896 : i32
    %add3A_1335 = arith.addi %mul3A_777, %add3A_1334 : i32
    %dma_start3A_1336 = tpu.memref_slice %arg6[%add3A_1335] : memref<2064xi32, #tpu.memory_space<vmem>> -> memref<32xi32, #tpu.memory_space<vmem>>
    %dma_start3A_1337 = arith.constant 0 : i32
    %dma_start3A_1338 = arith.constant 0 : i32
    %dma_start3A_1339 = tpu.memref_slice %arg2[%dma_start3A_1337, %dma_start3A_1338] : memref<32768x1024xf32, #tpu.memory_space<hbm>> -> memref<32768x1024xf32, #tpu.memory_space<hbm>>
    tpu.enqueue_indirect_dma source(%dma_start3A_1339 : memref<32768x1024xf32, #tpu.memory_space<hbm>>) target(%arg10 : memref<32x1024xf32, #tpu.memory_space<vmem>>) offsets(%dma_start3A_1336 : memref<32xi32, #tpu.memory_space<vmem>>) semaphore(%arg13 : memref<!tpu.dma_semaphore, #tpu.memory_space<semaphore_mem>>)
    %dma_wait3A_1340 = tpu.memref_slice %arg6[%add3A_1293] : memref<2064xi32, #tpu.memory_space<vmem>> -> memref<32xi32, #tpu.memory_space<vmem>>
    %dma_wait3A_1341 = arith.constant 0 : i32
    %dma_wait3A_1342 = arith.constant 0 : i32
    %dma_wait3A_1343 = tpu.memref_slice %arg2[%dma_wait3A_1341, %dma_wait3A_1342] : memref<32768x1024xf32, #tpu.memory_space<hbm>> -> memref<32768x1024xf32, #tpu.memory_space<hbm>>
    tpu.wait_indirect_dma semaphore(%arg14 : memref<!tpu.dma_semaphore, #tpu.memory_space<semaphore_mem>>) src(%dma_wait3A_1343 : memref<32768x1024xf32, #tpu.memory_space<hbm>>) dst(%arg11 : memref<32x1024xf32, #tpu.memory_space<vmem>>)
    %add3A_1344 = arith.addi %mul3A_0, %mul3A_777 : i32
    %add3A_1345 = arith.constant 832 : i32
    %add3A_1346 = arith.addi %add3A_1344, %add3A_1345 : i32
    %dma_start3A_1347 = arith.constant 0 : i32
    %dma_start3A_1348 = tpu.memref_slice %arg5[%add3A_1346, %dma_start3A_1347] : memref<32768x1024xf32, #tpu.memory_space<hbm>> -> memref<32x1024xf32, #tpu.memory_space<hbm>>
    %dma_start3A_1349 = arith.constant 0 : i32
    %dma_start3A_1350 = tpu.memref_slice %arg5[%add3A_1346, %dma_start3A_1349] : memref<32768x1024xf32, #tpu.memory_space<hbm>> -> memref<32x1024xf32, #tpu.memory_space<hbm>>
    tpu.enqueue_dma source(%arg11 : memref<32x1024xf32, #tpu.memory_space<vmem>>) target(%dma_start3A_1350 : memref<32x1024xf32, #tpu.memory_space<hbm>>) target_semaphore(%arg17 : memref<!tpu.dma_semaphore, #tpu.memory_space<semaphore_mem>>)
    %dma_wait3A_1351 = arith.constant 0 : i32
    %dma_wait3A_1352 = tpu.memref_slice %arg5[%add3A_1346, %dma_wait3A_1351] : memref<32768x1024xf32, #tpu.memory_space<hbm>> -> memref<32x1024xf32, #tpu.memory_space<hbm>>
    %dma_wait3A_1353 = arith.constant 0 : i32
    %dma_wait3A_1354 = tpu.memref_slice %arg5[%add3A_1346, %dma_wait3A_1353] : memref<32768x1024xf32, #tpu.memory_space<hbm>> -> memref<32x1024xf32, #tpu.memory_space<hbm>>
    tpu.wait_dma2 semaphore(%arg17 : memref<!tpu.dma_semaphore, #tpu.memory_space<semaphore_mem>>) src(%arg11 : memref<32x1024xf32, #tpu.memory_space<vmem>>) dst(%dma_wait3A_1354 : memref<32x1024xf32, #tpu.memory_space<hbm>>)
    %add3A_1355 = arith.constant 928 : i32
    %add3A_1356 = arith.addi %mul3A_777, %add3A_1355 : i32
    %dma_start3A_1357 = tpu.memref_slice %arg6[%add3A_1356] : memref<2064xi32, #tpu.memory_space<vmem>> -> memref<32xi32, #tpu.memory_space<vmem>>
    %dma_start3A_1358 = arith.constant 0 : i32
    %dma_start3A_1359 = arith.constant 0 : i32
    %dma_start3A_1360 = tpu.memref_slice %arg2[%dma_start3A_1358, %dma_start3A_1359] : memref<32768x1024xf32, #tpu.memory_space<hbm>> -> memref<32768x1024xf32, #tpu.memory_space<hbm>>
    tpu.enqueue_indirect_dma source(%dma_start3A_1360 : memref<32768x1024xf32, #tpu.memory_space<hbm>>) target(%arg11 : memref<32x1024xf32, #tpu.memory_space<vmem>>) offsets(%dma_start3A_1357 : memref<32xi32, #tpu.memory_space<vmem>>) semaphore(%arg14 : memref<!tpu.dma_semaphore, #tpu.memory_space<semaphore_mem>>)
    %dma_wait3A_1361 = tpu.memref_slice %arg6[%add3A_1314] : memref<2064xi32, #tpu.memory_space<vmem>> -> memref<32xi32, #tpu.memory_space<vmem>>
    %dma_wait3A_1362 = arith.constant 0 : i32
    %dma_wait3A_1363 = arith.constant 0 : i32
    %dma_wait3A_1364 = tpu.memref_slice %arg2[%dma_wait3A_1362, %dma_wait3A_1363] : memref<32768x1024xf32, #tpu.memory_space<hbm>> -> memref<32768x1024xf32, #tpu.memory_space<hbm>>
    tpu.wait_indirect_dma semaphore(%arg12 : memref<!tpu.dma_semaphore, #tpu.memory_space<semaphore_mem>>) src(%dma_wait3A_1364 : memref<32768x1024xf32, #tpu.memory_space<hbm>>) dst(%arg9 : memref<32x1024xf32, #tpu.memory_space<vmem>>)
    %add3A_1365 = arith.addi %mul3A_0, %mul3A_777 : i32
    %add3A_1366 = arith.constant 864 : i32
    %add3A_1367 = arith.addi %add3A_1365, %add3A_1366 : i32
    %dma_start3A_1368 = arith.constant 0 : i32
    %dma_start3A_1369 = tpu.memref_slice %arg5[%add3A_1367, %dma_start3A_1368] : memref<32768x1024xf32, #tpu.memory_space<hbm>> -> memref<32x1024xf32, #tpu.memory_space<hbm>>
    %dma_start3A_1370 = arith.constant 0 : i32
    %dma_start3A_1371 = tpu.memref_slice %arg5[%add3A_1367, %dma_start3A_1370] : memref<32768x1024xf32, #tpu.memory_space<hbm>> -> memref<32x1024xf32, #tpu.memory_space<hbm>>
    tpu.enqueue_dma source(%arg9 : memref<32x1024xf32, #tpu.memory_space<vmem>>) target(%dma_start3A_1371 : memref<32x1024xf32, #tpu.memory_space<hbm>>) target_semaphore(%arg15 : memref<!tpu.dma_semaphore, #tpu.memory_space<semaphore_mem>>)
    %dma_wait3A_1372 = arith.constant 0 : i32
    %dma_wait3A_1373 = tpu.memref_slice %arg5[%add3A_1367, %dma_wait3A_1372] : memref<32768x1024xf32, #tpu.memory_space<hbm>> -> memref<32x1024xf32, #tpu.memory_space<hbm>>
    %dma_wait3A_1374 = arith.constant 0 : i32
    %dma_wait3A_1375 = tpu.memref_slice %arg5[%add3A_1367, %dma_wait3A_1374] : memref<32768x1024xf32, #tpu.memory_space<hbm>> -> memref<32x1024xf32, #tpu.memory_space<hbm>>
    tpu.wait_dma2 semaphore(%arg15 : memref<!tpu.dma_semaphore, #tpu.memory_space<semaphore_mem>>) src(%arg9 : memref<32x1024xf32, #tpu.memory_space<vmem>>) dst(%dma_wait3A_1375 : memref<32x1024xf32, #tpu.memory_space<hbm>>)
    %add3A_1376 = arith.constant 960 : i32
    %add3A_1377 = arith.addi %mul3A_777, %add3A_1376 : i32
    %dma_start3A_1378 = tpu.memref_slice %arg6[%add3A_1377] : memref<2064xi32, #tpu.memory_space<vmem>> -> memref<32xi32, #tpu.memory_space<vmem>>
    %dma_start3A_1379 = arith.constant 0 : i32
    %dma_start3A_1380 = arith.constant 0 : i32
    %dma_start3A_1381 = tpu.memref_slice %arg2[%dma_start3A_1379, %dma_start3A_1380] : memref<32768x1024xf32, #tpu.memory_space<hbm>> -> memref<32768x1024xf32, #tpu.memory_space<hbm>>
    tpu.enqueue_indirect_dma source(%dma_start3A_1381 : memref<32768x1024xf32, #tpu.memory_space<hbm>>) target(%arg9 : memref<32x1024xf32, #tpu.memory_space<vmem>>) offsets(%dma_start3A_1378 : memref<32xi32, #tpu.memory_space<vmem>>) semaphore(%arg12 : memref<!tpu.dma_semaphore, #tpu.memory_space<semaphore_mem>>)
    %dma_wait3A_1382 = tpu.memref_slice %arg6[%add3A_1335] : memref<2064xi32, #tpu.memory_space<vmem>> -> memref<32xi32, #tpu.memory_space<vmem>>
    %dma_wait3A_1383 = arith.constant 0 : i32
    %dma_wait3A_1384 = arith.constant 0 : i32
    %dma_wait3A_1385 = tpu.memref_slice %arg2[%dma_wait3A_1383, %dma_wait3A_1384] : memref<32768x1024xf32, #tpu.memory_space<hbm>> -> memref<32768x1024xf32, #tpu.memory_space<hbm>>
    tpu.wait_indirect_dma semaphore(%arg13 : memref<!tpu.dma_semaphore, #tpu.memory_space<semaphore_mem>>) src(%dma_wait3A_1385 : memref<32768x1024xf32, #tpu.memory_space<hbm>>) dst(%arg10 : memref<32x1024xf32, #tpu.memory_space<vmem>>)
    %add3A_1386 = arith.addi %mul3A_0, %mul3A_777 : i32
    %add3A_1387 = arith.constant 896 : i32
    %add3A_1388 = arith.addi %add3A_1386, %add3A_1387 : i32
    %dma_start3A_1389 = arith.constant 0 : i32
    %dma_start3A_1390 = tpu.memref_slice %arg5[%add3A_1388, %dma_start3A_1389] : memref<32768x1024xf32, #tpu.memory_space<hbm>> -> memref<32x1024xf32, #tpu.memory_space<hbm>>
    %dma_start3A_1391 = arith.constant 0 : i32
    %dma_start3A_1392 = tpu.memref_slice %arg5[%add3A_1388, %dma_start3A_1391] : memref<32768x1024xf32, #tpu.memory_space<hbm>> -> memref<32x1024xf32, #tpu.memory_space<hbm>>
    tpu.enqueue_dma source(%arg10 : memref<32x1024xf32, #tpu.memory_space<vmem>>) target(%dma_start3A_1392 : memref<32x1024xf32, #tpu.memory_space<hbm>>) target_semaphore(%arg16 : memref<!tpu.dma_semaphore, #tpu.memory_space<semaphore_mem>>)
    %dma_wait3A_1393 = arith.constant 0 : i32
    %dma_wait3A_1394 = tpu.memref_slice %arg5[%add3A_1388, %dma_wait3A_1393] : memref<32768x1024xf32, #tpu.memory_space<hbm>> -> memref<32x1024xf32, #tpu.memory_space<hbm>>
    %dma_wait3A_1395 = arith.constant 0 : i32
    %dma_wait3A_1396 = tpu.memref_slice %arg5[%add3A_1388, %dma_wait3A_1395] : memref<32768x1024xf32, #tpu.memory_space<hbm>> -> memref<32x1024xf32, #tpu.memory_space<hbm>>
    tpu.wait_dma2 semaphore(%arg16 : memref<!tpu.dma_semaphore, #tpu.memory_space<semaphore_mem>>) src(%arg10 : memref<32x1024xf32, #tpu.memory_space<vmem>>) dst(%dma_wait3A_1396 : memref<32x1024xf32, #tpu.memory_space<hbm>>)
    %add3A_1397 = arith.constant 992 : i32
    %add3A_1398 = arith.addi %mul3A_777, %add3A_1397 : i32
    %dma_start3A_1399 = tpu.memref_slice %arg6[%add3A_1398] : memref<2064xi32, #tpu.memory_space<vmem>> -> memref<32xi32, #tpu.memory_space<vmem>>
    %dma_start3A_1400 = arith.constant 0 : i32
    %dma_start3A_1401 = arith.constant 0 : i32
    %dma_start3A_1402 = tpu.memref_slice %arg2[%dma_start3A_1400, %dma_start3A_1401] : memref<32768x1024xf32, #tpu.memory_space<hbm>> -> memref<32768x1024xf32, #tpu.memory_space<hbm>>
    tpu.enqueue_indirect_dma source(%dma_start3A_1402 : memref<32768x1024xf32, #tpu.memory_space<hbm>>) target(%arg10 : memref<32x1024xf32, #tpu.memory_space<vmem>>) offsets(%dma_start3A_1399 : memref<32xi32, #tpu.memory_space<vmem>>) semaphore(%arg13 : memref<!tpu.dma_semaphore, #tpu.memory_space<semaphore_mem>>)
    %dma_wait3A_1403 = tpu.memref_slice %arg6[%add3A_1356] : memref<2064xi32, #tpu.memory_space<vmem>> -> memref<32xi32, #tpu.memory_space<vmem>>
    %dma_wait3A_1404 = arith.constant 0 : i32
    %dma_wait3A_1405 = arith.constant 0 : i32
    %dma_wait3A_1406 = tpu.memref_slice %arg2[%dma_wait3A_1404, %dma_wait3A_1405] : memref<32768x1024xf32, #tpu.memory_space<hbm>> -> memref<32768x1024xf32, #tpu.memory_space<hbm>>
    tpu.wait_indirect_dma semaphore(%arg14 : memref<!tpu.dma_semaphore, #tpu.memory_space<semaphore_mem>>) src(%dma_wait3A_1406 : memref<32768x1024xf32, #tpu.memory_space<hbm>>) dst(%arg11 : memref<32x1024xf32, #tpu.memory_space<vmem>>)
    %add3A_1407 = arith.addi %mul3A_0, %mul3A_777 : i32
    %add3A_1408 = arith.constant 928 : i32
    %add3A_1409 = arith.addi %add3A_1407, %add3A_1408 : i32
    %dma_start3A_1410 = arith.constant 0 : i32
    %dma_start3A_1411 = tpu.memref_slice %arg5[%add3A_1409, %dma_start3A_1410] : memref<32768x1024xf32, #tpu.memory_space<hbm>> -> memref<32x1024xf32, #tpu.memory_space<hbm>>
    %dma_start3A_1412 = arith.constant 0 : i32
    %dma_start3A_1413 = tpu.memref_slice %arg5[%add3A_1409, %dma_start3A_1412] : memref<32768x1024xf32, #tpu.memory_space<hbm>> -> memref<32x1024xf32, #tpu.memory_space<hbm>>
    tpu.enqueue_dma source(%arg11 : memref<32x1024xf32, #tpu.memory_space<vmem>>) target(%dma_start3A_1413 : memref<32x1024xf32, #tpu.memory_space<hbm>>) target_semaphore(%arg17 : memref<!tpu.dma_semaphore, #tpu.memory_space<semaphore_mem>>)
    %dma_wait3A_1414 = tpu.memref_slice %arg6[%add3A_1377] : memref<2064xi32, #tpu.memory_space<vmem>> -> memref<32xi32, #tpu.memory_space<vmem>>
    %dma_wait3A_1415 = arith.constant 0 : i32
    %dma_wait3A_1416 = arith.constant 0 : i32
    %dma_wait3A_1417 = tpu.memref_slice %arg2[%dma_wait3A_1415, %dma_wait3A_1416] : memref<32768x1024xf32, #tpu.memory_space<hbm>> -> memref<32768x1024xf32, #tpu.memory_space<hbm>>
    tpu.wait_indirect_dma semaphore(%arg12 : memref<!tpu.dma_semaphore, #tpu.memory_space<semaphore_mem>>) src(%dma_wait3A_1417 : memref<32768x1024xf32, #tpu.memory_space<hbm>>) dst(%arg9 : memref<32x1024xf32, #tpu.memory_space<vmem>>)
    %add3A_1418 = arith.addi %mul3A_0, %mul3A_777 : i32
    %add3A_1419 = arith.constant 960 : i32
    %add3A_1420 = arith.addi %add3A_1418, %add3A_1419 : i32
    %dma_start3A_1421 = arith.constant 0 : i32
    %dma_start3A_1422 = tpu.memref_slice %arg5[%add3A_1420, %dma_start3A_1421] : memref<32768x1024xf32, #tpu.memory_space<hbm>> -> memref<32x1024xf32, #tpu.memory_space<hbm>>
    %dma_start3A_1423 = arith.constant 0 : i32
    %dma_start3A_1424 = tpu.memref_slice %arg5[%add3A_1420, %dma_start3A_1423] : memref<32768x1024xf32, #tpu.memory_space<hbm>> -> memref<32x1024xf32, #tpu.memory_space<hbm>>
    tpu.enqueue_dma source(%arg9 : memref<32x1024xf32, #tpu.memory_space<vmem>>) target(%dma_start3A_1424 : memref<32x1024xf32, #tpu.memory_space<hbm>>) target_semaphore(%arg15 : memref<!tpu.dma_semaphore, #tpu.memory_space<semaphore_mem>>)
    %dma_wait3A_1425 = tpu.memref_slice %arg6[%add3A_1398] : memref<2064xi32, #tpu.memory_space<vmem>> -> memref<32xi32, #tpu.memory_space<vmem>>
    %dma_wait3A_1426 = arith.constant 0 : i32
    %dma_wait3A_1427 = arith.constant 0 : i32
    %dma_wait3A_1428 = tpu.memref_slice %arg2[%dma_wait3A_1426, %dma_wait3A_1427] : memref<32768x1024xf32, #tpu.memory_space<hbm>> -> memref<32768x1024xf32, #tpu.memory_space<hbm>>
    tpu.wait_indirect_dma semaphore(%arg13 : memref<!tpu.dma_semaphore, #tpu.memory_space<semaphore_mem>>) src(%dma_wait3A_1428 : memref<32768x1024xf32, #tpu.memory_space<hbm>>) dst(%arg10 : memref<32x1024xf32, #tpu.memory_space<vmem>>)
    %add3A_1429 = arith.addi %mul3A_0, %mul3A_777 : i32
    %add3A_1430 = arith.constant 992 : i32
    %add3A_1431 = arith.addi %add3A_1429, %add3A_1430 : i32
    %dma_start3A_1432 = arith.constant 0 : i32
    %dma_start3A_1433 = tpu.memref_slice %arg5[%add3A_1431, %dma_start3A_1432] : memref<32768x1024xf32, #tpu.memory_space<hbm>> -> memref<32x1024xf32, #tpu.memory_space<hbm>>
    %dma_start3A_1434 = arith.constant 0 : i32
    %dma_start3A_1435 = tpu.memref_slice %arg5[%add3A_1431, %dma_start3A_1434] : memref<32768x1024xf32, #tpu.memory_space<hbm>> -> memref<32x1024xf32, #tpu.memory_space<hbm>>
    tpu.enqueue_dma source(%arg10 : memref<32x1024xf32, #tpu.memory_space<vmem>>) target(%dma_start3A_1435 : memref<32x1024xf32, #tpu.memory_space<hbm>>) target_semaphore(%arg16 : memref<!tpu.dma_semaphore, #tpu.memory_space<semaphore_mem>>)
    %dma_wait3A_1436 = arith.constant 0 : i32
    %dma_wait3A_1437 = tpu.memref_slice %arg5[%add3A_1409, %dma_wait3A_1436] : memref<32768x1024xf32, #tpu.memory_space<hbm>> -> memref<32x1024xf32, #tpu.memory_space<hbm>>
    %dma_wait3A_1438 = arith.constant 0 : i32
    %dma_wait3A_1439 = tpu.memref_slice %arg5[%add3A_1409, %dma_wait3A_1438] : memref<32768x1024xf32, #tpu.memory_space<hbm>> -> memref<32x1024xf32, #tpu.memory_space<hbm>>
    tpu.wait_dma2 semaphore(%arg17 : memref<!tpu.dma_semaphore, #tpu.memory_space<semaphore_mem>>) src(%arg11 : memref<32x1024xf32, #tpu.memory_space<vmem>>) dst(%dma_wait3A_1439 : memref<32x1024xf32, #tpu.memory_space<hbm>>)
    %dma_wait3A_1440 = arith.constant 0 : i32
    %dma_wait3A_1441 = tpu.memref_slice %arg5[%add3A_1420, %dma_wait3A_1440] : memref<32768x1024xf32, #tpu.memory_space<hbm>> -> memref<32x1024xf32, #tpu.memory_space<hbm>>
    %dma_wait3A_1442 = arith.constant 0 : i32
    %dma_wait3A_1443 = tpu.memref_slice %arg5[%add3A_1420, %dma_wait3A_1442] : memref<32768x1024xf32, #tpu.memory_space<hbm>> -> memref<32x1024xf32, #tpu.memory_space<hbm>>
    tpu.wait_dma2 semaphore(%arg15 : memref<!tpu.dma_semaphore, #tpu.memory_space<semaphore_mem>>) src(%arg9 : memref<32x1024xf32, #tpu.memory_space<vmem>>) dst(%dma_wait3A_1443 : memref<32x1024xf32, #tpu.memory_space<hbm>>)
    %dma_wait3A_1444 = arith.constant 0 : i32
    %dma_wait3A_1445 = tpu.memref_slice %arg5[%add3A_1431, %dma_wait3A_1444] : memref<32768x1024xf32, #tpu.memory_space<hbm>> -> memref<32x1024xf32, #tpu.memory_space<hbm>>
    %dma_wait3A_1446 = arith.constant 0 : i32
    %dma_wait3A_1447 = tpu.memref_slice %arg5[%add3A_1431, %dma_wait3A_1446] : memref<32768x1024xf32, #tpu.memory_space<hbm>> -> memref<32x1024xf32, #tpu.memory_space<hbm>>
    tpu.wait_dma2 semaphore(%arg16 : memref<!tpu.dma_semaphore, #tpu.memory_space<semaphore_mem>>) src(%arg10 : memref<32x1024xf32, #tpu.memory_space<vmem>>) dst(%dma_wait3A_1447 : memref<32x1024xf32, #tpu.memory_space<hbm>>)
    return
  }
}

</mosaic_0001>

<sc_bundles>
// kernel: kernel.3.cloned.1.call-start
scs
__scs_entry_jumppad:
0x0: {  	(pc) =	sbr.rel $0x88, $3  }
0x1: {  	(tag) =	ssettag $0x0;
	lr =	simm.s32 $0x1  }
0x2: {  	[smem:$0x3F9F] =	sst lr;
	_ =	strace $0xD0000000  }
0x3: {  	_ = 	snop  }
0x4: {  	_ = 	snop  }
0x5: {  	_ = 	snop  }
0x6: {  	_ = 	snop  }
0x7: {  	_ = 	snop  }
__scs_overlays_trampoline_lowered:
0x8: {  	[smem:$0x3FAE] =	sst s0  }
0x9: {  	[smem:$0x3FAF] =	sst s1  }
0xa: {  	[smem:$0x3FB0] =	sst s2  }
0xb: {  	[smem:$0x3FB1] =	sst s3  }
0xc: {  	[smem:$0x3FB2] =	sst s4  }
0xd: {  	[smem:$0x3FB3] =	sst s5  }
0xe: {  	[smem:$0x3FB4] =	sst s6  }
0xf: {  	[smem:$0x3FB5] =	sst s7  }
0x10: {  	[smem:$0x3FB6] =	sst s8  }
0x11: {  	[smem:$0x3FB7] =	sst s9;
	s0 =	simm.s32 @!p0 $0x0  }
0x12: {  	s1 =	sld [smem:$0x3F9D];
	s0 =	simm.s32 @p0 $0x1  }
0x13: {  	[smem:$0x3FB8] =	sst s0;
	s0 =	simm.s32 @!p1 $0x0  }
0x14: {  	s2 =	sld [smem:$0x3F9C];
	s0 =	simm.s32 @p1 $0x1  }
0x15: {  	[smem:$0x3FB9] =	sst s0;
	s0 =	simm.s32 @!p2 $0x0  }
0x16: {  	s3 =	sld [smem:$0x3FDB];
	s0 =	simm.s32 @p2 $0x1  }
0x17: {  	s4 =	simm.s32 $0x1BF5;
	[smem:$0x3FBB] =	sst s0  }
0x18: {  	s0 =	sld [smem:$0x3F9E];
	_ =	swait.ge [sflag:s4], $0x0  }
0x19: {  	s7 =	sld [smem:$0x3F9F]  }
0x1a: {  	s8 =	sadd.s32 $0xFFFFE003, lr  }
0x1b: {  	s9 =	sadd.s32 $0xFFFFFEF7, lr;
	s5 =	simm.s32 $0xFFFFFFFF;
	p2 =	slt.u32 s8, $0xFFFFF086  }
0x1c: {  	p1 =	slt.u32 s9, $0xF7A;
	s5 =	simm.s32 @!p2 $0x0  }
0x1d: {  	s5 =	simm.s32 @p1 $0x1;
	p0 =	seq.s32 s7, s2  }
0x1e: {  	s7 =	smul.u32 @!p0 $0xF7A, s2;
	p2 =	seq.s32 @!p0 s5, $0x0  }
0x1f: {  	s9 =	smul.u32 $0xF7A, s1;
	s8 =	simm.s32 @!p0 $0x1BF5;
	p2 =	por !p2, p0  }
0x20: {  	[sflag:s8] =	ssyncset.s32 @!p0 $0xFFFFF086;
	s6 =	sadd.s32 @!p0 s3, s7;
	s7 =	simm.s32 @!p0 $0x108  }
0x21: {  	s3 =	sadd.s32 s3, s9;
	s6 =	sadd.s32 @!p0 $0x88, s6;
	s7 =	simm.s32 @p2 $0x1082  }
0x22: {  	[simem:s7], [sflag:s8] =	dma.local @!p0 [hbm:s6], $0xF7A  }
0x23: {  	s9 =	sor.u32 $0xD0000000, s2;
	s6 =	simm.s32 $0x108;
	_ =	swait.ge @!p0 [sflag:s8], $0x0  }
0x24: {  	s3 =	sadd.s32 $0x88, s3;
	s6 =	simm.s32 @!p1 $0x1082;
	[sflag:s4] =	ssyncset.s32 $0xFFFFF086  }
0x25: {  	[simem:s6], [sflag:s4] =	dma.local [hbm:s3], $0xF7A  }
0x26: {  	[smem:$0x3F9F] =	sst s1;
	(tag) =	ssettag s2;
	_ =	strace s9  }
0x27: {  	s1 =	sld [smem:$0x3FAF]  }
0x28: {  	s2 =	sld [smem:$0x3FB0]  }
0x29: {  	s4 =	sld [smem:$0x3FB2]  }
0x2a: {  	p0 =	seq.s32 s5, $0x0;
	s5 =	sld [smem:$0x3FB3]  }
0x2b: {  	s6 =	sld [smem:$0x3FB4]  }
0x2c: {  	s7 =	sld [smem:$0x3FB5]  }
0x2d: {  	s3 =	simm.s32 $0x108;
	s8 =	sld [smem:$0x3FB6]  }
0x2e: {  	s3 =	simm.s32 @!p0 $0x1082;
	s9 =	sld [smem:$0x3FB7]  }
0x2f: {  	lr =	sadd.s32 s0, s3;
	s0 =	sld [smem:$0x3FAE]  }
0x30: {  	s3 =	sld [smem:$0x3FB1]  }
0x31: {  	[smem:$0x3FBA] =	sst s10  }
0x32: {  	s10 =	sld [smem:$0x3FB8];
	_ =	sdelay $0x3  }
0x33: {  	p0 =	seq.s32 s10, $0x1;
	s10 =	sld [smem:$0x3FBA];
	_ =	sdelay $0x3  }
0x34: {  	[smem:$0x3FBA] =	sst s10  }
0x35: {  	s10 =	sld [smem:$0x3FB9];
	_ =	sdelay $0x3  }
0x36: {  	p1 =	seq.s32 s10, $0x1;
	s10 =	sld [smem:$0x3FBA];
	_ =	sdelay $0x3  }
0x37: {  	[smem:$0x3FBA] =	sst s10  }
0x38: {  	s10 =	sld [smem:$0x3FBB]  }
0x39: {  	_ = 	snop;
	(pc) =	sbr.ind lr, $3  }
0x3a: {  	_ = 	snop  }
0x3b: {  	_ = 	snop  }
0x3c: {  	p2 =	seq.s32 s10, $0x1;
	s10 =	sld [smem:$0x3FBA]  }
0x3d: {  	_ =	shalt  }
0x3e: {  	_ =	shalt  }
0x3f: {  	_ =	shalt  }
0x40: {  	_ =	shalt  }
0x41: {  	_ =	shalt  }
0x42: {  	_ =	shalt  }
0x43: {  	_ =	shalt  }
0x44: {  	_ =	shalt  }
0x45: {  	_ =	shalt  }
0x46: {  	_ =	shalt  }
0x47: {  	_ =	shalt  }
0x48: {  	_ =	shalt  }
0x49: {  	_ =	shalt  }
0x4a: {  	_ =	shalt  }
0x4b: {  	_ =	shalt  }
0x4c: {  	_ =	shalt  }
0x4d: {  	_ =	shalt  }
0x4e: {  	_ =	shalt  }
0x4f: {  	_ =	shalt  }
0x50: {  	_ =	shalt  }
0x51: {  	_ =	shalt  }
0x52: {  	_ =	shalt  }
0x53: {  	_ =	shalt  }
0x54: {  	_ =	shalt  }
0x55: {  	_ =	shalt  }
0x56: {  	_ =	shalt  }
0x57: {  	_ =	shalt  }
0x58: {  	_ =	shalt  }
0x59: {  	_ =	shalt  }
0x5a: {  	_ =	shalt  }
0x5b: {  	_ =	shalt  }
0x5c: {  	_ =	shalt  }
0x5d: {  	_ =	shalt  }
0x5e: {  	_ =	shalt  }
0x5f: {  	_ =	shalt  }
0x60: {  	_ =	shalt  }
0x61: {  	_ =	shalt  }
0x62: {  	_ =	shalt  }
0x63: {  	_ =	shalt  }
0x64: {  	_ =	shalt  }
0x65: {  	_ =	shalt  }
0x66: {  	_ =	shalt  }
0x67: {  	_ =	shalt  }
0x68: {  	_ =	shalt  }
0x69: {  	_ =	shalt  }
0x6a: {  	_ =	shalt  }
0x6b: {  	_ =	shalt  }
0x6c: {  	_ =	shalt  }
0x6d: {  	_ =	shalt  }
0x6e: {  	_ =	shalt  }
0x6f: {  	_ =	shalt  }
0x70: {  	_ =	shalt  }
0x71: {  	_ =	shalt  }
0x72: {  	_ =	shalt  }
0x73: {  	_ =	shalt  }
0x74: {  	_ =	shalt  }
0x75: {  	_ =	shalt  }
0x76: {  	_ =	shalt  }
0x77: {  	_ =	shalt  }
0x78: {  	_ =	shalt  }
0x79: {  	_ =	shalt  }
0x7a: {  	_ =	shalt  }
0x7b: {  	_ =	shalt  }
0x7c: {  	_ =	shalt  }
0x7d: {  	_ =	shalt  }
0x7e: {  	_ =	shalt  }
0x7f: {  	_ =	shalt  }
0x80: {  	_ =	shalt  }
0x81: {  	_ =	shalt  }
0x82: {  	_ =	shalt  }
0x83: {  	_ =	shalt  }
0x84: {  	_ =	shalt  }
0x85: {  	_ =	shalt  }
0x86: {  	_ =	shalt  }
0x87: {  	_ =	shalt  }
.Lfunc_end0:
.L_simem_size_0:
called_computation_lowered:
.L_overlay_start_0:
0x88: {  	s2 =	sld [smem:$0x3FD9]  }
0x89: {  	s3 =	sld [smem:$0x3FFE];
	_ =	sdelay $0x1  }
0x8a: {  	s1 =	srdreg.scid  }
0x8b: {  	s0 =	sand.u32 $0x1, s1  }
0x8c: {  	s17 =	sshll.u32 s0, $0xA;
	s2 =	sadd.s32 s3, s2  }
0x8d: {  	s2 =	sadd.s32 s2, s17  }
0x8e: {  	[smem:$0x3FC6] =	sst s2  }
0x8f: {  	_ = 	snop  }
0x90: {  	s2 =	sld [smem:$0x3FC9]  }
0x91: {  	s18 =	sld [smem:$0x3FD0];
	(tm) =	ssettm $0x1  }
0x92: {  	s4 =	sld [smem:$0x3FFB];
	_ =	sdelay $0x3  }
0x93: {  	_ =	strace s4  }
0x94: {  	s4 =	sld [smem:$0x3FFC];
	_ =	sdelay $0x3  }
0x95: {  	_ =	strace s4  }
0x96: {  	s4 =	sld [smem:$0x3FFD];
	_ =	sdelay $0x3  }
0x97: {  	_ =	strace s4  }
0x98: {  	_ =	strace $0x8FFFFFFF  }
0x99: {  	s19 =	sld [smem:$0x3FDB];
	_ =	sdelay $0x1  }
0x9a: {  	s5 =	simm.s32 $_scs_section_size  }
0x9b: {  	s6 =	simm.s32 $_size__tile_overlayer_lowered;
	s7 =	simm.s32 $_tile_overlayer_lowered  }
0x9c: {  	s22 =	simm.s32 $0x1BFF;
	s21 =	sshll.u32 s7, $0x1;
	s4 =	sadd.s32 s5, s19  }
0x9d: {  	s8 =	simm.s32 $0x0;
	s20 =	sshll.u32 s6, $0x1;
	s6 =	sadd.s32 s21, s4  }
0x9e: {  	[timem:s8], [sflag:s22] =	dma.local [hbm:s6], s20  }
0x9f: {  	_ =	swait.ge [sflag:s22], s20  }
0xa0: {  	s5 =	ssub.s32 $0x0, s20;
	[sflag:s22] =	ssyncset.done $0x0  }
0xa1: {  	[sflag:s22] =	ssyncadd.s32 s5;
	_ =	sdelay $0x1  }
0xa2: {  	s23 =	simm.s32 $0x1B8B  }
0xa3: {  	_ =	swait.ge [sflag:s23], $0x1  }
0xa4: {  	[sflag:s23] =	ssyncset.done $0x0  }
0xa5: {  	s25 =	simm.s32 $0x1B8E;
	s24 =	sld [smem:$0x3FFE];
	[sflag:s23] =	ssyncadd.s32 $0xFFFFFFFF  }
0xa6: {  	s26 =	simm.s32 $execute0_lowered;
	[smem:$0x3FD2] =	sst s25  }
0xa7: {  	s6 =	sshll.u32 s26, $0x1;
	_ =	strace $0x80000046;
	[dreg:$0x1] =	wrdreg $0xFFFFFFFF  }
0xa8: {  	s28 =	simm.s32 $_size_execute0_lowered;
	s4 =	sadd.s32 s4, s6;
	[dreg:$0x0] =	wrdreg $0x0  }
0xa9: {  	s6 =	sshll.u32 s28, $0x1;
	[dreg:$0x2] =	wrdreg s4  }
0xaa: {  	[dreg:$0x3] =	wrdreg s6  }
0xab: {  	[dreg:$0x4] =	wrdreg $0xC0  }
0xac: {  	_ =	task [dreg:s8], $0x5FFFF  }
0xad: {  	[dreg:$0x1] =	wrdreg $0xFFFFFFFF  }
0xae: {  	[dreg:$0x0] =	wrdreg $0x60  }
0xaf: {  	[dreg:$0x2] =	wrdreg s2  }
0xb0: {  	[dreg:$0x3] =	wrdreg s24  }
0xb1: {  	[dreg:$0x4] =	wrdreg s18  }
0xb2: {  	[dreg:$0x5] =	wrdreg $0x9  }
0xb3: {  	_ =	task.clear_ibuf [dreg:s8], $0x6FFFF;
	_ =	strace $0x90000046  }
0xb4: {  	s29 =	simm.s32 $0x9;
	_ =	strace $0x80000048  }
0xb5: {  	_ =	swait.ge [sflag:s29], $0x1  }
0xb6: {  	[sflag:s29] =	ssyncadd.s32 $0xFFFFFFFF  }
0xb7: {  	_ =	strace $0x90000048  }
0xb8: {  	_ =	sfence  }
0xb9: {  	s30 =	sld [smem:$0x0];
	_ =	sdelay $0x2  }
0xba: {  	s31 =	sshll.u32 s1, $0xD;
	s1 =	sshrl.u32 s1, $0x2  }
0xbb: {  	s3 =	sand.u32 $0x4000, s31;
	s1 =	sadd.s32 s1, s30  }
0xbc: {  	s0 =	sor.u32 s3, s0;
	s1 =	sshll.u32 s1, $0x11  }
0xbd: {  	s0 =	sor.u32 s1, s0  }
0xbe: {  	s0 =	sadd.s32 $0x8F2B, s0  }
0xbf: {  	[sflag:s0] =	ssyncadd.remote.s32 $0x1  }
0xc0: {  	_ =	sfence.sel $0xFFFF  }
0xc1: {  	[dreg:$0x0] =	wrdreg $0xFFFFFFFF;
	(pc) =	sbr.abs _section_cstart, $3  }
0xc2: {  	[dreg:$0x1] =	wrdreg $0xFFFFFFFF  }
0xc3: {  	_ =	task.clear_ibuf [dreg:s8], $0x2FFFF;
	_ =	strace $0x9FFFFFFF  }
0xc4: {  	(tm) =	ssettm $0x7FFFFFFF  }
0xc5: {  	_ =	shalt  }
tec
execute0_lowered:
.L_overlay_start_1:
0x0: {  	(tag) =	ssettag $0x1  }
0x1: {  	s2 =	rddreg [dreg:$0x0]  }
0x2: {  	s1 =	rddreg [dreg:$0x1]  }
0x3: {  	s5 =	rddreg [dreg:$0x2];
	s9 =	stileid.u32;
	s3 =	simm.s32 $0x0  }
0x4: {  	s7 =	srdreg.scid;
	s0 =	sshrl.u32 s9, $0x3;
	s4 =	sshll.u32 s9, $0x7  }
0x5: {  	[smem:$0x7FF] =	sst s3;
	s7 =	sand.u32 $0x1, s7;
	s6 =	sshll.u32 s0, $0xA  }
0x6: {  	s4 =	sand.u32 $0x380, s4;
	_ =	strace $0x80000047;
	s0 =	sshll.u32 s0, $0xE  }
0x7: {  	s6 =	sor.u32 s4, s6;
	s8 =	sor.u32 s4, s0;
	s0 =	sshll.u32 s9, $0xB  }
0x8: {  	s4 =	sshll.u32 s7, $0xA;
	s6 =	sshrl.u32 s6, $0x3;
	s8 =	sshrl.u32 s8, $0x3  }
0x9: {  	s9 =	sor.u32 s4, s0;
	s21 =	sor.u32 $0x10, s0;
	s6 =	sadd.s32 s6, s1  }
0xa: {  	s1 =	sadd.s32 s8, s1;
	[smem:$0x7B4] =	sst s21;
	s6 =	sadd.s32 $0x400, s6  }
0xb: {  	s23 =	sshll.u32 s9, $0x7;
	s1 =	sadd.s32 $0x600, s1;
	[dreg:$0x4] =	wrdreg s6  }
0xc: {  	s8 =	sadd.s32 s5, s23;
	s23 =	sor.u32 $0x20, s0;
	[dreg:$0x5] =	wrdreg s1  }
0xd: {  	[smem:$0x7B5] =	sst s23  }
0xe: {  	s24 =	sadd.s32 $0x1000, s8;
	[smem:$0x7AE] =	sst s8  }
0xf: {  	s25 =	sadd.s32 $0x2000, s8;
	[dreg:$0x6] =	wrdreg s24  }
0x10: {  	s26 =	sadd.s32 $0x3000, s8;
	[dreg:$0x7] =	wrdreg s25  }
0x11: {  	s29 =	sadd.s32 $0x4000, s8;
	[dreg:$0x8] =	wrdreg s26  }
0x12: {  	s30 =	sadd.s32 $0x5000, s8;
	[dreg:$0x9] =	wrdreg s29  }
0x13: {  	s31 =	sadd.s32 $0x6000, s8;
	[dreg:$0xa] =	wrdreg s30  }
0x14: {  	s5 =	sadd.s32 $0x7000, s8;
	[dreg:$0xb] =	wrdreg s31  }
0x15: {  	s6 =	sadd.s32 $0x8000, s8;
	[dreg:$0xc] =	wrdreg s5  }
0x16: {  	s9 =	sadd.s32 $0x9000, s8;
	[dreg:$0xd] =	wrdreg s6  }
0x17: {  	s10 =	sadd.s32 $0xA000, s8;
	[dreg:$0xe] =	wrdreg s9  }
0x18: {  	s11 =	sadd.s32 $0xB000, s8;
	[dreg:$0xf] =	wrdreg s10  }
0x19: {  	s12 =	sadd.s32 $0xC000, s8;
	[dreg:$0x10] =	wrdreg s11  }
0x1a: {  	s13 =	sadd.s32 $0xD000, s8;
	[dreg:$0x11] =	wrdreg s12  }
0x1b: {  	s14 =	sadd.s32 $0xE000, s8;
	[dreg:$0x12] =	wrdreg s13  }
0x1c: {  	s15 =	sadd.s32 $0xF000, s8;
	[dreg:$0x13] =	wrdreg s14  }
0x1d: {  	s17 =	sadd.s32 $0x10000, s8;
	[dreg:$0x14] =	wrdreg s15  }
0x1e: {  	s19 =	sadd.s32 $0x11000, s8;
	[dreg:$0x15] =	wrdreg s17  }
0x1f: {  	s20 =	sadd.s32 $0x12000, s8;
	[dreg:$0x16] =	wrdreg s19  }
0x20: {  	s22 =	sadd.s32 $0x13000, s8;
	[dreg:$0x17] =	wrdreg s20  }
0x21: {  	s16 =	ssub.s32 $0x2, s7;
	s7 =	sadd.s32 $0x18000, s8;
	[dreg:$0x18] =	wrdreg s22  }
0x22: {  	s18 =	sshrl.u32 s16, $0x1;
	s23 =	simm.s32 $0x400;
	[dreg:$0x1d] =	wrdreg s7  }
0x23: {  	s5 =	ssub.s32 s16, s18;
	[smem:$0x7B2] =	sst s23  }
0x24: {  	s25 =	sor.u32 $0x30, s0;
	[smem:$0x7DE] =	sst s5  }
0x25: {  	s30 =	sadd.s32 $0x16000, s8;
	[smem:$0x7B6] =	sst s25  }
0x26: {  	[dreg:$0x1b] =	wrdreg s30;
	s30 =	sor.u32 $0x1F0, s0  }
0x27: {  	[smem:$0x7B9] =	sst s30;
	s30 =	sor.u32 $0x210, s0  }
0x28: {  	[smem:$0x7BA] =	sst s30;
	s30 =	sor.u32 $0x220, s0  }
0x29: {  	[smem:$0x7BB] =	sst s30;
	s30 =	sor.u32 $0x230, s0  }
0x2a: {  	[smem:$0x7BC] =	sst s30;
	s30 =	sor.u32 $0x240, s0  }
0x2b: {  	[smem:$0x7BD] =	sst s30;
	s30 =	sor.u32 $0x250, s0  }
0x2c: {  	[smem:$0x7BE] =	sst s30;
	s30 =	sor.u32 $0x260, s0  }
0x2d: {  	[smem:$0x7BF] =	sst s30;
	s30 =	sor.u32 $0x270, s0  }
0x2e: {  	[smem:$0x7C0] =	sst s30;
	s30 =	sor.u32 $0x280, s0  }
0x2f: {  	[smem:$0x7C1] =	sst s30;
	s30 =	sor.u32 $0x290, s0  }
0x30: {  	[smem:$0x7C2] =	sst s30;
	s30 =	sor.u32 $0x2A0, s0  }
0x31: {  	[smem:$0x7C3] =	sst s30;
	s30 =	sor.u32 $0x2B0, s0  }
0x32: {  	[smem:$0x7C4] =	sst s30;
	s30 =	sor.u32 $0x2C0, s0  }
0x33: {  	[smem:$0x7C5] =	sst s30;
	s30 =	sor.u32 $0x2D0, s0  }
0x34: {  	[smem:$0x7C6] =	sst s30;
	s30 =	sor.u32 $0x2E0, s0  }
0x35: {  	[smem:$0x7C7] =	sst s30;
	s30 =	sor.u32 $0x2F0, s0  }
0x36: {  	[smem:$0x7C8] =	sst s30;
	s30 =	sor.u32 $0x300, s0  }
0x37: {  	[smem:$0x7C9] =	sst s30;
	s30 =	sor.u32 $0x310, s0  }
0x38: {  	[smem:$0x7CA] =	sst s30;
	s30 =	sor.u32 $0x320, s0  }
0x39: {  	[smem:$0x7CB] =	sst s30;
	s30 =	sor.u32 $0x330, s0  }
0x3a: {  	[smem:$0x7CC] =	sst s30;
	s30 =	sor.u32 $0x340, s0  }
0x3b: {  	[smem:$0x7CD] =	sst s30;
	s30 =	sor.u32 $0x350, s0  }
0x3c: {  	[smem:$0x7CE] =	sst s30;
	s30 =	sor.u32 $0x360, s0  }
0x3d: {  	[smem:$0x7CF] =	sst s30;
	s30 =	sor.u32 $0x370, s0  }
0x3e: {  	[smem:$0x7D0] =	sst s30;
	s30 =	sor.u32 $0x380, s0  }
0x3f: {  	[smem:$0x7D1] =	sst s30;
	s30 =	sor.u32 $0x390, s0  }
0x40: {  	[smem:$0x7D2] =	sst s30;
	s30 =	sor.u32 $0x3A0, s0  }
0x41: {  	[smem:$0x7D3] =	sst s30  }
0x42: {  	s24 =	sadd.s32 $0x14000, s8;
	s30 =	sld [smem:$0x7B4]  }
0x43: {  	s29 =	sor.u32 $0x40, s0;
	[dreg:$0x19] =	wrdreg s24  }
0x44: {  	v0 =	vlaneseq.u32;
	[smem:$0x7B7] =	sst s29  }
0x45: {  	s26 =	sadd.s32 $0x15000, s8;
	v1 =	vor.u32 s30, v0;
	s30 =	sld [smem:$0x7B5]  }
0x46: {  	s31 =	sor.u32 $0x50, s0;
	[dreg:$0x1a] =	wrdreg s26  }
0x47: {  	[smem:$0x7B8] =	sst s31  }
0x48: {  	s6 =	sadd.s32 $0x17000, s8;
	[tilespmem:$0x1FB90] =	vst v1;
	v1 =	vor.u32 s30, v0;
	s30 =	sld [smem:$0x7B6]  }
0x49: {  	s9 =	sadd.s32 $0x19000, s8;
	[dreg:$0x1c] =	wrdreg s6  }
0x4a: {  	s10 =	sadd.s32 $0x1A000, s8;
	[dreg:$0x1e] =	wrdreg s9  }
0x4b: {  	[dreg:$0x1f] =	wrdreg s10;
	[tilespmem:$0x1FBA0] =	vst v1;
	v1 =	vor.u32 s30, v0;
	s30 =	sor.u32 $0x3B0, s0  }
0x4c: {  	[smem:$0x7D4] =	sst s30;
	s30 =	sor.u32 $0x3C0, s0  }
0x4d: {  	[smem:$0x7D5] =	sst s30;
	s30 =	sor.u32 $0x3D0, s0  }
0x4e: {  	[smem:$0x7D6] =	sst s30  }
0x4f: {  	s11 =	sadd.s32 $0x1B000, s8;
	s30 =	sld [smem:$0x7B7]  }
0x50: {  	s12 =	sadd.s32 $0x1C000, s8;
	[smem:$0x7AA] =	sst s11  }
0x51: {  	[smem:$0x7AB] =	sst s12  }
0x52: {  	s13 =	sadd.s32 $0x1D000, s8;
	[tilespmem:$0x1FBB0] =	vst v1;
	v1 =	vor.u32 s30, v0;
	s30 =	sld [smem:$0x7B8]  }
0x53: {  	s14 =	sadd.s32 $0x1E000, s8;
	[smem:$0x7AC] =	sst s13  }
0x54: {  	s17 =	sadd.s32 $0x1F000, s8;
	[smem:$0x7AD] =	sst s14  }
0x55: {  	s18 =	simm.s32 $0x1080;
	s26 =	sor.u32 $0x60, s0;
	[smem:$0x7AF] =	sst s17;
	[tilespmem:$0x1FBC0] =	vst v1;
	v1 =	vor.u32 s30, v0  }
0x56: {  	s19 =	simm.s32 $0x80;
	s29 =	sor.u32 $0x70, s0;
	[smem:$0x7B0] =	sst s18;
	[tilespmem:$0x1FBD0] =	vst v1;
	v1 =	vor.u32 s26, v0  }
0x57: {  	s24 =	sor.u32 $0x80, s0;
	[smem:$0x7B1] =	sst s19;
	s25 =	simm.s32 $0x880;
	[tilespmem:$0x1FBE0] =	vst v1;
	v1 =	vor.u32 s29, v0  }
0x58: {  	s21 =	sor.u32 $0x90, s0;
	[smem:$0x7B3] =	sst s25;
	s30 =	sor.u32 $0x3E0, s0;
	[tilespmem:$0x1FBF0] =	vst v1;
	v1 =	vor.u32 s24, v0  }
0x59: {  	s22 =	sor.u32 $0xA0, s0;
	[smem:$0x7D7] =	sst s30;
	s30 =	sor.u32 $0x3F0, s0;
	[tilespmem:$0x1FC00] =	vst v1;
	v1 =	vor.u32 s21, v0  }
0x5a: {  	s20 =	sor.u32 $0xB0, s0;
	[smem:$0x7D8] =	sst s30;
	s30 =	sor.u32 $0x400, s0;
	[tilespmem:$0x1FC10] =	vst v1;
	v1 =	vor.u32 s22, v0  }
0x5b: {  	s15 =	sor.u32 $0xC0, s0;
	s29 =	sor.u32 $0x410, s0;
	[smem:$0x7D9] =	sst s30;
	[tilespmem:$0x1FC20] =	vst v1;
	v1 =	vor.u32 s20, v0  }
0x5c: {  	s16 =	sor.u32 $0xD0, s0;
	[smem:$0x7DA] =	sst s29;
	s30 =	sor.u32 $0x430, s0;
	[tilespmem:$0x1FC30] =	vst v1;
	v1 =	vor.u32 s15, v0  }
0x5d: {  	s12 =	sor.u32 $0xE0, s0;
	s24 =	sor.u32 $0x460, s0;
	[smem:$0x7DB] =	sst s30;
	[tilespmem:$0x1FC40] =	vst v1;
	v1 =	vor.u32 s16, v0  }
0x5e: {  	s9 =	sor.u32 $0xF0, s0;
	s29 =	sor.u32 $0x470, s0;
	[smem:$0x7DC] =	sst s24;
	[tilespmem:$0x1FC50] =	vst v1;
	v1 =	vor.u32 s12, v0  }
0x5f: {  	s10 =	sor.u32 $0x100, s0;
	[smem:$0x7DD] =	sst s29;
	[tilespmem:$0x1FC60] =	vst v1;
	v1 =	vor.u32 s9, v0  }
0x60: {  	s8 =	sor.u32 $0x110, s0;
	s21 =	sld [smem:$0x7BA];
	[tilespmem:$0x1FC70] =	vst v1;
	v1 =	vor.u32 s10, v0  }
0x61: {  	s1 =	sor.u32 $0x120, s0;
	s24 =	sld [smem:$0x7BC];
	s22 =	sor.u32 $0x590, s0;
	[tilespmem:$0x1FC80] =	vst v1;
	v1 =	vor.u32 s8, v0  }
0x62: {  	s5 =	sor.u32 $0x130, s0;
	[smem:$0x7E3] =	sst s22;
	[tilespmem:$0x1FC90] =	vst v1;
	v1 =	vor.u32 s1, v0  }
0x63: {  	s6 =	sor.u32 $0x140, s0;
	s22 =	sld [smem:$0x7BF];
	s16 =	sor.u32 $0x500, s0;
	[tilespmem:$0x1FCA0] =	vst v1;
	v1 =	vor.u32 s5, v0  }
0x64: {  	s7 =	sor.u32 $0x150, s0;
	[smem:$0x7E0] =	sst s16;
	s5 =	sor.u32 $0x4E0, s0;
	[tilespmem:$0x1FCB0] =	vst v1;
	v1 =	vor.u32 s6, v0  }
0x65: {  	s13 =	sor.u32 $0x160, s0;
	v16 =	vor.u32 s5, v0;
	s5 =	sld [smem:$0x7E0];
	[tilespmem:$0x1FCC0] =	vst v1;
	v1 =	vor.u32 s7, v0;
	s7 =	sor.u32 $0x4D0, s0  }
0x66: {  	s14 =	sor.u32 $0x170, s0;
	[tilespmem:$0x1FCD0] =	vst v1;
	[smem:$0x7DF] =	sst s7;
	v1 =	vor.u32 s13, v0  }
0x67: {  	s11 =	sor.u32 $0x180, s0;
	s12 =	sor.u32 $0x490, s0;
	s7 =	sld [smem:$0x7DC];
	[tilespmem:$0x1FCE0] =	vst v1;
	v1 =	vor.u32 s14, v0  }
0x68: {  	s17 =	sor.u32 $0x190, s0;
	v11 =	vor.u32 s12, v0;
	s12 =	sld [smem:$0x7DF];
	[tilespmem:$0x1FCF0] =	vst v1;
	v1 =	vor.u32 s11, v0;
	s11 =	sor.u32 $0x510, s0  }
0x69: {  	s18 =	sor.u32 $0x1A0, s0;
	[tilespmem:$0x1FD00] =	vst v1;
	v1 =	vor.u32 s17, v0;
	s17 =	sor.u32 $0x530, s0;
	v19 =	vor.u32 s11, v0;
	s11 =	sld [smem:$0x7E3]  }
0x6a: {  	[tilespmem:$0x1FD10] =	vst v1;
	v1 =	vor.u32 s18, v0;
	[smem:$0x7E1] =	sst s17;
	s18 =	sor.u32 $0x560, s0  }
0x6b: {  	s19 =	sor.u32 $0x1B0, s0;
	[smem:$0x7E2] =	sst s18  }
0x6c: {  	s17 =	sor.u32 $0x5C0, s0;
	[tilespmem:$0x1FD20] =	vst v1;
	v1 =	vor.u32 s19, v0;
	s19 =	sld [smem:$0x7B9]  }
0x6d: {  	s6 =	sor.u32 $0x4F0, s0;
	[smem:$0x7E4] =	sst s17  }
0x6e: {  	s25 =	sor.u32 $0x1C0, s0;
	v17 =	vor.u32 s6, v0;
	s6 =	sld [smem:$0x7E1]  }
0x6f: {  	s18 =	sor.u32 $0x5D0, s0;
	[tilespmem:$0x1FD30] =	vst v1;
	v1 =	vor.u32 s25, v0;
	s25 =	sld [smem:$0x7BD]  }
0x70: {  	s17 =	sor.u32 $0x610, s0;
	[smem:$0x7E5] =	sst s18  }
0x71: {  	[smem:$0x7E9] =	sst s17  }
0x72: {  	s18 =	sld [smem:$0x7C1]  }
0x73: {  	s10 =	sor.u32 $0x4C0, s0;
	s17 =	sld [smem:$0x7C5]  }
0x74: {  	v14 =	vor.u32 s10, v0;
	s10 =	sld [smem:$0x7E2]  }
0x75: {  	s28 =	sor.u32 $0x1D0, s0;
	s13 =	sor.u32 $0x520, s0;
	v15 =	vor.u32 s12, v0;
	s12 =	sld [smem:$0x7E4]  }
0x76: {  	s23 =	sor.u32 $0x1E0, s0;
	s29 =	sor.u32 $0x5A0, s0;
	v20 =	vor.u32 s13, v0;
	[tilespmem:$0x1FD40] =	vst v1;
	v1 =	vor.u32 s28, v0;
	s13 =	sld [smem:$0x7E5]  }
0x77: {  	v28 =	vor.u32 s29, v0;
	s29 =	sld [smem:$0x7E9];
	[tilespmem:$0x1FD50] =	vst v1;
	v1 =	vor.u32 s23, v0  }
0x78: {  	s23 =	sld [smem:$0x7BB];
	[tilespmem:$0x1FD60] =	vst v1;
	v1 =	vor.u32 s19, v0;
	s19 =	sor.u32 $0x5E0, s0  }
0x79: {  	s31 =	sor.u32 $0x200, s0;
	[smem:$0x7E6] =	sst s19  }
0x7a: {  	[tilespmem:$0x1FD70] =	vst v1;
	v1 =	vor.u32 s31, v0;
	s19 =	sld [smem:$0x7C2]  }
0x7b: {  	s14 =	sor.u32 $0x540, s0;
	[tilespmem:$0x1FD80] =	vst v1;
	v1 =	vor.u32 s21, v0;
	s21 =	sld [smem:$0x7BE]  }
0x7c: {  	v22 =	vor.u32 s14, v0;
	s14 =	sld [smem:$0x7E6];
	[tilespmem:$0x1FD90] =	vst v1;
	v1 =	vor.u32 s23, v0  }
0x7d: {  	s23 =	sld [smem:$0x7C0];
	[tilespmem:$0x1FDA0] =	vst v1;
	v1 =	vor.u32 s24, v0;
	s24 =	sor.u32 $0x5F0, s0  }
0x7e: {  	[tilespmem:$0x1FDB0] =	vst v1;
	v1 =	vor.u32 s25, v0;
	[smem:$0x7E7] =	sst s24;
	s25 =	sor.u32 $0x600, s0  }
0x7f: {  	[smem:$0x7E8] =	sst s25  }
0x80: {  	s24 =	sor.u32 $0x640, s0;
	[tilespmem:$0x1FDC0] =	vst v1;
	v1 =	vor.u32 s21, v0;
	s21 =	sld [smem:$0x7C3]  }
0x81: {  	[smem:$0x7EC] =	sst s24  }
0x82: {  	s25 =	sld [smem:$0x7C4]  }
0x83: {  	s16 =	sor.u32 $0x550, s0;
	s24 =	sld [smem:$0x7C9]  }
0x84: {  	s20 =	sor.u32 $0x570, s0;
	v23 =	vor.u32 s16, v0;
	s16 =	sld [smem:$0x7E7]  }
0x85: {  	v25 =	vor.u32 s20, v0;
	s20 =	sld [smem:$0x7E8]  }
0x86: {  	v21 =	vor.u32 s6, v0;
	[tilespmem:$0x1FDD0] =	vst v1;
	v1 =	vor.u32 s22, v0;
	s22 =	sor.u32 $0x620, s0;
	s6 =	sld [smem:$0x7EC]  }
0x87: {  	[smem:$0x7EA] =	sst s22  }
0x88: {  	[tilespmem:$0x1FDE0] =	vst v1;
	v1 =	vor.u32 s23, v0;
	s23 =	sor.u32 $0x630, s0;
	s22 =	sld [smem:$0x7C7]  }
0x89: {  	[smem:$0x7EB] =	sst s23  }
0x8a: {  	[tilespmem:$0x1FDF0] =	vst v1;
	v1 =	vor.u32 s18, v0;
	s18 =	sld [smem:$0x7C6]  }
0x8b: {  	s31 =	sor.u32 $0x5B0, s0;
	s23 =	sld [smem:$0x7C8]  }
0x8c: {  	v29 =	vor.u32 s31, v0;
	s31 =	sld [smem:$0x7EA]  }
0x8d: {  	v18 =	vor.u32 s5, v0;
	[tilespmem:$0x1FE00] =	vst v1;
	v1 =	vor.u32 s19, v0;
	s19 =	sor.u32 $0x660, s0;
	s5 =	sld [smem:$0x7EB]  }
0x8e: {  	[tilespmem:$0x1FE10] =	vst v1;
	v1 =	vor.u32 s21, v0;
	[smem:$0x7ED] =	sst s19;
	s21 =	sor.u32 $0x670, s0  }
0x8f: {  	s19 =	sor.u32 $0x6A0, s0;
	[smem:$0x7EE] =	sst s21  }
0x90: {  	[smem:$0x7F0] =	sst s19  }
0x91: {  	s21 =	sld [smem:$0x7CA]  }
0x92: {  	v24 =	vor.u32 s10, v0;
	[tilespmem:$0x1FE20] =	vst v1;
	v1 =	vor.u32 s25, v0;
	s25 =	sor.u32 $0x690, s0;
	s10 =	sld [smem:$0x7ED]  }
0x93: {  	[smem:$0x7EF] =	sst s25  }
0x94: {  	v27 =	vor.u32 s11, v0;
	[tilespmem:$0x1FE30] =	vst v1;
	v1 =	vor.u32 s17, v0;
	s11 =	sld [smem:$0x7EE]  }
0x95: {  	v31 =	vor.u32 s13, v0;
	s25 =	sor.u32 $0x6D0, s0;
	s13 =	sld [smem:$0x7F0];
	[tilespmem:$0x1FE40] =	vst v1;
	v1 =	vor.u32 s18, v0  }
0x96: {  	[smem:$0x7F2] =	sst s25;
	[tilespmem:$0x1FE50] =	vst v1;
	v1 =	vor.u32 s22, v0  }
0x97: {  	s22 =	sld [smem:$0x7CB];
	[tilespmem:$0x1FE60] =	vst v1;
	v1 =	vor.u32 s23, v0  }
0x98: {  	s23 =	sld [smem:$0x7CC];
	[tilespmem:$0x1FE70] =	vst v1;
	v1 =	vor.u32 s24, v0;
	s24 =	sor.u32 $0x6C0, s0  }
0x99: {  	[smem:$0x7F1] =	sst s24  }
0x9a: {  	[tilespmem:$0x1FE80] =	vst v1;
	v1 =	vor.u32 s21, v0;
	s21 =	sld [smem:$0x7CD]  }
0x9b: {  	[tilespmem:$0x1FE90] =	vst v1;
	v1 =	vor.u32 s22, v0;
	s22 =	sld [smem:$0x7CE]  }
0x9c: {  	s24 =	sor.u32 $0x6F0, s0;
	[tilespmem:$0x1FEA0] =	vst v1;
	v1 =	vor.u32 s23, v0;
	s23 =	sld [smem:$0x7CF]  }
0x9d: {  	[smem:$0x7F3] =	sst s24;
	[tilespmem:$0x1FEB0] =	vst v1;
	v1 =	vor.u32 s21, v0  }
0x9e: {  	[tilespmem:$0x1FEC0] =	vst v1;
	v1 =	vor.u32 s22, v0;
	s22 =	sld [smem:$0x7D0]  }
0x9f: {  	[tilespmem:$0x1FED0] =	vst v1;
	v1 =	vor.u32 s23, v0;
	s23 =	sld [smem:$0x7D1]  }
0xa0: {  	s25 =	sor.u32 $0x700, s0;
	s24 =	sld [smem:$0x7D2]  }
0xa1: {  	[smem:$0x7F4] =	sst s25;
	s25 =	sor.u32 $0x720, s0;
	[tilespmem:$0x1FEE0] =	vst v1;
	v1 =	vor.u32 s22, v0  }
0xa2: {  	[smem:$0x7F5] =	sst s25;
	[tilespmem:$0x1FEF0] =	vst v1;
	v1 =	vor.u32 s23, v0  }
0xa3: {  	[tilespmem:$0x1FF00] =	vst v1;
	v1 =	vor.u32 s24, v0;
	s24 =	sld [smem:$0x7D3]  }
0xa4: {  	s25 =	sld [smem:$0x7D4];
	s23 =	sor.u32 $0x730, s0  }
0xa5: {  	[smem:$0x7F6] =	sst s23  }
0xa6: {  	s23 =	sld [smem:$0x7D5];
	[tilespmem:$0x1FF10] =	vst v1;
	v1 =	vor.u32 s24, v0;
	s24 =	sor.u32 $0x750, s0  }
0xa7: {  	[smem:$0x7F7] =	sst s24  }
0xa8: {  	[tilespmem:$0x1FF20] =	vst v1;
	v1 =	vor.u32 s25, v0;
	s25 =	sor.u32 $0x760, s0;
	s24 =	sld [smem:$0x7D6]  }
0xa9: {  	[smem:$0x7F8] =	sst s25  }
0xaa: {  	s25 =	sld [smem:$0x7D7]  }
0xab: {  	v30 =	vor.u32 s12, v0;
	s12 =	sld [smem:$0x7EF];
	[tilespmem:$0x1FF30] =	vst v1;
	v1 =	vor.u32 s23, v0  }
0xac: {  	v33 =	vor.u32 s16, v0;
	s16 =	sld [smem:$0x7F2];
	[tilespmem:$0x1FF40] =	vst v1;
	v1 =	vor.u32 s24, v0  }
0xad: {  	s24 =	sld [smem:$0x7D8];
	[tilespmem:$0x1FF50] =	vst v1;
	v1 =	vor.u32 s25, v0;
	s25 =	sor.u32 $0x780, s0  }
0xae: {  	[smem:$0x7F9] =	sst s25;
	s25 =	sor.u32 $0x790, s0  }
0xaf: {  	[smem:$0x7FA] =	sst s25  }
0xb0: {  	s18 =	sor.u32 $0x680, s0;
	s25 =	sld [smem:$0x7D9]  }
0xb1: {  	s19 =	sor.u32 $0x6B0, s0;
	v42 =	vor.u32 s18, v0;
	s18 =	sld [smem:$0x7F4]  }
0xb2: {  	v45 =	vor.u32 s19, v0;
	s19 =	sld [smem:$0x7F5];
	[tilespmem:$0x1FF60] =	vst v1;
	v1 =	vor.u32 s24, v0  }
0xb3: {  	[tilespmem:$0x1FF70] =	vst v1;
	v1 =	vor.u32 s25, v0;
	s25 =	sld [smem:$0x7DA]  }
0xb4: {  	v32 =	vor.u32 s14, v0;
	s17 =	sor.u32 $0x650, s0;
	s14 =	sld [smem:$0x7F1]  }
0xb5: {  	v39 =	vor.u32 s17, v0;
	s17 =	sld [smem:$0x7F3]  }
0xb6: {  	s26 =	sor.u32 $0x420, s0;
	v34 =	vor.u32 s20, v0;
	s21 =	sor.u32 $0x6E0, s0;
	s20 =	sld [smem:$0x7F6];
	[tilespmem:$0x1FF80] =	vst v1;
	v1 =	vor.u32 s25, v0  }
0xb7: {  	v48 =	vor.u32 s21, v0;
	s21 =	sld [smem:$0x7F7];
	[tilespmem:$0x1FF90] =	vst v1;
	v1 =	vor.u32 s26, v0;
	s26 =	sor.u32 $0x7B0, s0  }
0xb8: {  	[smem:$0x7FB] =	sst s26;
	s26 =	sor.u32 $0x7C0, s0  }
0xb9: {  	s9 =	sor.u32 $0x480, s0;
	s8 =	sor.u32 $0x4A0, s0;
	[smem:$0x7FC] =	sst s26  }
0xba: {  	vm0 =	vmmov $0xffff;
	v9 =	vor.u32 s0, v0;
	v10 =	vor.u32 s9, v0;
	s1 =	sor.u32 $0x4B0, s0;
	s22 =	sor.u32 $0x710, s0;
	s26 =	sld [smem:$0x7DB]  }
0xbb: {  	v12 =	vor.u32 s8, v0;
	v13 =	vor.u32 s1, v0;
	s28 =	sor.u32 $0x580, s0;
	v51 =	vor.u32 s22, v0;
	s23 =	sor.u32 $0x740, s0;
	s22 =	sld [smem:$0x7F8]  }
0xbc: {  	v26 =	vor.u32 s28, v0;
	v35 =	vor.u32 s29, v0;
	v54 =	vor.u32 s23, v0;
	s24 =	sor.u32 $0x770, s0;
	s23 =	sld [smem:$0x7F9]  }
0xbd: {  	s15 =	sor.u32 $0x440, s0;
	v38 =	vor.u32 s6, v0;
	v57 =	vor.u32 s24, v0;
	s24 =	sld [smem:$0x7FA];
	s25 =	sor.u32 $0x7A0, s0;
	[tilespmem:$0x1FFA0] =	vst v1;
	v1 =	vor.u32 s26, v0  }
0xbe: {  	s30 =	sor.u32 $0x450, s0;
	v36 =	vor.u32 s31, v0;
	v60 =	vor.u32 s25, v0;
	s25 =	sld [smem:$0x7FB];
	[tilespmem:$0x1FFB0] =	vst v1;
	v1 =	vor.u32 s15, v0  }
0xbf: {  	v37 =	vor.u32 s5, v0;
	v40 =	vor.u32 s10, v0;
	s29 =	sld [smem:$0x7FC];
	s26 =	sor.u32 $0x7D0, s0;
	s15 =	sor.u32 $0x7E0, s0;
	[tilespmem:$0x1FFC0] =	vst v1;
	v1 =	vor.u32 s30, v0  }
0xc0: {  	v41 =	vor.u32 s11, v0;
	v44 =	vor.u32 s13, v0;
	s30 =	sor.u32 $0x7F0, s0;
	s0 =	sadd.s32 $0x800, s0;
	[tilespmem:$0x1FFD0] =	vst v1;
	v1 =	vor.u32 s7, v0;
	s7 =	sld [smem:$0x7DD]  }
0xc1: {  	v43 =	vor.u32 s12, v0;
	v47 =	vor.u32 s16, v0;
	v50 =	vor.u32 s18, v0;
	[smem:$0x7FD] =	sst s0  }
0xc2: {  	s9 =	sadd.s32 $0x300, s2;
	v52 =	vor.u32 s19, v0;
	v46 =	vor.u32 s14, v0;
	v49 =	vor.u32 s17, v0;
	s31 =	sld [smem:$0x7FD]  }
0xc3: {  	s8 =	sadd.s32 $0x200, s2;
	s28 =	simm.s32 $0x1100;
	v53 =	vor.u32 s20, v0;
	v55 =	vor.u32 s21, v0;
	[tilespmem:$0x1FFE0] =	vst v1;
	v1 =	vor.u32 s7, v0;
	s7 =	sld [smem:$0x7DE]  }
0xc4: {  	s11 =	simm.s32 $0x11100;
	s21 =	simm.s32 $0x1;
	v56 =	vor.u32 s22, v0;
	s22 =	simm.s32 $0x4;
	v58 =	vor.u32 s23, v0;
	v59 =	vor.u32 s24, v0  }
0xc5: {  	s23 =	simm.s32 $0x2;
	s24 =	simm.s32 $0x5;
	v61 =	vor.u32 s25, v0;
	s25 =	simm.s32 $0x3;
	v62 =	vor.u32 s29, v0;
	v63 =	vor.u32 s26, v0  }
0xc6: {  	s26 =	simm.s32 $0x6;
	v2 =	vor.u32 s30, v0;
	[tilespmem:$0x1FFF0] =	vst v1;
	v1 =	vor.u32 s15, v0;
	v3 =	vor.u32 s31, v0;
	s0 =	smax.u32 s7, $0x1;
	s7 =	sadd.s32 $0x100, s2  }
.LBB2_1:
0xc7: {  	s30 =	sld [smem:$0x7B0]  }
0xc8: {  	[smem:$0x7A9] =	sst s0  }
0xc9: {  	s29 =	rddreg [dreg:$0x4];
	s1 =	simm.s32 $0x7  }
0xca: {  	[tilespmem:s30], [sflag:$0x7] =	stream.linear.gather [hbm4b:s29+s3], $0x80, $0x38;
	[tilespmem:$0x19100] =	vst v63  }
0xcb: {  	_ =	swait.ge [sflag:s1], $0x80  }
0xcc: {  	s18 =	sld [smem:$0x7B1]  }
0xcd: {  	s31 =	sld [smem:$0x7B2]  }
0xce: {  	s19 =	sld [smem:$0x7B3]  }
0xcf: {  	[sflag:s1] =	ssyncset.done $0x0  }
0xd0: {  	s17 =	rddreg [dreg:$0x5];
	[sflag:s1] =	ssyncadd.s32 $0xFFFFFF80  }
0xd1: {  	[tilespmem:s19], [sflag:$0x7] =	stream.strided.gather [hbm4b:s17+s18], $0x800, s31, s18, $0x38;
	[tilespmem:$0x19100] =	vst v63  }
0xd2: {  	_ =	swait.ge [sflag:s1], $0x800  }
0xd3: {  	v4 =	vld [tilespmem:$0x1FB90];
	_ =	sdelay $0x2  }
0xd4: {  	[sflag:s1] =	ssyncset.done $0x0  }
0xd5: {  	[sflag:s1] =	ssyncadd.s32 $0xFFFFF800  }
0xd6: {  	[tilespmem:$0x10] =	vst v4;
	v4 =	vld [tilespmem:$0x1FBA0];
	_ =	sdelay $0x4  }
0xd7: {  	[tilespmem:$0x20] =	vst v4;
	v4 =	vld [tilespmem:$0x1FBB0];
	_ =	sdelay $0x4  }
0xd8: {  	[tilespmem:$0x30] =	vst v4;
	v4 =	vld [tilespmem:$0x1FBC0];
	_ =	sdelay $0x4  }
0xd9: {  	[tilespmem:$0x40] =	vst v4;
	v4 =	vld [tilespmem:$0x1FBD0];
	_ =	sdelay $0x4  }
0xda: {  	[tilespmem:$0x50] =	vst v4;
	v4 =	vld [tilespmem:$0x1FBE0];
	_ =	sdelay $0x4  }
0xdb: {  	[tilespmem:$0x60] =	vst v4;
	v4 =	vld [tilespmem:$0x1FBF0];
	_ =	sdelay $0x4  }
0xdc: {  	[tilespmem:$0x70] =	vst v4;
	v4 =	vld [tilespmem:$0x1FC00];
	_ =	sdelay $0x4  }
0xdd: {  	[tilespmem:$0x80] =	vst v4;
	v4 =	vld [tilespmem:$0x1FC10];
	_ =	sdelay $0x4  }
0xde: {  	[tilespmem:$0x90] =	vst v4;
	v4 =	vld [tilespmem:$0x1FC20];
	_ =	sdelay $0x4  }
0xdf: {  	[tilespmem:$0xA0] =	vst v4;
	v4 =	vld [tilespmem:$0x1FC30];
	_ =	sdelay $0x4  }
0xe0: {  	[tilespmem:$0xB0] =	vst v4;
	v4 =	vld [tilespmem:$0x1FC40];
	_ =	sdelay $0x4  }
0xe1: {  	[tilespmem:$0xC0] =	vst v4;
	v4 =	vld [tilespmem:$0x1FC50];
	_ =	sdelay $0x4  }
0xe2: {  	[tilespmem:$0xD0] =	vst v4;
	v4 =	vld [tilespmem:$0x1FC60];
	_ =	sdelay $0x4  }
0xe3: {  	[tilespmem:$0xE0] =	vst v4;
	v4 =	vld [tilespmem:$0x1FC70];
	_ =	sdelay $0x4  }
0xe4: {  	[tilespmem:$0xF0] =	vst v4;
	v4 =	vld [tilespmem:$0x1FC80];
	_ =	sdelay $0x4  }
0xe5: {  	[tilespmem:$0x100] =	vst v4;
	v4 =	vld [tilespmem:$0x1FC90];
	_ =	sdelay $0x4  }
0xe6: {  	[tilespmem:$0x110] =	vst v4;
	v4 =	vld [tilespmem:$0x1FCA0];
	_ =	sdelay $0x4  }
0xe7: {  	[tilespmem:$0x120] =	vst v4;
	v4 =	vld [tilespmem:$0x1FCB0];
	_ =	sdelay $0x4  }
0xe8: {  	[tilespmem:$0x130] =	vst v4;
	v4 =	vld [tilespmem:$0x1FCC0];
	_ =	sdelay $0x4  }
0xe9: {  	[tilespmem:$0x140] =	vst v4;
	v4 =	vld [tilespmem:$0x1FCD0];
	_ =	sdelay $0x4  }
0xea: {  	[tilespmem:$0x150] =	vst v4;
	v4 =	vld [tilespmem:$0x1FCE0];
	_ =	sdelay $0x4  }
0xeb: {  	[tilespmem:$0x160] =	vst v4;
	v4 =	vld [tilespmem:$0x1FCF0];
	_ =	sdelay $0x4  }
0xec: {  	[tilespmem:$0x170] =	vst v4;
	v4 =	vld [tilespmem:$0x1FD00];
	_ =	sdelay $0x4  }
0xed: {  	[tilespmem:$0x180] =	vst v4;
	v4 =	vld [tilespmem:$0x1FD10];
	_ =	sdelay $0x4  }
0xee: {  	[tilespmem:$0x190] =	vst v4;
	v4 =	vld [tilespmem:$0x1FD20];
	_ =	sdelay $0x4  }
0xef: {  	[tilespmem:$0x1A0] =	vst v4;
	v4 =	vld [tilespmem:$0x1FD30];
	_ =	sdelay $0x4  }
0xf0: {  	[tilespmem:$0x1B0] =	vst v4;
	v4 =	vld [tilespmem:$0x1FD40];
	_ =	sdelay $0x4  }
0xf1: {  	[tilespmem:$0x1C0] =	vst v4;
	v4 =	vld [tilespmem:$0x1FD50];
	_ =	sdelay $0x4  }
0xf2: {  	[tilespmem:$0x1D0] =	vst v4;
	v4 =	vld [tilespmem:$0x1FD60];
	_ =	sdelay $0x4  }
0xf3: {  	[tilespmem:$0x1E0] =	vst v4;
	v4 =	vld [tilespmem:$0x1FD70];
	_ =	sdelay $0x4  }
0xf4: {  	[tilespmem:$0x1F0] =	vst v4;
	v4 =	vld [tilespmem:$0x1FD80];
	_ =	sdelay $0x4  }
0xf5: {  	[tilespmem:$0x200] =	vst v4;
	v4 =	vld [tilespmem:$0x1FD90];
	_ =	sdelay $0x4  }
0xf6: {  	[tilespmem:$0x210] =	vst v4;
	v4 =	vld [tilespmem:$0x1FDA0];
	_ =	sdelay $0x4  }
0xf7: {  	[tilespmem:$0x220] =	vst v4;
	v4 =	vld [tilespmem:$0x1FDB0];
	_ =	sdelay $0x4  }
0xf8: {  	[tilespmem:$0x230] =	vst v4;
	v4 =	vld [tilespmem:$0x1FDC0];
	_ =	sdelay $0x4  }
0xf9: {  	[tilespmem:$0x240] =	vst v4;
	v4 =	vld [tilespmem:$0x1FDD0];
	_ =	sdelay $0x4  }
0xfa: {  	[tilespmem:$0x250] =	vst v4;
	v4 =	vld [tilespmem:$0x1FDE0];
	_ =	sdelay $0x4  }
0xfb: {  	[tilespmem:$0x260] =	vst v4;
	v4 =	vld [tilespmem:$0x1FDF0];
	_ =	sdelay $0x4  }
0xfc: {  	[tilespmem:$0x270] =	vst v4;
	v4 =	vld [tilespmem:$0x1FE00];
	_ =	sdelay $0x4  }
0xfd: {  	[tilespmem:$0x280] =	vst v4;
	v4 =	vld [tilespmem:$0x1FE10];
	_ =	sdelay $0x4  }
0xfe: {  	[tilespmem:$0x290] =	vst v4;
	v4 =	vld [tilespmem:$0x1FE20];
	_ =	sdelay $0x4  }
0xff: {  	[tilespmem:$0x2A0] =	vst v4;
	v4 =	vld [tilespmem:$0x1FE30];
	_ =	sdelay $0x4  }
0x100: {  	[tilespmem:$0x2B0] =	vst v4;
	v4 =	vld [tilespmem:$0x1FE40];
	_ =	sdelay $0x4  }
0x101: {  	[tilespmem:$0x2C0] =	vst v4;
	v4 =	vld [tilespmem:$0x1FE50];
	_ =	sdelay $0x4  }
0x102: {  	[tilespmem:$0x2D0] =	vst v4;
	v4 =	vld [tilespmem:$0x1FE60];
	_ =	sdelay $0x4  }
0x103: {  	[tilespmem:$0x2E0] =	vst v4;
	v4 =	vld [tilespmem:$0x1FE70];
	_ =	sdelay $0x4  }
0x104: {  	[tilespmem:$0x2F0] =	vst v4;
	v4 =	vld [tilespmem:$0x1FE80];
	_ =	sdelay $0x4  }
0x105: {  	[tilespmem:$0x300] =	vst v4;
	v4 =	vld [tilespmem:$0x1FE90];
	_ =	sdelay $0x4  }
0x106: {  	[tilespmem:$0x310] =	vst v4;
	v4 =	vld [tilespmem:$0x1FEA0];
	_ =	sdelay $0x4  }
0x107: {  	[tilespmem:$0x320] =	vst v4;
	v4 =	vld [tilespmem:$0x1FEB0];
	_ =	sdelay $0x4  }
0x108: {  	[tilespmem:$0x330] =	vst v4;
	v4 =	vld [tilespmem:$0x1FEC0];
	_ =	sdelay $0x4  }
0x109: {  	[tilespmem:$0x340] =	vst v4;
	v4 =	vld [tilespmem:$0x1FED0];
	_ =	sdelay $0x4  }
0x10a: {  	[tilespmem:$0x350] =	vst v4;
	v4 =	vld [tilespmem:$0x1FEE0];
	_ =	sdelay $0x4  }
0x10b: {  	[tilespmem:$0x360] =	vst v4;
	v4 =	vld [tilespmem:$0x1FEF0];
	_ =	sdelay $0x4  }
0x10c: {  	[tilespmem:$0x370] =	vst v4;
	v4 =	vld [tilespmem:$0x1FF00];
	_ =	sdelay $0x4  }
0x10d: {  	[tilespmem:$0x380] =	vst v4;
	v4 =	vld [tilespmem:$0x1FF10];
	_ =	sdelay $0x4  }
0x10e: {  	[tilespmem:$0x390] =	vst v4;
	v4 =	vld [tilespmem:$0x1FF20];
	_ =	sdelay $0x4  }
0x10f: {  	[tilespmem:$0x3A0] =	vst v4;
	v4 =	vld [tilespmem:$0x1FF30];
	_ =	sdelay $0x4  }
0x110: {  	[tilespmem:$0x3B0] =	vst v4;
	v4 =	vld [tilespmem:$0x1FF40];
	_ =	sdelay $0x4  }
0x111: {  	[tilespmem:$0x3C0] =	vst v4;
	v4 =	vld [tilespmem:$0x1FF50]  }
0x112: {  	[tilespmem:$0x0] =	vst v9  }
0x113: {  	[tilespmem:$0x480] =	vst v10  }
0x114: {  	[tilespmem:$0x490] =	vst v11  }
0x115: {  	[tilespmem:$0x4A0] =	vst v12  }
0x116: {  	[tilespmem:$0x3D0] =	vst v4;
	v4 =	vld [tilespmem:$0x1FF60]  }
0x117: {  	[tilespmem:$0x4B0] =	vst v13  }
0x118: {  	[tilespmem:$0x4C0] =	vst v14  }
0x119: {  	[tilespmem:$0x4D0] =	vst v15  }
0x11a: {  	[tilespmem:$0x4E0] =	vst v16  }
0x11b: {  	[tilespmem:$0x3E0] =	vst v4;
	v4 =	vld [tilespmem:$0x1FF70]  }
0x11c: {  	[tilespmem:$0x4F0] =	vst v17  }
0x11d: {  	[tilespmem:$0x500] =	vst v18  }
0x11e: {  	[tilespmem:$0x510] =	vst v19  }
0x11f: {  	[tilespmem:$0x520] =	vst v20  }
0x120: {  	[tilespmem:$0x3F0] =	vst v4;
	v4 =	vld [tilespmem:$0x1FF80]  }
0x121: {  	[tilespmem:$0x530] =	vst v21  }
0x122: {  	[tilespmem:$0x540] =	vst v22  }
0x123: {  	[tilespmem:$0x550] =	vst v23  }
0x124: {  	[tilespmem:$0x560] =	vst v24  }
0x125: {  	[tilespmem:$0x400] =	vst v4;
	v4 =	vld [tilespmem:$0x1FF90]  }
0x126: {  	[tilespmem:$0x570] =	vst v25  }
0x127: {  	[tilespmem:$0x580] =	vst v26  }
0x128: {  	[tilespmem:$0x590] =	vst v27  }
0x129: {  	[tilespmem:$0x5A0] =	vst v28  }
0x12a: {  	[tilespmem:$0x410] =	vst v4;
	v4 =	vld [tilespmem:$0x1FFA0]  }
0x12b: {  	[tilespmem:$0x5B0] =	vst v29  }
0x12c: {  	[tilespmem:$0x5C0] =	vst v30  }
0x12d: {  	[tilespmem:$0x5D0] =	vst v31  }
0x12e: {  	[tilespmem:$0x5E0] =	vst v32  }
0x12f: {  	[tilespmem:$0x420] =	vst v4;
	v4 =	vld [tilespmem:$0x1FFB0]  }
0x130: {  	[tilespmem:$0x5F0] =	vst v33  }
0x131: {  	[tilespmem:$0x600] =	vst v34  }
0x132: {  	[tilespmem:$0x610] =	vst v35  }
0x133: {  	[tilespmem:$0x620] =	vst v36  }
0x134: {  	[tilespmem:$0x430] =	vst v4;
	v4 =	vld [tilespmem:$0x1FFC0]  }
0x135: {  	[tilespmem:$0x630] =	vst v37  }
0x136: {  	[tilespmem:$0x640] =	vst v38  }
0x137: {  	[tilespmem:$0x650] =	vst v39  }
0x138: {  	[tilespmem:$0x660] =	vst v40  }
0x139: {  	[tilespmem:$0x440] =	vst v4;
	v4 =	vld [tilespmem:$0x1FFD0]  }
0x13a: {  	[tilespmem:$0x670] =	vst v41  }
0x13b: {  	[tilespmem:$0x680] =	vst v42  }
0x13c: {  	[tilespmem:$0x690] =	vst v43  }
0x13d: {  	[tilespmem:$0x6A0] =	vst v44  }
0x13e: {  	[tilespmem:$0x450] =	vst v4;
	v4 =	vld [tilespmem:$0x1FFE0]  }
0x13f: {  	[tilespmem:$0x6B0] =	vst v45  }
0x140: {  	[tilespmem:$0x6C0] =	vst v46  }
0x141: {  	[tilespmem:$0x6D0] =	vst v47  }
0x142: {  	[tilespmem:$0x6E0] =	vst v48  }
0x143: {  	[tilespmem:$0x460] =	vst v4;
	v4 =	vld [tilespmem:$0x1FFF0]  }
0x144: {  	[tilespmem:$0x6F0] =	vst v49  }
0x145: {  	[tilespmem:$0x700] =	vst v50  }
0x146: {  	[tilespmem:$0x710] =	vst v51  }
0x147: {  	[tilespmem:$0x720] =	vst v52  }
0x148: {  	[tilespmem:$0x470] =	vst v4;
	v4 =	vld [tilespmem:s4+$0x0]  }
0x149: {  	[tilespmem:$0x730] =	vst v53  }
0x14a: {  	[tilespmem:$0x740] =	vst v54  }
0x14b: {  	[tilespmem:$0x750] =	vst v55  }
0x14c: {  	[tilespmem:$0x760] =	vst v56  }
0x14d: {  	[tilespmem:$0x770] =	vst v57;
	v5 =	vshll.u32 v4, $0x3  }
0x14e: {  	[tilespmem:$0x780] =	vst v58;
	v4 =	vand.u32 $0x7, v4;
	v5 =	vand.u32 $0xFFFFFFC0, v5  }
0x14f: {  	[tilespmem:$0x790] =	vst v59;
	v7 =	vor.u32 v4, v5;
	v5 =	vand.u32 $0x7, v0;
	v4 =	vshrl.u32 v0, $0x3  }
0x150: {  	[tilespmem:$0x7A0] =	vst v60;
	v6 =	vperm.xlane v7, v5;
	v4 =	vmul.u32 $0x8, v4  }
0x151: {  	[tilespmem:$0x7B0] =	vst v61  }
0x152: {  	[tilespmem:$0x7C0] =	vst v62;
	v8 =	vadd.s32 v4, v6  }
0x153: {  	[tilespmem:$0x7D0] =	vst v63  }
0x154: {  	[tilespmem:$0x7E0] =	vst v1  }
0x155: {  	[tilespmem:$0x7F0] =	vst v2  }
0x156: {  	[tilespmem:$0x800] =	vst v3  }
0x157: {  	v6 =	vor.u32 $0x8, v0;
	[tilespmem:s28], [sflag:$0x1] =	stream.indirect_vreg.gather [hbm4b:s2+s3], $0x80, v8, vm0, $0xb8;
	[tilespmem:$0x19100] =	vst v63  }
0x158: {  	s20 =	simm.s32 $0x1900;
	v7 =	vperm.xlane v7, v6  }
0x159: {  	[tilespmem:s20], [sflag:$0x1] =	stream.indirect_vreg.gather [hbm4b:s7+s3], $0x80, v8, vm0, $0xb8;
	[tilespmem:$0x19100] =	vst v63  }
0x15a: {  	s29 =	simm.s32 $0x2100;
	v7 =	vadd.s32 v4, v7  }
0x15b: {  	[tilespmem:s29], [sflag:$0x1] =	stream.indirect_vreg.gather [hbm4b:s8+s3], $0x80, v8, vm0, $0xb8;
	[tilespmem:$0x19100] =	vst v63  }
0x15c: {  	s30 =	simm.s32 $0x2900  }
0x15d: {  	[tilespmem:s30], [sflag:$0x1] =	stream.indirect_vreg.gather [hbm4b:s9+s3], $0x80, v8, vm0, $0xb8;
	[tilespmem:$0x19100] =	vst v63  }
0x15e: {  	s31 =	simm.s32 $0x3100  }
0x15f: {  	[tilespmem:s31], [sflag:$0x1] =	stream.indirect_vreg.gather [hbm4b:s2+s3], $0x80, v7, vm0, $0xb8;
	[tilespmem:$0x19100] =	vst v63  }
0x160: {  	s1 =	simm.s32 $0x3900  }
0x161: {  	[tilespmem:s1], [sflag:$0x1] =	stream.indirect_vreg.gather [hbm4b:s7+s3], $0x80, v7, vm0, $0xb8;
	[tilespmem:$0x19100] =	vst v63  }
0x162: {  	s6 =	simm.s32 $0x4100  }
0x163: {  	[tilespmem:s6], [sflag:$0x1] =	stream.indirect_vreg.gather [hbm4b:s8+s3], $0x80, v7, vm0, $0xb8;
	[tilespmem:$0x19100] =	vst v63  }
0x164: {  	s10 =	simm.s32 $0x4900  }
0x165: {  	[tilespmem:s10], [sflag:$0x1] =	stream.indirect_vreg.gather [hbm4b:s9+s3], $0x80, v7, vm0, $0xb8;
	[tilespmem:$0x19100] =	vst v63  }
0x166: {  	v7 =	vld [tilespmem:s4+$0x10];
	_ =	sdelay $0x4  }
0x167: {  	v8 =	vshll.u32 v7, $0x3  }
0x168: {  	v7 =	vand.u32 $0x7, v7;
	v8 =	vand.u32 $0xFFFFFFC0, v8  }
0x169: {  	v7 =	vor.u32 v7, v8  }
0x16a: {  	v8 =	vperm.xlane v7, v5;
	_ =	sdelay $0x1  }
0x16b: {  	v8 =	vadd.s32 v4, v8;
	_ =	sdelay $0x3  }
0x16c: {  	s12 =	simm.s32 $0x5100  }
0x16d: {  	[tilespmem:s12], [sflag:$0x1] =	stream.indirect_vreg.gather [hbm4b:s2+s3], $0x80, v8, vm0, $0xb8;
	[tilespmem:$0x19100] =	vst v63  }
0x16e: {  	s13 =	simm.s32 $0x5900;
	v7 =	vperm.xlane v7, v6  }
0x16f: {  	[tilespmem:s13], [sflag:$0x1] =	stream.indirect_vreg.gather [hbm4b:s7+s3], $0x80, v8, vm0, $0xb8;
	[tilespmem:$0x19100] =	vst v63  }
0x170: {  	s14 =	simm.s32 $0x6100;
	v7 =	vadd.s32 v4, v7  }
0x171: {  	[tilespmem:s14], [sflag:$0x1] =	stream.indirect_vreg.gather [hbm4b:s8+s3], $0x80, v8, vm0, $0xb8;
	[tilespmem:$0x19100] =	vst v63  }
0x172: {  	s15 =	simm.s32 $0x6900  }
0x173: {  	[tilespmem:s15], [sflag:$0x1] =	stream.indirect_vreg.gather [hbm4b:s9+s3], $0x80, v8, vm0, $0xb8;
	[tilespmem:$0x19100] =	vst v63  }
0x174: {  	s16 =	simm.s32 $0x7100  }
0x175: {  	[tilespmem:s16], [sflag:$0x1] =	stream.indirect_vreg.gather [hbm4b:s2+s3], $0x80, v7, vm0, $0xb8;
	[tilespmem:$0x19100] =	vst v63  }
0x176: {  	s17 =	simm.s32 $0x7900  }
0x177: {  	[tilespmem:s17], [sflag:$0x1] =	stream.indirect_vreg.gather [hbm4b:s7+s3], $0x80, v7, vm0, $0xb8;
	[tilespmem:$0x19100] =	vst v63  }
0x178: {  	s18 =	simm.s32 $0x8100  }
0x179: {  	[tilespmem:s18], [sflag:$0x1] =	stream.indirect_vreg.gather [hbm4b:s8+s3], $0x80, v7, vm0, $0xb8;
	[tilespmem:$0x19100] =	vst v63  }
0x17a: {  	s1 =	simm.s32 $0x8900  }
0x17b: {  	[tilespmem:s1], [sflag:$0x1] =	stream.indirect_vreg.gather [hbm4b:s9+s3], $0x80, v7, vm0, $0xb8;
	[tilespmem:$0x19100] =	vst v63  }
0x17c: {  	v7 =	vld [tilespmem:s4+$0x20];
	_ =	sdelay $0x4  }
0x17d: {  	v8 =	vshll.u32 v7, $0x3  }
0x17e: {  	v7 =	vand.u32 $0x7, v7;
	v8 =	vand.u32 $0xFFFFFFC0, v8  }
0x17f: {  	v7 =	vor.u32 v7, v8  }
0x180: {  	v8 =	vperm.xlane v7, v5;
	_ =	sdelay $0x1  }
0x181: {  	v8 =	vadd.s32 v4, v8;
	_ =	sdelay $0x3  }
0x182: {  	s1 =	simm.s32 $0x9100  }
0x183: {  	[tilespmem:s1], [sflag:$0x2] =	stream.indirect_vreg.gather [hbm4b:s2+s3], $0x80, v8, vm0, $0xb8;
	[tilespmem:$0x19100] =	vst v63  }
0x184: {  	s0 =	simm.s32 $0x9900;
	v7 =	vperm.xlane v7, v6  }
0x185: {  	[tilespmem:s0], [sflag:$0x2] =	stream.indirect_vreg.gather [hbm4b:s7+s3], $0x80, v8, vm0, $0xb8;
	[tilespmem:$0x19100] =	vst v63  }
0x186: {  	v7 =	vadd.s32 v4, v7;
	s0 =	simm.s32 $0xA100  }
0x187: {  	[tilespmem:s0], [sflag:$0x2] =	stream.indirect_vreg.gather [hbm4b:s8+s3], $0x80, v8, vm0, $0xb8;
	[tilespmem:$0x19100] =	vst v63  }
0x188: {  	s0 =	simm.s32 $0xA900  }
0x189: {  	[tilespmem:s0], [sflag:$0x2] =	stream.indirect_vreg.gather [hbm4b:s9+s3], $0x80, v8, vm0, $0xb8;
	[tilespmem:$0x19100] =	vst v63  }
0x18a: {  	s0 =	simm.s32 $0xB100  }
0x18b: {  	[tilespmem:s0], [sflag:$0x2] =	stream.indirect_vreg.gather [hbm4b:s2+s3], $0x80, v7, vm0, $0xb8;
	[tilespmem:$0x19100] =	vst v63  }
0x18c: {  	s0 =	simm.s32 $0xB900  }
0x18d: {  	[tilespmem:s0], [sflag:$0x2] =	stream.indirect_vreg.gather [hbm4b:s7+s3], $0x80, v7, vm0, $0xb8;
	[tilespmem:$0x19100] =	vst v63  }
0x18e: {  	s0 =	simm.s32 $0xC100  }
0x18f: {  	[tilespmem:s0], [sflag:$0x2] =	stream.indirect_vreg.gather [hbm4b:s8+s3], $0x80, v7, vm0, $0xb8;
	[tilespmem:$0x19100] =	vst v63  }
0x190: {  	s0 =	simm.s32 $0xC900  }
0x191: {  	[tilespmem:s0], [sflag:$0x2] =	stream.indirect_vreg.gather [hbm4b:s9+s3], $0x80, v7, vm0, $0xb8;
	[tilespmem:$0x19100] =	vst v63  }
0x192: {  	v7 =	vld [tilespmem:s4+$0x30];
	_ =	sdelay $0x4  }
0x193: {  	v8 =	vshll.u32 v7, $0x3  }
0x194: {  	v7 =	vand.u32 $0x7, v7;
	v8 =	vand.u32 $0xFFFFFFC0, v8  }
0x195: {  	v7 =	vor.u32 v7, v8  }
0x196: {  	v8 =	vperm.xlane v7, v5;
	_ =	sdelay $0x1  }
0x197: {  	v8 =	vadd.s32 v4, v8;
	_ =	sdelay $0x3  }
0x198: {  	s0 =	simm.s32 $0xD100  }
0x199: {  	[tilespmem:s0], [sflag:$0x2] =	stream.indirect_vreg.gather [hbm4b:s2+s3], $0x80, v8, vm0, $0xb8;
	[tilespmem:$0x19100] =	vst v63  }
0x19a: {  	v7 =	vperm.xlane v7, v6;
	s0 =	simm.s32 $0xD900  }
0x19b: {  	[tilespmem:s0], [sflag:$0x2] =	stream.indirect_vreg.gather [hbm4b:s7+s3], $0x80, v8, vm0, $0xb8;
	[tilespmem:$0x19100] =	vst v63  }
0x19c: {  	v7 =	vadd.s32 v4, v7;
	s0 =	simm.s32 $0xE100  }
0x19d: {  	[tilespmem:s0], [sflag:$0x2] =	stream.indirect_vreg.gather [hbm4b:s8+s3], $0x80, v8, vm0, $0xb8;
	[tilespmem:$0x19100] =	vst v63  }
0x19e: {  	s0 =	simm.s32 $0xE900  }
0x19f: {  	[tilespmem:s0], [sflag:$0x2] =	stream.indirect_vreg.gather [hbm4b:s9+s3], $0x80, v8, vm0, $0xb8;
	[tilespmem:$0x19100] =	vst v63  }
0x1a0: {  	s0 =	simm.s32 $0xF100  }
0x1a1: {  	[tilespmem:s0], [sflag:$0x2] =	stream.indirect_vreg.gather [hbm4b:s2+s3], $0x80, v7, vm0, $0xb8;
	[tilespmem:$0x19100] =	vst v63  }
0x1a2: {  	s0 =	simm.s32 $0xF900  }
0x1a3: {  	[tilespmem:s0], [sflag:$0x2] =	stream.indirect_vreg.gather [hbm4b:s7+s3], $0x80, v7, vm0, $0xb8;
	[tilespmem:$0x19100] =	vst v63  }
0x1a4: {  	s0 =	simm.s32 $0x10100  }
0x1a5: {  	[tilespmem:s0], [sflag:$0x2] =	stream.indirect_vreg.gather [hbm4b:s8+s3], $0x80, v7, vm0, $0xb8;
	[tilespmem:$0x19100] =	vst v63  }
0x1a6: {  	s0 =	simm.s32 $0x10900  }
0x1a7: {  	[tilespmem:s0], [sflag:$0x2] =	stream.indirect_vreg.gather [hbm4b:s9+s3], $0x80, v7, vm0, $0xb8;
	[tilespmem:$0x19100] =	vst v63  }
0x1a8: {  	v7 =	vld [tilespmem:s4+$0x40];
	_ =	sdelay $0x4  }
0x1a9: {  	v8 =	vshll.u32 v7, $0x3  }
0x1aa: {  	v7 =	vand.u32 $0x7, v7;
	v8 =	vand.u32 $0xFFFFFFC0, v8  }
0x1ab: {  	v7 =	vor.u32 v7, v8  }
0x1ac: {  	v8 =	vperm.xlane v7, v5;
	_ =	sdelay $0x1  }
0x1ad: {  	v8 =	vadd.s32 v4, v8;
	_ =	sdelay $0x4  }
0x1ae: {  	[tilespmem:s11], [sflag:$0x3] =	stream.indirect_vreg.gather [hbm4b:s2+s3], $0x80, v8, vm0, $0xb8;
	[tilespmem:$0x19100] =	vst v63  }
0x1af: {  	s0 =	simm.s32 $0x11900;
	v7 =	vperm.xlane v7, v6  }
0x1b0: {  	[tilespmem:s0], [sflag:$0x3] =	stream.indirect_vreg.gather [hbm4b:s7+s3], $0x80, v8, vm0, $0xb8;
	[tilespmem:$0x19100] =	vst v63  }
0x1b1: {  	v7 =	vadd.s32 v4, v7;
	s0 =	simm.s32 $0x12100  }
0x1b2: {  	[tilespmem:s0], [sflag:$0x3] =	stream.indirect_vreg.gather [hbm4b:s8+s3], $0x80, v8, vm0, $0xb8;
	[tilespmem:$0x19100] =	vst v63  }
0x1b3: {  	s0 =	simm.s32 $0x12900  }
0x1b4: {  	[tilespmem:s0], [sflag:$0x3] =	stream.indirect_vreg.gather [hbm4b:s9+s3], $0x80, v8, vm0, $0xb8;
	[tilespmem:$0x19100] =	vst v63  }
0x1b5: {  	s0 =	simm.s32 $0x13100  }
0x1b6: {  	[tilespmem:s0], [sflag:$0x3] =	stream.indirect_vreg.gather [hbm4b:s2+s3], $0x80, v7, vm0, $0xb8;
	[tilespmem:$0x19100] =	vst v63  }
0x1b7: {  	s0 =	simm.s32 $0x13900  }
0x1b8: {  	[tilespmem:s0], [sflag:$0x3] =	stream.indirect_vreg.gather [hbm4b:s7+s3], $0x80, v7, vm0, $0xb8;
	[tilespmem:$0x19100] =	vst v63  }
0x1b9: {  	s0 =	simm.s32 $0x14100  }
0x1ba: {  	[tilespmem:s0], [sflag:$0x3] =	stream.indirect_vreg.gather [hbm4b:s8+s3], $0x80, v7, vm0, $0xb8;
	[tilespmem:$0x19100] =	vst v63  }
0x1bb: {  	s0 =	simm.s32 $0x14900  }
0x1bc: {  	[tilespmem:s0], [sflag:$0x3] =	stream.indirect_vreg.gather [hbm4b:s9+s3], $0x80, v7, vm0, $0xb8;
	[tilespmem:$0x19100] =	vst v63  }
0x1bd: {  	v7 =	vld [tilespmem:s4+$0x50];
	_ =	sdelay $0x4  }
0x1be: {  	v8 =	vshll.u32 v7, $0x3  }
0x1bf: {  	v7 =	vand.u32 $0x7, v7;
	v8 =	vand.u32 $0xFFFFFFC0, v8  }
0x1c0: {  	v7 =	vor.u32 v7, v8  }
0x1c1: {  	v8 =	vperm.xlane v7, v5;
	_ =	sdelay $0x1  }
0x1c2: {  	v8 =	vadd.s32 v4, v8;
	_ =	sdelay $0x3  }
0x1c3: {  	s0 =	simm.s32 $0x15100  }
0x1c4: {  	[tilespmem:s0], [sflag:$0x3] =	stream.indirect_vreg.gather [hbm4b:s2+s3], $0x80, v8, vm0, $0xb8;
	[tilespmem:$0x19100] =	vst v63  }
0x1c5: {  	v7 =	vperm.xlane v7, v6;
	s0 =	simm.s32 $0x15900  }
0x1c6: {  	[tilespmem:s0], [sflag:$0x3] =	stream.indirect_vreg.gather [hbm4b:s7+s3], $0x80, v8, vm0, $0xb8;
	[tilespmem:$0x19100] =	vst v63  }
0x1c7: {  	v7 =	vadd.s32 v4, v7;
	s0 =	simm.s32 $0x16100  }
0x1c8: {  	[tilespmem:s0], [sflag:$0x3] =	stream.indirect_vreg.gather [hbm4b:s8+s3], $0x80, v8, vm0, $0xb8;
	[tilespmem:$0x19100] =	vst v63  }
0x1c9: {  	s0 =	simm.s32 $0x16900  }
0x1ca: {  	[tilespmem:s0], [sflag:$0x3] =	stream.indirect_vreg.gather [hbm4b:s9+s3], $0x80, v8, vm0, $0xb8;
	[tilespmem:$0x19100] =	vst v63  }
0x1cb: {  	s0 =	simm.s32 $0x17100  }
0x1cc: {  	[tilespmem:s0], [sflag:$0x3] =	stream.indirect_vreg.gather [hbm4b:s2+s3], $0x80, v7, vm0, $0xb8;
	[tilespmem:$0x19100] =	vst v63  }
0x1cd: {  	s0 =	simm.s32 $0x17900  }
0x1ce: {  	[tilespmem:s0], [sflag:$0x3] =	stream.indirect_vreg.gather [hbm4b:s7+s3], $0x80, v7, vm0, $0xb8;
	[tilespmem:$0x19100] =	vst v63  }
0x1cf: {  	s0 =	simm.s32 $0x18100  }
0x1d0: {  	[tilespmem:s0], [sflag:$0x3] =	stream.indirect_vreg.gather [hbm4b:s8+s3], $0x80, v7, vm0, $0xb8;
	[tilespmem:$0x19100] =	vst v63  }
0x1d1: {  	s0 =	simm.s32 $0x18900  }
0x1d2: {  	[tilespmem:s0], [sflag:$0x3] =	stream.indirect_vreg.gather [hbm4b:s9+s3], $0x80, v7, vm0, $0xb8;
	[tilespmem:$0x19100] =	vst v63  }
0x1d3: {  	_ =	swait.ge [sflag:s21], $0x8000  }
0x1d4: {  	s0 =	sld [smem:$0x7AE]  }
0x1d5: {  	[sflag:s21] =	ssyncset.done $0x0  }
0x1d6: {  	[sflag:s21] =	ssyncadd.s32 $0xFFFF8000  }
0x1d7: {  	[hbm4b:s0+s3] =	stream.linear.scatter [tilespmem:s28], [sflag:$0x4], $0x8000, $0x38;
	[tilespmem:$0x19100] =	vst v63  }
0x1d8: {  	_ =	swait.ge [sflag:s22], $0x8000  }
0x1d9: {  	[sflag:s22] =	ssyncset.done $0x0  }
0x1da: {  	[sflag:s22] =	ssyncadd.s32 $0xFFFF8000  }
0x1db: {  	v7 =	vld [tilespmem:s4+$0x60];
	_ =	sdelay $0x4  }
0x1dc: {  	v8 =	vshll.u32 v7, $0x3  }
0x1dd: {  	v7 =	vand.u32 $0x7, v7;
	v8 =	vand.u32 $0xFFFFFFC0, v8  }
0x1de: {  	v7 =	vor.u32 v7, v8  }
0x1df: {  	v8 =	vperm.xlane v7, v5;
	_ =	sdelay $0x1  }
0x1e0: {  	v8 =	vadd.s32 v4, v8;
	_ =	sdelay $0x4  }
0x1e1: {  	[tilespmem:s28], [sflag:$0x1] =	stream.indirect_vreg.gather [hbm4b:s2+s3], $0x80, v8, vm0, $0xb8;
	[tilespmem:$0x19100] =	vst v63  }
0x1e2: {  	s5 =	simm.s32 $0x1900;
	v7 =	vperm.xlane v7, v6  }
0x1e3: {  	[tilespmem:s5], [sflag:$0x1] =	stream.indirect_vreg.gather [hbm4b:s7+s3], $0x80, v8, vm0, $0xb8;
	[tilespmem:$0x19100] =	vst v63  }
0x1e4: {  	s19 =	simm.s32 $0x2100;
	v7 =	vadd.s32 v4, v7  }
0x1e5: {  	[tilespmem:s19], [sflag:$0x1] =	stream.indirect_vreg.gather [hbm4b:s8+s3], $0x80, v8, vm0, $0xb8;
	[tilespmem:$0x19100] =	vst v63  }
0x1e6: {  	s20 =	simm.s32 $0x2900  }
0x1e7: {  	[tilespmem:s20], [sflag:$0x1] =	stream.indirect_vreg.gather [hbm4b:s9+s3], $0x80, v8, vm0, $0xb8;
	[tilespmem:$0x19100] =	vst v63  }
0x1e8: {  	s29 =	simm.s32 $0x3100  }
0x1e9: {  	[tilespmem:s29], [sflag:$0x1] =	stream.indirect_vreg.gather [hbm4b:s2+s3], $0x80, v7, vm0, $0xb8;
	[tilespmem:$0x19100] =	vst v63  }
0x1ea: {  	s30 =	simm.s32 $0x3900  }
0x1eb: {  	[tilespmem:s30], [sflag:$0x1] =	stream.indirect_vreg.gather [hbm4b:s7+s3], $0x80, v7, vm0, $0xb8;
	[tilespmem:$0x19100] =	vst v63  }
0x1ec: {  	s31 =	simm.s32 $0x4100  }
0x1ed: {  	[tilespmem:s31], [sflag:$0x1] =	stream.indirect_vreg.gather [hbm4b:s8+s3], $0x80, v7, vm0, $0xb8;
	[tilespmem:$0x19100] =	vst v63  }
0x1ee: {  	s6 =	simm.s32 $0x4900  }
0x1ef: {  	[tilespmem:s6], [sflag:$0x1] =	stream.indirect_vreg.gather [hbm4b:s9+s3], $0x80, v7, vm0, $0xb8;
	[tilespmem:$0x19100] =	vst v63  }
0x1f0: {  	v7 =	vld [tilespmem:s4+$0x70];
	_ =	sdelay $0x4  }
0x1f1: {  	v8 =	vshll.u32 v7, $0x3  }
0x1f2: {  	v7 =	vand.u32 $0x7, v7;
	v8 =	vand.u32 $0xFFFFFFC0, v8  }
0x1f3: {  	v7 =	vor.u32 v7, v8  }
0x1f4: {  	v8 =	vperm.xlane v7, v5;
	_ =	sdelay $0x1  }
0x1f5: {  	v8 =	vadd.s32 v4, v8;
	_ =	sdelay $0x3  }
0x1f6: {  	s10 =	simm.s32 $0x5100  }
0x1f7: {  	[tilespmem:s10], [sflag:$0x1] =	stream.indirect_vreg.gather [hbm4b:s2+s3], $0x80, v8, vm0, $0xb8;
	[tilespmem:$0x19100] =	vst v63  }
0x1f8: {  	s12 =	simm.s32 $0x5900;
	v7 =	vperm.xlane v7, v6  }
0x1f9: {  	[tilespmem:s12], [sflag:$0x1] =	stream.indirect_vreg.gather [hbm4b:s7+s3], $0x80, v8, vm0, $0xb8;
	[tilespmem:$0x19100] =	vst v63  }
0x1fa: {  	s14 =	simm.s32 $0x6100;
	v7 =	vadd.s32 v4, v7  }
0x1fb: {  	[tilespmem:s14], [sflag:$0x1] =	stream.indirect_vreg.gather [hbm4b:s8+s3], $0x80, v8, vm0, $0xb8;
	[tilespmem:$0x19100] =	vst v63  }
0x1fc: {  	s15 =	simm.s32 $0x6900  }
0x1fd: {  	[tilespmem:s15], [sflag:$0x1] =	stream.indirect_vreg.gather [hbm4b:s9+s3], $0x80, v8, vm0, $0xb8;
	[tilespmem:$0x19100] =	vst v63  }
0x1fe: {  	s16 =	simm.s32 $0x7100  }
0x1ff: {  	[tilespmem:s16], [sflag:$0x1] =	stream.indirect_vreg.gather [hbm4b:s2+s3], $0x80, v7, vm0, $0xb8;
	[tilespmem:$0x19100] =	vst v63  }
0x200: {  	s17 =	simm.s32 $0x7900  }
0x201: {  	[tilespmem:s17], [sflag:$0x1] =	stream.indirect_vreg.gather [hbm4b:s7+s3], $0x80, v7, vm0, $0xb8;
	[tilespmem:$0x19100] =	vst v63  }
0x202: {  	s18 =	simm.s32 $0x8100  }
0x203: {  	[tilespmem:s18], [sflag:$0x1] =	stream.indirect_vreg.gather [hbm4b:s8+s3], $0x80, v7, vm0, $0xb8;
	[tilespmem:$0x19100] =	vst v63  }
0x204: {  	s13 =	simm.s32 $0x8900  }
0x205: {  	[tilespmem:s13], [sflag:$0x1] =	stream.indirect_vreg.gather [hbm4b:s9+s3], $0x80, v7, vm0, $0xb8;
	[tilespmem:$0x19100] =	vst v63  }
0x206: {  	_ =	swait.ge [sflag:s23], $0x8000  }
0x207: {  	[sflag:s23] =	ssyncset.done $0x0  }
0x208: {  	s10 =	rddreg [dreg:$0x6];
	[sflag:s23] =	ssyncadd.s32 $0xFFFF8000  }
0x209: {  	[hbm4b:s10+s3] =	stream.linear.scatter [tilespmem:s1], [sflag:$0x5], $0x8000, $0x38;
	[tilespmem:$0x19100] =	vst v63  }
0x20a: {  	_ =	swait.ge [sflag:s24], $0x8000  }
0x20b: {  	[sflag:s24] =	ssyncset.done $0x0  }
0x20c: {  	[sflag:s24] =	ssyncadd.s32 $0xFFFF8000  }
0x20d: {  	v7 =	vld [tilespmem:s4+$0x80];
	_ =	sdelay $0x4  }
0x20e: {  	v8 =	vshll.u32 v7, $0x3  }
0x20f: {  	v7 =	vand.u32 $0x7, v7;
	v8 =	vand.u32 $0xFFFFFFC0, v8  }
0x210: {  	v7 =	vor.u32 v7, v8  }
0x211: {  	v8 =	vperm.xlane v7, v5;
	_ =	sdelay $0x1  }
0x212: {  	v8 =	vadd.s32 v4, v8;
	_ =	sdelay $0x4  }
0x213: {  	[tilespmem:s1], [sflag:$0x2] =	stream.indirect_vreg.gather [hbm4b:s2+s3], $0x80, v8, vm0, $0xb8;
	[tilespmem:$0x19100] =	vst v63  }
0x214: {  	s12 =	simm.s32 $0x9900;
	v7 =	vperm.xlane v7, v6  }
0x215: {  	[tilespmem:s12], [sflag:$0x2] =	stream.indirect_vreg.gather [hbm4b:s7+s3], $0x80, v8, vm0, $0xb8;
	[tilespmem:$0x19100] =	vst v63  }
0x216: {  	s13 =	simm.s32 $0xA100;
	v7 =	vadd.s32 v4, v7  }
0x217: {  	[tilespmem:s13], [sflag:$0x2] =	stream.indirect_vreg.gather [hbm4b:s8+s3], $0x80, v8, vm0, $0xb8;
	[tilespmem:$0x19100] =	vst v63  }
0x218: {  	s14 =	simm.s32 $0xA900  }
0x219: {  	[tilespmem:s14], [sflag:$0x2] =	stream.indirect_vreg.gather [hbm4b:s9+s3], $0x80, v8, vm0, $0xb8;
	[tilespmem:$0x19100] =	vst v63  }
0x21a: {  	s15 =	simm.s32 $0xB100  }
0x21b: {  	[tilespmem:s15], [sflag:$0x2] =	stream.indirect_vreg.gather [hbm4b:s2+s3], $0x80, v7, vm0, $0xb8;
	[tilespmem:$0x19100] =	vst v63  }
0x21c: {  	s16 =	simm.s32 $0xB900  }
0x21d: {  	[tilespmem:s16], [sflag:$0x2] =	stream.indirect_vreg.gather [hbm4b:s7+s3], $0x80, v7, vm0, $0xb8;
	[tilespmem:$0x19100] =	vst v63  }
0x21e: {  	s18 =	simm.s32 $0xC100  }
0x21f: {  	[tilespmem:s18], [sflag:$0x2] =	stream.indirect_vreg.gather [hbm4b:s8+s3], $0x80, v7, vm0, $0xb8;
	[tilespmem:$0x19100] =	vst v63  }
0x220: {  	s19 =	simm.s32 $0xC900  }
0x221: {  	[tilespmem:s19], [sflag:$0x2] =	stream.indirect_vreg.gather [hbm4b:s9+s3], $0x80, v7, vm0, $0xb8;
	[tilespmem:$0x19100] =	vst v63  }
0x222: {  	v7 =	vld [tilespmem:s4+$0x90];
	_ =	sdelay $0x4  }
0x223: {  	v8 =	vshll.u32 v7, $0x3  }
0x224: {  	v7 =	vand.u32 $0x7, v7;
	v8 =	vand.u32 $0xFFFFFFC0, v8  }
0x225: {  	v7 =	vor.u32 v7, v8  }
0x226: {  	v8 =	vperm.xlane v7, v5;
	_ =	sdelay $0x1  }
0x227: {  	v8 =	vadd.s32 v4, v8;
	_ =	sdelay $0x3  }
0x228: {  	s20 =	simm.s32 $0xD100  }
0x229: {  	[tilespmem:s20], [sflag:$0x2] =	stream.indirect_vreg.gather [hbm4b:s2+s3], $0x80, v8, vm0, $0xb8;
	[tilespmem:$0x19100] =	vst v63  }
0x22a: {  	s29 =	simm.s32 $0xD900;
	v7 =	vperm.xlane v7, v6  }
0x22b: {  	[tilespmem:s29], [sflag:$0x2] =	stream.indirect_vreg.gather [hbm4b:s7+s3], $0x80, v8, vm0, $0xb8;
	[tilespmem:$0x19100] =	vst v63  }
0x22c: {  	s10 =	simm.s32 $0xE100;
	v7 =	vadd.s32 v4, v7  }
0x22d: {  	[tilespmem:s10], [sflag:$0x2] =	stream.indirect_vreg.gather [hbm4b:s8+s3], $0x80, v8, vm0, $0xb8;
	[tilespmem:$0x19100] =	vst v63  }
0x22e: {  	s13 =	simm.s32 $0xE900  }
0x22f: {  	[tilespmem:s13], [sflag:$0x2] =	stream.indirect_vreg.gather [hbm4b:s9+s3], $0x80, v8, vm0, $0xb8;
	[tilespmem:$0x19100] =	vst v63  }
0x230: {  	s14 =	simm.s32 $0xF100  }
0x231: {  	[tilespmem:s14], [sflag:$0x2] =	stream.indirect_vreg.gather [hbm4b:s2+s3], $0x80, v7, vm0, $0xb8;
	[tilespmem:$0x19100] =	vst v63  }
0x232: {  	s15 =	simm.s32 $0xF900  }
0x233: {  	[tilespmem:s15], [sflag:$0x2] =	stream.indirect_vreg.gather [hbm4b:s7+s3], $0x80, v7, vm0, $0xb8;
	[tilespmem:$0x19100] =	vst v63  }
0x234: {  	s16 =	simm.s32 $0x10100  }
0x235: {  	[tilespmem:s16], [sflag:$0x2] =	stream.indirect_vreg.gather [hbm4b:s8+s3], $0x80, v7, vm0, $0xb8;
	[tilespmem:$0x19100] =	vst v63  }
0x236: {  	s15 =	simm.s32 $0x10900  }
0x237: {  	[tilespmem:s15], [sflag:$0x2] =	stream.indirect_vreg.gather [hbm4b:s9+s3], $0x80, v7, vm0, $0xb8;
	[tilespmem:$0x19100] =	vst v63  }
0x238: {  	_ =	swait.ge [sflag:s25], $0x8000  }
0x239: {  	[sflag:s25] =	ssyncset.done $0x0  }
0x23a: {  	s0 =	rddreg [dreg:$0x7];
	[sflag:s25] =	ssyncadd.s32 $0xFFFF8000  }
0x23b: {  	[hbm4b:s0+s3] =	stream.linear.scatter [tilespmem:s11], [sflag:$0x6], $0x8000, $0x38;
	[tilespmem:$0x19100] =	vst v63  }
0x23c: {  	_ =	swait.ge [sflag:s26], $0x8000  }
0x23d: {  	[sflag:s26] =	ssyncset.done $0x0  }
0x23e: {  	[sflag:s26] =	ssyncadd.s32 $0xFFFF8000  }
0x23f: {  	v7 =	vld [tilespmem:s4+$0xA0];
	_ =	sdelay $0x4  }
0x240: {  	v8 =	vshll.u32 v7, $0x3  }
0x241: {  	v7 =	vand.u32 $0x7, v7;
	v8 =	vand.u32 $0xFFFFFFC0, v8  }
0x242: {  	v7 =	vor.u32 v7, v8  }
0x243: {  	v8 =	vperm.xlane v7, v5;
	_ =	sdelay $0x1  }
0x244: {  	v8 =	vadd.s32 v4, v8;
	_ =	sdelay $0x4  }
0x245: {  	[tilespmem:s11], [sflag:$0x3] =	stream.indirect_vreg.gather [hbm4b:s2+s3], $0x80, v8, vm0, $0xb8;
	[tilespmem:$0x19100] =	vst v63  }
0x246: {  	s0 =	simm.s32 $0x11900;
	v7 =	vperm.xlane v7, v6  }
0x247: {  	[tilespmem:s0], [sflag:$0x3] =	stream.indirect_vreg.gather [hbm4b:s7+s3], $0x80, v8, vm0, $0xb8;
	[tilespmem:$0x19100] =	vst v63  }
0x248: {  	v7 =	vadd.s32 v4, v7;
	s0 =	simm.s32 $0x12100  }
0x249: {  	[tilespmem:s0], [sflag:$0x3] =	stream.indirect_vreg.gather [hbm4b:s8+s3], $0x80, v8, vm0, $0xb8;
	[tilespmem:$0x19100] =	vst v63  }
0x24a: {  	s0 =	simm.s32 $0x12900  }
0x24b: {  	[tilespmem:s0], [sflag:$0x3] =	stream.indirect_vreg.gather [hbm4b:s9+s3], $0x80, v8, vm0, $0xb8;
	[tilespmem:$0x19100] =	vst v63  }
0x24c: {  	s0 =	simm.s32 $0x13100  }
0x24d: {  	[tilespmem:s0], [sflag:$0x3] =	stream.indirect_vreg.gather [hbm4b:s2+s3], $0x80, v7, vm0, $0xb8;
	[tilespmem:$0x19100] =	vst v63  }
0x24e: {  	s0 =	simm.s32 $0x13900  }
0x24f: {  	[tilespmem:s0], [sflag:$0x3] =	stream.indirect_vreg.gather [hbm4b:s7+s3], $0x80, v7, vm0, $0xb8;
	[tilespmem:$0x19100] =	vst v63  }
0x250: {  	s0 =	simm.s32 $0x14100  }
0x251: {  	[tilespmem:s0], [sflag:$0x3] =	stream.indirect_vreg.gather [hbm4b:s8+s3], $0x80, v7, vm0, $0xb8;
	[tilespmem:$0x19100] =	vst v63  }
0x252: {  	s0 =	simm.s32 $0x14900  }
0x253: {  	[tilespmem:s0], [sflag:$0x3] =	stream.indirect_vreg.gather [hbm4b:s9+s3], $0x80, v7, vm0, $0xb8;
	[tilespmem:$0x19100] =	vst v63  }
0x254: {  	v7 =	vld [tilespmem:s4+$0xB0];
	_ =	sdelay $0x4  }
0x255: {  	v8 =	vshll.u32 v7, $0x3  }
0x256: {  	v7 =	vand.u32 $0x7, v7;
	v8 =	vand.u32 $0xFFFFFFC0, v8  }
0x257: {  	v7 =	vor.u32 v7, v8  }
0x258: {  	v8 =	vperm.xlane v7, v5;
	_ =	sdelay $0x1  }
0x259: {  	v8 =	vadd.s32 v4, v8;
	_ =	sdelay $0x3  }
0x25a: {  	s0 =	simm.s32 $0x15100  }
0x25b: {  	[tilespmem:s0], [sflag:$0x3] =	stream.indirect_vreg.gather [hbm4b:s2+s3], $0x80, v8, vm0, $0xb8;
	[tilespmem:$0x19100] =	vst v63  }
0x25c: {  	v7 =	vperm.xlane v7, v6;
	s0 =	simm.s32 $0x15900  }
0x25d: {  	[tilespmem:s0], [sflag:$0x3] =	stream.indirect_vreg.gather [hbm4b:s7+s3], $0x80, v8, vm0, $0xb8;
	[tilespmem:$0x19100] =	vst v63  }
0x25e: {  	v7 =	vadd.s32 v4, v7;
	s0 =	simm.s32 $0x16100  }
0x25f: {  	[tilespmem:s0], [sflag:$0x3] =	stream.indirect_vreg.gather [hbm4b:s8+s3], $0x80, v8, vm0, $0xb8;
	[tilespmem:$0x19100] =	vst v63  }
0x260: {  	s0 =	simm.s32 $0x16900  }
0x261: {  	[tilespmem:s0], [sflag:$0x3] =	stream.indirect_vreg.gather [hbm4b:s9+s3], $0x80, v8, vm0, $0xb8;
	[tilespmem:$0x19100] =	vst v63  }
0x262: {  	s0 =	simm.s32 $0x17100  }
0x263: {  	[tilespmem:s0], [sflag:$0x3] =	stream.indirect_vreg.gather [hbm4b:s2+s3], $0x80, v7, vm0, $0xb8;
	[tilespmem:$0x19100] =	vst v63  }
0x264: {  	s0 =	simm.s32 $0x17900  }
0x265: {  	[tilespmem:s0], [sflag:$0x3] =	stream.indirect_vreg.gather [hbm4b:s7+s3], $0x80, v7, vm0, $0xb8;
	[tilespmem:$0x19100] =	vst v63  }
0x266: {  	s0 =	simm.s32 $0x18100  }
0x267: {  	[tilespmem:s0], [sflag:$0x3] =	stream.indirect_vreg.gather [hbm4b:s8+s3], $0x80, v7, vm0, $0xb8;
	[tilespmem:$0x19100] =	vst v63  }
0x268: {  	s0 =	simm.s32 $0x18900  }
0x269: {  	[tilespmem:s0], [sflag:$0x3] =	stream.indirect_vreg.gather [hbm4b:s9+s3], $0x80, v7, vm0, $0xb8;
	[tilespmem:$0x19100] =	vst v63  }
0x26a: {  	_ =	swait.ge [sflag:s21], $0x8000  }
0x26b: {  	[sflag:s21] =	ssyncset.done $0x0  }
0x26c: {  	s0 =	rddreg [dreg:$0x8];
	[sflag:s21] =	ssyncadd.s32 $0xFFFF8000  }
0x26d: {  	[hbm4b:s0+s3] =	stream.linear.scatter [tilespmem:s28], [sflag:$0x4], $0x8000, $0x38;
	[tilespmem:$0x19100] =	vst v63  }
0x26e: {  	_ =	swait.ge [sflag:s22], $0x8000  }
0x26f: {  	[sflag:s22] =	ssyncset.done $0x0  }
0x270: {  	[sflag:s22] =	ssyncadd.s32 $0xFFFF8000  }
0x271: {  	v7 =	vld [tilespmem:s4+$0xC0];
	_ =	sdelay $0x4  }
0x272: {  	v8 =	vshll.u32 v7, $0x3  }
0x273: {  	v7 =	vand.u32 $0x7, v7;
	v8 =	vand.u32 $0xFFFFFFC0, v8  }
0x274: {  	v7 =	vor.u32 v7, v8  }
0x275: {  	v8 =	vperm.xlane v7, v5;
	_ =	sdelay $0x1  }
0x276: {  	v8 =	vadd.s32 v4, v8;
	_ =	sdelay $0x4  }
0x277: {  	[tilespmem:s28], [sflag:$0x1] =	stream.indirect_vreg.gather [hbm4b:s2+s3], $0x80, v8, vm0, $0xb8;
	[tilespmem:$0x19100] =	vst v63  }
0x278: {  	s0 =	simm.s32 $0x1900;
	v7 =	vperm.xlane v7, v6  }
0x279: {  	[tilespmem:s0], [sflag:$0x1] =	stream.indirect_vreg.gather [hbm4b:s7+s3], $0x80, v8, vm0, $0xb8;
	[tilespmem:$0x19100] =	vst v63  }
0x27a: {  	v7 =	vadd.s32 v4, v7;
	s0 =	simm.s32 $0x2100  }
0x27b: {  	[tilespmem:s0], [sflag:$0x1] =	stream.indirect_vreg.gather [hbm4b:s8+s3], $0x80, v8, vm0, $0xb8;
	[tilespmem:$0x19100] =	vst v63  }
0x27c: {  	s0 =	simm.s32 $0x2900  }
0x27d: {  	[tilespmem:s0], [sflag:$0x1] =	stream.indirect_vreg.gather [hbm4b:s9+s3], $0x80, v8, vm0, $0xb8;
	[tilespmem:$0x19100] =	vst v63  }
0x27e: {  	s0 =	simm.s32 $0x3100  }
0x27f: {  	[tilespmem:s0], [sflag:$0x1] =	stream.indirect_vreg.gather [hbm4b:s2+s3], $0x80, v7, vm0, $0xb8;
	[tilespmem:$0x19100] =	vst v63  }
0x280: {  	s0 =	simm.s32 $0x3900  }
0x281: {  	[tilespmem:s0], [sflag:$0x1] =	stream.indirect_vreg.gather [hbm4b:s7+s3], $0x80, v7, vm0, $0xb8;
	[tilespmem:$0x19100] =	vst v63  }
0x282: {  	s0 =	simm.s32 $0x4100  }
0x283: {  	[tilespmem:s0], [sflag:$0x1] =	stream.indirect_vreg.gather [hbm4b:s8+s3], $0x80, v7, vm0, $0xb8;
	[tilespmem:$0x19100] =	vst v63  }
0x284: {  	s0 =	simm.s32 $0x4900  }
0x285: {  	[tilespmem:s0], [sflag:$0x1] =	stream.indirect_vreg.gather [hbm4b:s9+s3], $0x80, v7, vm0, $0xb8;
	[tilespmem:$0x19100] =	vst v63  }
0x286: {  	v7 =	vld [tilespmem:s4+$0xD0];
	_ =	sdelay $0x4  }
0x287: {  	v8 =	vshll.u32 v7, $0x3  }
0x288: {  	v7 =	vand.u32 $0x7, v7;
	v8 =	vand.u32 $0xFFFFFFC0, v8  }
0x289: {  	v7 =	vor.u32 v7, v8  }
0x28a: {  	v8 =	vperm.xlane v7, v5;
	_ =	sdelay $0x1  }
0x28b: {  	v8 =	vadd.s32 v4, v8;
	_ =	sdelay $0x3  }
0x28c: {  	s0 =	simm.s32 $0x5100  }
0x28d: {  	[tilespmem:s0], [sflag:$0x1] =	stream.indirect_vreg.gather [hbm4b:s2+s3], $0x80, v8, vm0, $0xb8;
	[tilespmem:$0x19100] =	vst v63  }
0x28e: {  	v7 =	vperm.xlane v7, v6;
	s0 =	simm.s32 $0x5900  }
0x28f: {  	[tilespmem:s0], [sflag:$0x1] =	stream.indirect_vreg.gather [hbm4b:s7+s3], $0x80, v8, vm0, $0xb8;
	[tilespmem:$0x19100] =	vst v63  }
0x290: {  	v7 =	vadd.s32 v4, v7;
	s0 =	simm.s32 $0x6100  }
0x291: {  	[tilespmem:s0], [sflag:$0x1] =	stream.indirect_vreg.gather [hbm4b:s8+s3], $0x80, v8, vm0, $0xb8;
	[tilespmem:$0x19100] =	vst v63  }
0x292: {  	s0 =	simm.s32 $0x6900  }
0x293: {  	[tilespmem:s0], [sflag:$0x1] =	stream.indirect_vreg.gather [hbm4b:s9+s3], $0x80, v8, vm0, $0xb8;
	[tilespmem:$0x19100] =	vst v63  }
0x294: {  	s0 =	simm.s32 $0x7100  }
0x295: {  	[tilespmem:s0], [sflag:$0x1] =	stream.indirect_vreg.gather [hbm4b:s2+s3], $0x80, v7, vm0, $0xb8;
	[tilespmem:$0x19100] =	vst v63  }
0x296: {  	s0 =	simm.s32 $0x7900  }
0x297: {  	[tilespmem:s0], [sflag:$0x1] =	stream.indirect_vreg.gather [hbm4b:s7+s3], $0x80, v7, vm0, $0xb8;
	[tilespmem:$0x19100] =	vst v63  }
0x298: {  	s0 =	simm.s32 $0x8100  }
0x299: {  	[tilespmem:s0], [sflag:$0x1] =	stream.indirect_vreg.gather [hbm4b:s8+s3], $0x80, v7, vm0, $0xb8;
	[tilespmem:$0x19100] =	vst v63  }
0x29a: {  	s0 =	simm.s32 $0x8900  }
0x29b: {  	[tilespmem:s0], [sflag:$0x1] =	stream.indirect_vreg.gather [hbm4b:s9+s3], $0x80, v7, vm0, $0xb8;
	[tilespmem:$0x19100] =	vst v63  }
0x29c: {  	_ =	swait.ge [sflag:s23], $0x8000  }
0x29d: {  	[sflag:s23] =	ssyncset.done $0x0  }
0x29e: {  	s0 =	rddreg [dreg:$0x9];
	[sflag:s23] =	ssyncadd.s32 $0xFFFF8000  }
0x29f: {  	[hbm4b:s0+s3] =	stream.linear.scatter [tilespmem:s1], [sflag:$0x5], $0x8000, $0x38;
	[tilespmem:$0x19100] =	vst v63  }
0x2a0: {  	_ =	swait.ge [sflag:s24], $0x8000  }
0x2a1: {  	[sflag:s24] =	ssyncset.done $0x0  }
0x2a2: {  	[sflag:s24] =	ssyncadd.s32 $0xFFFF8000  }
0x2a3: {  	v7 =	vld [tilespmem:s4+$0xE0];
	_ =	sdelay $0x4  }
0x2a4: {  	v8 =	vshll.u32 v7, $0x3  }
0x2a5: {  	v7 =	vand.u32 $0x7, v7;
	v8 =	vand.u32 $0xFFFFFFC0, v8  }
0x2a6: {  	v7 =	vor.u32 v7, v8  }
0x2a7: {  	v8 =	vperm.xlane v7, v5;
	_ =	sdelay $0x1  }
0x2a8: {  	v8 =	vadd.s32 v4, v8;
	_ =	sdelay $0x4  }
0x2a9: {  	[tilespmem:s1], [sflag:$0x2] =	stream.indirect_vreg.gather [hbm4b:s2+s3], $0x80, v8, vm0, $0xb8;
	[tilespmem:$0x19100] =	vst v63  }
0x2aa: {  	s12 =	simm.s32 $0x9900;
	v7 =	vperm.xlane v7, v6  }
0x2ab: {  	[tilespmem:s12], [sflag:$0x2] =	stream.indirect_vreg.gather [hbm4b:s7+s3], $0x80, v8, vm0, $0xb8;
	[tilespmem:$0x19100] =	vst v63  }
0x2ac: {  	s30 =	simm.s32 $0xA100;
	v7 =	vadd.s32 v4, v7  }
0x2ad: {  	[tilespmem:s30], [sflag:$0x2] =	stream.indirect_vreg.gather [hbm4b:s8+s3], $0x80, v8, vm0, $0xb8;
	[tilespmem:$0x19100] =	vst v63  }
0x2ae: {  	s5 =	simm.s32 $0xA900  }
0x2af: {  	[tilespmem:s5], [sflag:$0x2] =	stream.indirect_vreg.gather [hbm4b:s9+s3], $0x80, v8, vm0, $0xb8;
	[tilespmem:$0x19100] =	vst v63  }
0x2b0: {  	s17 =	simm.s32 $0xB100  }
0x2b1: {  	[tilespmem:s17], [sflag:$0x2] =	stream.indirect_vreg.gather [hbm4b:s2+s3], $0x80, v7, vm0, $0xb8;
	[tilespmem:$0x19100] =	vst v63  }
0x2b2: {  	s31 =	simm.s32 $0xB900  }
0x2b3: {  	[tilespmem:s31], [sflag:$0x2] =	stream.indirect_vreg.gather [hbm4b:s7+s3], $0x80, v7, vm0, $0xb8;
	[tilespmem:$0x19100] =	vst v63  }
0x2b4: {  	s6 =	simm.s32 $0xC100  }
0x2b5: {  	[tilespmem:s6], [sflag:$0x2] =	stream.indirect_vreg.gather [hbm4b:s8+s3], $0x80, v7, vm0, $0xb8;
	[tilespmem:$0x19100] =	vst v63  }
0x2b6: {  	s18 =	simm.s32 $0xC900  }
0x2b7: {  	[tilespmem:s18], [sflag:$0x2] =	stream.indirect_vreg.gather [hbm4b:s9+s3], $0x80, v7, vm0, $0xb8;
	[tilespmem:$0x19100] =	vst v63  }
0x2b8: {  	v7 =	vld [tilespmem:s4+$0xF0];
	_ =	sdelay $0x4  }
0x2b9: {  	v8 =	vshll.u32 v7, $0x3  }
0x2ba: {  	v7 =	vand.u32 $0x7, v7;
	v8 =	vand.u32 $0xFFFFFFC0, v8  }
0x2bb: {  	v7 =	vor.u32 v7, v8  }
0x2bc: {  	v8 =	vperm.xlane v7, v5;
	_ =	sdelay $0x1  }
0x2bd: {  	v8 =	vadd.s32 v4, v8;
	_ =	sdelay $0x3  }
0x2be: {  	s19 =	simm.s32 $0xD100  }
0x2bf: {  	[tilespmem:s19], [sflag:$0x2] =	stream.indirect_vreg.gather [hbm4b:s2+s3], $0x80, v8, vm0, $0xb8;
	[tilespmem:$0x19100] =	vst v63  }
0x2c0: {  	s20 =	simm.s32 $0xD900;
	v7 =	vperm.xlane v7, v6  }
0x2c1: {  	[tilespmem:s20], [sflag:$0x2] =	stream.indirect_vreg.gather [hbm4b:s7+s3], $0x80, v8, vm0, $0xb8;
	[tilespmem:$0x19100] =	vst v63  }
0x2c2: {  	s29 =	simm.s32 $0xE100;
	v7 =	vadd.s32 v4, v7  }
0x2c3: {  	[tilespmem:s29], [sflag:$0x2] =	stream.indirect_vreg.gather [hbm4b:s8+s3], $0x80, v8, vm0, $0xb8;
	[tilespmem:$0x19100] =	vst v63  }
0x2c4: {  	s10 =	simm.s32 $0xE900  }
0x2c5: {  	[tilespmem:s10], [sflag:$0x2] =	stream.indirect_vreg.gather [hbm4b:s9+s3], $0x80, v8, vm0, $0xb8;
	[tilespmem:$0x19100] =	vst v63  }
0x2c6: {  	s14 =	simm.s32 $0xF100  }
0x2c7: {  	[tilespmem:s14], [sflag:$0x2] =	stream.indirect_vreg.gather [hbm4b:s2+s3], $0x80, v7, vm0, $0xb8;
	[tilespmem:$0x19100] =	vst v63  }
0x2c8: {  	s13 =	simm.s32 $0xF900  }
0x2c9: {  	[tilespmem:s13], [sflag:$0x2] =	stream.indirect_vreg.gather [hbm4b:s7+s3], $0x80, v7, vm0, $0xb8;
	[tilespmem:$0x19100] =	vst v63  }
0x2ca: {  	s16 =	simm.s32 $0x10100  }
0x2cb: {  	[tilespmem:s16], [sflag:$0x2] =	stream.indirect_vreg.gather [hbm4b:s8+s3], $0x80, v7, vm0, $0xb8;
	[tilespmem:$0x19100] =	vst v63  }
0x2cc: {  	s15 =	simm.s32 $0x10900  }
0x2cd: {  	[tilespmem:s15], [sflag:$0x2] =	stream.indirect_vreg.gather [hbm4b:s9+s3], $0x80, v7, vm0, $0xb8;
	[tilespmem:$0x19100] =	vst v63  }
0x2ce: {  	_ =	swait.ge [sflag:s25], $0x8000  }
0x2cf: {  	[sflag:s25] =	ssyncset.done $0x0  }
0x2d0: {  	s31 =	rddreg [dreg:$0xa];
	[sflag:s25] =	ssyncadd.s32 $0xFFFF8000  }
0x2d1: {  	[hbm4b:s31+s3] =	stream.linear.scatter [tilespmem:s11], [sflag:$0x6], $0x8000, $0x38;
	[tilespmem:$0x19100] =	vst v63  }
0x2d2: {  	_ =	swait.ge [sflag:s26], $0x8000  }
0x2d3: {  	[sflag:s26] =	ssyncset.done $0x0  }
0x2d4: {  	[sflag:s26] =	ssyncadd.s32 $0xFFFF8000  }
0x2d5: {  	v7 =	vld [tilespmem:s4+$0x100];
	_ =	sdelay $0x4  }
0x2d6: {  	v8 =	vshll.u32 v7, $0x3  }
0x2d7: {  	v7 =	vand.u32 $0x7, v7;
	v8 =	vand.u32 $0xFFFFFFC0, v8  }
0x2d8: {  	v7 =	vor.u32 v7, v8  }
0x2d9: {  	v8 =	vperm.xlane v7, v5;
	_ =	sdelay $0x1  }
0x2da: {  	v8 =	vadd.s32 v4, v8;
	_ =	sdelay $0x4  }
0x2db: {  	[tilespmem:s11], [sflag:$0x3] =	stream.indirect_vreg.gather [hbm4b:s2+s3], $0x80, v8, vm0, $0xb8;
	[tilespmem:$0x19100] =	vst v63  }
0x2dc: {  	s31 =	simm.s32 $0x11900;
	v7 =	vperm.xlane v7, v6  }
0x2dd: {  	[tilespmem:s31], [sflag:$0x3] =	stream.indirect_vreg.gather [hbm4b:s7+s3], $0x80, v8, vm0, $0xb8;
	[tilespmem:$0x19100] =	vst v63  }
0x2de: {  	v7 =	vadd.s32 v4, v7;
	s31 =	simm.s32 $0x12100  }
0x2df: {  	[tilespmem:s31], [sflag:$0x3] =	stream.indirect_vreg.gather [hbm4b:s8+s3], $0x80, v8, vm0, $0xb8;
	[tilespmem:$0x19100] =	vst v63  }
0x2e0: {  	s31 =	simm.s32 $0x12900  }
0x2e1: {  	[tilespmem:s31], [sflag:$0x3] =	stream.indirect_vreg.gather [hbm4b:s9+s3], $0x80, v8, vm0, $0xb8;
	[tilespmem:$0x19100] =	vst v63  }
0x2e2: {  	s31 =	simm.s32 $0x13100  }
0x2e3: {  	[tilespmem:s31], [sflag:$0x3] =	stream.indirect_vreg.gather [hbm4b:s2+s3], $0x80, v7, vm0, $0xb8;
	[tilespmem:$0x19100] =	vst v63  }
0x2e4: {  	s31 =	simm.s32 $0x13900  }
0x2e5: {  	[tilespmem:s31], [sflag:$0x3] =	stream.indirect_vreg.gather [hbm4b:s7+s3], $0x80, v7, vm0, $0xb8;
	[tilespmem:$0x19100] =	vst v63  }
0x2e6: {  	s31 =	simm.s32 $0x14100  }
0x2e7: {  	[tilespmem:s31], [sflag:$0x3] =	stream.indirect_vreg.gather [hbm4b:s8+s3], $0x80, v7, vm0, $0xb8;
	[tilespmem:$0x19100] =	vst v63  }
0x2e8: {  	s31 =	simm.s32 $0x14900  }
0x2e9: {  	[tilespmem:s31], [sflag:$0x3] =	stream.indirect_vreg.gather [hbm4b:s9+s3], $0x80, v7, vm0, $0xb8;
	[tilespmem:$0x19100] =	vst v63  }
0x2ea: {  	v7 =	vld [tilespmem:s4+$0x110];
	_ =	sdelay $0x4  }
0x2eb: {  	v8 =	vshll.u32 v7, $0x3  }
0x2ec: {  	v7 =	vand.u32 $0x7, v7;
	v8 =	vand.u32 $0xFFFFFFC0, v8  }
0x2ed: {  	v7 =	vor.u32 v7, v8  }
0x2ee: {  	v8 =	vperm.xlane v7, v5;
	_ =	sdelay $0x1  }
0x2ef: {  	v8 =	vadd.s32 v4, v8;
	_ =	sdelay $0x3  }
0x2f0: {  	s31 =	simm.s32 $0x15100  }
0x2f1: {  	[tilespmem:s31], [sflag:$0x3] =	stream.indirect_vreg.gather [hbm4b:s2+s3], $0x80, v8, vm0, $0xb8;
	[tilespmem:$0x19100] =	vst v63  }
0x2f2: {  	v7 =	vperm.xlane v7, v6;
	s31 =	simm.s32 $0x15900  }
0x2f3: {  	[tilespmem:s31], [sflag:$0x3] =	stream.indirect_vreg.gather [hbm4b:s7+s3], $0x80, v8, vm0, $0xb8;
	[tilespmem:$0x19100] =	vst v63  }
0x2f4: {  	v7 =	vadd.s32 v4, v7;
	s31 =	simm.s32 $0x16100  }
0x2f5: {  	[tilespmem:s31], [sflag:$0x3] =	stream.indirect_vreg.gather [hbm4b:s8+s3], $0x80, v8, vm0, $0xb8;
	[tilespmem:$0x19100] =	vst v63  }
0x2f6: {  	s31 =	simm.s32 $0x16900  }
0x2f7: {  	[tilespmem:s31], [sflag:$0x3] =	stream.indirect_vreg.gather [hbm4b:s9+s3], $0x80, v8, vm0, $0xb8;
	[tilespmem:$0x19100] =	vst v63  }
0x2f8: {  	s31 =	simm.s32 $0x17100  }
0x2f9: {  	[tilespmem:s31], [sflag:$0x3] =	stream.indirect_vreg.gather [hbm4b:s2+s3], $0x80, v7, vm0, $0xb8;
	[tilespmem:$0x19100] =	vst v63  }
0x2fa: {  	s31 =	simm.s32 $0x17900  }
0x2fb: {  	[tilespmem:s31], [sflag:$0x3] =	stream.indirect_vreg.gather [hbm4b:s7+s3], $0x80, v7, vm0, $0xb8;
	[tilespmem:$0x19100] =	vst v63  }
0x2fc: {  	s31 =	simm.s32 $0x18100  }
0x2fd: {  	[tilespmem:s31], [sflag:$0x3] =	stream.indirect_vreg.gather [hbm4b:s8+s3], $0x80, v7, vm0, $0xb8;
	[tilespmem:$0x19100] =	vst v63  }
0x2fe: {  	s31 =	simm.s32 $0x18900  }
0x2ff: {  	[tilespmem:s31], [sflag:$0x3] =	stream.indirect_vreg.gather [hbm4b:s9+s3], $0x80, v7, vm0, $0xb8;
	[tilespmem:$0x19100] =	vst v63  }
0x300: {  	_ =	swait.ge [sflag:s21], $0x8000  }
0x301: {  	[sflag:s21] =	ssyncset.done $0x0  }
0x302: {  	s31 =	rddreg [dreg:$0xb];
	[sflag:s21] =	ssyncadd.s32 $0xFFFF8000  }
0x303: {  	[hbm4b:s31+s3] =	stream.linear.scatter [tilespmem:s28], [sflag:$0x4], $0x8000, $0x38;
	[tilespmem:$0x19100] =	vst v63  }
0x304: {  	_ =	swait.ge [sflag:s22], $0x8000  }
0x305: {  	[sflag:s22] =	ssyncset.done $0x0  }
0x306: {  	[sflag:s22] =	ssyncadd.s32 $0xFFFF8000  }
0x307: {  	v7 =	vld [tilespmem:s4+$0x120];
	_ =	sdelay $0x4  }
0x308: {  	v8 =	vshll.u32 v7, $0x3  }
0x309: {  	v7 =	vand.u32 $0x7, v7;
	v8 =	vand.u32 $0xFFFFFFC0, v8  }
0x30a: {  	v7 =	vor.u32 v7, v8  }
0x30b: {  	v8 =	vperm.xlane v7, v5;
	_ =	sdelay $0x1  }
0x30c: {  	v8 =	vadd.s32 v4, v8;
	_ =	sdelay $0x4  }
0x30d: {  	[tilespmem:s28], [sflag:$0x1] =	stream.indirect_vreg.gather [hbm4b:s2+s3], $0x80, v8, vm0, $0xb8;
	[tilespmem:$0x19100] =	vst v63  }
0x30e: {  	s31 =	simm.s32 $0x1900;
	v7 =	vperm.xlane v7, v6  }
0x30f: {  	[tilespmem:s31], [sflag:$0x1] =	stream.indirect_vreg.gather [hbm4b:s7+s3], $0x80, v8, vm0, $0xb8;
	[tilespmem:$0x19100] =	vst v63  }
0x310: {  	v7 =	vadd.s32 v4, v7;
	s31 =	simm.s32 $0x2100  }
0x311: {  	[tilespmem:s31], [sflag:$0x1] =	stream.indirect_vreg.gather [hbm4b:s8+s3], $0x80, v8, vm0, $0xb8;
	[tilespmem:$0x19100] =	vst v63  }
0x312: {  	s0 =	simm.s32 $0x2900  }
0x313: {  	[tilespmem:s0], [sflag:$0x1] =	stream.indirect_vreg.gather [hbm4b:s9+s3], $0x80, v8, vm0, $0xb8;
	[tilespmem:$0x19100] =	vst v63  }
0x314: {  	s0 =	simm.s32 $0x3100  }
0x315: {  	[tilespmem:s0], [sflag:$0x1] =	stream.indirect_vreg.gather [hbm4b:s2+s3], $0x80, v7, vm0, $0xb8;
	[tilespmem:$0x19100] =	vst v63  }
0x316: {  	s0 =	simm.s32 $0x3900  }
0x317: {  	[tilespmem:s0], [sflag:$0x1] =	stream.indirect_vreg.gather [hbm4b:s7+s3], $0x80, v7, vm0, $0xb8;
	[tilespmem:$0x19100] =	vst v63  }
0x318: {  	s0 =	simm.s32 $0x4100  }
0x319: {  	[tilespmem:s0], [sflag:$0x1] =	stream.indirect_vreg.gather [hbm4b:s8+s3], $0x80, v7, vm0, $0xb8;
	[tilespmem:$0x19100] =	vst v63  }
0x31a: {  	s0 =	simm.s32 $0x4900  }
0x31b: {  	[tilespmem:s0], [sflag:$0x1] =	stream.indirect_vreg.gather [hbm4b:s9+s3], $0x80, v7, vm0, $0xb8;
	[tilespmem:$0x19100] =	vst v63  }
0x31c: {  	v7 =	vld [tilespmem:s4+$0x130];
	_ =	sdelay $0x4  }
0x31d: {  	v8 =	vshll.u32 v7, $0x3  }
0x31e: {  	v7 =	vand.u32 $0x7, v7;
	v8 =	vand.u32 $0xFFFFFFC0, v8  }
0x31f: {  	v7 =	vor.u32 v7, v8  }
0x320: {  	v8 =	vperm.xlane v7, v5;
	_ =	sdelay $0x1  }
0x321: {  	v8 =	vadd.s32 v4, v8;
	_ =	sdelay $0x3  }
0x322: {  	s0 =	simm.s32 $0x5100  }
0x323: {  	[tilespmem:s0], [sflag:$0x1] =	stream.indirect_vreg.gather [hbm4b:s2+s3], $0x80, v8, vm0, $0xb8;
	[tilespmem:$0x19100] =	vst v63  }
0x324: {  	v7 =	vperm.xlane v7, v6;
	s0 =	simm.s32 $0x5900  }
0x325: {  	[tilespmem:s0], [sflag:$0x1] =	stream.indirect_vreg.gather [hbm4b:s7+s3], $0x80, v8, vm0, $0xb8;
	[tilespmem:$0x19100] =	vst v63  }
0x326: {  	v7 =	vadd.s32 v4, v7;
	s0 =	simm.s32 $0x6100  }
0x327: {  	[tilespmem:s0], [sflag:$0x1] =	stream.indirect_vreg.gather [hbm4b:s8+s3], $0x80, v8, vm0, $0xb8;
	[tilespmem:$0x19100] =	vst v63  }
0x328: {  	s0 =	simm.s32 $0x6900  }
0x329: {  	[tilespmem:s0], [sflag:$0x1] =	stream.indirect_vreg.gather [hbm4b:s9+s3], $0x80, v8, vm0, $0xb8;
	[tilespmem:$0x19100] =	vst v63  }
0x32a: {  	s0 =	simm.s32 $0x7100  }
0x32b: {  	[tilespmem:s0], [sflag:$0x1] =	stream.indirect_vreg.gather [hbm4b:s2+s3], $0x80, v7, vm0, $0xb8;
	[tilespmem:$0x19100] =	vst v63  }
0x32c: {  	s0 =	simm.s32 $0x7900  }
0x32d: {  	[tilespmem:s0], [sflag:$0x1] =	stream.indirect_vreg.gather [hbm4b:s7+s3], $0x80, v7, vm0, $0xb8;
	[tilespmem:$0x19100] =	vst v63  }
0x32e: {  	s0 =	simm.s32 $0x8100  }
0x32f: {  	[tilespmem:s0], [sflag:$0x1] =	stream.indirect_vreg.gather [hbm4b:s8+s3], $0x80, v7, vm0, $0xb8;
	[tilespmem:$0x19100] =	vst v63  }
0x330: {  	s0 =	simm.s32 $0x8900  }
0x331: {  	[tilespmem:s0], [sflag:$0x1] =	stream.indirect_vreg.gather [hbm4b:s9+s3], $0x80, v7, vm0, $0xb8;
	[tilespmem:$0x19100] =	vst v63  }
0x332: {  	_ =	swait.ge [sflag:s23], $0x8000  }
0x333: {  	[sflag:s23] =	ssyncset.done $0x0  }
0x334: {  	s0 =	rddreg [dreg:$0xc];
	[sflag:s23] =	ssyncadd.s32 $0xFFFF8000  }
0x335: {  	[hbm4b:s0+s3] =	stream.linear.scatter [tilespmem:s1], [sflag:$0x5], $0x8000, $0x38;
	[tilespmem:$0x19100] =	vst v63  }
0x336: {  	_ =	swait.ge [sflag:s24], $0x8000  }
0x337: {  	[sflag:s24] =	ssyncset.done $0x0  }
0x338: {  	[sflag:s24] =	ssyncadd.s32 $0xFFFF8000  }
0x339: {  	v7 =	vld [tilespmem:s4+$0x140];
	_ =	sdelay $0x4  }
0x33a: {  	v8 =	vshll.u32 v7, $0x3  }
0x33b: {  	v7 =	vand.u32 $0x7, v7;
	v8 =	vand.u32 $0xFFFFFFC0, v8  }
0x33c: {  	v7 =	vor.u32 v7, v8  }
0x33d: {  	v8 =	vperm.xlane v7, v5;
	_ =	sdelay $0x1  }
0x33e: {  	v8 =	vadd.s32 v4, v8;
	_ =	sdelay $0x4  }
0x33f: {  	[tilespmem:s1], [sflag:$0x2] =	stream.indirect_vreg.gather [hbm4b:s2+s3], $0x80, v8, vm0, $0xb8;
	[tilespmem:$0x19100] =	vst v63  }
0x340: {  	s0 =	simm.s32 $0x9900;
	v7 =	vperm.xlane v7, v6  }
0x341: {  	[tilespmem:s0], [sflag:$0x2] =	stream.indirect_vreg.gather [hbm4b:s7+s3], $0x80, v8, vm0, $0xb8;
	[tilespmem:$0x19100] =	vst v63  }
0x342: {  	s12 =	simm.s32 $0xA100;
	v7 =	vadd.s32 v4, v7  }
0x343: {  	[tilespmem:s12], [sflag:$0x2] =	stream.indirect_vreg.gather [hbm4b:s8+s3], $0x80, v8, vm0, $0xb8;
	[tilespmem:$0x19100] =	vst v63  }
0x344: {  	s5 =	simm.s32 $0xA900  }
0x345: {  	[tilespmem:s5], [sflag:$0x2] =	stream.indirect_vreg.gather [hbm4b:s9+s3], $0x80, v8, vm0, $0xb8;
	[tilespmem:$0x19100] =	vst v63  }
0x346: {  	s17 =	simm.s32 $0xB100  }
0x347: {  	[tilespmem:s17], [sflag:$0x2] =	stream.indirect_vreg.gather [hbm4b:s2+s3], $0x80, v7, vm0, $0xb8;
	[tilespmem:$0x19100] =	vst v63  }
0x348: {  	s30 =	simm.s32 $0xB900  }
0x349: {  	[tilespmem:s30], [sflag:$0x2] =	stream.indirect_vreg.gather [hbm4b:s7+s3], $0x80, v7, vm0, $0xb8;
	[tilespmem:$0x19100] =	vst v63  }
0x34a: {  	s6 =	simm.s32 $0xC100  }
0x34b: {  	[tilespmem:s6], [sflag:$0x2] =	stream.indirect_vreg.gather [hbm4b:s8+s3], $0x80, v7, vm0, $0xb8;
	[tilespmem:$0x19100] =	vst v63  }
0x34c: {  	s18 =	simm.s32 $0xC900  }
0x34d: {  	[tilespmem:s18], [sflag:$0x2] =	stream.indirect_vreg.gather [hbm4b:s9+s3], $0x80, v7, vm0, $0xb8;
	[tilespmem:$0x19100] =	vst v63  }
0x34e: {  	v7 =	vld [tilespmem:s4+$0x150];
	_ =	sdelay $0x4  }
0x34f: {  	v8 =	vshll.u32 v7, $0x3  }
0x350: {  	v7 =	vand.u32 $0x7, v7;
	v8 =	vand.u32 $0xFFFFFFC0, v8  }
0x351: {  	v7 =	vor.u32 v7, v8  }
0x352: {  	v8 =	vperm.xlane v7, v5;
	_ =	sdelay $0x1  }
0x353: {  	v8 =	vadd.s32 v4, v8;
	_ =	sdelay $0x3  }
0x354: {  	s19 =	simm.s32 $0xD100  }
0x355: {  	[tilespmem:s19], [sflag:$0x2] =	stream.indirect_vreg.gather [hbm4b:s2+s3], $0x80, v8, vm0, $0xb8;
	[tilespmem:$0x19100] =	vst v63  }
0x356: {  	s20 =	simm.s32 $0xD900;
	v7 =	vperm.xlane v7, v6  }
0x357: {  	[tilespmem:s20], [sflag:$0x2] =	stream.indirect_vreg.gather [hbm4b:s7+s3], $0x80, v8, vm0, $0xb8;
	[tilespmem:$0x19100] =	vst v63  }
0x358: {  	s29 =	simm.s32 $0xE100;
	v7 =	vadd.s32 v4, v7  }
0x359: {  	[tilespmem:s29], [sflag:$0x2] =	stream.indirect_vreg.gather [hbm4b:s8+s3], $0x80, v8, vm0, $0xb8;
	[tilespmem:$0x19100] =	vst v63  }
0x35a: {  	s10 =	simm.s32 $0xE900  }
0x35b: {  	[tilespmem:s10], [sflag:$0x2] =	stream.indirect_vreg.gather [hbm4b:s9+s3], $0x80, v8, vm0, $0xb8;
	[tilespmem:$0x19100] =	vst v63  }
0x35c: {  	s14 =	simm.s32 $0xF100  }
0x35d: {  	[tilespmem:s14], [sflag:$0x2] =	stream.indirect_vreg.gather [hbm4b:s2+s3], $0x80, v7, vm0, $0xb8;
	[tilespmem:$0x19100] =	vst v63  }
0x35e: {  	s13 =	simm.s32 $0xF900  }
0x35f: {  	[tilespmem:s13], [sflag:$0x2] =	stream.indirect_vreg.gather [hbm4b:s7+s3], $0x80, v7, vm0, $0xb8;
	[tilespmem:$0x19100] =	vst v63  }
0x360: {  	s16 =	simm.s32 $0x10100  }
0x361: {  	[tilespmem:s16], [sflag:$0x2] =	stream.indirect_vreg.gather [hbm4b:s8+s3], $0x80, v7, vm0, $0xb8;
	[tilespmem:$0x19100] =	vst v63  }
0x362: {  	s15 =	simm.s32 $0x10900  }
0x363: {  	[tilespmem:s15], [sflag:$0x2] =	stream.indirect_vreg.gather [hbm4b:s9+s3], $0x80, v7, vm0, $0xb8;
	[tilespmem:$0x19100] =	vst v63  }
0x364: {  	_ =	swait.ge [sflag:s25], $0x8000  }
0x365: {  	[sflag:s25] =	ssyncset.done $0x0  }
0x366: {  	s15 =	rddreg [dreg:$0xd];
	[sflag:s25] =	ssyncadd.s32 $0xFFFF8000  }
0x367: {  	[hbm4b:s15+s3] =	stream.linear.scatter [tilespmem:s11], [sflag:$0x6], $0x8000, $0x38;
	[tilespmem:$0x19100] =	vst v63  }
0x368: {  	_ =	swait.ge [sflag:s26], $0x8000  }
0x369: {  	[sflag:s26] =	ssyncset.done $0x0  }
0x36a: {  	[sflag:s26] =	ssyncadd.s32 $0xFFFF8000  }
0x36b: {  	v7 =	vld [tilespmem:s4+$0x160];
	_ =	sdelay $0x4  }
0x36c: {  	v8 =	vshll.u32 v7, $0x3  }
0x36d: {  	v7 =	vand.u32 $0x7, v7;
	v8 =	vand.u32 $0xFFFFFFC0, v8  }
0x36e: {  	v7 =	vor.u32 v7, v8  }
0x36f: {  	v8 =	vperm.xlane v7, v5;
	_ =	sdelay $0x1  }
0x370: {  	v8 =	vadd.s32 v4, v8;
	_ =	sdelay $0x4  }
0x371: {  	[tilespmem:s11], [sflag:$0x3] =	stream.indirect_vreg.gather [hbm4b:s2+s3], $0x80, v8, vm0, $0xb8;
	[tilespmem:$0x19100] =	vst v63  }
0x372: {  	s29 =	simm.s32 $0x11900;
	v7 =	vperm.xlane v7, v6  }
0x373: {  	[tilespmem:s29], [sflag:$0x3] =	stream.indirect_vreg.gather [hbm4b:s7+s3], $0x80, v8, vm0, $0xb8;
	[tilespmem:$0x19100] =	vst v63  }
0x374: {  	s15 =	simm.s32 $0x12100;
	v7 =	vadd.s32 v4, v7  }
0x375: {  	[tilespmem:s15], [sflag:$0x3] =	stream.indirect_vreg.gather [hbm4b:s8+s3], $0x80, v8, vm0, $0xb8;
	[tilespmem:$0x19100] =	vst v63  }
0x376: {  	s29 =	simm.s32 $0x12900  }
0x377: {  	[tilespmem:s29], [sflag:$0x3] =	stream.indirect_vreg.gather [hbm4b:s9+s3], $0x80, v8, vm0, $0xb8;
	[tilespmem:$0x19100] =	vst v63  }
0x378: {  	s15 =	simm.s32 $0x13100  }
0x379: {  	[tilespmem:s15], [sflag:$0x3] =	stream.indirect_vreg.gather [hbm4b:s2+s3], $0x80, v7, vm0, $0xb8;
	[tilespmem:$0x19100] =	vst v63  }
0x37a: {  	s29 =	simm.s32 $0x13900  }
0x37b: {  	[tilespmem:s29], [sflag:$0x3] =	stream.indirect_vreg.gather [hbm4b:s7+s3], $0x80, v7, vm0, $0xb8;
	[tilespmem:$0x19100] =	vst v63  }
0x37c: {  	s15 =	simm.s32 $0x14100  }
0x37d: {  	[tilespmem:s15], [sflag:$0x3] =	stream.indirect_vreg.gather [hbm4b:s8+s3], $0x80, v7, vm0, $0xb8;
	[tilespmem:$0x19100] =	vst v63  }
0x37e: {  	s29 =	simm.s32 $0x14900  }
0x37f: {  	[tilespmem:s29], [sflag:$0x3] =	stream.indirect_vreg.gather [hbm4b:s9+s3], $0x80, v7, vm0, $0xb8;
	[tilespmem:$0x19100] =	vst v63  }
0x380: {  	v7 =	vld [tilespmem:s4+$0x170];
	_ =	sdelay $0x4  }
0x381: {  	v8 =	vshll.u32 v7, $0x3  }
0x382: {  	v7 =	vand.u32 $0x7, v7;
	v8 =	vand.u32 $0xFFFFFFC0, v8  }
0x383: {  	v7 =	vor.u32 v7, v8  }
0x384: {  	v8 =	vperm.xlane v7, v5;
	_ =	sdelay $0x1  }
0x385: {  	v8 =	vadd.s32 v4, v8;
	_ =	sdelay $0x3  }
0x386: {  	s15 =	simm.s32 $0x15100  }
0x387: {  	[tilespmem:s15], [sflag:$0x3] =	stream.indirect_vreg.gather [hbm4b:s2+s3], $0x80, v8, vm0, $0xb8;
	[tilespmem:$0x19100] =	vst v63  }
0x388: {  	s29 =	simm.s32 $0x15900;
	v7 =	vperm.xlane v7, v6  }
0x389: {  	[tilespmem:s29], [sflag:$0x3] =	stream.indirect_vreg.gather [hbm4b:s7+s3], $0x80, v8, vm0, $0xb8;
	[tilespmem:$0x19100] =	vst v63  }
0x38a: {  	v7 =	vadd.s32 v4, v7;
	s15 =	simm.s32 $0x16100  }
0x38b: {  	[tilespmem:s15], [sflag:$0x3] =	stream.indirect_vreg.gather [hbm4b:s8+s3], $0x80, v8, vm0, $0xb8;
	[tilespmem:$0x19100] =	vst v63  }
0x38c: {  	s29 =	simm.s32 $0x16900  }
0x38d: {  	[tilespmem:s29], [sflag:$0x3] =	stream.indirect_vreg.gather [hbm4b:s9+s3], $0x80, v8, vm0, $0xb8;
	[tilespmem:$0x19100] =	vst v63  }
0x38e: {  	s15 =	simm.s32 $0x17100  }
0x38f: {  	[tilespmem:s15], [sflag:$0x3] =	stream.indirect_vreg.gather [hbm4b:s2+s3], $0x80, v7, vm0, $0xb8;
	[tilespmem:$0x19100] =	vst v63  }
0x390: {  	s29 =	simm.s32 $0x17900  }
0x391: {  	[tilespmem:s29], [sflag:$0x3] =	stream.indirect_vreg.gather [hbm4b:s7+s3], $0x80, v7, vm0, $0xb8;
	[tilespmem:$0x19100] =	vst v63  }
0x392: {  	s15 =	simm.s32 $0x18100  }
0x393: {  	[tilespmem:s15], [sflag:$0x3] =	stream.indirect_vreg.gather [hbm4b:s8+s3], $0x80, v7, vm0, $0xb8;
	[tilespmem:$0x19100] =	vst v63  }
0x394: {  	s29 =	simm.s32 $0x18900  }
0x395: {  	[tilespmem:s29], [sflag:$0x3] =	stream.indirect_vreg.gather [hbm4b:s9+s3], $0x80, v7, vm0, $0xb8;
	[tilespmem:$0x19100] =	vst v63  }
0x396: {  	_ =	swait.ge [sflag:s21], $0x8000  }
0x397: {  	[sflag:s21] =	ssyncset.done $0x0  }
0x398: {  	s15 =	rddreg [dreg:$0xe];
	[sflag:s21] =	ssyncadd.s32 $0xFFFF8000  }
0x399: {  	[hbm4b:s15+s3] =	stream.linear.scatter [tilespmem:s28], [sflag:$0x4], $0x8000, $0x38;
	[tilespmem:$0x19100] =	vst v63  }
0x39a: {  	_ =	swait.ge [sflag:s22], $0x8000  }
0x39b: {  	[sflag:s22] =	ssyncset.done $0x0  }
0x39c: {  	[sflag:s22] =	ssyncadd.s32 $0xFFFF8000  }
0x39d: {  	v7 =	vld [tilespmem:s4+$0x180];
	_ =	sdelay $0x4  }
0x39e: {  	v8 =	vshll.u32 v7, $0x3  }
0x39f: {  	v7 =	vand.u32 $0x7, v7;
	v8 =	vand.u32 $0xFFFFFFC0, v8  }
0x3a0: {  	v7 =	vor.u32 v7, v8  }
0x3a1: {  	v8 =	vperm.xlane v7, v5;
	_ =	sdelay $0x1  }
0x3a2: {  	v8 =	vadd.s32 v4, v8;
	_ =	sdelay $0x4  }
0x3a3: {  	[tilespmem:s28], [sflag:$0x1] =	stream.indirect_vreg.gather [hbm4b:s2+s3], $0x80, v8, vm0, $0xb8;
	[tilespmem:$0x19100] =	vst v63  }
0x3a4: {  	s29 =	simm.s32 $0x1900;
	v7 =	vperm.xlane v7, v6  }
0x3a5: {  	[tilespmem:s29], [sflag:$0x1] =	stream.indirect_vreg.gather [hbm4b:s7+s3], $0x80, v8, vm0, $0xb8;
	[tilespmem:$0x19100] =	vst v63  }
0x3a6: {  	s31 =	simm.s32 $0x2100;
	v7 =	vadd.s32 v4, v7  }
0x3a7: {  	[tilespmem:s31], [sflag:$0x1] =	stream.indirect_vreg.gather [hbm4b:s8+s3], $0x80, v8, vm0, $0xb8;
	[tilespmem:$0x19100] =	vst v63  }
0x3a8: {  	s15 =	simm.s32 $0x2900  }
0x3a9: {  	[tilespmem:s15], [sflag:$0x1] =	stream.indirect_vreg.gather [hbm4b:s9+s3], $0x80, v8, vm0, $0xb8;
	[tilespmem:$0x19100] =	vst v63  }
0x3aa: {  	s31 =	simm.s32 $0x3100  }
0x3ab: {  	[tilespmem:s31], [sflag:$0x1] =	stream.indirect_vreg.gather [hbm4b:s2+s3], $0x80, v7, vm0, $0xb8;
	[tilespmem:$0x19100] =	vst v63  }
0x3ac: {  	s15 =	simm.s32 $0x3900  }
0x3ad: {  	[tilespmem:s15], [sflag:$0x1] =	stream.indirect_vreg.gather [hbm4b:s7+s3], $0x80, v7, vm0, $0xb8;
	[tilespmem:$0x19100] =	vst v63  }
0x3ae: {  	s31 =	simm.s32 $0x4100  }
0x3af: {  	[tilespmem:s31], [sflag:$0x1] =	stream.indirect_vreg.gather [hbm4b:s8+s3], $0x80, v7, vm0, $0xb8;
	[tilespmem:$0x19100] =	vst v63  }
0x3b0: {  	s15 =	simm.s32 $0x4900  }
0x3b1: {  	[tilespmem:s15], [sflag:$0x1] =	stream.indirect_vreg.gather [hbm4b:s9+s3], $0x80, v7, vm0, $0xb8;
	[tilespmem:$0x19100] =	vst v63  }
0x3b2: {  	v7 =	vld [tilespmem:s4+$0x190];
	_ =	sdelay $0x4  }
0x3b3: {  	v8 =	vshll.u32 v7, $0x3  }
0x3b4: {  	v7 =	vand.u32 $0x7, v7;
	v8 =	vand.u32 $0xFFFFFFC0, v8  }
0x3b5: {  	v7 =	vor.u32 v7, v8  }
0x3b6: {  	v8 =	vperm.xlane v7, v5;
	_ =	sdelay $0x1  }
0x3b7: {  	v8 =	vadd.s32 v4, v8;
	_ =	sdelay $0x3  }
0x3b8: {  	s31 =	simm.s32 $0x5100  }
0x3b9: {  	[tilespmem:s31], [sflag:$0x1] =	stream.indirect_vreg.gather [hbm4b:s2+s3], $0x80, v8, vm0, $0xb8;
	[tilespmem:$0x19100] =	vst v63  }
0x3ba: {  	s15 =	simm.s32 $0x5900;
	v7 =	vperm.xlane v7, v6  }
0x3bb: {  	[tilespmem:s15], [sflag:$0x1] =	stream.indirect_vreg.gather [hbm4b:s7+s3], $0x80, v8, vm0, $0xb8;
	[tilespmem:$0x19100] =	vst v63  }
0x3bc: {  	v7 =	vadd.s32 v4, v7;
	s31 =	simm.s32 $0x6100  }
0x3bd: {  	[tilespmem:s31], [sflag:$0x1] =	stream.indirect_vreg.gather [hbm4b:s8+s3], $0x80, v8, vm0, $0xb8;
	[tilespmem:$0x19100] =	vst v63  }
0x3be: {  	s15 =	simm.s32 $0x6900  }
0x3bf: {  	[tilespmem:s15], [sflag:$0x1] =	stream.indirect_vreg.gather [hbm4b:s9+s3], $0x80, v8, vm0, $0xb8;
	[tilespmem:$0x19100] =	vst v63  }
0x3c0: {  	s31 =	simm.s32 $0x7100  }
0x3c1: {  	[tilespmem:s31], [sflag:$0x1] =	stream.indirect_vreg.gather [hbm4b:s2+s3], $0x80, v7, vm0, $0xb8;
	[tilespmem:$0x19100] =	vst v63  }
0x3c2: {  	s15 =	simm.s32 $0x7900  }
0x3c3: {  	[tilespmem:s15], [sflag:$0x1] =	stream.indirect_vreg.gather [hbm4b:s7+s3], $0x80, v7, vm0, $0xb8;
	[tilespmem:$0x19100] =	vst v63  }
0x3c4: {  	s31 =	simm.s32 $0x8100  }
0x3c5: {  	[tilespmem:s31], [sflag:$0x1] =	stream.indirect_vreg.gather [hbm4b:s8+s3], $0x80, v7, vm0, $0xb8;
	[tilespmem:$0x19100] =	vst v63  }
0x3c6: {  	s15 =	simm.s32 $0x8900  }
0x3c7: {  	[tilespmem:s15], [sflag:$0x1] =	stream.indirect_vreg.gather [hbm4b:s9+s3], $0x80, v7, vm0, $0xb8;
	[tilespmem:$0x19100] =	vst v63  }
0x3c8: {  	_ =	swait.ge [sflag:s23], $0x8000  }
0x3c9: {  	[sflag:s23] =	ssyncset.done $0x0  }
0x3ca: {  	s31 =	rddreg [dreg:$0xf];
	[sflag:s23] =	ssyncadd.s32 $0xFFFF8000  }
0x3cb: {  	[hbm4b:s31+s3] =	stream.linear.scatter [tilespmem:s1], [sflag:$0x5], $0x8000, $0x38;
	[tilespmem:$0x19100] =	vst v63  }
0x3cc: {  	_ =	swait.ge [sflag:s24], $0x8000  }
0x3cd: {  	[sflag:s24] =	ssyncset.done $0x0  }
0x3ce: {  	[sflag:s24] =	ssyncadd.s32 $0xFFFF8000  }
0x3cf: {  	v7 =	vld [tilespmem:s4+$0x1A0];
	_ =	sdelay $0x4  }
0x3d0: {  	v8 =	vshll.u32 v7, $0x3  }
0x3d1: {  	v7 =	vand.u32 $0x7, v7;
	v8 =	vand.u32 $0xFFFFFFC0, v8  }
0x3d2: {  	v7 =	vor.u32 v7, v8  }
0x3d3: {  	v8 =	vperm.xlane v7, v5;
	_ =	sdelay $0x1  }
0x3d4: {  	v8 =	vadd.s32 v4, v8;
	_ =	sdelay $0x4  }
0x3d5: {  	[tilespmem:s1], [sflag:$0x2] =	stream.indirect_vreg.gather [hbm4b:s2+s3], $0x80, v8, vm0, $0xb8;
	[tilespmem:$0x19100] =	vst v63  }
0x3d6: {  	s15 =	simm.s32 $0x9900;
	v7 =	vperm.xlane v7, v6  }
0x3d7: {  	[tilespmem:s15], [sflag:$0x2] =	stream.indirect_vreg.gather [hbm4b:s7+s3], $0x80, v8, vm0, $0xb8;
	[tilespmem:$0x19100] =	vst v63  }
0x3d8: {  	s12 =	simm.s32 $0xA100;
	v7 =	vadd.s32 v4, v7  }
0x3d9: {  	[tilespmem:s12], [sflag:$0x2] =	stream.indirect_vreg.gather [hbm4b:s8+s3], $0x80, v8, vm0, $0xb8;
	[tilespmem:$0x19100] =	vst v63  }
0x3da: {  	s5 =	simm.s32 $0xA900  }
0x3db: {  	[tilespmem:s5], [sflag:$0x2] =	stream.indirect_vreg.gather [hbm4b:s9+s3], $0x80, v8, vm0, $0xb8;
	[tilespmem:$0x19100] =	vst v63  }
0x3dc: {  	s17 =	simm.s32 $0xB100  }
0x3dd: {  	[tilespmem:s17], [sflag:$0x2] =	stream.indirect_vreg.gather [hbm4b:s2+s3], $0x80, v7, vm0, $0xb8;
	[tilespmem:$0x19100] =	vst v63  }
0x3de: {  	s17 =	simm.s32 $0xB900  }
0x3df: {  	[tilespmem:s17], [sflag:$0x2] =	stream.indirect_vreg.gather [hbm4b:s7+s3], $0x80, v7, vm0, $0xb8;
	[tilespmem:$0x19100] =	vst v63  }
0x3e0: {  	s17 =	simm.s32 $0xC100  }
0x3e1: {  	[tilespmem:s17], [sflag:$0x2] =	stream.indirect_vreg.gather [hbm4b:s8+s3], $0x80, v7, vm0, $0xb8;
	[tilespmem:$0x19100] =	vst v63  }
0x3e2: {  	s6 =	simm.s32 $0xC900  }
0x3e3: {  	[tilespmem:s6], [sflag:$0x2] =	stream.indirect_vreg.gather [hbm4b:s9+s3], $0x80, v7, vm0, $0xb8;
	[tilespmem:$0x19100] =	vst v63  }
0x3e4: {  	v7 =	vld [tilespmem:s4+$0x1B0];
	_ =	sdelay $0x4  }
0x3e5: {  	v8 =	vshll.u32 v7, $0x3  }
0x3e6: {  	v7 =	vand.u32 $0x7, v7;
	v8 =	vand.u32 $0xFFFFFFC0, v8  }
0x3e7: {  	v7 =	vor.u32 v7, v8  }
0x3e8: {  	v8 =	vperm.xlane v7, v5;
	_ =	sdelay $0x1  }
0x3e9: {  	v8 =	vadd.s32 v4, v8;
	_ =	sdelay $0x3  }
0x3ea: {  	s19 =	simm.s32 $0xD100  }
0x3eb: {  	[tilespmem:s19], [sflag:$0x2] =	stream.indirect_vreg.gather [hbm4b:s2+s3], $0x80, v8, vm0, $0xb8;
	[tilespmem:$0x19100] =	vst v63  }
0x3ec: {  	s30 =	simm.s32 $0xD900;
	v7 =	vperm.xlane v7, v6  }
0x3ed: {  	[tilespmem:s30], [sflag:$0x2] =	stream.indirect_vreg.gather [hbm4b:s7+s3], $0x80, v8, vm0, $0xb8;
	[tilespmem:$0x19100] =	vst v63  }
0x3ee: {  	s18 =	simm.s32 $0xE100;
	v7 =	vadd.s32 v4, v7  }
0x3ef: {  	[tilespmem:s18], [sflag:$0x2] =	stream.indirect_vreg.gather [hbm4b:s8+s3], $0x80, v8, vm0, $0xb8;
	[tilespmem:$0x19100] =	vst v63  }
0x3f0: {  	s10 =	simm.s32 $0xE900  }
0x3f1: {  	[tilespmem:s10], [sflag:$0x2] =	stream.indirect_vreg.gather [hbm4b:s9+s3], $0x80, v8, vm0, $0xb8;
	[tilespmem:$0x19100] =	vst v63  }
0x3f2: {  	s20 =	simm.s32 $0xF100  }
0x3f3: {  	[tilespmem:s20], [sflag:$0x2] =	stream.indirect_vreg.gather [hbm4b:s2+s3], $0x80, v7, vm0, $0xb8;
	[tilespmem:$0x19100] =	vst v63  }
0x3f4: {  	s13 =	simm.s32 $0xF900  }
0x3f5: {  	[tilespmem:s13], [sflag:$0x2] =	stream.indirect_vreg.gather [hbm4b:s7+s3], $0x80, v7, vm0, $0xb8;
	[tilespmem:$0x19100] =	vst v63  }
0x3f6: {  	s16 =	simm.s32 $0x10100  }
0x3f7: {  	[tilespmem:s16], [sflag:$0x2] =	stream.indirect_vreg.gather [hbm4b:s8+s3], $0x80, v7, vm0, $0xb8;
	[tilespmem:$0x19100] =	vst v63  }
0x3f8: {  	s14 =	simm.s32 $0x10900  }
0x3f9: {  	[tilespmem:s14], [sflag:$0x2] =	stream.indirect_vreg.gather [hbm4b:s9+s3], $0x80, v7, vm0, $0xb8;
	[tilespmem:$0x19100] =	vst v63  }
0x3fa: {  	_ =	swait.ge [sflag:s25], $0x8000  }
0x3fb: {  	[sflag:s25] =	ssyncset.done $0x0  }
0x3fc: {  	s16 =	rddreg [dreg:$0x10];
	[sflag:s25] =	ssyncadd.s32 $0xFFFF8000  }
0x3fd: {  	[hbm4b:s16+s3] =	stream.linear.scatter [tilespmem:s11], [sflag:$0x6], $0x8000, $0x38;
	[tilespmem:$0x19100] =	vst v63  }
0x3fe: {  	_ =	swait.ge [sflag:s26], $0x8000  }
0x3ff: {  	[sflag:s26] =	ssyncset.done $0x0  }
0x400: {  	[sflag:s26] =	ssyncadd.s32 $0xFFFF8000  }
0x401: {  	v7 =	vld [tilespmem:s4+$0x1C0];
	_ =	sdelay $0x4  }
0x402: {  	v8 =	vshll.u32 v7, $0x3  }
0x403: {  	v7 =	vand.u32 $0x7, v7;
	v8 =	vand.u32 $0xFFFFFFC0, v8  }
0x404: {  	v7 =	vor.u32 v7, v8  }
0x405: {  	v8 =	vperm.xlane v7, v5;
	_ =	sdelay $0x1  }
0x406: {  	v8 =	vadd.s32 v4, v8;
	_ =	sdelay $0x4  }
0x407: {  	[tilespmem:s11], [sflag:$0x3] =	stream.indirect_vreg.gather [hbm4b:s2+s3], $0x80, v8, vm0, $0xb8;
	[tilespmem:$0x19100] =	vst v63  }
0x408: {  	s20 =	simm.s32 $0x11900;
	v7 =	vperm.xlane v7, v6  }
0x409: {  	[tilespmem:s20], [sflag:$0x3] =	stream.indirect_vreg.gather [hbm4b:s7+s3], $0x80, v8, vm0, $0xb8;
	[tilespmem:$0x19100] =	vst v63  }
0x40a: {  	s16 =	simm.s32 $0x12100;
	v7 =	vadd.s32 v4, v7  }
0x40b: {  	[tilespmem:s16], [sflag:$0x3] =	stream.indirect_vreg.gather [hbm4b:s8+s3], $0x80, v8, vm0, $0xb8;
	[tilespmem:$0x19100] =	vst v63  }
0x40c: {  	s20 =	simm.s32 $0x12900  }
0x40d: {  	[tilespmem:s20], [sflag:$0x3] =	stream.indirect_vreg.gather [hbm4b:s9+s3], $0x80, v8, vm0, $0xb8;
	[tilespmem:$0x19100] =	vst v63  }
0x40e: {  	s16 =	simm.s32 $0x13100  }
0x40f: {  	[tilespmem:s16], [sflag:$0x3] =	stream.indirect_vreg.gather [hbm4b:s2+s3], $0x80, v7, vm0, $0xb8;
	[tilespmem:$0x19100] =	vst v63  }
0x410: {  	s20 =	simm.s32 $0x13900  }
0x411: {  	[tilespmem:s20], [sflag:$0x3] =	stream.indirect_vreg.gather [hbm4b:s7+s3], $0x80, v7, vm0, $0xb8;
	[tilespmem:$0x19100] =	vst v63  }
0x412: {  	s16 =	simm.s32 $0x14100  }
0x413: {  	[tilespmem:s16], [sflag:$0x3] =	stream.indirect_vreg.gather [hbm4b:s8+s3], $0x80, v7, vm0, $0xb8;
	[tilespmem:$0x19100] =	vst v63  }
0x414: {  	s20 =	simm.s32 $0x14900  }
0x415: {  	[tilespmem:s20], [sflag:$0x3] =	stream.indirect_vreg.gather [hbm4b:s9+s3], $0x80, v7, vm0, $0xb8;
	[tilespmem:$0x19100] =	vst v63  }
0x416: {  	v7 =	vld [tilespmem:s4+$0x1D0];
	_ =	sdelay $0x4  }
0x417: {  	v8 =	vshll.u32 v7, $0x3  }
0x418: {  	v7 =	vand.u32 $0x7, v7;
	v8 =	vand.u32 $0xFFFFFFC0, v8  }
0x419: {  	v7 =	vor.u32 v7, v8  }
0x41a: {  	v8 =	vperm.xlane v7, v5;
	_ =	sdelay $0x1  }
0x41b: {  	v8 =	vadd.s32 v4, v8;
	_ =	sdelay $0x3  }
0x41c: {  	s16 =	simm.s32 $0x15100  }
0x41d: {  	[tilespmem:s16], [sflag:$0x3] =	stream.indirect_vreg.gather [hbm4b:s2+s3], $0x80, v8, vm0, $0xb8;
	[tilespmem:$0x19100] =	vst v63  }
0x41e: {  	s20 =	simm.s32 $0x15900;
	v7 =	vperm.xlane v7, v6  }
0x41f: {  	[tilespmem:s20], [sflag:$0x3] =	stream.indirect_vreg.gather [hbm4b:s7+s3], $0x80, v8, vm0, $0xb8;
	[tilespmem:$0x19100] =	vst v63  }
0x420: {  	v7 =	vadd.s32 v4, v7;
	s16 =	simm.s32 $0x16100  }
0x421: {  	[tilespmem:s16], [sflag:$0x3] =	stream.indirect_vreg.gather [hbm4b:s8+s3], $0x80, v8, vm0, $0xb8;
	[tilespmem:$0x19100] =	vst v63  }
0x422: {  	s20 =	simm.s32 $0x16900  }
0x423: {  	[tilespmem:s20], [sflag:$0x3] =	stream.indirect_vreg.gather [hbm4b:s9+s3], $0x80, v8, vm0, $0xb8;
	[tilespmem:$0x19100] =	vst v63  }
0x424: {  	s16 =	simm.s32 $0x17100  }
0x425: {  	[tilespmem:s16], [sflag:$0x3] =	stream.indirect_vreg.gather [hbm4b:s2+s3], $0x80, v7, vm0, $0xb8;
	[tilespmem:$0x19100] =	vst v63  }
0x426: {  	s20 =	simm.s32 $0x17900  }
0x427: {  	[tilespmem:s20], [sflag:$0x3] =	stream.indirect_vreg.gather [hbm4b:s7+s3], $0x80, v7, vm0, $0xb8;
	[tilespmem:$0x19100] =	vst v63  }
0x428: {  	s16 =	simm.s32 $0x18100  }
0x429: {  	[tilespmem:s16], [sflag:$0x3] =	stream.indirect_vreg.gather [hbm4b:s8+s3], $0x80, v7, vm0, $0xb8;
	[tilespmem:$0x19100] =	vst v63  }
0x42a: {  	s20 =	simm.s32 $0x18900  }
0x42b: {  	[tilespmem:s20], [sflag:$0x3] =	stream.indirect_vreg.gather [hbm4b:s9+s3], $0x80, v7, vm0, $0xb8;
	[tilespmem:$0x19100] =	vst v63  }
0x42c: {  	_ =	swait.ge [sflag:s21], $0x8000  }
0x42d: {  	[sflag:s21] =	ssyncset.done $0x0  }
0x42e: {  	s16 =	rddreg [dreg:$0x11];
	[sflag:s21] =	ssyncadd.s32 $0xFFFF8000  }
0x42f: {  	[hbm4b:s16+s3] =	stream.linear.scatter [tilespmem:s28], [sflag:$0x4], $0x8000, $0x38;
	[tilespmem:$0x19100] =	vst v63  }
0x430: {  	_ =	swait.ge [sflag:s22], $0x8000  }
0x431: {  	[sflag:s22] =	ssyncset.done $0x0  }
0x432: {  	[sflag:s22] =	ssyncadd.s32 $0xFFFF8000  }
0x433: {  	v7 =	vld [tilespmem:s4+$0x1E0];
	_ =	sdelay $0x4  }
0x434: {  	v8 =	vshll.u32 v7, $0x3  }
0x435: {  	v7 =	vand.u32 $0x7, v7;
	v8 =	vand.u32 $0xFFFFFFC0, v8  }
0x436: {  	v7 =	vor.u32 v7, v8  }
0x437: {  	v8 =	vperm.xlane v7, v5;
	_ =	sdelay $0x1  }
0x438: {  	v8 =	vadd.s32 v4, v8;
	_ =	sdelay $0x4  }
0x439: {  	[tilespmem:s28], [sflag:$0x1] =	stream.indirect_vreg.gather [hbm4b:s2+s3], $0x80, v8, vm0, $0xb8;
	[tilespmem:$0x19100] =	vst v63  }
0x43a: {  	s20 =	simm.s32 $0x1900;
	v7 =	vperm.xlane v7, v6  }
0x43b: {  	[tilespmem:s20], [sflag:$0x1] =	stream.indirect_vreg.gather [hbm4b:s7+s3], $0x80, v8, vm0, $0xb8;
	[tilespmem:$0x19100] =	vst v63  }
0x43c: {  	s29 =	simm.s32 $0x2100;
	v7 =	vadd.s32 v4, v7  }
0x43d: {  	[tilespmem:s29], [sflag:$0x1] =	stream.indirect_vreg.gather [hbm4b:s8+s3], $0x80, v8, vm0, $0xb8;
	[tilespmem:$0x19100] =	vst v63  }
0x43e: {  	s16 =	simm.s32 $0x2900  }
0x43f: {  	[tilespmem:s16], [sflag:$0x1] =	stream.indirect_vreg.gather [hbm4b:s9+s3], $0x80, v8, vm0, $0xb8;
	[tilespmem:$0x19100] =	vst v63  }
0x440: {  	s29 =	simm.s32 $0x3100  }
0x441: {  	[tilespmem:s29], [sflag:$0x1] =	stream.indirect_vreg.gather [hbm4b:s2+s3], $0x80, v7, vm0, $0xb8;
	[tilespmem:$0x19100] =	vst v63  }
0x442: {  	s16 =	simm.s32 $0x3900  }
0x443: {  	[tilespmem:s16], [sflag:$0x1] =	stream.indirect_vreg.gather [hbm4b:s7+s3], $0x80, v7, vm0, $0xb8;
	[tilespmem:$0x19100] =	vst v63  }
0x444: {  	s29 =	simm.s32 $0x4100  }
0x445: {  	[tilespmem:s29], [sflag:$0x1] =	stream.indirect_vreg.gather [hbm4b:s8+s3], $0x80, v7, vm0, $0xb8;
	[tilespmem:$0x19100] =	vst v63  }
0x446: {  	s16 =	simm.s32 $0x4900  }
0x447: {  	[tilespmem:s16], [sflag:$0x1] =	stream.indirect_vreg.gather [hbm4b:s9+s3], $0x80, v7, vm0, $0xb8;
	[tilespmem:$0x19100] =	vst v63  }
0x448: {  	v7 =	vld [tilespmem:s4+$0x1F0];
	_ =	sdelay $0x4  }
0x449: {  	v8 =	vshll.u32 v7, $0x3  }
0x44a: {  	v7 =	vand.u32 $0x7, v7;
	v8 =	vand.u32 $0xFFFFFFC0, v8  }
0x44b: {  	v7 =	vor.u32 v7, v8  }
0x44c: {  	v8 =	vperm.xlane v7, v5;
	_ =	sdelay $0x1  }
0x44d: {  	v8 =	vadd.s32 v4, v8;
	_ =	sdelay $0x3  }
0x44e: {  	s29 =	simm.s32 $0x5100  }
0x44f: {  	[tilespmem:s29], [sflag:$0x1] =	stream.indirect_vreg.gather [hbm4b:s2+s3], $0x80, v8, vm0, $0xb8;
	[tilespmem:$0x19100] =	vst v63  }
0x450: {  	s16 =	simm.s32 $0x5900;
	v7 =	vperm.xlane v7, v6  }
0x451: {  	[tilespmem:s16], [sflag:$0x1] =	stream.indirect_vreg.gather [hbm4b:s7+s3], $0x80, v8, vm0, $0xb8;
	[tilespmem:$0x19100] =	vst v63  }
0x452: {  	v7 =	vadd.s32 v4, v7;
	s29 =	simm.s32 $0x6100  }
0x453: {  	[tilespmem:s29], [sflag:$0x1] =	stream.indirect_vreg.gather [hbm4b:s8+s3], $0x80, v8, vm0, $0xb8;
	[tilespmem:$0x19100] =	vst v63  }
0x454: {  	s16 =	simm.s32 $0x6900  }
0x455: {  	[tilespmem:s16], [sflag:$0x1] =	stream.indirect_vreg.gather [hbm4b:s9+s3], $0x80, v8, vm0, $0xb8;
	[tilespmem:$0x19100] =	vst v63  }
0x456: {  	s29 =	simm.s32 $0x7100  }
0x457: {  	[tilespmem:s29], [sflag:$0x1] =	stream.indirect_vreg.gather [hbm4b:s2+s3], $0x80, v7, vm0, $0xb8;
	[tilespmem:$0x19100] =	vst v63  }
0x458: {  	s16 =	simm.s32 $0x7900  }
0x459: {  	[tilespmem:s16], [sflag:$0x1] =	stream.indirect_vreg.gather [hbm4b:s7+s3], $0x80, v7, vm0, $0xb8;
	[tilespmem:$0x19100] =	vst v63  }
0x45a: {  	s29 =	simm.s32 $0x8100  }
0x45b: {  	[tilespmem:s29], [sflag:$0x1] =	stream.indirect_vreg.gather [hbm4b:s8+s3], $0x80, v7, vm0, $0xb8;
	[tilespmem:$0x19100] =	vst v63  }
0x45c: {  	s16 =	simm.s32 $0x8900  }
0x45d: {  	[tilespmem:s16], [sflag:$0x1] =	stream.indirect_vreg.gather [hbm4b:s9+s3], $0x80, v7, vm0, $0xb8;
	[tilespmem:$0x19100] =	vst v63  }
0x45e: {  	_ =	swait.ge [sflag:s23], $0x8000  }
0x45f: {  	[sflag:s23] =	ssyncset.done $0x0  }
0x460: {  	s29 =	rddreg [dreg:$0x12];
	[sflag:s23] =	ssyncadd.s32 $0xFFFF8000  }
0x461: {  	[hbm4b:s29+s3] =	stream.linear.scatter [tilespmem:s1], [sflag:$0x5], $0x8000, $0x38;
	[tilespmem:$0x19100] =	vst v63  }
0x462: {  	_ =	swait.ge [sflag:s24], $0x8000  }
0x463: {  	[sflag:s24] =	ssyncset.done $0x0  }
0x464: {  	[sflag:s24] =	ssyncadd.s32 $0xFFFF8000  }
0x465: {  	v7 =	vld [tilespmem:s4+$0x200];
	_ =	sdelay $0x4  }
0x466: {  	v8 =	vshll.u32 v7, $0x3  }
0x467: {  	v7 =	vand.u32 $0x7, v7;
	v8 =	vand.u32 $0xFFFFFFC0, v8  }
0x468: {  	v7 =	vor.u32 v7, v8  }
0x469: {  	v8 =	vperm.xlane v7, v5;
	_ =	sdelay $0x1  }
0x46a: {  	v8 =	vadd.s32 v4, v8;
	_ =	sdelay $0x4  }
0x46b: {  	[tilespmem:s1], [sflag:$0x2] =	stream.indirect_vreg.gather [hbm4b:s2+s3], $0x80, v8, vm0, $0xb8;
	[tilespmem:$0x19100] =	vst v63  }
0x46c: {  	s31 =	simm.s32 $0x9900;
	v7 =	vperm.xlane v7, v6  }
0x46d: {  	[tilespmem:s31], [sflag:$0x2] =	stream.indirect_vreg.gather [hbm4b:s7+s3], $0x80, v8, vm0, $0xb8;
	[tilespmem:$0x19100] =	vst v63  }
0x46e: {  	s12 =	simm.s32 $0xA100;
	v7 =	vadd.s32 v4, v7  }
0x46f: {  	[tilespmem:s12], [sflag:$0x2] =	stream.indirect_vreg.gather [hbm4b:s8+s3], $0x80, v8, vm0, $0xb8;
	[tilespmem:$0x19100] =	vst v63  }
0x470: {  	s5 =	simm.s32 $0xA900  }
0x471: {  	[tilespmem:s5], [sflag:$0x2] =	stream.indirect_vreg.gather [hbm4b:s9+s3], $0x80, v8, vm0, $0xb8;
	[tilespmem:$0x19100] =	vst v63  }
0x472: {  	s15 =	simm.s32 $0xB100  }
0x473: {  	[tilespmem:s15], [sflag:$0x2] =	stream.indirect_vreg.gather [hbm4b:s2+s3], $0x80, v7, vm0, $0xb8;
	[tilespmem:$0x19100] =	vst v63  }
0x474: {  	s15 =	simm.s32 $0xB900  }
0x475: {  	[tilespmem:s15], [sflag:$0x2] =	stream.indirect_vreg.gather [hbm4b:s7+s3], $0x80, v7, vm0, $0xb8;
	[tilespmem:$0x19100] =	vst v63  }
0x476: {  	s17 =	simm.s32 $0xC100  }
0x477: {  	[tilespmem:s17], [sflag:$0x2] =	stream.indirect_vreg.gather [hbm4b:s8+s3], $0x80, v7, vm0, $0xb8;
	[tilespmem:$0x19100] =	vst v63  }
0x478: {  	s5 =	simm.s32 $0xC900  }
0x479: {  	[tilespmem:s5], [sflag:$0x2] =	stream.indirect_vreg.gather [hbm4b:s9+s3], $0x80, v7, vm0, $0xb8;
	[tilespmem:$0x19100] =	vst v63  }
0x47a: {  	v7 =	vld [tilespmem:s4+$0x210];
	_ =	sdelay $0x4  }
0x47b: {  	v8 =	vshll.u32 v7, $0x3  }
0x47c: {  	v7 =	vand.u32 $0x7, v7;
	v8 =	vand.u32 $0xFFFFFFC0, v8  }
0x47d: {  	v7 =	vor.u32 v7, v8  }
0x47e: {  	v8 =	vperm.xlane v7, v5;
	_ =	sdelay $0x1  }
0x47f: {  	v8 =	vadd.s32 v4, v8;
	_ =	sdelay $0x3  }
0x480: {  	s19 =	simm.s32 $0xD100  }
0x481: {  	[tilespmem:s19], [sflag:$0x2] =	stream.indirect_vreg.gather [hbm4b:s2+s3], $0x80, v8, vm0, $0xb8;
	[tilespmem:$0x19100] =	vst v63  }
0x482: {  	s30 =	simm.s32 $0xD900;
	v7 =	vperm.xlane v7, v6  }
0x483: {  	[tilespmem:s30], [sflag:$0x2] =	stream.indirect_vreg.gather [hbm4b:s7+s3], $0x80, v8, vm0, $0xb8;
	[tilespmem:$0x19100] =	vst v63  }
0x484: {  	s15 =	simm.s32 $0xE100;
	v7 =	vadd.s32 v4, v7  }
0x485: {  	[tilespmem:s15], [sflag:$0x2] =	stream.indirect_vreg.gather [hbm4b:s8+s3], $0x80, v8, vm0, $0xb8;
	[tilespmem:$0x19100] =	vst v63  }
0x486: {  	s10 =	simm.s32 $0xE900  }
0x487: {  	[tilespmem:s10], [sflag:$0x2] =	stream.indirect_vreg.gather [hbm4b:s9+s3], $0x80, v8, vm0, $0xb8;
	[tilespmem:$0x19100] =	vst v63  }
0x488: {  	s18 =	simm.s32 $0xF100  }
0x489: {  	[tilespmem:s18], [sflag:$0x2] =	stream.indirect_vreg.gather [hbm4b:s2+s3], $0x80, v7, vm0, $0xb8;
	[tilespmem:$0x19100] =	vst v63  }
0x48a: {  	s13 =	simm.s32 $0xF900  }
0x48b: {  	[tilespmem:s13], [sflag:$0x2] =	stream.indirect_vreg.gather [hbm4b:s7+s3], $0x80, v7, vm0, $0xb8;
	[tilespmem:$0x19100] =	vst v63  }
0x48c: {  	s6 =	simm.s32 $0x10100  }
0x48d: {  	[tilespmem:s6], [sflag:$0x2] =	stream.indirect_vreg.gather [hbm4b:s8+s3], $0x80, v7, vm0, $0xb8;
	[tilespmem:$0x19100] =	vst v63  }
0x48e: {  	s14 =	simm.s32 $0x10900  }
0x48f: {  	[tilespmem:s14], [sflag:$0x2] =	stream.indirect_vreg.gather [hbm4b:s9+s3], $0x80, v7, vm0, $0xb8;
	[tilespmem:$0x19100] =	vst v63  }
0x490: {  	_ =	swait.ge [sflag:s25], $0x8000  }
0x491: {  	[sflag:s25] =	ssyncset.done $0x0  }
0x492: {  	s14 =	rddreg [dreg:$0x13];
	[sflag:s25] =	ssyncadd.s32 $0xFFFF8000  }
0x493: {  	[hbm4b:s14+s3] =	stream.linear.scatter [tilespmem:s11], [sflag:$0x6], $0x8000, $0x38;
	[tilespmem:$0x19100] =	vst v63  }
0x494: {  	_ =	swait.ge [sflag:s26], $0x8000  }
0x495: {  	[sflag:s26] =	ssyncset.done $0x0  }
0x496: {  	[sflag:s26] =	ssyncadd.s32 $0xFFFF8000  }
0x497: {  	v7 =	vld [tilespmem:s4+$0x220];
	_ =	sdelay $0x4  }
0x498: {  	v8 =	vshll.u32 v7, $0x3  }
0x499: {  	v7 =	vand.u32 $0x7, v7;
	v8 =	vand.u32 $0xFFFFFFC0, v8  }
0x49a: {  	v7 =	vor.u32 v7, v8  }
0x49b: {  	v8 =	vperm.xlane v7, v5;
	_ =	sdelay $0x1  }
0x49c: {  	v8 =	vadd.s32 v4, v8;
	_ =	sdelay $0x4  }
0x49d: {  	[tilespmem:s11], [sflag:$0x3] =	stream.indirect_vreg.gather [hbm4b:s2+s3], $0x80, v8, vm0, $0xb8;
	[tilespmem:$0x19100] =	vst v63  }
0x49e: {  	s14 =	simm.s32 $0x11900;
	v7 =	vperm.xlane v7, v6  }
0x49f: {  	[tilespmem:s14], [sflag:$0x3] =	stream.indirect_vreg.gather [hbm4b:s7+s3], $0x80, v8, vm0, $0xb8;
	[tilespmem:$0x19100] =	vst v63  }
0x4a0: {  	v7 =	vadd.s32 v4, v7;
	s14 =	simm.s32 $0x12100  }
0x4a1: {  	[tilespmem:s14], [sflag:$0x3] =	stream.indirect_vreg.gather [hbm4b:s8+s3], $0x80, v8, vm0, $0xb8;
	[tilespmem:$0x19100] =	vst v63  }
0x4a2: {  	s14 =	simm.s32 $0x12900  }
0x4a3: {  	[tilespmem:s14], [sflag:$0x3] =	stream.indirect_vreg.gather [hbm4b:s9+s3], $0x80, v8, vm0, $0xb8;
	[tilespmem:$0x19100] =	vst v63  }
0x4a4: {  	s14 =	simm.s32 $0x13100  }
0x4a5: {  	[tilespmem:s14], [sflag:$0x3] =	stream.indirect_vreg.gather [hbm4b:s2+s3], $0x80, v7, vm0, $0xb8;
	[tilespmem:$0x19100] =	vst v63  }
0x4a6: {  	s14 =	simm.s32 $0x13900  }
0x4a7: {  	[tilespmem:s14], [sflag:$0x3] =	stream.indirect_vreg.gather [hbm4b:s7+s3], $0x80, v7, vm0, $0xb8;
	[tilespmem:$0x19100] =	vst v63  }
0x4a8: {  	s14 =	simm.s32 $0x14100  }
0x4a9: {  	[tilespmem:s14], [sflag:$0x3] =	stream.indirect_vreg.gather [hbm4b:s8+s3], $0x80, v7, vm0, $0xb8;
	[tilespmem:$0x19100] =	vst v63  }
0x4aa: {  	s14 =	simm.s32 $0x14900  }
0x4ab: {  	[tilespmem:s14], [sflag:$0x3] =	stream.indirect_vreg.gather [hbm4b:s9+s3], $0x80, v7, vm0, $0xb8;
	[tilespmem:$0x19100] =	vst v63  }
0x4ac: {  	v7 =	vld [tilespmem:s4+$0x230];
	_ =	sdelay $0x4  }
0x4ad: {  	v8 =	vshll.u32 v7, $0x3  }
0x4ae: {  	v7 =	vand.u32 $0x7, v7;
	v8 =	vand.u32 $0xFFFFFFC0, v8  }
0x4af: {  	v7 =	vor.u32 v7, v8  }
0x4b0: {  	v8 =	vperm.xlane v7, v5;
	_ =	sdelay $0x1  }
0x4b1: {  	v8 =	vadd.s32 v4, v8;
	_ =	sdelay $0x3  }
0x4b2: {  	s14 =	simm.s32 $0x15100  }
0x4b3: {  	[tilespmem:s14], [sflag:$0x3] =	stream.indirect_vreg.gather [hbm4b:s2+s3], $0x80, v8, vm0, $0xb8;
	[tilespmem:$0x19100] =	vst v63  }
0x4b4: {  	v7 =	vperm.xlane v7, v6;
	s14 =	simm.s32 $0x15900  }
0x4b5: {  	[tilespmem:s14], [sflag:$0x3] =	stream.indirect_vreg.gather [hbm4b:s7+s3], $0x80, v8, vm0, $0xb8;
	[tilespmem:$0x19100] =	vst v63  }
0x4b6: {  	v7 =	vadd.s32 v4, v7;
	s14 =	simm.s32 $0x16100  }
0x4b7: {  	[tilespmem:s14], [sflag:$0x3] =	stream.indirect_vreg.gather [hbm4b:s8+s3], $0x80, v8, vm0, $0xb8;
	[tilespmem:$0x19100] =	vst v63  }
0x4b8: {  	s14 =	simm.s32 $0x16900  }
0x4b9: {  	[tilespmem:s14], [sflag:$0x3] =	stream.indirect_vreg.gather [hbm4b:s9+s3], $0x80, v8, vm0, $0xb8;
	[tilespmem:$0x19100] =	vst v63  }
0x4ba: {  	s14 =	simm.s32 $0x17100  }
0x4bb: {  	[tilespmem:s14], [sflag:$0x3] =	stream.indirect_vreg.gather [hbm4b:s2+s3], $0x80, v7, vm0, $0xb8;
	[tilespmem:$0x19100] =	vst v63  }
0x4bc: {  	s14 =	simm.s32 $0x17900  }
0x4bd: {  	[tilespmem:s14], [sflag:$0x3] =	stream.indirect_vreg.gather [hbm4b:s7+s3], $0x80, v7, vm0, $0xb8;
	[tilespmem:$0x19100] =	vst v63  }
0x4be: {  	s14 =	simm.s32 $0x18100  }
0x4bf: {  	[tilespmem:s14], [sflag:$0x3] =	stream.indirect_vreg.gather [hbm4b:s8+s3], $0x80, v7, vm0, $0xb8;
	[tilespmem:$0x19100] =	vst v63  }
0x4c0: {  	s14 =	simm.s32 $0x18900  }
0x4c1: {  	[tilespmem:s14], [sflag:$0x3] =	stream.indirect_vreg.gather [hbm4b:s9+s3], $0x80, v7, vm0, $0xb8;
	[tilespmem:$0x19100] =	vst v63  }
0x4c2: {  	_ =	swait.ge [sflag:s21], $0x8000  }
0x4c3: {  	[sflag:s21] =	ssyncset.done $0x0  }
0x4c4: {  	s14 =	rddreg [dreg:$0x14];
	[sflag:s21] =	ssyncadd.s32 $0xFFFF8000  }
0x4c5: {  	[hbm4b:s14+s3] =	stream.linear.scatter [tilespmem:s28], [sflag:$0x4], $0x8000, $0x38;
	[tilespmem:$0x19100] =	vst v63  }
0x4c6: {  	_ =	swait.ge [sflag:s22], $0x8000  }
0x4c7: {  	[sflag:s22] =	ssyncset.done $0x0  }
0x4c8: {  	[sflag:s22] =	ssyncadd.s32 $0xFFFF8000  }
0x4c9: {  	v7 =	vld [tilespmem:s4+$0x240];
	_ =	sdelay $0x4  }
0x4ca: {  	v8 =	vshll.u32 v7, $0x3  }
0x4cb: {  	v7 =	vand.u32 $0x7, v7;
	v8 =	vand.u32 $0xFFFFFFC0, v8  }
0x4cc: {  	v7 =	vor.u32 v7, v8  }
0x4cd: {  	v8 =	vperm.xlane v7, v5;
	_ =	sdelay $0x1  }
0x4ce: {  	v8 =	vadd.s32 v4, v8;
	_ =	sdelay $0x4  }
0x4cf: {  	[tilespmem:s28], [sflag:$0x1] =	stream.indirect_vreg.gather [hbm4b:s2+s3], $0x80, v8, vm0, $0xb8;
	[tilespmem:$0x19100] =	vst v63  }
0x4d0: {  	s14 =	simm.s32 $0x1900;
	v7 =	vperm.xlane v7, v6  }
0x4d1: {  	[tilespmem:s14], [sflag:$0x1] =	stream.indirect_vreg.gather [hbm4b:s7+s3], $0x80, v8, vm0, $0xb8;
	[tilespmem:$0x19100] =	vst v63  }
0x4d2: {  	s20 =	simm.s32 $0x2100;
	v7 =	vadd.s32 v4, v7  }
0x4d3: {  	[tilespmem:s20], [sflag:$0x1] =	stream.indirect_vreg.gather [hbm4b:s8+s3], $0x80, v8, vm0, $0xb8;
	[tilespmem:$0x19100] =	vst v63  }
0x4d4: {  	s14 =	simm.s32 $0x2900  }
0x4d5: {  	[tilespmem:s14], [sflag:$0x1] =	stream.indirect_vreg.gather [hbm4b:s9+s3], $0x80, v8, vm0, $0xb8;
	[tilespmem:$0x19100] =	vst v63  }
0x4d6: {  	s14 =	simm.s32 $0x3100  }
0x4d7: {  	[tilespmem:s14], [sflag:$0x1] =	stream.indirect_vreg.gather [hbm4b:s2+s3], $0x80, v7, vm0, $0xb8;
	[tilespmem:$0x19100] =	vst v63  }
0x4d8: {  	s14 =	simm.s32 $0x3900  }
0x4d9: {  	[tilespmem:s14], [sflag:$0x1] =	stream.indirect_vreg.gather [hbm4b:s7+s3], $0x80, v7, vm0, $0xb8;
	[tilespmem:$0x19100] =	vst v63  }
0x4da: {  	s14 =	simm.s32 $0x4100  }
0x4db: {  	[tilespmem:s14], [sflag:$0x1] =	stream.indirect_vreg.gather [hbm4b:s8+s3], $0x80, v7, vm0, $0xb8;
	[tilespmem:$0x19100] =	vst v63  }
0x4dc: {  	s14 =	simm.s32 $0x4900  }
0x4dd: {  	[tilespmem:s14], [sflag:$0x1] =	stream.indirect_vreg.gather [hbm4b:s9+s3], $0x80, v7, vm0, $0xb8;
	[tilespmem:$0x19100] =	vst v63  }
0x4de: {  	v7 =	vld [tilespmem:s4+$0x250];
	_ =	sdelay $0x4  }
0x4df: {  	v8 =	vshll.u32 v7, $0x3  }
0x4e0: {  	v7 =	vand.u32 $0x7, v7;
	v8 =	vand.u32 $0xFFFFFFC0, v8  }
0x4e1: {  	v7 =	vor.u32 v7, v8  }
0x4e2: {  	v8 =	vperm.xlane v7, v5;
	_ =	sdelay $0x1  }
0x4e3: {  	v8 =	vadd.s32 v4, v8;
	_ =	sdelay $0x3  }
0x4e4: {  	s14 =	simm.s32 $0x5100  }
0x4e5: {  	[tilespmem:s14], [sflag:$0x1] =	stream.indirect_vreg.gather [hbm4b:s2+s3], $0x80, v8, vm0, $0xb8;
	[tilespmem:$0x19100] =	vst v63  }
0x4e6: {  	v7 =	vperm.xlane v7, v6;
	s14 =	simm.s32 $0x5900  }
0x4e7: {  	[tilespmem:s14], [sflag:$0x1] =	stream.indirect_vreg.gather [hbm4b:s7+s3], $0x80, v8, vm0, $0xb8;
	[tilespmem:$0x19100] =	vst v63  }
0x4e8: {  	v7 =	vadd.s32 v4, v7;
	s14 =	simm.s32 $0x6100  }
0x4e9: {  	[tilespmem:s14], [sflag:$0x1] =	stream.indirect_vreg.gather [hbm4b:s8+s3], $0x80, v8, vm0, $0xb8;
	[tilespmem:$0x19100] =	vst v63  }
0x4ea: {  	s14 =	simm.s32 $0x6900  }
0x4eb: {  	[tilespmem:s14], [sflag:$0x1] =	stream.indirect_vreg.gather [hbm4b:s9+s3], $0x80, v8, vm0, $0xb8;
	[tilespmem:$0x19100] =	vst v63  }
0x4ec: {  	s14 =	simm.s32 $0x7100  }
0x4ed: {  	[tilespmem:s14], [sflag:$0x1] =	stream.indirect_vreg.gather [hbm4b:s2+s3], $0x80, v7, vm0, $0xb8;
	[tilespmem:$0x19100] =	vst v63  }
0x4ee: {  	s14 =	simm.s32 $0x7900  }
0x4ef: {  	[tilespmem:s14], [sflag:$0x1] =	stream.indirect_vreg.gather [hbm4b:s7+s3], $0x80, v7, vm0, $0xb8;
	[tilespmem:$0x19100] =	vst v63  }
0x4f0: {  	s14 =	simm.s32 $0x8100  }
0x4f1: {  	[tilespmem:s14], [sflag:$0x1] =	stream.indirect_vreg.gather [hbm4b:s8+s3], $0x80, v7, vm0, $0xb8;
	[tilespmem:$0x19100] =	vst v63  }
0x4f2: {  	s14 =	simm.s32 $0x8900  }
0x4f3: {  	[tilespmem:s14], [sflag:$0x1] =	stream.indirect_vreg.gather [hbm4b:s9+s3], $0x80, v7, vm0, $0xb8;
	[tilespmem:$0x19100] =	vst v63  }
0x4f4: {  	_ =	swait.ge [sflag:s23], $0x8000  }
0x4f5: {  	[sflag:s23] =	ssyncset.done $0x0  }
0x4f6: {  	s14 =	rddreg [dreg:$0x15];
	[sflag:s23] =	ssyncadd.s32 $0xFFFF8000  }
0x4f7: {  	[hbm4b:s14+s3] =	stream.linear.scatter [tilespmem:s1], [sflag:$0x5], $0x8000, $0x38;
	[tilespmem:$0x19100] =	vst v63  }
0x4f8: {  	_ =	swait.ge [sflag:s24], $0x8000  }
0x4f9: {  	[sflag:s24] =	ssyncset.done $0x0  }
0x4fa: {  	[sflag:s24] =	ssyncadd.s32 $0xFFFF8000  }
0x4fb: {  	v7 =	vld [tilespmem:s4+$0x260];
	_ =	sdelay $0x4  }
0x4fc: {  	v8 =	vshll.u32 v7, $0x3  }
0x4fd: {  	v7 =	vand.u32 $0x7, v7;
	v8 =	vand.u32 $0xFFFFFFC0, v8  }
0x4fe: {  	v7 =	vor.u32 v7, v8  }
0x4ff: {  	v8 =	vperm.xlane v7, v5;
	_ =	sdelay $0x1  }
0x500: {  	v8 =	vadd.s32 v4, v8;
	_ =	sdelay $0x4  }
0x501: {  	[tilespmem:s1], [sflag:$0x2] =	stream.indirect_vreg.gather [hbm4b:s2+s3], $0x80, v8, vm0, $0xb8;
	[tilespmem:$0x19100] =	vst v63  }
0x502: {  	s16 =	simm.s32 $0x9900;
	v7 =	vperm.xlane v7, v6  }
0x503: {  	[tilespmem:s16], [sflag:$0x2] =	stream.indirect_vreg.gather [hbm4b:s7+s3], $0x80, v8, vm0, $0xb8;
	[tilespmem:$0x19100] =	vst v63  }
0x504: {  	s31 =	simm.s32 $0xA100;
	v7 =	vadd.s32 v4, v7  }
0x505: {  	[tilespmem:s31], [sflag:$0x2] =	stream.indirect_vreg.gather [hbm4b:s8+s3], $0x80, v8, vm0, $0xb8;
	[tilespmem:$0x19100] =	vst v63  }
0x506: {  	s29 =	simm.s32 $0xA900  }
0x507: {  	[tilespmem:s29], [sflag:$0x2] =	stream.indirect_vreg.gather [hbm4b:s9+s3], $0x80, v8, vm0, $0xb8;
	[tilespmem:$0x19100] =	vst v63  }
0x508: {  	s12 =	simm.s32 $0xB100  }
0x509: {  	[tilespmem:s12], [sflag:$0x2] =	stream.indirect_vreg.gather [hbm4b:s2+s3], $0x80, v7, vm0, $0xb8;
	[tilespmem:$0x19100] =	vst v63  }
0x50a: {  	s29 =	simm.s32 $0xB900  }
0x50b: {  	[tilespmem:s29], [sflag:$0x2] =	stream.indirect_vreg.gather [hbm4b:s7+s3], $0x80, v7, vm0, $0xb8;
	[tilespmem:$0x19100] =	vst v63  }
0x50c: {  	s17 =	simm.s32 $0xC100  }
0x50d: {  	[tilespmem:s17], [sflag:$0x2] =	stream.indirect_vreg.gather [hbm4b:s8+s3], $0x80, v7, vm0, $0xb8;
	[tilespmem:$0x19100] =	vst v63  }
0x50e: {  	s5 =	simm.s32 $0xC900  }
0x50f: {  	[tilespmem:s5], [sflag:$0x2] =	stream.indirect_vreg.gather [hbm4b:s9+s3], $0x80, v7, vm0, $0xb8;
	[tilespmem:$0x19100] =	vst v63  }
0x510: {  	v7 =	vld [tilespmem:s4+$0x270];
	_ =	sdelay $0x4  }
0x511: {  	v8 =	vshll.u32 v7, $0x3  }
0x512: {  	v7 =	vand.u32 $0x7, v7;
	v8 =	vand.u32 $0xFFFFFFC0, v8  }
0x513: {  	v7 =	vor.u32 v7, v8  }
0x514: {  	v8 =	vperm.xlane v7, v5;
	_ =	sdelay $0x1  }
0x515: {  	v8 =	vadd.s32 v4, v8;
	_ =	sdelay $0x3  }
0x516: {  	s19 =	simm.s32 $0xD100  }
0x517: {  	[tilespmem:s19], [sflag:$0x2] =	stream.indirect_vreg.gather [hbm4b:s2+s3], $0x80, v8, vm0, $0xb8;
	[tilespmem:$0x19100] =	vst v63  }
0x518: {  	s30 =	simm.s32 $0xD900;
	v7 =	vperm.xlane v7, v6  }
0x519: {  	[tilespmem:s30], [sflag:$0x2] =	stream.indirect_vreg.gather [hbm4b:s7+s3], $0x80, v8, vm0, $0xb8;
	[tilespmem:$0x19100] =	vst v63  }
0x51a: {  	v7 =	vadd.s32 v4, v7;
	s19 =	simm.s32 $0xE100  }
0x51b: {  	[tilespmem:s19], [sflag:$0x2] =	stream.indirect_vreg.gather [hbm4b:s8+s3], $0x80, v8, vm0, $0xb8;
	[tilespmem:$0x19100] =	vst v63  }
0x51c: {  	s10 =	simm.s32 $0xE900  }
0x51d: {  	[tilespmem:s10], [sflag:$0x2] =	stream.indirect_vreg.gather [hbm4b:s9+s3], $0x80, v8, vm0, $0xb8;
	[tilespmem:$0x19100] =	vst v63  }
0x51e: {  	s18 =	simm.s32 $0xF100  }
0x51f: {  	[tilespmem:s18], [sflag:$0x2] =	stream.indirect_vreg.gather [hbm4b:s2+s3], $0x80, v7, vm0, $0xb8;
	[tilespmem:$0x19100] =	vst v63  }
0x520: {  	s13 =	simm.s32 $0xF900  }
0x521: {  	[tilespmem:s13], [sflag:$0x2] =	stream.indirect_vreg.gather [hbm4b:s7+s3], $0x80, v7, vm0, $0xb8;
	[tilespmem:$0x19100] =	vst v63  }
0x522: {  	s15 =	simm.s32 $0x10100  }
0x523: {  	[tilespmem:s15], [sflag:$0x2] =	stream.indirect_vreg.gather [hbm4b:s8+s3], $0x80, v7, vm0, $0xb8;
	[tilespmem:$0x19100] =	vst v63  }
0x524: {  	s6 =	simm.s32 $0x10900  }
0x525: {  	[tilespmem:s6], [sflag:$0x2] =	stream.indirect_vreg.gather [hbm4b:s9+s3], $0x80, v7, vm0, $0xb8;
	[tilespmem:$0x19100] =	vst v63  }
0x526: {  	_ =	swait.ge [sflag:s25], $0x8000  }
0x527: {  	[sflag:s25] =	ssyncset.done $0x0  }
0x528: {  	s15 =	rddreg [dreg:$0x16];
	[sflag:s25] =	ssyncadd.s32 $0xFFFF8000  }
0x529: {  	[hbm4b:s15+s3] =	stream.linear.scatter [tilespmem:s11], [sflag:$0x6], $0x8000, $0x38;
	[tilespmem:$0x19100] =	vst v63  }
0x52a: {  	_ =	swait.ge [sflag:s26], $0x8000  }
0x52b: {  	[sflag:s26] =	ssyncset.done $0x0  }
0x52c: {  	[sflag:s26] =	ssyncadd.s32 $0xFFFF8000  }
0x52d: {  	v7 =	vld [tilespmem:s4+$0x280];
	_ =	sdelay $0x4  }
0x52e: {  	v8 =	vshll.u32 v7, $0x3  }
0x52f: {  	v7 =	vand.u32 $0x7, v7;
	v8 =	vand.u32 $0xFFFFFFC0, v8  }
0x530: {  	v7 =	vor.u32 v7, v8  }
0x531: {  	v8 =	vperm.xlane v7, v5;
	_ =	sdelay $0x1  }
0x532: {  	v8 =	vadd.s32 v4, v8;
	_ =	sdelay $0x4  }
0x533: {  	[tilespmem:s11], [sflag:$0x3] =	stream.indirect_vreg.gather [hbm4b:s2+s3], $0x80, v8, vm0, $0xb8;
	[tilespmem:$0x19100] =	vst v63  }
0x534: {  	s15 =	simm.s32 $0x11900;
	v7 =	vperm.xlane v7, v6  }
0x535: {  	[tilespmem:s15], [sflag:$0x3] =	stream.indirect_vreg.gather [hbm4b:s7+s3], $0x80, v8, vm0, $0xb8;
	[tilespmem:$0x19100] =	vst v63  }
0x536: {  	v7 =	vadd.s32 v4, v7;
	s15 =	simm.s32 $0x12100  }
0x537: {  	[tilespmem:s15], [sflag:$0x3] =	stream.indirect_vreg.gather [hbm4b:s8+s3], $0x80, v8, vm0, $0xb8;
	[tilespmem:$0x19100] =	vst v63  }
0x538: {  	s15 =	simm.s32 $0x12900  }
0x539: {  	[tilespmem:s15], [sflag:$0x3] =	stream.indirect_vreg.gather [hbm4b:s9+s3], $0x80, v8, vm0, $0xb8;
	[tilespmem:$0x19100] =	vst v63  }
0x53a: {  	s15 =	simm.s32 $0x13100  }
0x53b: {  	[tilespmem:s15], [sflag:$0x3] =	stream.indirect_vreg.gather [hbm4b:s2+s3], $0x80, v7, vm0, $0xb8;
	[tilespmem:$0x19100] =	vst v63  }
0x53c: {  	s15 =	simm.s32 $0x13900  }
0x53d: {  	[tilespmem:s15], [sflag:$0x3] =	stream.indirect_vreg.gather [hbm4b:s7+s3], $0x80, v7, vm0, $0xb8;
	[tilespmem:$0x19100] =	vst v63  }
0x53e: {  	s15 =	simm.s32 $0x14100  }
0x53f: {  	[tilespmem:s15], [sflag:$0x3] =	stream.indirect_vreg.gather [hbm4b:s8+s3], $0x80, v7, vm0, $0xb8;
	[tilespmem:$0x19100] =	vst v63  }
0x540: {  	s15 =	simm.s32 $0x14900  }
0x541: {  	[tilespmem:s15], [sflag:$0x3] =	stream.indirect_vreg.gather [hbm4b:s9+s3], $0x80, v7, vm0, $0xb8;
	[tilespmem:$0x19100] =	vst v63  }
0x542: {  	v7 =	vld [tilespmem:s4+$0x290];
	_ =	sdelay $0x4  }
0x543: {  	v8 =	vshll.u32 v7, $0x3  }
0x544: {  	v7 =	vand.u32 $0x7, v7;
	v8 =	vand.u32 $0xFFFFFFC0, v8  }
0x545: {  	v7 =	vor.u32 v7, v8  }
0x546: {  	v8 =	vperm.xlane v7, v5;
	_ =	sdelay $0x1  }
0x547: {  	v8 =	vadd.s32 v4, v8;
	_ =	sdelay $0x3  }
0x548: {  	s15 =	simm.s32 $0x15100  }
0x549: {  	[tilespmem:s15], [sflag:$0x3] =	stream.indirect_vreg.gather [hbm4b:s2+s3], $0x80, v8, vm0, $0xb8;
	[tilespmem:$0x19100] =	vst v63  }
0x54a: {  	v7 =	vperm.xlane v7, v6;
	s15 =	simm.s32 $0x15900  }
0x54b: {  	[tilespmem:s15], [sflag:$0x3] =	stream.indirect_vreg.gather [hbm4b:s7+s3], $0x80, v8, vm0, $0xb8;
	[tilespmem:$0x19100] =	vst v63  }
0x54c: {  	v7 =	vadd.s32 v4, v7;
	s15 =	simm.s32 $0x16100  }
0x54d: {  	[tilespmem:s15], [sflag:$0x3] =	stream.indirect_vreg.gather [hbm4b:s8+s3], $0x80, v8, vm0, $0xb8;
	[tilespmem:$0x19100] =	vst v63  }
0x54e: {  	s15 =	simm.s32 $0x16900  }
0x54f: {  	[tilespmem:s15], [sflag:$0x3] =	stream.indirect_vreg.gather [hbm4b:s9+s3], $0x80, v8, vm0, $0xb8;
	[tilespmem:$0x19100] =	vst v63  }
0x550: {  	s15 =	simm.s32 $0x17100  }
0x551: {  	[tilespmem:s15], [sflag:$0x3] =	stream.indirect_vreg.gather [hbm4b:s2+s3], $0x80, v7, vm0, $0xb8;
	[tilespmem:$0x19100] =	vst v63  }
0x552: {  	s15 =	simm.s32 $0x17900  }
0x553: {  	[tilespmem:s15], [sflag:$0x3] =	stream.indirect_vreg.gather [hbm4b:s7+s3], $0x80, v7, vm0, $0xb8;
	[tilespmem:$0x19100] =	vst v63  }
0x554: {  	s15 =	simm.s32 $0x18100  }
0x555: {  	[tilespmem:s15], [sflag:$0x3] =	stream.indirect_vreg.gather [hbm4b:s8+s3], $0x80, v7, vm0, $0xb8;
	[tilespmem:$0x19100] =	vst v63  }
0x556: {  	s15 =	simm.s32 $0x18900  }
0x557: {  	[tilespmem:s15], [sflag:$0x3] =	stream.indirect_vreg.gather [hbm4b:s9+s3], $0x80, v7, vm0, $0xb8;
	[tilespmem:$0x19100] =	vst v63  }
0x558: {  	_ =	swait.ge [sflag:s21], $0x8000  }
0x559: {  	[sflag:s21] =	ssyncset.done $0x0  }
0x55a: {  	s15 =	rddreg [dreg:$0x17];
	[sflag:s21] =	ssyncadd.s32 $0xFFFF8000  }
0x55b: {  	[hbm4b:s15+s3] =	stream.linear.scatter [tilespmem:s28], [sflag:$0x4], $0x8000, $0x38;
	[tilespmem:$0x19100] =	vst v63  }
0x55c: {  	_ =	swait.ge [sflag:s22], $0x8000  }
0x55d: {  	[sflag:s22] =	ssyncset.done $0x0  }
0x55e: {  	[sflag:s22] =	ssyncadd.s32 $0xFFFF8000  }
0x55f: {  	v7 =	vld [tilespmem:s4+$0x2A0];
	_ =	sdelay $0x4  }
0x560: {  	v8 =	vshll.u32 v7, $0x3  }
0x561: {  	v7 =	vand.u32 $0x7, v7;
	v8 =	vand.u32 $0xFFFFFFC0, v8  }
0x562: {  	v7 =	vor.u32 v7, v8  }
0x563: {  	v8 =	vperm.xlane v7, v5;
	_ =	sdelay $0x1  }
0x564: {  	v8 =	vadd.s32 v4, v8;
	_ =	sdelay $0x4  }
0x565: {  	[tilespmem:s28], [sflag:$0x1] =	stream.indirect_vreg.gather [hbm4b:s2+s3], $0x80, v8, vm0, $0xb8;
	[tilespmem:$0x19100] =	vst v63  }
0x566: {  	s15 =	simm.s32 $0x1900;
	v7 =	vperm.xlane v7, v6  }
0x567: {  	[tilespmem:s15], [sflag:$0x1] =	stream.indirect_vreg.gather [hbm4b:s7+s3], $0x80, v8, vm0, $0xb8;
	[tilespmem:$0x19100] =	vst v63  }
0x568: {  	s20 =	simm.s32 $0x2100;
	v7 =	vadd.s32 v4, v7  }
0x569: {  	[tilespmem:s20], [sflag:$0x1] =	stream.indirect_vreg.gather [hbm4b:s8+s3], $0x80, v8, vm0, $0xb8;
	[tilespmem:$0x19100] =	vst v63  }
0x56a: {  	s15 =	simm.s32 $0x2900  }
0x56b: {  	[tilespmem:s15], [sflag:$0x1] =	stream.indirect_vreg.gather [hbm4b:s9+s3], $0x80, v8, vm0, $0xb8;
	[tilespmem:$0x19100] =	vst v63  }
0x56c: {  	s15 =	simm.s32 $0x3100  }
0x56d: {  	[tilespmem:s15], [sflag:$0x1] =	stream.indirect_vreg.gather [hbm4b:s2+s3], $0x80, v7, vm0, $0xb8;
	[tilespmem:$0x19100] =	vst v63  }
0x56e: {  	s15 =	simm.s32 $0x3900  }
0x56f: {  	[tilespmem:s15], [sflag:$0x1] =	stream.indirect_vreg.gather [hbm4b:s7+s3], $0x80, v7, vm0, $0xb8;
	[tilespmem:$0x19100] =	vst v63  }
0x570: {  	s15 =	simm.s32 $0x4100  }
0x571: {  	[tilespmem:s15], [sflag:$0x1] =	stream.indirect_vreg.gather [hbm4b:s8+s3], $0x80, v7, vm0, $0xb8;
	[tilespmem:$0x19100] =	vst v63  }
0x572: {  	s15 =	simm.s32 $0x4900  }
0x573: {  	[tilespmem:s15], [sflag:$0x1] =	stream.indirect_vreg.gather [hbm4b:s9+s3], $0x80, v7, vm0, $0xb8;
	[tilespmem:$0x19100] =	vst v63  }
0x574: {  	v7 =	vld [tilespmem:s4+$0x2B0];
	_ =	sdelay $0x4  }
0x575: {  	v8 =	vshll.u32 v7, $0x3  }
0x576: {  	v7 =	vand.u32 $0x7, v7;
	v8 =	vand.u32 $0xFFFFFFC0, v8  }
0x577: {  	v7 =	vor.u32 v7, v8  }
0x578: {  	v8 =	vperm.xlane v7, v5;
	_ =	sdelay $0x1  }
0x579: {  	v8 =	vadd.s32 v4, v8;
	_ =	sdelay $0x3  }
0x57a: {  	s15 =	simm.s32 $0x5100  }
0x57b: {  	[tilespmem:s15], [sflag:$0x1] =	stream.indirect_vreg.gather [hbm4b:s2+s3], $0x80, v8, vm0, $0xb8;
	[tilespmem:$0x19100] =	vst v63  }
0x57c: {  	v7 =	vperm.xlane v7, v6;
	s15 =	simm.s32 $0x5900  }
0x57d: {  	[tilespmem:s15], [sflag:$0x1] =	stream.indirect_vreg.gather [hbm4b:s7+s3], $0x80, v8, vm0, $0xb8;
	[tilespmem:$0x19100] =	vst v63  }
0x57e: {  	v7 =	vadd.s32 v4, v7;
	s15 =	simm.s32 $0x6100  }
0x57f: {  	[tilespmem:s15], [sflag:$0x1] =	stream.indirect_vreg.gather [hbm4b:s8+s3], $0x80, v8, vm0, $0xb8;
	[tilespmem:$0x19100] =	vst v63  }
0x580: {  	s15 =	simm.s32 $0x6900  }
0x581: {  	[tilespmem:s15], [sflag:$0x1] =	stream.indirect_vreg.gather [hbm4b:s9+s3], $0x80, v8, vm0, $0xb8;
	[tilespmem:$0x19100] =	vst v63  }
0x582: {  	s15 =	simm.s32 $0x7100  }
0x583: {  	[tilespmem:s15], [sflag:$0x1] =	stream.indirect_vreg.gather [hbm4b:s2+s3], $0x80, v7, vm0, $0xb8;
	[tilespmem:$0x19100] =	vst v63  }
0x584: {  	s15 =	simm.s32 $0x7900  }
0x585: {  	[tilespmem:s15], [sflag:$0x1] =	stream.indirect_vreg.gather [hbm4b:s7+s3], $0x80, v7, vm0, $0xb8;
	[tilespmem:$0x19100] =	vst v63  }
0x586: {  	s15 =	simm.s32 $0x8100  }
0x587: {  	[tilespmem:s15], [sflag:$0x1] =	stream.indirect_vreg.gather [hbm4b:s8+s3], $0x80, v7, vm0, $0xb8;
	[tilespmem:$0x19100] =	vst v63  }
0x588: {  	s15 =	simm.s32 $0x8900  }
0x589: {  	[tilespmem:s15], [sflag:$0x1] =	stream.indirect_vreg.gather [hbm4b:s9+s3], $0x80, v7, vm0, $0xb8;
	[tilespmem:$0x19100] =	vst v63  }
0x58a: {  	_ =	swait.ge [sflag:s23], $0x8000  }
0x58b: {  	[sflag:s23] =	ssyncset.done $0x0  }
0x58c: {  	s15 =	rddreg [dreg:$0x18];
	[sflag:s23] =	ssyncadd.s32 $0xFFFF8000  }
0x58d: {  	[hbm4b:s15+s3] =	stream.linear.scatter [tilespmem:s1], [sflag:$0x5], $0x8000, $0x38;
	[tilespmem:$0x19100] =	vst v63  }
0x58e: {  	_ =	swait.ge [sflag:s24], $0x8000  }
0x58f: {  	[sflag:s24] =	ssyncset.done $0x0  }
0x590: {  	[sflag:s24] =	ssyncadd.s32 $0xFFFF8000  }
0x591: {  	v7 =	vld [tilespmem:s4+$0x2C0];
	_ =	sdelay $0x4  }
0x592: {  	v8 =	vshll.u32 v7, $0x3  }
0x593: {  	v7 =	vand.u32 $0x7, v7;
	v8 =	vand.u32 $0xFFFFFFC0, v8  }
0x594: {  	v7 =	vor.u32 v7, v8  }
0x595: {  	v8 =	vperm.xlane v7, v5;
	_ =	sdelay $0x1  }
0x596: {  	v8 =	vadd.s32 v4, v8;
	_ =	sdelay $0x4  }
0x597: {  	[tilespmem:s1], [sflag:$0x2] =	stream.indirect_vreg.gather [hbm4b:s2+s3], $0x80, v8, vm0, $0xb8;
	[tilespmem:$0x19100] =	vst v63  }
0x598: {  	s14 =	simm.s32 $0x9900;
	v7 =	vperm.xlane v7, v6  }
0x599: {  	[tilespmem:s14], [sflag:$0x2] =	stream.indirect_vreg.gather [hbm4b:s7+s3], $0x80, v8, vm0, $0xb8;
	[tilespmem:$0x19100] =	vst v63  }
0x59a: {  	s31 =	simm.s32 $0xA100;
	v7 =	vadd.s32 v4, v7  }
0x59b: {  	[tilespmem:s31], [sflag:$0x2] =	stream.indirect_vreg.gather [hbm4b:s8+s3], $0x80, v8, vm0, $0xb8;
	[tilespmem:$0x19100] =	vst v63  }
0x59c: {  	s16 =	simm.s32 $0xA900  }
0x59d: {  	[tilespmem:s16], [sflag:$0x2] =	stream.indirect_vreg.gather [hbm4b:s9+s3], $0x80, v8, vm0, $0xb8;
	[tilespmem:$0x19100] =	vst v63  }
0x59e: {  	s12 =	simm.s32 $0xB100  }
0x59f: {  	[tilespmem:s12], [sflag:$0x2] =	stream.indirect_vreg.gather [hbm4b:s2+s3], $0x80, v7, vm0, $0xb8;
	[tilespmem:$0x19100] =	vst v63  }
0x5a0: {  	s16 =	simm.s32 $0xB900  }
0x5a1: {  	[tilespmem:s16], [sflag:$0x2] =	stream.indirect_vreg.gather [hbm4b:s7+s3], $0x80, v7, vm0, $0xb8;
	[tilespmem:$0x19100] =	vst v63  }
0x5a2: {  	s29 =	simm.s32 $0xC100  }
0x5a3: {  	[tilespmem:s29], [sflag:$0x2] =	stream.indirect_vreg.gather [hbm4b:s8+s3], $0x80, v7, vm0, $0xb8;
	[tilespmem:$0x19100] =	vst v63  }
0x5a4: {  	s5 =	simm.s32 $0xC900  }
0x5a5: {  	[tilespmem:s5], [sflag:$0x2] =	stream.indirect_vreg.gather [hbm4b:s9+s3], $0x80, v7, vm0, $0xb8;
	[tilespmem:$0x19100] =	vst v63  }
0x5a6: {  	v7 =	vld [tilespmem:s4+$0x2D0];
	_ =	sdelay $0x4  }
0x5a7: {  	v8 =	vshll.u32 v7, $0x3  }
0x5a8: {  	v7 =	vand.u32 $0x7, v7;
	v8 =	vand.u32 $0xFFFFFFC0, v8  }
0x5a9: {  	v7 =	vor.u32 v7, v8  }
0x5aa: {  	v8 =	vperm.xlane v7, v5;
	_ =	sdelay $0x1  }
0x5ab: {  	v8 =	vadd.s32 v4, v8;
	_ =	sdelay $0x3  }
0x5ac: {  	s17 =	simm.s32 $0xD100  }
0x5ad: {  	[tilespmem:s17], [sflag:$0x2] =	stream.indirect_vreg.gather [hbm4b:s2+s3], $0x80, v8, vm0, $0xb8;
	[tilespmem:$0x19100] =	vst v63  }
0x5ae: {  	s30 =	simm.s32 $0xD900;
	v7 =	vperm.xlane v7, v6  }
0x5af: {  	[tilespmem:s30], [sflag:$0x2] =	stream.indirect_vreg.gather [hbm4b:s7+s3], $0x80, v8, vm0, $0xb8;
	[tilespmem:$0x19100] =	vst v63  }
0x5b0: {  	v7 =	vadd.s32 v4, v7;
	s17 =	simm.s32 $0xE100  }
0x5b1: {  	[tilespmem:s17], [sflag:$0x2] =	stream.indirect_vreg.gather [hbm4b:s8+s3], $0x80, v8, vm0, $0xb8;
	[tilespmem:$0x19100] =	vst v63  }
0x5b2: {  	s10 =	simm.s32 $0xE900  }
0x5b3: {  	[tilespmem:s10], [sflag:$0x2] =	stream.indirect_vreg.gather [hbm4b:s9+s3], $0x80, v8, vm0, $0xb8;
	[tilespmem:$0x19100] =	vst v63  }
0x5b4: {  	s19 =	simm.s32 $0xF100  }
0x5b5: {  	[tilespmem:s19], [sflag:$0x2] =	stream.indirect_vreg.gather [hbm4b:s2+s3], $0x80, v7, vm0, $0xb8;
	[tilespmem:$0x19100] =	vst v63  }
0x5b6: {  	s18 =	simm.s32 $0xF900  }
0x5b7: {  	[tilespmem:s18], [sflag:$0x2] =	stream.indirect_vreg.gather [hbm4b:s7+s3], $0x80, v7, vm0, $0xb8;
	[tilespmem:$0x19100] =	vst v63  }
0x5b8: {  	s13 =	simm.s32 $0x10100  }
0x5b9: {  	[tilespmem:s13], [sflag:$0x2] =	stream.indirect_vreg.gather [hbm4b:s8+s3], $0x80, v7, vm0, $0xb8;
	[tilespmem:$0x19100] =	vst v63  }
0x5ba: {  	s6 =	simm.s32 $0x10900  }
0x5bb: {  	[tilespmem:s6], [sflag:$0x2] =	stream.indirect_vreg.gather [hbm4b:s9+s3], $0x80, v7, vm0, $0xb8;
	[tilespmem:$0x19100] =	vst v63  }
0x5bc: {  	_ =	swait.ge [sflag:s25], $0x8000  }
0x5bd: {  	[sflag:s25] =	ssyncset.done $0x0  }
0x5be: {  	s19 =	rddreg [dreg:$0x19];
	[sflag:s25] =	ssyncadd.s32 $0xFFFF8000  }
0x5bf: {  	[hbm4b:s19+s3] =	stream.linear.scatter [tilespmem:s11], [sflag:$0x6], $0x8000, $0x38;
	[tilespmem:$0x19100] =	vst v63  }
0x5c0: {  	_ =	swait.ge [sflag:s26], $0x8000  }
0x5c1: {  	[sflag:s26] =	ssyncset.done $0x0  }
0x5c2: {  	[sflag:s26] =	ssyncadd.s32 $0xFFFF8000  }
0x5c3: {  	v7 =	vld [tilespmem:s4+$0x2E0];
	_ =	sdelay $0x4  }
0x5c4: {  	v8 =	vshll.u32 v7, $0x3  }
0x5c5: {  	v7 =	vand.u32 $0x7, v7;
	v8 =	vand.u32 $0xFFFFFFC0, v8  }
0x5c6: {  	v7 =	vor.u32 v7, v8  }
0x5c7: {  	v8 =	vperm.xlane v7, v5;
	_ =	sdelay $0x1  }
0x5c8: {  	v8 =	vadd.s32 v4, v8;
	_ =	sdelay $0x4  }
0x5c9: {  	[tilespmem:s11], [sflag:$0x3] =	stream.indirect_vreg.gather [hbm4b:s2+s3], $0x80, v8, vm0, $0xb8;
	[tilespmem:$0x19100] =	vst v63  }
0x5ca: {  	s19 =	simm.s32 $0x11900;
	v7 =	vperm.xlane v7, v6  }
0x5cb: {  	[tilespmem:s19], [sflag:$0x3] =	stream.indirect_vreg.gather [hbm4b:s7+s3], $0x80, v8, vm0, $0xb8;
	[tilespmem:$0x19100] =	vst v63  }
0x5cc: {  	v7 =	vadd.s32 v4, v7;
	s19 =	simm.s32 $0x12100  }
0x5cd: {  	[tilespmem:s19], [sflag:$0x3] =	stream.indirect_vreg.gather [hbm4b:s8+s3], $0x80, v8, vm0, $0xb8;
	[tilespmem:$0x19100] =	vst v63  }
0x5ce: {  	s19 =	simm.s32 $0x12900  }
0x5cf: {  	[tilespmem:s19], [sflag:$0x3] =	stream.indirect_vreg.gather [hbm4b:s9+s3], $0x80, v8, vm0, $0xb8;
	[tilespmem:$0x19100] =	vst v63  }
0x5d0: {  	s19 =	simm.s32 $0x13100  }
0x5d1: {  	[tilespmem:s19], [sflag:$0x3] =	stream.indirect_vreg.gather [hbm4b:s2+s3], $0x80, v7, vm0, $0xb8;
	[tilespmem:$0x19100] =	vst v63  }
0x5d2: {  	s19 =	simm.s32 $0x13900  }
0x5d3: {  	[tilespmem:s19], [sflag:$0x3] =	stream.indirect_vreg.gather [hbm4b:s7+s3], $0x80, v7, vm0, $0xb8;
	[tilespmem:$0x19100] =	vst v63  }
0x5d4: {  	s19 =	simm.s32 $0x14100  }
0x5d5: {  	[tilespmem:s19], [sflag:$0x3] =	stream.indirect_vreg.gather [hbm4b:s8+s3], $0x80, v7, vm0, $0xb8;
	[tilespmem:$0x19100] =	vst v63  }
0x5d6: {  	s19 =	simm.s32 $0x14900  }
0x5d7: {  	[tilespmem:s19], [sflag:$0x3] =	stream.indirect_vreg.gather [hbm4b:s9+s3], $0x80, v7, vm0, $0xb8;
	[tilespmem:$0x19100] =	vst v63  }
0x5d8: {  	v7 =	vld [tilespmem:s4+$0x2F0];
	_ =	sdelay $0x4  }
0x5d9: {  	v8 =	vshll.u32 v7, $0x3  }
0x5da: {  	v7 =	vand.u32 $0x7, v7;
	v8 =	vand.u32 $0xFFFFFFC0, v8  }
0x5db: {  	v7 =	vor.u32 v7, v8  }
0x5dc: {  	v8 =	vperm.xlane v7, v5;
	_ =	sdelay $0x1  }
0x5dd: {  	v8 =	vadd.s32 v4, v8;
	_ =	sdelay $0x3  }
0x5de: {  	s19 =	simm.s32 $0x15100  }
0x5df: {  	[tilespmem:s19], [sflag:$0x3] =	stream.indirect_vreg.gather [hbm4b:s2+s3], $0x80, v8, vm0, $0xb8;
	[tilespmem:$0x19100] =	vst v63  }
0x5e0: {  	v7 =	vperm.xlane v7, v6;
	s19 =	simm.s32 $0x15900  }
0x5e1: {  	[tilespmem:s19], [sflag:$0x3] =	stream.indirect_vreg.gather [hbm4b:s7+s3], $0x80, v8, vm0, $0xb8;
	[tilespmem:$0x19100] =	vst v63  }
0x5e2: {  	v7 =	vadd.s32 v4, v7;
	s19 =	simm.s32 $0x16100  }
0x5e3: {  	[tilespmem:s19], [sflag:$0x3] =	stream.indirect_vreg.gather [hbm4b:s8+s3], $0x80, v8, vm0, $0xb8;
	[tilespmem:$0x19100] =	vst v63  }
0x5e4: {  	s19 =	simm.s32 $0x16900  }
0x5e5: {  	[tilespmem:s19], [sflag:$0x3] =	stream.indirect_vreg.gather [hbm4b:s9+s3], $0x80, v8, vm0, $0xb8;
	[tilespmem:$0x19100] =	vst v63  }
0x5e6: {  	s19 =	simm.s32 $0x17100  }
0x5e7: {  	[tilespmem:s19], [sflag:$0x3] =	stream.indirect_vreg.gather [hbm4b:s2+s3], $0x80, v7, vm0, $0xb8;
	[tilespmem:$0x19100] =	vst v63  }
0x5e8: {  	s19 =	simm.s32 $0x17900  }
0x5e9: {  	[tilespmem:s19], [sflag:$0x3] =	stream.indirect_vreg.gather [hbm4b:s7+s3], $0x80, v7, vm0, $0xb8;
	[tilespmem:$0x19100] =	vst v63  }
0x5ea: {  	s19 =	simm.s32 $0x18100  }
0x5eb: {  	[tilespmem:s19], [sflag:$0x3] =	stream.indirect_vreg.gather [hbm4b:s8+s3], $0x80, v7, vm0, $0xb8;
	[tilespmem:$0x19100] =	vst v63  }
0x5ec: {  	s19 =	simm.s32 $0x18900  }
0x5ed: {  	[tilespmem:s19], [sflag:$0x3] =	stream.indirect_vreg.gather [hbm4b:s9+s3], $0x80, v7, vm0, $0xb8;
	[tilespmem:$0x19100] =	vst v63  }
0x5ee: {  	_ =	swait.ge [sflag:s21], $0x8000  }
0x5ef: {  	[sflag:s21] =	ssyncset.done $0x0  }
0x5f0: {  	s19 =	rddreg [dreg:$0x1a];
	[sflag:s21] =	ssyncadd.s32 $0xFFFF8000  }
0x5f1: {  	[hbm4b:s19+s3] =	stream.linear.scatter [tilespmem:s28], [sflag:$0x4], $0x8000, $0x38;
	[tilespmem:$0x19100] =	vst v63  }
0x5f2: {  	_ =	swait.ge [sflag:s22], $0x8000  }
0x5f3: {  	[sflag:s22] =	ssyncset.done $0x0  }
0x5f4: {  	[sflag:s22] =	ssyncadd.s32 $0xFFFF8000  }
0x5f5: {  	v7 =	vld [tilespmem:s4+$0x300];
	_ =	sdelay $0x4  }
0x5f6: {  	v8 =	vshll.u32 v7, $0x3  }
0x5f7: {  	v7 =	vand.u32 $0x7, v7;
	v8 =	vand.u32 $0xFFFFFFC0, v8  }
0x5f8: {  	v7 =	vor.u32 v7, v8  }
0x5f9: {  	v8 =	vperm.xlane v7, v5;
	_ =	sdelay $0x1  }
0x5fa: {  	v8 =	vadd.s32 v4, v8;
	_ =	sdelay $0x4  }
0x5fb: {  	[tilespmem:s28], [sflag:$0x1] =	stream.indirect_vreg.gather [hbm4b:s2+s3], $0x80, v8, vm0, $0xb8;
	[tilespmem:$0x19100] =	vst v63  }
0x5fc: {  	s19 =	simm.s32 $0x1900;
	v7 =	vperm.xlane v7, v6  }
0x5fd: {  	[tilespmem:s19], [sflag:$0x1] =	stream.indirect_vreg.gather [hbm4b:s7+s3], $0x80, v8, vm0, $0xb8;
	[tilespmem:$0x19100] =	vst v63  }
0x5fe: {  	s20 =	simm.s32 $0x2100;
	v7 =	vadd.s32 v4, v7  }
0x5ff: {  	[tilespmem:s20], [sflag:$0x1] =	stream.indirect_vreg.gather [hbm4b:s8+s3], $0x80, v8, vm0, $0xb8;
	[tilespmem:$0x19100] =	vst v63  }
0x600: {  	s19 =	simm.s32 $0x2900  }
0x601: {  	[tilespmem:s19], [sflag:$0x1] =	stream.indirect_vreg.gather [hbm4b:s9+s3], $0x80, v8, vm0, $0xb8;
	[tilespmem:$0x19100] =	vst v63  }
0x602: {  	s19 =	simm.s32 $0x3100  }
0x603: {  	[tilespmem:s19], [sflag:$0x1] =	stream.indirect_vreg.gather [hbm4b:s2+s3], $0x80, v7, vm0, $0xb8;
	[tilespmem:$0x19100] =	vst v63  }
0x604: {  	s19 =	simm.s32 $0x3900  }
0x605: {  	[tilespmem:s19], [sflag:$0x1] =	stream.indirect_vreg.gather [hbm4b:s7+s3], $0x80, v7, vm0, $0xb8;
	[tilespmem:$0x19100] =	vst v63  }
0x606: {  	s19 =	simm.s32 $0x4100  }
0x607: {  	[tilespmem:s19], [sflag:$0x1] =	stream.indirect_vreg.gather [hbm4b:s8+s3], $0x80, v7, vm0, $0xb8;
	[tilespmem:$0x19100] =	vst v63  }
0x608: {  	s19 =	simm.s32 $0x4900  }
0x609: {  	[tilespmem:s19], [sflag:$0x1] =	stream.indirect_vreg.gather [hbm4b:s9+s3], $0x80, v7, vm0, $0xb8;
	[tilespmem:$0x19100] =	vst v63  }
0x60a: {  	v7 =	vld [tilespmem:s4+$0x310];
	_ =	sdelay $0x4  }
0x60b: {  	v8 =	vshll.u32 v7, $0x3  }
0x60c: {  	v7 =	vand.u32 $0x7, v7;
	v8 =	vand.u32 $0xFFFFFFC0, v8  }
0x60d: {  	v7 =	vor.u32 v7, v8  }
0x60e: {  	v8 =	vperm.xlane v7, v5;
	_ =	sdelay $0x1  }
0x60f: {  	v8 =	vadd.s32 v4, v8;
	_ =	sdelay $0x3  }
0x610: {  	s19 =	simm.s32 $0x5100  }
0x611: {  	[tilespmem:s19], [sflag:$0x1] =	stream.indirect_vreg.gather [hbm4b:s2+s3], $0x80, v8, vm0, $0xb8;
	[tilespmem:$0x19100] =	vst v63  }
0x612: {  	v7 =	vperm.xlane v7, v6;
	s19 =	simm.s32 $0x5900  }
0x613: {  	[tilespmem:s19], [sflag:$0x1] =	stream.indirect_vreg.gather [hbm4b:s7+s3], $0x80, v8, vm0, $0xb8;
	[tilespmem:$0x19100] =	vst v63  }
0x614: {  	v7 =	vadd.s32 v4, v7;
	s19 =	simm.s32 $0x6100  }
0x615: {  	[tilespmem:s19], [sflag:$0x1] =	stream.indirect_vreg.gather [hbm4b:s8+s3], $0x80, v8, vm0, $0xb8;
	[tilespmem:$0x19100] =	vst v63  }
0x616: {  	s19 =	simm.s32 $0x6900  }
0x617: {  	[tilespmem:s19], [sflag:$0x1] =	stream.indirect_vreg.gather [hbm4b:s9+s3], $0x80, v8, vm0, $0xb8;
	[tilespmem:$0x19100] =	vst v63  }
0x618: {  	s19 =	simm.s32 $0x7100  }
0x619: {  	[tilespmem:s19], [sflag:$0x1] =	stream.indirect_vreg.gather [hbm4b:s2+s3], $0x80, v7, vm0, $0xb8;
	[tilespmem:$0x19100] =	vst v63  }
0x61a: {  	s19 =	simm.s32 $0x7900  }
0x61b: {  	[tilespmem:s19], [sflag:$0x1] =	stream.indirect_vreg.gather [hbm4b:s7+s3], $0x80, v7, vm0, $0xb8;
	[tilespmem:$0x19100] =	vst v63  }
0x61c: {  	s19 =	simm.s32 $0x8100  }
0x61d: {  	[tilespmem:s19], [sflag:$0x1] =	stream.indirect_vreg.gather [hbm4b:s8+s3], $0x80, v7, vm0, $0xb8;
	[tilespmem:$0x19100] =	vst v63  }
0x61e: {  	s19 =	simm.s32 $0x8900  }
0x61f: {  	[tilespmem:s19], [sflag:$0x1] =	stream.indirect_vreg.gather [hbm4b:s9+s3], $0x80, v7, vm0, $0xb8;
	[tilespmem:$0x19100] =	vst v63  }
0x620: {  	_ =	swait.ge [sflag:s23], $0x8000  }
0x621: {  	[sflag:s23] =	ssyncset.done $0x0  }
0x622: {  	s19 =	rddreg [dreg:$0x1b];
	[sflag:s23] =	ssyncadd.s32 $0xFFFF8000  }
0x623: {  	[hbm4b:s19+s3] =	stream.linear.scatter [tilespmem:s1], [sflag:$0x5], $0x8000, $0x38;
	[tilespmem:$0x19100] =	vst v63  }
0x624: {  	_ =	swait.ge [sflag:s24], $0x8000  }
0x625: {  	[sflag:s24] =	ssyncset.done $0x0  }
0x626: {  	[sflag:s24] =	ssyncadd.s32 $0xFFFF8000  }
0x627: {  	v7 =	vld [tilespmem:s4+$0x320];
	_ =	sdelay $0x4  }
0x628: {  	v8 =	vshll.u32 v7, $0x3  }
0x629: {  	v7 =	vand.u32 $0x7, v7;
	v8 =	vand.u32 $0xFFFFFFC0, v8  }
0x62a: {  	v7 =	vor.u32 v7, v8  }
0x62b: {  	v8 =	vperm.xlane v7, v5;
	_ =	sdelay $0x1  }
0x62c: {  	v8 =	vadd.s32 v4, v8;
	_ =	sdelay $0x4  }
0x62d: {  	[tilespmem:s1], [sflag:$0x2] =	stream.indirect_vreg.gather [hbm4b:s2+s3], $0x80, v8, vm0, $0xb8;
	[tilespmem:$0x19100] =	vst v63  }
0x62e: {  	s14 =	simm.s32 $0x9900;
	v7 =	vperm.xlane v7, v6  }
0x62f: {  	[tilespmem:s14], [sflag:$0x2] =	stream.indirect_vreg.gather [hbm4b:s7+s3], $0x80, v8, vm0, $0xb8;
	[tilespmem:$0x19100] =	vst v63  }
0x630: {  	s31 =	simm.s32 $0xA100;
	v7 =	vadd.s32 v4, v7  }
0x631: {  	[tilespmem:s31], [sflag:$0x2] =	stream.indirect_vreg.gather [hbm4b:s8+s3], $0x80, v8, vm0, $0xb8;
	[tilespmem:$0x19100] =	vst v63  }
0x632: {  	s15 =	simm.s32 $0xA900  }
0x633: {  	[tilespmem:s15], [sflag:$0x2] =	stream.indirect_vreg.gather [hbm4b:s9+s3], $0x80, v8, vm0, $0xb8;
	[tilespmem:$0x19100] =	vst v63  }
0x634: {  	s12 =	simm.s32 $0xB100  }
0x635: {  	[tilespmem:s12], [sflag:$0x2] =	stream.indirect_vreg.gather [hbm4b:s2+s3], $0x80, v7, vm0, $0xb8;
	[tilespmem:$0x19100] =	vst v63  }
0x636: {  	s15 =	simm.s32 $0xB900  }
0x637: {  	[tilespmem:s15], [sflag:$0x2] =	stream.indirect_vreg.gather [hbm4b:s7+s3], $0x80, v7, vm0, $0xb8;
	[tilespmem:$0x19100] =	vst v63  }
0x638: {  	s16 =	simm.s32 $0xC100  }
0x639: {  	[tilespmem:s16], [sflag:$0x2] =	stream.indirect_vreg.gather [hbm4b:s8+s3], $0x80, v7, vm0, $0xb8;
	[tilespmem:$0x19100] =	vst v63  }
0x63a: {  	s5 =	simm.s32 $0xC900  }
0x63b: {  	[tilespmem:s5], [sflag:$0x2] =	stream.indirect_vreg.gather [hbm4b:s9+s3], $0x80, v7, vm0, $0xb8;
	[tilespmem:$0x19100] =	vst v63  }
0x63c: {  	v7 =	vld [tilespmem:s4+$0x330];
	_ =	sdelay $0x4  }
0x63d: {  	v8 =	vshll.u32 v7, $0x3  }
0x63e: {  	v7 =	vand.u32 $0x7, v7;
	v8 =	vand.u32 $0xFFFFFFC0, v8  }
0x63f: {  	v7 =	vor.u32 v7, v8  }
0x640: {  	v8 =	vperm.xlane v7, v5;
	_ =	sdelay $0x1  }
0x641: {  	v8 =	vadd.s32 v4, v8;
	_ =	sdelay $0x3  }
0x642: {  	s29 =	simm.s32 $0xD100  }
0x643: {  	[tilespmem:s29], [sflag:$0x2] =	stream.indirect_vreg.gather [hbm4b:s2+s3], $0x80, v8, vm0, $0xb8;
	[tilespmem:$0x19100] =	vst v63  }
0x644: {  	s30 =	simm.s32 $0xD900;
	v7 =	vperm.xlane v7, v6  }
0x645: {  	[tilespmem:s30], [sflag:$0x2] =	stream.indirect_vreg.gather [hbm4b:s7+s3], $0x80, v8, vm0, $0xb8;
	[tilespmem:$0x19100] =	vst v63  }
0x646: {  	s5 =	simm.s32 $0xE100;
	v7 =	vadd.s32 v4, v7  }
0x647: {  	[tilespmem:s5], [sflag:$0x2] =	stream.indirect_vreg.gather [hbm4b:s8+s3], $0x80, v8, vm0, $0xb8;
	[tilespmem:$0x19100] =	vst v63  }
0x648: {  	s10 =	simm.s32 $0xE900  }
0x649: {  	[tilespmem:s10], [sflag:$0x2] =	stream.indirect_vreg.gather [hbm4b:s9+s3], $0x80, v8, vm0, $0xb8;
	[tilespmem:$0x19100] =	vst v63  }
0x64a: {  	s17 =	simm.s32 $0xF100  }
0x64b: {  	[tilespmem:s17], [sflag:$0x2] =	stream.indirect_vreg.gather [hbm4b:s2+s3], $0x80, v7, vm0, $0xb8;
	[tilespmem:$0x19100] =	vst v63  }
0x64c: {  	s18 =	simm.s32 $0xF900  }
0x64d: {  	[tilespmem:s18], [sflag:$0x2] =	stream.indirect_vreg.gather [hbm4b:s7+s3], $0x80, v7, vm0, $0xb8;
	[tilespmem:$0x19100] =	vst v63  }
0x64e: {  	s13 =	simm.s32 $0x10100  }
0x64f: {  	[tilespmem:s13], [sflag:$0x2] =	stream.indirect_vreg.gather [hbm4b:s8+s3], $0x80, v7, vm0, $0xb8;
	[tilespmem:$0x19100] =	vst v63  }
0x650: {  	s6 =	simm.s32 $0x10900  }
0x651: {  	[tilespmem:s6], [sflag:$0x2] =	stream.indirect_vreg.gather [hbm4b:s9+s3], $0x80, v7, vm0, $0xb8;
	[tilespmem:$0x19100] =	vst v63  }
0x652: {  	_ =	swait.ge [sflag:s25], $0x8000  }
0x653: {  	[sflag:s25] =	ssyncset.done $0x0  }
0x654: {  	s6 =	rddreg [dreg:$0x1c];
	[sflag:s25] =	ssyncadd.s32 $0xFFFF8000  }
0x655: {  	[hbm4b:s6+s3] =	stream.linear.scatter [tilespmem:s11], [sflag:$0x6], $0x8000, $0x38;
	[tilespmem:$0x19100] =	vst v63  }
0x656: {  	_ =	swait.ge [sflag:s26], $0x8000  }
0x657: {  	[sflag:s26] =	ssyncset.done $0x0  }
0x658: {  	[sflag:s26] =	ssyncadd.s32 $0xFFFF8000  }
0x659: {  	v7 =	vld [tilespmem:s4+$0x340];
	_ =	sdelay $0x4  }
0x65a: {  	v8 =	vshll.u32 v7, $0x3  }
0x65b: {  	v7 =	vand.u32 $0x7, v7;
	v8 =	vand.u32 $0xFFFFFFC0, v8  }
0x65c: {  	v7 =	vor.u32 v7, v8  }
0x65d: {  	v8 =	vperm.xlane v7, v5;
	_ =	sdelay $0x1  }
0x65e: {  	v8 =	vadd.s32 v4, v8;
	_ =	sdelay $0x4  }
0x65f: {  	[tilespmem:s11], [sflag:$0x3] =	stream.indirect_vreg.gather [hbm4b:s2+s3], $0x80, v8, vm0, $0xb8;
	[tilespmem:$0x19100] =	vst v63  }
0x660: {  	s13 =	simm.s32 $0x11900;
	v7 =	vperm.xlane v7, v6  }
0x661: {  	[tilespmem:s13], [sflag:$0x3] =	stream.indirect_vreg.gather [hbm4b:s7+s3], $0x80, v8, vm0, $0xb8;
	[tilespmem:$0x19100] =	vst v63  }
0x662: {  	s16 =	simm.s32 $0x12100;
	v7 =	vadd.s32 v4, v7  }
0x663: {  	[tilespmem:s16], [sflag:$0x3] =	stream.indirect_vreg.gather [hbm4b:s8+s3], $0x80, v8, vm0, $0xb8;
	[tilespmem:$0x19100] =	vst v63  }
0x664: {  	s30 =	simm.s32 $0x12900  }
0x665: {  	[tilespmem:s30], [sflag:$0x3] =	stream.indirect_vreg.gather [hbm4b:s9+s3], $0x80, v8, vm0, $0xb8;
	[tilespmem:$0x19100] =	vst v63  }
0x666: {  	s5 =	simm.s32 $0x13100  }
0x667: {  	[tilespmem:s5], [sflag:$0x3] =	stream.indirect_vreg.gather [hbm4b:s2+s3], $0x80, v7, vm0, $0xb8;
	[tilespmem:$0x19100] =	vst v63  }
0x668: {  	s6 =	simm.s32 $0x13900  }
0x669: {  	[tilespmem:s6], [sflag:$0x3] =	stream.indirect_vreg.gather [hbm4b:s7+s3], $0x80, v7, vm0, $0xb8;
	[tilespmem:$0x19100] =	vst v63  }
0x66a: {  	s13 =	simm.s32 $0x14100  }
0x66b: {  	[tilespmem:s13], [sflag:$0x3] =	stream.indirect_vreg.gather [hbm4b:s8+s3], $0x80, v7, vm0, $0xb8;
	[tilespmem:$0x19100] =	vst v63  }
0x66c: {  	s16 =	simm.s32 $0x14900  }
0x66d: {  	[tilespmem:s16], [sflag:$0x3] =	stream.indirect_vreg.gather [hbm4b:s9+s3], $0x80, v7, vm0, $0xb8;
	[tilespmem:$0x19100] =	vst v63  }
0x66e: {  	v7 =	vld [tilespmem:s4+$0x350];
	_ =	sdelay $0x4  }
0x66f: {  	v8 =	vshll.u32 v7, $0x3  }
0x670: {  	v7 =	vand.u32 $0x7, v7;
	v8 =	vand.u32 $0xFFFFFFC0, v8  }
0x671: {  	v7 =	vor.u32 v7, v8  }
0x672: {  	v8 =	vperm.xlane v7, v5;
	_ =	sdelay $0x1  }
0x673: {  	v8 =	vadd.s32 v4, v8;
	_ =	sdelay $0x3  }
0x674: {  	s30 =	simm.s32 $0x15100  }
0x675: {  	[tilespmem:s30], [sflag:$0x3] =	stream.indirect_vreg.gather [hbm4b:s2+s3], $0x80, v8, vm0, $0xb8;
	[tilespmem:$0x19100] =	vst v63  }
0x676: {  	s5 =	simm.s32 $0x15900;
	v7 =	vperm.xlane v7, v6  }
0x677: {  	[tilespmem:s5], [sflag:$0x3] =	stream.indirect_vreg.gather [hbm4b:s7+s3], $0x80, v8, vm0, $0xb8;
	[tilespmem:$0x19100] =	vst v63  }
0x678: {  	s6 =	simm.s32 $0x16100;
	v7 =	vadd.s32 v4, v7  }
0x679: {  	[tilespmem:s6], [sflag:$0x3] =	stream.indirect_vreg.gather [hbm4b:s8+s3], $0x80, v8, vm0, $0xb8;
	[tilespmem:$0x19100] =	vst v63  }
0x67a: {  	s13 =	simm.s32 $0x16900  }
0x67b: {  	[tilespmem:s13], [sflag:$0x3] =	stream.indirect_vreg.gather [hbm4b:s9+s3], $0x80, v8, vm0, $0xb8;
	[tilespmem:$0x19100] =	vst v63  }
0x67c: {  	s16 =	simm.s32 $0x17100  }
0x67d: {  	[tilespmem:s16], [sflag:$0x3] =	stream.indirect_vreg.gather [hbm4b:s2+s3], $0x80, v7, vm0, $0xb8;
	[tilespmem:$0x19100] =	vst v63  }
0x67e: {  	s30 =	simm.s32 $0x17900  }
0x67f: {  	[tilespmem:s30], [sflag:$0x3] =	stream.indirect_vreg.gather [hbm4b:s7+s3], $0x80, v7, vm0, $0xb8;
	[tilespmem:$0x19100] =	vst v63  }
0x680: {  	s5 =	simm.s32 $0x18100  }
0x681: {  	[tilespmem:s5], [sflag:$0x3] =	stream.indirect_vreg.gather [hbm4b:s8+s3], $0x80, v7, vm0, $0xb8;
	[tilespmem:$0x19100] =	vst v63  }
0x682: {  	s6 =	simm.s32 $0x18900  }
0x683: {  	[tilespmem:s6], [sflag:$0x3] =	stream.indirect_vreg.gather [hbm4b:s9+s3], $0x80, v7, vm0, $0xb8;
	[tilespmem:$0x19100] =	vst v63  }
0x684: {  	_ =	swait.ge [sflag:s21], $0x8000  }
0x685: {  	[sflag:s21] =	ssyncset.done $0x0  }
0x686: {  	s13 =	rddreg [dreg:$0x1d];
	[sflag:s21] =	ssyncadd.s32 $0xFFFF8000  }
0x687: {  	[hbm4b:s13+s3] =	stream.linear.scatter [tilespmem:s28], [sflag:$0x4], $0x8000, $0x38;
	[tilespmem:$0x19100] =	vst v63  }
0x688: {  	_ =	swait.ge [sflag:s22], $0x8000  }
0x689: {  	[sflag:s22] =	ssyncset.done $0x0  }
0x68a: {  	[sflag:s22] =	ssyncadd.s32 $0xFFFF8000  }
0x68b: {  	v7 =	vld [tilespmem:s4+$0x360];
	_ =	sdelay $0x4  }
0x68c: {  	v8 =	vshll.u32 v7, $0x3  }
0x68d: {  	v7 =	vand.u32 $0x7, v7;
	v8 =	vand.u32 $0xFFFFFFC0, v8  }
0x68e: {  	v7 =	vor.u32 v7, v8  }
0x68f: {  	v8 =	vperm.xlane v7, v5;
	_ =	sdelay $0x1  }
0x690: {  	v8 =	vadd.s32 v4, v8;
	_ =	sdelay $0x4  }
0x691: {  	[tilespmem:s28], [sflag:$0x1] =	stream.indirect_vreg.gather [hbm4b:s2+s3], $0x80, v8, vm0, $0xb8;
	[tilespmem:$0x19100] =	vst v63  }
0x692: {  	s16 =	simm.s32 $0x1900;
	v7 =	vperm.xlane v7, v6  }
0x693: {  	[tilespmem:s16], [sflag:$0x1] =	stream.indirect_vreg.gather [hbm4b:s7+s3], $0x80, v8, vm0, $0xb8;
	[tilespmem:$0x19100] =	vst v63  }
0x694: {  	s20 =	simm.s32 $0x2100;
	v7 =	vadd.s32 v4, v7  }
0x695: {  	[tilespmem:s20], [sflag:$0x1] =	stream.indirect_vreg.gather [hbm4b:s8+s3], $0x80, v8, vm0, $0xb8;
	[tilespmem:$0x19100] =	vst v63  }
0x696: {  	s20 =	simm.s32 $0x2900  }
0x697: {  	[tilespmem:s20], [sflag:$0x1] =	stream.indirect_vreg.gather [hbm4b:s9+s3], $0x80, v8, vm0, $0xb8;
	[tilespmem:$0x19100] =	vst v63  }
0x698: {  	s30 =	simm.s32 $0x3100  }
0x699: {  	[tilespmem:s30], [sflag:$0x1] =	stream.indirect_vreg.gather [hbm4b:s2+s3], $0x80, v7, vm0, $0xb8;
	[tilespmem:$0x19100] =	vst v63  }
0x69a: {  	s6 =	simm.s32 $0x3900  }
0x69b: {  	[tilespmem:s6], [sflag:$0x1] =	stream.indirect_vreg.gather [hbm4b:s7+s3], $0x80, v7, vm0, $0xb8;
	[tilespmem:$0x19100] =	vst v63  }
0x69c: {  	s13 =	simm.s32 $0x4100  }
0x69d: {  	[tilespmem:s13], [sflag:$0x1] =	stream.indirect_vreg.gather [hbm4b:s8+s3], $0x80, v7, vm0, $0xb8;
	[tilespmem:$0x19100] =	vst v63  }
0x69e: {  	s16 =	simm.s32 $0x4900  }
0x69f: {  	[tilespmem:s16], [sflag:$0x1] =	stream.indirect_vreg.gather [hbm4b:s9+s3], $0x80, v7, vm0, $0xb8;
	[tilespmem:$0x19100] =	vst v63  }
0x6a0: {  	v7 =	vld [tilespmem:s4+$0x370];
	_ =	sdelay $0x4  }
0x6a1: {  	v8 =	vshll.u32 v7, $0x3  }
0x6a2: {  	v7 =	vand.u32 $0x7, v7;
	v8 =	vand.u32 $0xFFFFFFC0, v8  }
0x6a3: {  	v7 =	vor.u32 v7, v8  }
0x6a4: {  	v8 =	vperm.xlane v7, v5;
	_ =	sdelay $0x1  }
0x6a5: {  	v8 =	vadd.s32 v4, v8;
	_ =	sdelay $0x3  }
0x6a6: {  	s20 =	simm.s32 $0x5100  }
0x6a7: {  	[tilespmem:s20], [sflag:$0x1] =	stream.indirect_vreg.gather [hbm4b:s2+s3], $0x80, v8, vm0, $0xb8;
	[tilespmem:$0x19100] =	vst v63  }
0x6a8: {  	s30 =	simm.s32 $0x5900;
	v7 =	vperm.xlane v7, v6  }
0x6a9: {  	[tilespmem:s30], [sflag:$0x1] =	stream.indirect_vreg.gather [hbm4b:s7+s3], $0x80, v8, vm0, $0xb8;
	[tilespmem:$0x19100] =	vst v63  }
0x6aa: {  	s6 =	simm.s32 $0x6100;
	v7 =	vadd.s32 v4, v7  }
0x6ab: {  	[tilespmem:s6], [sflag:$0x1] =	stream.indirect_vreg.gather [hbm4b:s8+s3], $0x80, v8, vm0, $0xb8;
	[tilespmem:$0x19100] =	vst v63  }
0x6ac: {  	s13 =	simm.s32 $0x6900  }
0x6ad: {  	[tilespmem:s13], [sflag:$0x1] =	stream.indirect_vreg.gather [hbm4b:s9+s3], $0x80, v8, vm0, $0xb8;
	[tilespmem:$0x19100] =	vst v63  }
0x6ae: {  	s16 =	simm.s32 $0x7100  }
0x6af: {  	[tilespmem:s16], [sflag:$0x1] =	stream.indirect_vreg.gather [hbm4b:s2+s3], $0x80, v7, vm0, $0xb8;
	[tilespmem:$0x19100] =	vst v63  }
0x6b0: {  	s20 =	simm.s32 $0x7900  }
0x6b1: {  	[tilespmem:s20], [sflag:$0x1] =	stream.indirect_vreg.gather [hbm4b:s7+s3], $0x80, v7, vm0, $0xb8;
	[tilespmem:$0x19100] =	vst v63  }
0x6b2: {  	s30 =	simm.s32 $0x8100  }
0x6b3: {  	[tilespmem:s30], [sflag:$0x1] =	stream.indirect_vreg.gather [hbm4b:s8+s3], $0x80, v7, vm0, $0xb8;
	[tilespmem:$0x19100] =	vst v63  }
0x6b4: {  	s6 =	simm.s32 $0x8900  }
0x6b5: {  	[tilespmem:s6], [sflag:$0x1] =	stream.indirect_vreg.gather [hbm4b:s9+s3], $0x80, v7, vm0, $0xb8;
	[tilespmem:$0x19100] =	vst v63  }
0x6b6: {  	_ =	swait.ge [sflag:s23], $0x8000  }
0x6b7: {  	[sflag:s23] =	ssyncset.done $0x0  }
0x6b8: {  	s13 =	rddreg [dreg:$0x1e];
	[sflag:s23] =	ssyncadd.s32 $0xFFFF8000  }
0x6b9: {  	[hbm4b:s13+s3] =	stream.linear.scatter [tilespmem:s1], [sflag:$0x5], $0x8000, $0x38;
	[tilespmem:$0x19100] =	vst v63  }
0x6ba: {  	_ =	swait.ge [sflag:s24], $0x8000  }
0x6bb: {  	[sflag:s24] =	ssyncset.done $0x0  }
0x6bc: {  	[sflag:s24] =	ssyncadd.s32 $0xFFFF8000  }
0x6bd: {  	v7 =	vld [tilespmem:s4+$0x380];
	_ =	sdelay $0x4  }
0x6be: {  	v8 =	vshll.u32 v7, $0x3  }
0x6bf: {  	v7 =	vand.u32 $0x7, v7;
	v8 =	vand.u32 $0xFFFFFFC0, v8  }
0x6c0: {  	v7 =	vor.u32 v7, v8  }
0x6c1: {  	v8 =	vperm.xlane v7, v5;
	_ =	sdelay $0x1  }
0x6c2: {  	v8 =	vadd.s32 v4, v8;
	_ =	sdelay $0x4  }
0x6c3: {  	[tilespmem:s1], [sflag:$0x2] =	stream.indirect_vreg.gather [hbm4b:s2+s3], $0x80, v8, vm0, $0xb8;
	[tilespmem:$0x19100] =	vst v63  }
0x6c4: {  	s16 =	simm.s32 $0x9900;
	v7 =	vperm.xlane v7, v6  }
0x6c5: {  	[tilespmem:s16], [sflag:$0x2] =	stream.indirect_vreg.gather [hbm4b:s7+s3], $0x80, v8, vm0, $0xb8;
	[tilespmem:$0x19100] =	vst v63  }
0x6c6: {  	s19 =	simm.s32 $0xA100;
	v7 =	vadd.s32 v4, v7  }
0x6c7: {  	[tilespmem:s19], [sflag:$0x2] =	stream.indirect_vreg.gather [hbm4b:s8+s3], $0x80, v8, vm0, $0xb8;
	[tilespmem:$0x19100] =	vst v63  }
0x6c8: {  	s14 =	simm.s32 $0xA900  }
0x6c9: {  	[tilespmem:s14], [sflag:$0x2] =	stream.indirect_vreg.gather [hbm4b:s9+s3], $0x80, v8, vm0, $0xb8;
	[tilespmem:$0x19100] =	vst v63  }
0x6ca: {  	s31 =	simm.s32 $0xB100  }
0x6cb: {  	[tilespmem:s31], [sflag:$0x2] =	stream.indirect_vreg.gather [hbm4b:s2+s3], $0x80, v7, vm0, $0xb8;
	[tilespmem:$0x19100] =	vst v63  }
0x6cc: {  	s19 =	simm.s32 $0xB900  }
0x6cd: {  	[tilespmem:s19], [sflag:$0x2] =	stream.indirect_vreg.gather [hbm4b:s7+s3], $0x80, v7, vm0, $0xb8;
	[tilespmem:$0x19100] =	vst v63  }
0x6ce: {  	s15 =	simm.s32 $0xC100  }
0x6cf: {  	[tilespmem:s15], [sflag:$0x2] =	stream.indirect_vreg.gather [hbm4b:s8+s3], $0x80, v7, vm0, $0xb8;
	[tilespmem:$0x19100] =	vst v63  }
0x6d0: {  	s30 =	simm.s32 $0xC900  }
0x6d1: {  	[tilespmem:s30], [sflag:$0x2] =	stream.indirect_vreg.gather [hbm4b:s9+s3], $0x80, v7, vm0, $0xb8;
	[tilespmem:$0x19100] =	vst v63  }
0x6d2: {  	v7 =	vld [tilespmem:s4+$0x390];
	_ =	sdelay $0x4  }
0x6d3: {  	v8 =	vshll.u32 v7, $0x3  }
0x6d4: {  	v7 =	vand.u32 $0x7, v7;
	v8 =	vand.u32 $0xFFFFFFC0, v8  }
0x6d5: {  	v7 =	vor.u32 v7, v8  }
0x6d6: {  	v8 =	vperm.xlane v7, v5;
	_ =	sdelay $0x1  }
0x6d7: {  	v8 =	vadd.s32 v4, v8;
	_ =	sdelay $0x3  }
0x6d8: {  	s31 =	simm.s32 $0xD100  }
0x6d9: {  	[tilespmem:s31], [sflag:$0x2] =	stream.indirect_vreg.gather [hbm4b:s2+s3], $0x80, v8, vm0, $0xb8;
	[tilespmem:$0x19100] =	vst v63  }
0x6da: {  	s14 =	simm.s32 $0xD900;
	v7 =	vperm.xlane v7, v6  }
0x6db: {  	[tilespmem:s14], [sflag:$0x2] =	stream.indirect_vreg.gather [hbm4b:s7+s3], $0x80, v8, vm0, $0xb8;
	[tilespmem:$0x19100] =	vst v63  }
0x6dc: {  	v7 =	vadd.s32 v4, v7;
	s31 =	simm.s32 $0xE100  }
0x6dd: {  	[tilespmem:s31], [sflag:$0x2] =	stream.indirect_vreg.gather [hbm4b:s8+s3], $0x80, v8, vm0, $0xb8;
	[tilespmem:$0x19100] =	vst v63  }
0x6de: {  	s10 =	simm.s32 $0xE900  }
0x6df: {  	[tilespmem:s10], [sflag:$0x2] =	stream.indirect_vreg.gather [hbm4b:s9+s3], $0x80, v8, vm0, $0xb8;
	[tilespmem:$0x19100] =	vst v63  }
0x6e0: {  	s17 =	simm.s32 $0xF100  }
0x6e1: {  	[tilespmem:s17], [sflag:$0x2] =	stream.indirect_vreg.gather [hbm4b:s2+s3], $0x80, v7, vm0, $0xb8;
	[tilespmem:$0x19100] =	vst v63  }
0x6e2: {  	s18 =	simm.s32 $0xF900  }
0x6e3: {  	[tilespmem:s18], [sflag:$0x2] =	stream.indirect_vreg.gather [hbm4b:s7+s3], $0x80, v7, vm0, $0xb8;
	[tilespmem:$0x19100] =	vst v63  }
0x6e4: {  	s29 =	simm.s32 $0x10100  }
0x6e5: {  	[tilespmem:s29], [sflag:$0x2] =	stream.indirect_vreg.gather [hbm4b:s8+s3], $0x80, v7, vm0, $0xb8;
	[tilespmem:$0x19100] =	vst v63  }
0x6e6: {  	s12 =	simm.s32 $0x10900  }
0x6e7: {  	[tilespmem:s12], [sflag:$0x2] =	stream.indirect_vreg.gather [hbm4b:s9+s3], $0x80, v7, vm0, $0xb8;
	[tilespmem:$0x19100] =	vst v63  }
0x6e8: {  	_ =	swait.ge [sflag:s25], $0x8000  }
0x6e9: {  	[sflag:s25] =	ssyncset.done $0x0  }
0x6ea: {  	s12 =	rddreg [dreg:$0x1f];
	[sflag:s25] =	ssyncadd.s32 $0xFFFF8000  }
0x6eb: {  	[hbm4b:s12+s3] =	stream.linear.scatter [tilespmem:s11], [sflag:$0x6], $0x8000, $0x38;
	[tilespmem:$0x19100] =	vst v63  }
0x6ec: {  	_ =	swait.ge [sflag:s26], $0x8000  }
0x6ed: {  	[sflag:s26] =	ssyncset.done $0x0  }
0x6ee: {  	[sflag:s26] =	ssyncadd.s32 $0xFFFF8000  }
0x6ef: {  	v7 =	vld [tilespmem:s4+$0x3A0];
	_ =	sdelay $0x4  }
0x6f0: {  	v8 =	vshll.u32 v7, $0x3  }
0x6f1: {  	v7 =	vand.u32 $0x7, v7;
	v8 =	vand.u32 $0xFFFFFFC0, v8  }
0x6f2: {  	v7 =	vor.u32 v7, v8  }
0x6f3: {  	v8 =	vperm.xlane v7, v5;
	_ =	sdelay $0x1  }
0x6f4: {  	v8 =	vadd.s32 v4, v8;
	_ =	sdelay $0x4  }
0x6f5: {  	[tilespmem:s11], [sflag:$0x3] =	stream.indirect_vreg.gather [hbm4b:s2+s3], $0x80, v8, vm0, $0xb8;
	[tilespmem:$0x19100] =	vst v63  }
0x6f6: {  	s29 =	simm.s32 $0x11900;
	v7 =	vperm.xlane v7, v6  }
0x6f7: {  	[tilespmem:s29], [sflag:$0x3] =	stream.indirect_vreg.gather [hbm4b:s7+s3], $0x80, v8, vm0, $0xb8;
	[tilespmem:$0x19100] =	vst v63  }
0x6f8: {  	s12 =	simm.s32 $0x12100;
	v7 =	vadd.s32 v4, v7  }
0x6f9: {  	[tilespmem:s12], [sflag:$0x3] =	stream.indirect_vreg.gather [hbm4b:s8+s3], $0x80, v8, vm0, $0xb8;
	[tilespmem:$0x19100] =	vst v63  }
0x6fa: {  	s29 =	simm.s32 $0x12900  }
0x6fb: {  	[tilespmem:s29], [sflag:$0x3] =	stream.indirect_vreg.gather [hbm4b:s9+s3], $0x80, v8, vm0, $0xb8;
	[tilespmem:$0x19100] =	vst v63  }
0x6fc: {  	s12 =	simm.s32 $0x13100  }
0x6fd: {  	[tilespmem:s12], [sflag:$0x3] =	stream.indirect_vreg.gather [hbm4b:s2+s3], $0x80, v7, vm0, $0xb8;
	[tilespmem:$0x19100] =	vst v63  }
0x6fe: {  	s29 =	simm.s32 $0x13900  }
0x6ff: {  	[tilespmem:s29], [sflag:$0x3] =	stream.indirect_vreg.gather [hbm4b:s7+s3], $0x80, v7, vm0, $0xb8;
	[tilespmem:$0x19100] =	vst v63  }
0x700: {  	s12 =	simm.s32 $0x14100  }
0x701: {  	[tilespmem:s12], [sflag:$0x3] =	stream.indirect_vreg.gather [hbm4b:s8+s3], $0x80, v7, vm0, $0xb8;
	[tilespmem:$0x19100] =	vst v63  }
0x702: {  	s29 =	simm.s32 $0x14900  }
0x703: {  	[tilespmem:s29], [sflag:$0x3] =	stream.indirect_vreg.gather [hbm4b:s9+s3], $0x80, v7, vm0, $0xb8;
	[tilespmem:$0x19100] =	vst v63  }
0x704: {  	v7 =	vld [tilespmem:s4+$0x3B0];
	_ =	sdelay $0x4  }
0x705: {  	v8 =	vshll.u32 v7, $0x3  }
0x706: {  	v7 =	vand.u32 $0x7, v7;
	v8 =	vand.u32 $0xFFFFFFC0, v8  }
0x707: {  	v7 =	vor.u32 v7, v8  }
0x708: {  	v8 =	vperm.xlane v7, v5;
	_ =	sdelay $0x1  }
0x709: {  	v8 =	vadd.s32 v4, v8;
	_ =	sdelay $0x3  }
0x70a: {  	s12 =	simm.s32 $0x15100  }
0x70b: {  	[tilespmem:s12], [sflag:$0x3] =	stream.indirect_vreg.gather [hbm4b:s2+s3], $0x80, v8, vm0, $0xb8;
	[tilespmem:$0x19100] =	vst v63  }
0x70c: {  	s29 =	simm.s32 $0x15900;
	v7 =	vperm.xlane v7, v6  }
0x70d: {  	[tilespmem:s29], [sflag:$0x3] =	stream.indirect_vreg.gather [hbm4b:s7+s3], $0x80, v8, vm0, $0xb8;
	[tilespmem:$0x19100] =	vst v63  }
0x70e: {  	v7 =	vadd.s32 v4, v7;
	s12 =	simm.s32 $0x16100  }
0x70f: {  	[tilespmem:s12], [sflag:$0x3] =	stream.indirect_vreg.gather [hbm4b:s8+s3], $0x80, v8, vm0, $0xb8;
	[tilespmem:$0x19100] =	vst v63  }
0x710: {  	s29 =	simm.s32 $0x16900  }
0x711: {  	[tilespmem:s29], [sflag:$0x3] =	stream.indirect_vreg.gather [hbm4b:s9+s3], $0x80, v8, vm0, $0xb8;
	[tilespmem:$0x19100] =	vst v63  }
0x712: {  	s12 =	simm.s32 $0x17100  }
0x713: {  	[tilespmem:s12], [sflag:$0x3] =	stream.indirect_vreg.gather [hbm4b:s2+s3], $0x80, v7, vm0, $0xb8;
	[tilespmem:$0x19100] =	vst v63  }
0x714: {  	s29 =	simm.s32 $0x17900  }
0x715: {  	[tilespmem:s29], [sflag:$0x3] =	stream.indirect_vreg.gather [hbm4b:s7+s3], $0x80, v7, vm0, $0xb8;
	[tilespmem:$0x19100] =	vst v63  }
0x716: {  	s12 =	simm.s32 $0x18100  }
0x717: {  	[tilespmem:s12], [sflag:$0x3] =	stream.indirect_vreg.gather [hbm4b:s8+s3], $0x80, v7, vm0, $0xb8;
	[tilespmem:$0x19100] =	vst v63  }
0x718: {  	s29 =	simm.s32 $0x18900  }
0x719: {  	[tilespmem:s29], [sflag:$0x3] =	stream.indirect_vreg.gather [hbm4b:s9+s3], $0x80, v7, vm0, $0xb8;
	[tilespmem:$0x19100] =	vst v63  }
0x71a: {  	_ =	swait.ge [sflag:s21], $0x8000  }
0x71b: {  	s12 =	sld [smem:$0x7AA]  }
0x71c: {  	[sflag:s21] =	ssyncset.done $0x0  }
0x71d: {  	[sflag:s21] =	ssyncadd.s32 $0xFFFF8000  }
0x71e: {  	[hbm4b:s12+s3] =	stream.linear.scatter [tilespmem:s28], [sflag:$0x4], $0x8000, $0x38;
	[tilespmem:$0x19100] =	vst v63  }
0x71f: {  	_ =	swait.ge [sflag:s22], $0x8000  }
0x720: {  	[sflag:s22] =	ssyncset.done $0x0  }
0x721: {  	[sflag:s22] =	ssyncadd.s32 $0xFFFF8000  }
0x722: {  	v7 =	vld [tilespmem:s4+$0x3C0];
	_ =	sdelay $0x4  }
0x723: {  	v8 =	vshll.u32 v7, $0x3  }
0x724: {  	v7 =	vand.u32 $0x7, v7;
	v8 =	vand.u32 $0xFFFFFFC0, v8  }
0x725: {  	v7 =	vor.u32 v7, v8  }
0x726: {  	v8 =	vperm.xlane v7, v5;
	_ =	sdelay $0x1  }
0x727: {  	v8 =	vadd.s32 v4, v8;
	_ =	sdelay $0x4  }
0x728: {  	[tilespmem:s28], [sflag:$0x1] =	stream.indirect_vreg.gather [hbm4b:s2+s3], $0x80, v8, vm0, $0xb8;
	[tilespmem:$0x19100] =	vst v63  }
0x729: {  	s29 =	simm.s32 $0x1900;
	v7 =	vperm.xlane v7, v6  }
0x72a: {  	[tilespmem:s29], [sflag:$0x1] =	stream.indirect_vreg.gather [hbm4b:s7+s3], $0x80, v8, vm0, $0xb8;
	[tilespmem:$0x19100] =	vst v63  }
0x72b: {  	s5 =	simm.s32 $0x2100;
	v7 =	vadd.s32 v4, v7  }
0x72c: {  	[tilespmem:s5], [sflag:$0x1] =	stream.indirect_vreg.gather [hbm4b:s8+s3], $0x80, v8, vm0, $0xb8;
	[tilespmem:$0x19100] =	vst v63  }
0x72d: {  	s5 =	simm.s32 $0x2900  }
0x72e: {  	[tilespmem:s5], [sflag:$0x1] =	stream.indirect_vreg.gather [hbm4b:s9+s3], $0x80, v8, vm0, $0xb8;
	[tilespmem:$0x19100] =	vst v63  }
0x72f: {  	s12 =	simm.s32 $0x3100  }
0x730: {  	[tilespmem:s12], [sflag:$0x1] =	stream.indirect_vreg.gather [hbm4b:s2+s3], $0x80, v7, vm0, $0xb8;
	[tilespmem:$0x19100] =	vst v63  }
0x731: {  	s29 =	simm.s32 $0x3900  }
0x732: {  	[tilespmem:s29], [sflag:$0x1] =	stream.indirect_vreg.gather [hbm4b:s7+s3], $0x80, v7, vm0, $0xb8;
	[tilespmem:$0x19100] =	vst v63  }
0x733: {  	s5 =	simm.s32 $0x4100  }
0x734: {  	[tilespmem:s5], [sflag:$0x1] =	stream.indirect_vreg.gather [hbm4b:s8+s3], $0x80, v7, vm0, $0xb8;
	[tilespmem:$0x19100] =	vst v63  }
0x735: {  	s12 =	simm.s32 $0x4900  }
0x736: {  	[tilespmem:s12], [sflag:$0x1] =	stream.indirect_vreg.gather [hbm4b:s9+s3], $0x80, v7, vm0, $0xb8;
	[tilespmem:$0x19100] =	vst v63  }
0x737: {  	v7 =	vld [tilespmem:s4+$0x3D0];
	_ =	sdelay $0x4  }
0x738: {  	v8 =	vshll.u32 v7, $0x3  }
0x739: {  	v7 =	vand.u32 $0x7, v7;
	v8 =	vand.u32 $0xFFFFFFC0, v8  }
0x73a: {  	v7 =	vor.u32 v7, v8  }
0x73b: {  	v8 =	vperm.xlane v7, v5;
	_ =	sdelay $0x1  }
0x73c: {  	v8 =	vadd.s32 v4, v8;
	_ =	sdelay $0x3  }
0x73d: {  	s29 =	simm.s32 $0x5100  }
0x73e: {  	[tilespmem:s29], [sflag:$0x1] =	stream.indirect_vreg.gather [hbm4b:s2+s3], $0x80, v8, vm0, $0xb8;
	[tilespmem:$0x19100] =	vst v63  }
0x73f: {  	s5 =	simm.s32 $0x5900;
	v7 =	vperm.xlane v7, v6  }
0x740: {  	[tilespmem:s5], [sflag:$0x1] =	stream.indirect_vreg.gather [hbm4b:s7+s3], $0x80, v8, vm0, $0xb8;
	[tilespmem:$0x19100] =	vst v63  }
0x741: {  	s12 =	simm.s32 $0x6100;
	v7 =	vadd.s32 v4, v7  }
0x742: {  	[tilespmem:s12], [sflag:$0x1] =	stream.indirect_vreg.gather [hbm4b:s8+s3], $0x80, v8, vm0, $0xb8;
	[tilespmem:$0x19100] =	vst v63  }
0x743: {  	s29 =	simm.s32 $0x6900  }
0x744: {  	[tilespmem:s29], [sflag:$0x1] =	stream.indirect_vreg.gather [hbm4b:s9+s3], $0x80, v8, vm0, $0xb8;
	[tilespmem:$0x19100] =	vst v63  }
0x745: {  	s5 =	simm.s32 $0x7100  }
0x746: {  	[tilespmem:s5], [sflag:$0x1] =	stream.indirect_vreg.gather [hbm4b:s2+s3], $0x80, v7, vm0, $0xb8;
	[tilespmem:$0x19100] =	vst v63  }
0x747: {  	s12 =	simm.s32 $0x7900  }
0x748: {  	[tilespmem:s12], [sflag:$0x1] =	stream.indirect_vreg.gather [hbm4b:s7+s3], $0x80, v7, vm0, $0xb8;
	[tilespmem:$0x19100] =	vst v63  }
0x749: {  	s29 =	simm.s32 $0x8100  }
0x74a: {  	[tilespmem:s29], [sflag:$0x1] =	stream.indirect_vreg.gather [hbm4b:s8+s3], $0x80, v7, vm0, $0xb8;
	[tilespmem:$0x19100] =	vst v63  }
0x74b: {  	s5 =	simm.s32 $0x8900  }
0x74c: {  	[tilespmem:s5], [sflag:$0x1] =	stream.indirect_vreg.gather [hbm4b:s9+s3], $0x80, v7, vm0, $0xb8;
	[tilespmem:$0x19100] =	vst v63  }
0x74d: {  	_ =	swait.ge [sflag:s23], $0x8000  }
0x74e: {  	s12 =	sld [smem:$0x7AB]  }
0x74f: {  	[sflag:s23] =	ssyncset.done $0x0  }
0x750: {  	[sflag:s23] =	ssyncadd.s32 $0xFFFF8000  }
0x751: {  	[hbm4b:s12+s3] =	stream.linear.scatter [tilespmem:s1], [sflag:$0x5], $0x8000, $0x38;
	[tilespmem:$0x19100] =	vst v63  }
0x752: {  	_ =	swait.ge [sflag:s24], $0x8000  }
0x753: {  	[sflag:s24] =	ssyncset.done $0x0  }
0x754: {  	[sflag:s24] =	ssyncadd.s32 $0xFFFF8000  }
0x755: {  	v7 =	vld [tilespmem:s4+$0x3E0];
	_ =	sdelay $0x4  }
0x756: {  	v8 =	vshll.u32 v7, $0x3  }
0x757: {  	v7 =	vand.u32 $0x7, v7;
	v8 =	vand.u32 $0xFFFFFFC0, v8  }
0x758: {  	v7 =	vor.u32 v7, v8  }
0x759: {  	v8 =	vperm.xlane v7, v5;
	_ =	sdelay $0x1  }
0x75a: {  	v8 =	vadd.s32 v4, v8;
	_ =	sdelay $0x4  }
0x75b: {  	[tilespmem:s1], [sflag:$0x2] =	stream.indirect_vreg.gather [hbm4b:s2+s3], $0x80, v8, vm0, $0xb8;
	[tilespmem:$0x19100] =	vst v63  }
0x75c: {  	s20 =	simm.s32 $0x9900;
	v7 =	vperm.xlane v7, v6  }
0x75d: {  	[tilespmem:s20], [sflag:$0x2] =	stream.indirect_vreg.gather [hbm4b:s7+s3], $0x80, v8, vm0, $0xb8;
	[tilespmem:$0x19100] =	vst v63  }
0x75e: {  	s13 =	simm.s32 $0xA100;
	v7 =	vadd.s32 v4, v7  }
0x75f: {  	[tilespmem:s13], [sflag:$0x2] =	stream.indirect_vreg.gather [hbm4b:s8+s3], $0x80, v8, vm0, $0xb8;
	[tilespmem:$0x19100] =	vst v63  }
0x760: {  	s6 =	simm.s32 $0xA900  }
0x761: {  	[tilespmem:s6], [sflag:$0x2] =	stream.indirect_vreg.gather [hbm4b:s9+s3], $0x80, v8, vm0, $0xb8;
	[tilespmem:$0x19100] =	vst v63  }
0x762: {  	s16 =	simm.s32 $0xB100  }
0x763: {  	[tilespmem:s16], [sflag:$0x2] =	stream.indirect_vreg.gather [hbm4b:s2+s3], $0x80, v7, vm0, $0xb8;
	[tilespmem:$0x19100] =	vst v63  }
0x764: {  	s13 =	simm.s32 $0xB900  }
0x765: {  	[tilespmem:s13], [sflag:$0x2] =	stream.indirect_vreg.gather [hbm4b:s7+s3], $0x80, v7, vm0, $0xb8;
	[tilespmem:$0x19100] =	vst v63  }
0x766: {  	s19 =	simm.s32 $0xC100  }
0x767: {  	[tilespmem:s19], [sflag:$0x2] =	stream.indirect_vreg.gather [hbm4b:s8+s3], $0x80, v7, vm0, $0xb8;
	[tilespmem:$0x19100] =	vst v63  }
0x768: {  	s15 =	simm.s32 $0xC900  }
0x769: {  	[tilespmem:s15], [sflag:$0x2] =	stream.indirect_vreg.gather [hbm4b:s9+s3], $0x80, v7, vm0, $0xb8;
	[tilespmem:$0x19100] =	vst v63  }
0x76a: {  	v7 =	vld [tilespmem:s4+$0x3F0];
	_ =	sdelay $0x4  }
0x76b: {  	v8 =	vshll.u32 v7, $0x3  }
0x76c: {  	v7 =	vand.u32 $0x7, v7;
	v8 =	vand.u32 $0xFFFFFFC0, v8  }
0x76d: {  	v7 =	vor.u32 v7, v8  }
0x76e: {  	v5 =	vperm.xlane v7, v5;
	_ =	sdelay $0x1  }
0x76f: {  	v5 =	vadd.s32 v4, v5;
	_ =	sdelay $0x3  }
0x770: {  	s30 =	simm.s32 $0xD100  }
0x771: {  	[tilespmem:s30], [sflag:$0x2] =	stream.indirect_vreg.gather [hbm4b:s2+s3], $0x80, v5, vm0, $0xb8;
	[tilespmem:$0x19100] =	vst v63  }
0x772: {  	s16 =	simm.s32 $0xD900;
	v6 =	vperm.xlane v7, v6  }
0x773: {  	[tilespmem:s16], [sflag:$0x2] =	stream.indirect_vreg.gather [hbm4b:s7+s3], $0x80, v5, vm0, $0xb8;
	[tilespmem:$0x19100] =	vst v63  }
0x774: {  	s19 =	simm.s32 $0xE100;
	v4 =	vadd.s32 v4, v6  }
0x775: {  	[tilespmem:s19], [sflag:$0x2] =	stream.indirect_vreg.gather [hbm4b:s8+s3], $0x80, v5, vm0, $0xb8;
	[tilespmem:$0x19100] =	vst v63  }
0x776: {  	s14 =	simm.s32 $0xE900  }
0x777: {  	[tilespmem:s14], [sflag:$0x2] =	stream.indirect_vreg.gather [hbm4b:s9+s3], $0x80, v5, vm0, $0xb8;
	[tilespmem:$0x19100] =	vst v63  }
0x778: {  	s31 =	simm.s32 $0xF100  }
0x779: {  	[tilespmem:s31], [sflag:$0x2] =	stream.indirect_vreg.gather [hbm4b:s2+s3], $0x80, v4, vm0, $0xb8;
	[tilespmem:$0x19100] =	vst v63  }
0x77a: {  	s17 =	simm.s32 $0xF900  }
0x77b: {  	[tilespmem:s17], [sflag:$0x2] =	stream.indirect_vreg.gather [hbm4b:s7+s3], $0x80, v4, vm0, $0xb8;
	[tilespmem:$0x19100] =	vst v63  }
0x77c: {  	s18 =	simm.s32 $0x10100  }
0x77d: {  	[tilespmem:s18], [sflag:$0x2] =	stream.indirect_vreg.gather [hbm4b:s8+s3], $0x80, v4, vm0, $0xb8;
	[tilespmem:$0x19100] =	vst v63  }
0x77e: {  	s10 =	simm.s32 $0x10900  }
0x77f: {  	[tilespmem:s10], [sflag:$0x2] =	stream.indirect_vreg.gather [hbm4b:s9+s3], $0x80, v4, vm0, $0xb8;
	[tilespmem:$0x19100] =	vst v63  }
0x780: {  	_ =	swait.ge [sflag:s25], $0x8000  }
0x781: {  	s20 =	sld [smem:$0x7AC]  }
0x782: {  	[sflag:s25] =	ssyncset.done $0x0  }
0x783: {  	[sflag:s25] =	ssyncadd.s32 $0xFFFF8000  }
0x784: {  	[hbm4b:s20+s3] =	stream.linear.scatter [tilespmem:s11], [sflag:$0x6], $0x8000, $0x38;
	[tilespmem:$0x19100] =	vst v63  }
0x785: {  	_ =	swait.ge [sflag:s21], $0x8000  }
0x786: {  	s29 =	sld [smem:$0x7AD]  }
0x787: {  	[sflag:s21] =	ssyncset.done $0x0  }
0x788: {  	[sflag:s21] =	ssyncadd.s32 $0xFFFF8000  }
0x789: {  	[hbm4b:s29+s3] =	stream.linear.scatter [tilespmem:s28], [sflag:$0x4], $0x8000, $0x38;
	[tilespmem:$0x19100] =	vst v63  }
0x78a: {  	_ =	swait.ge [sflag:s23], $0x8000  }
0x78b: {  	s30 =	sld [smem:$0x7AF]  }
0x78c: {  	[sflag:s23] =	ssyncset.done $0x0  }
0x78d: {  	[sflag:s23] =	ssyncadd.s32 $0xFFFF8000  }
0x78e: {  	[hbm4b:s30+s3] =	stream.linear.scatter [tilespmem:s1], [sflag:$0x5], $0x8000, $0x38;
	[tilespmem:$0x19100] =	vst v63  }
0x78f: {  	s31 =	sld [smem:$0x7A9];
	_ =	swait.ge [sflag:s26], $0x8000  }
0x790: {  	[sflag:s26] =	ssyncset.done $0x0  }
0x791: {  	[sflag:s26] =	ssyncadd.s32 $0xFFFF8000  }
0x792: {  	p0 =	sne.s32 s31, $0x1;
	_ =	swait.ge [sflag:s22], $0x8000  }
.Ltmp0:
0x793: {  	[sflag:s22] =	ssyncset.done $0x0;
	(pc) =	sbr.rel @p0 .LBB2_1-.Ltmp0, $4  }
0x794: {  	[sflag:s22] =	ssyncadd.s32 $0xFFFF8000  }
0x795: {  	_ =	swait.ge [sflag:s24], $0x8000  }
0x796: {  	[sflag:s24] =	ssyncset.done $0x0  }
0x797: {  	s0 =	sadd.s32 $0xFFFFFFFF, s31;
	[sflag:s24] =	ssyncadd.s32 $0xFFFF8000  }
0x798: {  	_ =	sfence.sel $0x180000  }
0x799: {  	[bflag:$0x0] =	sbarrier.arrive $0xFFFF  }
0x79a: {  	_ =	strace $0x90000047  }
0x79b: {  	s0 =	stileid.u32;
	[bflag:$0x2] =	sbarrier.arrive $0xFFFF  }
0x79c: {  	p0 =	sne.s32 s0, $0x0;
	s0 =	rddreg [dreg:$0x3]  }
0x79d: {  	s0 =	sadd.s32 @!p0 $0x100000, s0  }
0x79e: {  	[sflag:s0] =	ssyncadd.tile.s32 @!p0 $0x1;
	_ =	shalt  }
.Lfunc_end2:
_tile_overlayer_lowered:
.L_overlay_start_2:
0x79f: {  	(tag) =	ssettag $0x2  }
0x7a0: {  	s0 =	rddreg [dreg:$0x0];
	s2 =	stileid.u32  }
0x7a1: {  	s1 =	rddreg [dreg:$0x1];
	p0 =	sne.s32 s2, $0x0  }
0x7a2: {  	s3 =	rddreg [dreg:$0x2];
	[bflag:$0x3] =	sbarrier.arrive $0xFFFF;
	s2 =	simm.s32 @!p0 $0x1C07  }
0x7a3: {  	[timem:s3], [sflag:s2] =	dma.local @!p0 [hbm:s0], s1  }
0x7a4: {  	s0 =	simm.s32 @!p0 $0x7  }
0x7a5: {  	_ =	swait.ge @!p0 [sflag:s0], s1  }
0x7a6: {  	s1 =	ssub.s32 @!p0 $0x0, s1;
	[sflag:s0] =	ssyncset.done @!p0 $0x0  }
0x7a7: {  	[sflag:s0] =	ssyncadd.s32 @!p0 s1  }
0x7a8: {  	[bflag:$0x3] =	sbarrier.arrive $0xFFFF  }
0x7a9: {  	_ =	shalt  }

</sc_bundles>
